<compile_context>
chip_gen: v7x
topology: tpu7x:2x2x1
jax: 0.10.2.dev20260603
libtpu: 0.0.44.dev20260713+nightly
codegen_flags: <defaults>
</compile_context>

<pallas_src>
import functools

import jax
import jax.numpy as jnp
from jax import lax
from jax.experimental import pallas as pl
from jax.experimental.pallas import tpu as pltpu
from jax.experimental.pallas import tpu_sc as plsc

_NC = 2
_NS = 16
_NW = _NC * _NS
_LN = 128
_WR = 8
_SC_PARAMS = pltpu.CompilerParams(use_tc_tiling_on_sc=False)
_TC_PARAMS = pltpu.CompilerParams(vmem_limit_bytes=100 * 1024 * 1024)



def _prep_body(row_ref, col_ref, gidx_ref, sidx_ref, didx_ref, *, n, np_, rows,
               rows_pad):
    row = row_ref[...]
    col = col_ref[...]
    keep = row != col
    eid = lax.broadcasted_iota(jnp.int32, (rows, _LN), 0) * _LN + \
        lax.broadcasted_iota(jnp.int32, (rows, _LN), 1)
    dummy = n + lax.rem(eid, jnp.int32(np_ - n))
    sidx_ref[:rows] = jnp.where(keep, col, dummy)
    didx_ref[:rows] = jnp.where(keep, row, dummy)
    gidx_ref[:rows] = row
    if rows_pad > rows:
        pe = lax.broadcasted_iota(jnp.int32, (rows_pad - rows, _LN), 0) * _LN \
            + lax.broadcasted_iota(jnp.int32, (rows_pad - rows, _LN), 1)
        pad_dummy = n + lax.rem(pe, jnp.int32(np_ - n))
        gidx_ref[rows:] = lax.rem(pe, jnp.int32(n))
        sidx_ref[rows:] = pad_dummy
        didx_ref[rows:] = pad_dummy


def _proj0_body(x_ref, w0_ref, w1_ref, b_ref, lam_ref, yp_ref, z_ref):
    lam = lam_ref[0, 0]
    diag = 2.0 / lam - 1.0
    x = x_ref[...]
    w1 = w1_ref[...]
    w0eff = w0_ref[...] + diag * w1
    yp_ref[...] = jnp.dot(x, w0eff, preferred_element_type=jnp.float32, precision=lax.Precision.HIGHEST) \
        + b_ref[...]
    z_ref[...] = jnp.dot(x, w1, preferred_element_type=jnp.float32, precision=lax.Precision.HIGHEST)


def _dis_body(deg_ref, z_ref, dis_ref, zt_ref, *, n, np_):
    deg = deg_ref[:np_] + deg_ref[np_:]
    safe = jnp.maximum(deg, 1.0)
    dis = jnp.where(deg > 0.0, 1.0 / jnp.sqrt(safe), 0.0)
    dis_n = dis[:n]
    dis_ref[...] = dis_n
    zt_ref[...] = dis_n[:, 0:1] * z_ref[...]


def _mid_body(acc_ref, dis_ref, yp_ref, w0_ref, w1_ref, b_ref, lam_ref,
              yp2_ref, zt2_ref, *, n, np_):
    lam = lam_ref[0, 0]
    c = 2.0 / lam
    diag = c - 1.0
    accsum = acc_ref[:n] + acc_ref[np_:np_ + n]
    dis_c = dis_ref[...][:, 0:1]
    h = jnp.maximum(yp_ref[...] - c * dis_c * accsum, 0.0)
    w1 = w1_ref[...]
    w0eff = w0_ref[...] + diag * w1
    yp2_ref[...] = jnp.dot(h, w0eff, preferred_element_type=jnp.float32, precision=lax.Precision.HIGHEST) \
        + b_ref[...]
    zt2_ref[...] = dis_c * jnp.dot(h, w1, preferred_element_type=jnp.float32, precision=lax.Precision.HIGHEST)


def _final_body(acc_ref, dis_ref, yp_ref, wf_ref, bf_ref, lam_ref, out_ref,
                *, n, np_):
    lam = lam_ref[0, 0]
    c = 2.0 / lam
    accsum = acc_ref[:n] + acc_ref[np_:np_ + n]
    dis_c = dis_ref[...][:, 0:1]
    h = jnp.maximum(yp_ref[...] - c * dis_c * accsum, 0.0)
    out_ref[...] = jnp.dot(h, wf_ref[...], preferred_element_type=jnp.float32, precision=lax.Precision.HIGHEST) \
        + bf_ref[...]



def _sc_deg_body(didx_hbm, ones_hbm, zeros_hbm, out_hbm, didx_all, ones_v,
                 acc, ssa, *, np_, per_sub, nwin):
    c = lax.axis_index("c")
    s = lax.axis_index("s")
    wid = c * _NS + s
    pltpu.sync_copy(zeros_hbm, acc.at[pl.ds(s * per_sub, per_sub)])
    pltpu.sync_copy(ones_hbm, ones_v)
    pltpu.sync_copy(didx_hbm.at[pl.ds(wid * nwin, nwin)], didx_all)
    plsc.subcore_barrier()

    def win(i, carry):
        sub = didx_all.at[i]
        for j in range(_WR):
            pltpu.sync_copy(ones_v, acc.at[sub.at[j]], add=True)
        return carry

    lax.fori_loop(0, nwin, win, 0)
    plsc.subcore_barrier()
    pltpu.sync_copy(acc.at[pl.ds(s * per_sub, per_sub)],
                    out_hbm.at[pl.ds((c * _NS + s) * per_sub, per_sub)])


def _sc_spmv_body(gidx_hbm, sidx_hbm, zt_hbm, zeros_hbm, out_hbm, gidx_all,
                  sidx_all, rows_v, acc, gsa, ssa, *, n, np_,
                  per_sub, nwin, h):
    c = lax.axis_index("c")
    s = lax.axis_index("s")
    wid = c * _NS + s
    pltpu.sync_copy(zeros_hbm, acc.at[pl.ds(s * per_sub, per_sub)])
    pltpu.sync_copy(gidx_hbm.at[pl.ds(wid * nwin, nwin)], gidx_all)
    pltpu.sync_copy(sidx_hbm.at[pl.ds(wid * nwin, nwin)], sidx_all)

    plsc.subcore_barrier()

    def win(i, carry):
        gsub = gidx_all.at[i]
        ssub = sidx_all.at[i]
        gds = []
        for j in range(_WR):
            gds.append(
                pltpu.async_copy(zt_hbm.at[gsub.at[j]],
                                 rows_v.at[pl.ds(j * _LN, _LN)], gsa))
        for d in gds:
            d.wait()
        for j in range(_WR):
            pltpu.sync_copy(rows_v.at[pl.ds(j * _LN, _LN)],
                            acc.at[ssub.at[j]], add=True)
        return carry

    lax.fori_loop(0, nwin, win, 0)
    plsc.subcore_barrier()
    pltpu.sync_copy(acc.at[pl.ds(s * per_sub, per_sub)],
                    out_hbm.at[pl.ds((c * _NS + s) * per_sub, per_sub)])



def kernel(x, edge_index, lambda_max, W0_0, W0_1, b0, W1_0, W1_1, b1, W2_0,
           W2_1, b2, Wf, bf):
    n, f_in = x.shape
    e = edge_index.shape[1]
    h = W0_0.shape[1]
    out_w = Wf.shape[1]
    f32 = jnp.float32

    rows = e // _LN
    rows_pad = ((rows + 2 * _NW * _WR - 1) // (2 * _NW * _WR)) * (2 * _NW * _WR)
    rows_per_w = rows_pad // _NW
    nwin = rows_per_w // _WR
    np_ = ((n + 2048 + _LN - 1) // _LN) * _LN
    per_sub = np_ // _NS

    row2 = edge_index[0].reshape(rows, _LN)
    col2 = edge_index[1].reshape(rows, _LN)
    lam2 = lambda_max.reshape(1, 1).astype(f32)
    zeros_h = jnp.zeros((per_sub, h), f32)
    zeros_d = jnp.zeros((per_sub, 8), f32)
    ones_d = jnp.ones((_LN, 8), f32)
    b0r = b0.reshape(1, h)
    b1r = b1.reshape(1, h)
    b2r = b2.reshape(1, h)
    bfr = bf.reshape(1, out_w)

    gidx, sidx, didx = pl.pallas_call(
        functools.partial(_prep_body, n=n, np_=np_, rows=rows,
                          rows_pad=rows_pad),
        out_shape=[jax.ShapeDtypeStruct((rows_pad, _LN), jnp.int32)] * 3,
    )(row2, col2)

    gidx3 = gidx.reshape(rows_pad // _WR, _WR, _LN)
    sidx3 = sidx.reshape(rows_pad // _WR, _WR, _LN)
    didx3 = didx.reshape(rows_pad // _WR, _WR, _LN)
    mesh = plsc.VectorSubcoreMesh(core_axis_name="c", subcore_axis_name="s")
    deg = pl.kernel(
        functools.partial(_sc_deg_body, np_=np_, per_sub=per_sub, nwin=nwin),
        out_type=jax.ShapeDtypeStruct((_NC * np_, 8), f32),
        mesh=mesh,
        compiler_params=_SC_PARAMS,
        scratch_types=[
            pltpu.VMEM((nwin, _WR, _LN), jnp.int32),
            pltpu.VMEM((_LN, 8), f32),
            pltpu.VMEM_SHARED((np_, 8), f32),
            pltpu.SemaphoreType.DMA,
        ],
    )(didx3, ones_d, zeros_d)

    y1p, z1 = pl.pallas_call(
        _proj0_body,
        out_shape=[jax.ShapeDtypeStruct((n, h), f32)] * 2,
        compiler_params=_TC_PARAMS,
    )(x, W0_0, W0_1, b0r, lam2)

    dis8, zt1 = pl.pallas_call(
        functools.partial(_dis_body, n=n, np_=np_),
        out_shape=[jax.ShapeDtypeStruct((n, 8), f32),
                   jax.ShapeDtypeStruct((n, h), f32)],
        compiler_params=_TC_PARAMS,
    )(deg, z1)

    spmv = pl.kernel(
        functools.partial(_sc_spmv_body, n=n, np_=np_, per_sub=per_sub,
                          nwin=nwin, h=h),
        out_type=jax.ShapeDtypeStruct((_NC * np_, h), f32),
        mesh=mesh,
        compiler_params=_SC_PARAMS,
        scratch_types=[
            pltpu.VMEM((nwin, _WR, _LN), jnp.int32),
            pltpu.VMEM((nwin, _WR, _LN), jnp.int32),
            pltpu.VMEM((2 * _WR * _LN, h), f32),
            pltpu.VMEM_SHARED((np_, h), f32),
            pltpu.SemaphoreType.DMA,
            pltpu.SemaphoreType.DMA,
        ],
    )

    mid = functools.partial(_mid_body, n=n, np_=np_)

    acc1 = spmv(gidx3, sidx3, zt1, zeros_h)
    y2p, zt2 = pl.pallas_call(
        mid,
        out_shape=[jax.ShapeDtypeStruct((n, h), f32)] * 2,
        compiler_params=_TC_PARAMS,
    )(acc1, dis8, y1p, W1_0, W1_1, b1r, lam2)

    acc2 = spmv(gidx3, sidx3, zt2, zeros_h)
    y3p, zt3 = pl.pallas_call(
        mid,
        out_shape=[jax.ShapeDtypeStruct((n, h), f32)] * 2,
        compiler_params=_TC_PARAMS,
    )(acc2, dis8, y2p, W2_0, W2_1, b2r, lam2)

    acc3 = spmv(gidx3, sidx3, zt3, zeros_h)
    out = pl.pallas_call(
        functools.partial(_final_body, n=n, np_=np_),
        out_shape=jax.ShapeDtypeStruct((n, out_w), f32),
        compiler_params=_TC_PARAMS,
    )(acc3, dis8, y3p, Wf, bfr, lam2)
    return out

# --- scband reference (transcript-rebuilt; emitter-appended) ---
"""Pipeline reference for scband-net-56856777064586 (READ-ONLY COPY).

The authoritative reference and input builder live on the scoring server;
editing this copy changes nothing except your own understanding.
"""

import jax, jax.numpy as jnp
import numpy as np

N, E, F_IN, H, OUT = 10000, 320000, 128, 32, 1


def setup_inputs(seed: int = 0) -> dict:
    key = jax.random.key(seed)
    ks = jax.random.split(key, 16)
    x = jax.random.normal(ks[0], (N, F_IN), dtype=jnp.float32)
    edge_index = jax.random.randint(ks[1], (2, E), 0, N, dtype=jnp.int32)
    lambda_max = jnp.ones((1,), dtype=jnp.float32)
    def w(k, fan_in, fan_out):
        return jax.random.normal(k, (fan_in, fan_out), dtype=jnp.float32) * (1.0 / np.sqrt(fan_in))
    return {
        "x": x,
        "edge_index": edge_index,
        "lambda_max": lambda_max,
        "W0_0": w(ks[2], F_IN, H), "W0_1": w(ks[3], F_IN, H), "b0": jnp.zeros((H,), jnp.float32),
        "W1_0": w(ks[4], H, H), "W1_1": w(ks[5], H, H), "b1": jnp.zeros((H,), jnp.float32),
        "W2_0": w(ks[6], H, H), "W2_1": w(ks[7], H, H), "b2": jnp.zeros((H,), jnp.float32),
        "Wf": w(ks[8], H, OUT), "bf": jnp.zeros((OUT,), jnp.float32),
    }


def _cheb_conv(x, edge_index, lam, W0, W1, b):
    # ChebConv with K=2, sym normalization (PyG semantics).
    n = x.shape[0]
    row, col = edge_index[0], edge_index[1]
    # remove_self_loops equivalent: zero out self-loop edge weights
    ew = (row != col).astype(x.dtype)
    # sym-normalized Laplacian: L = I - D^{-1/2} A D^{-1/2}
    deg = jnp.zeros((n,), x.dtype).at[row].add(ew)
    safe_deg = jnp.where(deg > 0, deg, 1.0)
    dis = jnp.where(deg > 0, 1.0 / jnp.sqrt(safe_deg), 0.0)
    w_off = -dis[row] * ew * dis[col]          # off-diagonal of L
    # scale: L_hat = (2/lambda_max) * L - I
    w_off = 2.0 * w_off / lam
    diag = 2.0 / lam - 1.0                     # scaled diagonal (was 1) minus I
    # T_0(L_hat) x = x ; T_1(L_hat) x = L_hat x
    Tx1 = jnp.zeros_like(x).at[col].add(w_off[:, None] * x[row]) + diag * x
    return x @ W0 + Tx1 @ W1 + b


def reference(x, edge_index, lambda_max, W0_0, W0_1, b0, W1_0, W1_1, b1, W2_0, W2_1, b2, Wf, bf):
    lam = jnp.reshape(lambda_max, ())
    h = jax.nn.relu(_cheb_conv(x, edge_index, lam, W0_0, W0_1, b0))
    h = jax.nn.relu(_cheb_conv(h, edge_index, lam, W1_0, W1_1, b1))
    h = jax.nn.relu(_cheb_conv(h, edge_index, lam, W2_0, W2_1, b2))
    return h @ Wf + bf

if __name__ == "__main__":
    import jax
    _d = setup_inputs()
    print(jax.jit(kernel)(*tuple(_d.values())))

</pallas_src>

<mosaic_0001>
#map = affine_map<(d0, d1) -> (0, 0, 0)>
#map1 = affine_map<(d0, d1) -> (0, 0)>
module attributes {stable_mosaic.version = 14 : i64} {
  func.func @_sc_deg_body(%arg0: i32, %arg1: i32, %arg2: memref<320x8x128xi32, #tpu.memory_space<hbm>>, %arg3: memref<128x8xf32, #tpu.memory_space<hbm>>, %arg4: memref<760x8xf32, #tpu.memory_space<hbm>>, %arg5: memref<24320x8xf32, #tpu.memory_space<hbm>>, %arg6: memref<10x8x128xi32, #tpu.memory_space<vmem>>, %arg7: memref<128x8xf32, #tpu.memory_space<vmem>>, %arg8: memref<12160x8xf32, #tpu.memory_space<vmem_shared>>, %arg9: memref<!tpu.dma_semaphore, #tpu.memory_space<semaphore_mem>>) attributes {dimension_semantics = [#tpu.dimension_semantics<core_parallel>, #tpu.dimension_semantics<subcore_parallel>], iteration_bounds = array<i64: 2, 16>, scalar_prefetch = 0 : i64, scratch_operands = 4 : i64, tpu.core_type = #tpu.core_type<sc_vector_subcore>, window_params = [{transform_indices = #map}, {transform_indices = #map1}, {transform_indices = #map1}, {transform_indices = #map1}]} {
    %mul3A = arith.constant 16 : i32
    %mul3A_0 = arith.muli %arg0, %mul3A : i32
    %add3A = arith.addi %mul3A_0, %arg1 : i32
    %mul3A_1 = arith.constant 760 : i32
    %mul3A_2 = arith.muli %arg1, %mul3A_1 : i32
    "tpu.region"() ({
      %run_scoped3A = tpu.sem_alloc : memref<!tpu.dma_semaphore, #tpu.memory_space<semaphore_mem>>
      %dma_start3A = arith.constant 0 : i32
      %dma_start3A_18 = tpu.memref_slice %arg8[%mul3A_2, %dma_start3A] : memref<12160x8xf32, #tpu.memory_space<vmem_shared>> -> memref<760x8xf32, #tpu.memory_space<vmem_shared>>
      tpu.enqueue_dma source(%arg4 : memref<760x8xf32, #tpu.memory_space<hbm>>) target(%dma_start3A_18 : memref<760x8xf32, #tpu.memory_space<vmem_shared>>) target_semaphore(%run_scoped3A : memref<!tpu.dma_semaphore, #tpu.memory_space<semaphore_mem>>)
      %dma_wait3A = arith.constant 0 : i32
      %dma_wait3A_19 = tpu.memref_slice %arg8[%mul3A_2, %dma_wait3A] : memref<12160x8xf32, #tpu.memory_space<vmem_shared>> -> memref<760x8xf32, #tpu.memory_space<vmem_shared>>
      tpu.wait_dma2 semaphore(%run_scoped3A : memref<!tpu.dma_semaphore, #tpu.memory_space<semaphore_mem>>) src(%arg4 : memref<760x8xf32, #tpu.memory_space<hbm>>) dst(%dma_wait3A_19 : memref<760x8xf32, #tpu.memory_space<vmem_shared>>)
      tpu.yield
    }) : () -> ()
    "tpu.region"() ({
      %run_scoped3A = tpu.sem_alloc : memref<!tpu.dma_semaphore, #tpu.memory_space<semaphore_mem>>
      tpu.enqueue_dma source(%arg3 : memref<128x8xf32, #tpu.memory_space<hbm>>) target(%arg7 : memref<128x8xf32, #tpu.memory_space<vmem>>) target_semaphore(%run_scoped3A : memref<!tpu.dma_semaphore, #tpu.memory_space<semaphore_mem>>)
      tpu.wait_dma2 semaphore(%run_scoped3A : memref<!tpu.dma_semaphore, #tpu.memory_space<semaphore_mem>>) src(%arg3 : memref<128x8xf32, #tpu.memory_space<hbm>>) dst(%arg7 : memref<128x8xf32, #tpu.memory_space<vmem>>)
      tpu.yield
    }) : () -> ()
    %mul3A_3 = arith.constant 10 : i32
    %mul3A_4 = arith.muli %add3A, %mul3A_3 : i32
    "tpu.region"() ({
      %run_scoped3A = tpu.sem_alloc : memref<!tpu.dma_semaphore, #tpu.memory_space<semaphore_mem>>
      %dma_start3A = arith.constant 0 : i32
      %dma_start3A_18 = arith.constant 0 : i32
      %dma_start3A_19 = tpu.memref_slice %arg2[%mul3A_4, %dma_start3A, %dma_start3A_18] : memref<320x8x128xi32, #tpu.memory_space<hbm>> -> memref<10x8x128xi32, #tpu.memory_space<hbm>>
      %dma_start3A_20 = arith.constant 0 : i32
      %dma_start3A_21 = arith.constant 0 : i32
      %dma_start3A_22 = tpu.memref_slice %arg2[%mul3A_4, %dma_start3A_20, %dma_start3A_21] : memref<320x8x128xi32, #tpu.memory_space<hbm>> -> memref<10x8x128xi32, #tpu.memory_space<hbm>>
      tpu.enqueue_dma source(%dma_start3A_22 : memref<10x8x128xi32, #tpu.memory_space<hbm>>) target(%arg6 : memref<10x8x128xi32, #tpu.memory_space<vmem>>) target_semaphore(%run_scoped3A : memref<!tpu.dma_semaphore, #tpu.memory_space<semaphore_mem>>)
      %dma_wait3A = arith.constant 0 : i32
      %dma_wait3A_23 = arith.constant 0 : i32
      %dma_wait3A_24 = tpu.memref_slice %arg2[%mul3A_4, %dma_wait3A, %dma_wait3A_23] : memref<320x8x128xi32, #tpu.memory_space<hbm>> -> memref<10x8x128xi32, #tpu.memory_space<hbm>>
      %dma_wait3A_25 = arith.constant 0 : i32
      %dma_wait3A_26 = arith.constant 0 : i32
      %dma_wait3A_27 = tpu.memref_slice %arg2[%mul3A_4, %dma_wait3A_25, %dma_wait3A_26] : memref<320x8x128xi32, #tpu.memory_space<hbm>> -> memref<10x8x128xi32, #tpu.memory_space<hbm>>
      tpu.wait_dma2 semaphore(%run_scoped3A : memref<!tpu.dma_semaphore, #tpu.memory_space<semaphore_mem>>) src(%dma_wait3A_27 : memref<10x8x128xi32, #tpu.memory_space<hbm>>) dst(%arg6 : memref<10x8x128xi32, #tpu.memory_space<vmem>>)
      tpu.yield
    }) : () -> ()
    %barrier3A = arith.constant 0 : index
    tpu.barrier barrier_id(%barrier3A)
    %scan3A = arith.constant 0 : i32
    %scan3A_5 = arith.constant 0 : i32
    %scan3A_6 = arith.constant 10 : i32
    %scan3A_7 = arith.addi %scan3A_5, %scan3A_6 : i32
    %scan3A_8 = arith.constant 1 : i32
    scf.for %scan3A_18 = %scan3A_5 to %scan3A_7 step %scan3A_8  : i32 {
      %run_scoped3A = arith.constant 0 : i32
      "tpu.region"() ({
        %run_scoped3A_26 = tpu.sem_alloc : memref<!tpu.dma_semaphore, #tpu.memory_space<semaphore_mem>>
        %dma_start3A = arith.constant 0 : i32
        %dma_start3A_27 = arith.constant 0 : i32
        %dma_start3A_28 = tpu.memref_slice %arg6[%scan3A_18, %dma_start3A, %dma_start3A_27] : memref<10x8x128xi32, #tpu.memory_space<vmem>> -> memref<1x8x128xi32, #tpu.memory_space<vmem>>
        %dma_start3A_29 = tpu.memref_squeeze %dma_start3A_28 : memref<1x8x128xi32, #tpu.memory_space<vmem>> -> memref<8x128xi32, #tpu.memory_space<vmem>>
        %dma_start3A_30 = arith.constant 0 : i32
        %dma_start3A_31 = tpu.memref_slice %dma_start3A_29[%run_scoped3A, %dma_start3A_30] : memref<8x128xi32, #tpu.memory_space<vmem>> -> memref<1x128xi32, #tpu.memory_space<vmem>>
        %dma_start3A_32 = tpu.memref_squeeze %dma_start3A_31 : memref<1x128xi32, #tpu.memory_space<vmem>> -> memref<128xi32, #tpu.memory_space<vmem>>
        %dma_start3A_33 = arith.constant 0 : i32
        %dma_start3A_34 = arith.constant 0 : i32
        %dma_start3A_35 = tpu.memref_slice %arg8[%dma_start3A_33, %dma_start3A_34] : memref<12160x8xf32, #tpu.memory_space<vmem_shared>> -> memref<12160x8xf32, #tpu.memory_space<vmem_shared>>
        tpu.enqueue_indirect_dma source(%arg7 : memref<128x8xf32, #tpu.memory_space<vmem>>) target(%dma_start3A_35 : memref<12160x8xf32, #tpu.memory_space<vmem_shared>>) offsets(%dma_start3A_32 : memref<128xi32, #tpu.memory_space<vmem>>) semaphore(%run_scoped3A_26 : memref<!tpu.dma_semaphore, #tpu.memory_space<semaphore_mem>>) {add = true}
        %dma_wait3A = arith.constant 0 : i32
        %dma_wait3A_36 = arith.constant 0 : i32
        %dma_wait3A_37 = tpu.memref_slice %arg6[%scan3A_18, %dma_wait3A, %dma_wait3A_36] : memref<10x8x128xi32, #tpu.memory_space<vmem>> -> memref<1x8x128xi32, #tpu.memory_space<vmem>>
        %dma_wait3A_38 = tpu.memref_squeeze %dma_wait3A_37 : memref<1x8x128xi32, #tpu.memory_space<vmem>> -> memref<8x128xi32, #tpu.memory_space<vmem>>
        %dma_wait3A_39 = arith.constant 0 : i32
        %dma_wait3A_40 = tpu.memref_slice %dma_wait3A_38[%run_scoped3A, %dma_wait3A_39] : memref<8x128xi32, #tpu.memory_space<vmem>> -> memref<1x128xi32, #tpu.memory_space<vmem>>
        %dma_wait3A_41 = tpu.memref_squeeze %dma_wait3A_40 : memref<1x128xi32, #tpu.memory_space<vmem>> -> memref<128xi32, #tpu.memory_space<vmem>>
        %dma_wait3A_42 = arith.constant 0 : i32
        %dma_wait3A_43 = arith.constant 0 : i32
        %dma_wait3A_44 = tpu.memref_slice %arg8[%dma_wait3A_42, %dma_wait3A_43] : memref<12160x8xf32, #tpu.memory_space<vmem_shared>> -> memref<12160x8xf32, #tpu.memory_space<vmem_shared>>
        tpu.wait_indirect_dma semaphore(%run_scoped3A_26 : memref<!tpu.dma_semaphore, #tpu.memory_space<semaphore_mem>>) src(%arg7 : memref<128x8xf32, #tpu.memory_space<vmem>>) dst(%dma_wait3A_44 : memref<12160x8xf32, #tpu.memory_space<vmem_shared>>)
        tpu.yield
      }) : () -> ()
      %run_scoped3A_19 = arith.constant 1 : i32
      "tpu.region"() ({
        %run_scoped3A_26 = tpu.sem_alloc : memref<!tpu.dma_semaphore, #tpu.memory_space<semaphore_mem>>
        %dma_start3A = arith.constant 0 : i32
        %dma_start3A_27 = arith.constant 0 : i32
        %dma_start3A_28 = tpu.memref_slice %arg6[%scan3A_18, %dma_start3A, %dma_start3A_27] : memref<10x8x128xi32, #tpu.memory_space<vmem>> -> memref<1x8x128xi32, #tpu.memory_space<vmem>>
        %dma_start3A_29 = tpu.memref_squeeze %dma_start3A_28 : memref<1x8x128xi32, #tpu.memory_space<vmem>> -> memref<8x128xi32, #tpu.memory_space<vmem>>
        %dma_start3A_30 = arith.constant 0 : i32
        %dma_start3A_31 = tpu.memref_slice %dma_start3A_29[%run_scoped3A_19, %dma_start3A_30] : memref<8x128xi32, #tpu.memory_space<vmem>> -> memref<1x128xi32, #tpu.memory_space<vmem>>
        %dma_start3A_32 = tpu.memref_squeeze %dma_start3A_31 : memref<1x128xi32, #tpu.memory_space<vmem>> -> memref<128xi32, #tpu.memory_space<vmem>>
        %dma_start3A_33 = arith.constant 0 : i32
        %dma_start3A_34 = arith.constant 0 : i32
        %dma_start3A_35 = tpu.memref_slice %arg8[%dma_start3A_33, %dma_start3A_34] : memref<12160x8xf32, #tpu.memory_space<vmem_shared>> -> memref<12160x8xf32, #tpu.memory_space<vmem_shared>>
        tpu.enqueue_indirect_dma source(%arg7 : memref<128x8xf32, #tpu.memory_space<vmem>>) target(%dma_start3A_35 : memref<12160x8xf32, #tpu.memory_space<vmem_shared>>) offsets(%dma_start3A_32 : memref<128xi32, #tpu.memory_space<vmem>>) semaphore(%run_scoped3A_26 : memref<!tpu.dma_semaphore, #tpu.memory_space<semaphore_mem>>) {add = true}
        %dma_wait3A = arith.constant 0 : i32
        %dma_wait3A_36 = arith.constant 0 : i32
        %dma_wait3A_37 = tpu.memref_slice %arg6[%scan3A_18, %dma_wait3A, %dma_wait3A_36] : memref<10x8x128xi32, #tpu.memory_space<vmem>> -> memref<1x8x128xi32, #tpu.memory_space<vmem>>
        %dma_wait3A_38 = tpu.memref_squeeze %dma_wait3A_37 : memref<1x8x128xi32, #tpu.memory_space<vmem>> -> memref<8x128xi32, #tpu.memory_space<vmem>>
        %dma_wait3A_39 = arith.constant 0 : i32
        %dma_wait3A_40 = tpu.memref_slice %dma_wait3A_38[%run_scoped3A_19, %dma_wait3A_39] : memref<8x128xi32, #tpu.memory_space<vmem>> -> memref<1x128xi32, #tpu.memory_space<vmem>>
        %dma_wait3A_41 = tpu.memref_squeeze %dma_wait3A_40 : memref<1x128xi32, #tpu.memory_space<vmem>> -> memref<128xi32, #tpu.memory_space<vmem>>
        %dma_wait3A_42 = arith.constant 0 : i32
        %dma_wait3A_43 = arith.constant 0 : i32
        %dma_wait3A_44 = tpu.memref_slice %arg8[%dma_wait3A_42, %dma_wait3A_43] : memref<12160x8xf32, #tpu.memory_space<vmem_shared>> -> memref<12160x8xf32, #tpu.memory_space<vmem_shared>>
        tpu.wait_indirect_dma semaphore(%run_scoped3A_26 : memref<!tpu.dma_semaphore, #tpu.memory_space<semaphore_mem>>) src(%arg7 : memref<128x8xf32, #tpu.memory_space<vmem>>) dst(%dma_wait3A_44 : memref<12160x8xf32, #tpu.memory_space<vmem_shared>>)
        tpu.yield
      }) : () -> ()
      %run_scoped3A_20 = arith.constant 2 : i32
      "tpu.region"() ({
        %run_scoped3A_26 = tpu.sem_alloc : memref<!tpu.dma_semaphore, #tpu.memory_space<semaphore_mem>>
        %dma_start3A = arith.constant 0 : i32
        %dma_start3A_27 = arith.constant 0 : i32
        %dma_start3A_28 = tpu.memref_slice %arg6[%scan3A_18, %dma_start3A, %dma_start3A_27] : memref<10x8x128xi32, #tpu.memory_space<vmem>> -> memref<1x8x128xi32, #tpu.memory_space<vmem>>
        %dma_start3A_29 = tpu.memref_squeeze %dma_start3A_28 : memref<1x8x128xi32, #tpu.memory_space<vmem>> -> memref<8x128xi32, #tpu.memory_space<vmem>>
        %dma_start3A_30 = arith.constant 0 : i32
        %dma_start3A_31 = tpu.memref_slice %dma_start3A_29[%run_scoped3A_20, %dma_start3A_30] : memref<8x128xi32, #tpu.memory_space<vmem>> -> memref<1x128xi32, #tpu.memory_space<vmem>>
        %dma_start3A_32 = tpu.memref_squeeze %dma_start3A_31 : memref<1x128xi32, #tpu.memory_space<vmem>> -> memref<128xi32, #tpu.memory_space<vmem>>
        %dma_start3A_33 = arith.constant 0 : i32
        %dma_start3A_34 = arith.constant 0 : i32
        %dma_start3A_35 = tpu.memref_slice %arg8[%dma_start3A_33, %dma_start3A_34] : memref<12160x8xf32, #tpu.memory_space<vmem_shared>> -> memref<12160x8xf32, #tpu.memory_space<vmem_shared>>
        tpu.enqueue_indirect_dma source(%arg7 : memref<128x8xf32, #tpu.memory_space<vmem>>) target(%dma_start3A_35 : memref<12160x8xf32, #tpu.memory_space<vmem_shared>>) offsets(%dma_start3A_32 : memref<128xi32, #tpu.memory_space<vmem>>) semaphore(%run_scoped3A_26 : memref<!tpu.dma_semaphore, #tpu.memory_space<semaphore_mem>>) {add = true}
        %dma_wait3A = arith.constant 0 : i32
        %dma_wait3A_36 = arith.constant 0 : i32
        %dma_wait3A_37 = tpu.memref_slice %arg6[%scan3A_18, %dma_wait3A, %dma_wait3A_36] : memref<10x8x128xi32, #tpu.memory_space<vmem>> -> memref<1x8x128xi32, #tpu.memory_space<vmem>>
        %dma_wait3A_38 = tpu.memref_squeeze %dma_wait3A_37 : memref<1x8x128xi32, #tpu.memory_space<vmem>> -> memref<8x128xi32, #tpu.memory_space<vmem>>
        %dma_wait3A_39 = arith.constant 0 : i32
        %dma_wait3A_40 = tpu.memref_slice %dma_wait3A_38[%run_scoped3A_20, %dma_wait3A_39] : memref<8x128xi32, #tpu.memory_space<vmem>> -> memref<1x128xi32, #tpu.memory_space<vmem>>
        %dma_wait3A_41 = tpu.memref_squeeze %dma_wait3A_40 : memref<1x128xi32, #tpu.memory_space<vmem>> -> memref<128xi32, #tpu.memory_space<vmem>>
        %dma_wait3A_42 = arith.constant 0 : i32
        %dma_wait3A_43 = arith.constant 0 : i32
        %dma_wait3A_44 = tpu.memref_slice %arg8[%dma_wait3A_42, %dma_wait3A_43] : memref<12160x8xf32, #tpu.memory_space<vmem_shared>> -> memref<12160x8xf32, #tpu.memory_space<vmem_shared>>
        tpu.wait_indirect_dma semaphore(%run_scoped3A_26 : memref<!tpu.dma_semaphore, #tpu.memory_space<semaphore_mem>>) src(%arg7 : memref<128x8xf32, #tpu.memory_space<vmem>>) dst(%dma_wait3A_44 : memref<12160x8xf32, #tpu.memory_space<vmem_shared>>)
        tpu.yield
      }) : () -> ()
      %run_scoped3A_21 = arith.constant 3 : i32
      "tpu.region"() ({
        %run_scoped3A_26 = tpu.sem_alloc : memref<!tpu.dma_semaphore, #tpu.memory_space<semaphore_mem>>
        %dma_start3A = arith.constant 0 : i32
        %dma_start3A_27 = arith.constant 0 : i32
        %dma_start3A_28 = tpu.memref_slice %arg6[%scan3A_18, %dma_start3A, %dma_start3A_27] : memref<10x8x128xi32, #tpu.memory_space<vmem>> -> memref<1x8x128xi32, #tpu.memory_space<vmem>>
        %dma_start3A_29 = tpu.memref_squeeze %dma_start3A_28 : memref<1x8x128xi32, #tpu.memory_space<vmem>> -> memref<8x128xi32, #tpu.memory_space<vmem>>
        %dma_start3A_30 = arith.constant 0 : i32
        %dma_start3A_31 = tpu.memref_slice %dma_start3A_29[%run_scoped3A_21, %dma_start3A_30] : memref<8x128xi32, #tpu.memory_space<vmem>> -> memref<1x128xi32, #tpu.memory_space<vmem>>
        %dma_start3A_32 = tpu.memref_squeeze %dma_start3A_31 : memref<1x128xi32, #tpu.memory_space<vmem>> -> memref<128xi32, #tpu.memory_space<vmem>>
        %dma_start3A_33 = arith.constant 0 : i32
        %dma_start3A_34 = arith.constant 0 : i32
        %dma_start3A_35 = tpu.memref_slice %arg8[%dma_start3A_33, %dma_start3A_34] : memref<12160x8xf32, #tpu.memory_space<vmem_shared>> -> memref<12160x8xf32, #tpu.memory_space<vmem_shared>>
        tpu.enqueue_indirect_dma source(%arg7 : memref<128x8xf32, #tpu.memory_space<vmem>>) target(%dma_start3A_35 : memref<12160x8xf32, #tpu.memory_space<vmem_shared>>) offsets(%dma_start3A_32 : memref<128xi32, #tpu.memory_space<vmem>>) semaphore(%run_scoped3A_26 : memref<!tpu.dma_semaphore, #tpu.memory_space<semaphore_mem>>) {add = true}
        %dma_wait3A = arith.constant 0 : i32
        %dma_wait3A_36 = arith.constant 0 : i32
        %dma_wait3A_37 = tpu.memref_slice %arg6[%scan3A_18, %dma_wait3A, %dma_wait3A_36] : memref<10x8x128xi32, #tpu.memory_space<vmem>> -> memref<1x8x128xi32, #tpu.memory_space<vmem>>
        %dma_wait3A_38 = tpu.memref_squeeze %dma_wait3A_37 : memref<1x8x128xi32, #tpu.memory_space<vmem>> -> memref<8x128xi32, #tpu.memory_space<vmem>>
        %dma_wait3A_39 = arith.constant 0 : i32
        %dma_wait3A_40 = tpu.memref_slice %dma_wait3A_38[%run_scoped3A_21, %dma_wait3A_39] : memref<8x128xi32, #tpu.memory_space<vmem>> -> memref<1x128xi32, #tpu.memory_space<vmem>>
        %dma_wait3A_41 = tpu.memref_squeeze %dma_wait3A_40 : memref<1x128xi32, #tpu.memory_space<vmem>> -> memref<128xi32, #tpu.memory_space<vmem>>
        %dma_wait3A_42 = arith.constant 0 : i32
        %dma_wait3A_43 = arith.constant 0 : i32
        %dma_wait3A_44 = tpu.memref_slice %arg8[%dma_wait3A_42, %dma_wait3A_43] : memref<12160x8xf32, #tpu.memory_space<vmem_shared>> -> memref<12160x8xf32, #tpu.memory_space<vmem_shared>>
        tpu.wait_indirect_dma semaphore(%run_scoped3A_26 : memref<!tpu.dma_semaphore, #tpu.memory_space<semaphore_mem>>) src(%arg7 : memref<128x8xf32, #tpu.memory_space<vmem>>) dst(%dma_wait3A_44 : memref<12160x8xf32, #tpu.memory_space<vmem_shared>>)
        tpu.yield
      }) : () -> ()
      %run_scoped3A_22 = arith.constant 4 : i32
      "tpu.region"() ({
        %run_scoped3A_26 = tpu.sem_alloc : memref<!tpu.dma_semaphore, #tpu.memory_space<semaphore_mem>>
        %dma_start3A = arith.constant 0 : i32
        %dma_start3A_27 = arith.constant 0 : i32
        %dma_start3A_28 = tpu.memref_slice %arg6[%scan3A_18, %dma_start3A, %dma_start3A_27] : memref<10x8x128xi32, #tpu.memory_space<vmem>> -> memref<1x8x128xi32, #tpu.memory_space<vmem>>
        %dma_start3A_29 = tpu.memref_squeeze %dma_start3A_28 : memref<1x8x128xi32, #tpu.memory_space<vmem>> -> memref<8x128xi32, #tpu.memory_space<vmem>>
        %dma_start3A_30 = arith.constant 0 : i32
        %dma_start3A_31 = tpu.memref_slice %dma_start3A_29[%run_scoped3A_22, %dma_start3A_30] : memref<8x128xi32, #tpu.memory_space<vmem>> -> memref<1x128xi32, #tpu.memory_space<vmem>>
        %dma_start3A_32 = tpu.memref_squeeze %dma_start3A_31 : memref<1x128xi32, #tpu.memory_space<vmem>> -> memref<128xi32, #tpu.memory_space<vmem>>
        %dma_start3A_33 = arith.constant 0 : i32
        %dma_start3A_34 = arith.constant 0 : i32
        %dma_start3A_35 = tpu.memref_slice %arg8[%dma_start3A_33, %dma_start3A_34] : memref<12160x8xf32, #tpu.memory_space<vmem_shared>> -> memref<12160x8xf32, #tpu.memory_space<vmem_shared>>
        tpu.enqueue_indirect_dma source(%arg7 : memref<128x8xf32, #tpu.memory_space<vmem>>) target(%dma_start3A_35 : memref<12160x8xf32, #tpu.memory_space<vmem_shared>>) offsets(%dma_start3A_32 : memref<128xi32, #tpu.memory_space<vmem>>) semaphore(%run_scoped3A_26 : memref<!tpu.dma_semaphore, #tpu.memory_space<semaphore_mem>>) {add = true}
        %dma_wait3A = arith.constant 0 : i32
        %dma_wait3A_36 = arith.constant 0 : i32
        %dma_wait3A_37 = tpu.memref_slice %arg6[%scan3A_18, %dma_wait3A, %dma_wait3A_36] : memref<10x8x128xi32, #tpu.memory_space<vmem>> -> memref<1x8x128xi32, #tpu.memory_space<vmem>>
        %dma_wait3A_38 = tpu.memref_squeeze %dma_wait3A_37 : memref<1x8x128xi32, #tpu.memory_space<vmem>> -> memref<8x128xi32, #tpu.memory_space<vmem>>
        %dma_wait3A_39 = arith.constant 0 : i32
        %dma_wait3A_40 = tpu.memref_slice %dma_wait3A_38[%run_scoped3A_22, %dma_wait3A_39] : memref<8x128xi32, #tpu.memory_space<vmem>> -> memref<1x128xi32, #tpu.memory_space<vmem>>
        %dma_wait3A_41 = tpu.memref_squeeze %dma_wait3A_40 : memref<1x128xi32, #tpu.memory_space<vmem>> -> memref<128xi32, #tpu.memory_space<vmem>>
        %dma_wait3A_42 = arith.constant 0 : i32
        %dma_wait3A_43 = arith.constant 0 : i32
        %dma_wait3A_44 = tpu.memref_slice %arg8[%dma_wait3A_42, %dma_wait3A_43] : memref<12160x8xf32, #tpu.memory_space<vmem_shared>> -> memref<12160x8xf32, #tpu.memory_space<vmem_shared>>
        tpu.wait_indirect_dma semaphore(%run_scoped3A_26 : memref<!tpu.dma_semaphore, #tpu.memory_space<semaphore_mem>>) src(%arg7 : memref<128x8xf32, #tpu.memory_space<vmem>>) dst(%dma_wait3A_44 : memref<12160x8xf32, #tpu.memory_space<vmem_shared>>)
        tpu.yield
      }) : () -> ()
      %run_scoped3A_23 = arith.constant 5 : i32
      "tpu.region"() ({
        %run_scoped3A_26 = tpu.sem_alloc : memref<!tpu.dma_semaphore, #tpu.memory_space<semaphore_mem>>
        %dma_start3A = arith.constant 0 : i32
        %dma_start3A_27 = arith.constant 0 : i32
        %dma_start3A_28 = tpu.memref_slice %arg6[%scan3A_18, %dma_start3A, %dma_start3A_27] : memref<10x8x128xi32, #tpu.memory_space<vmem>> -> memref<1x8x128xi32, #tpu.memory_space<vmem>>
        %dma_start3A_29 = tpu.memref_squeeze %dma_start3A_28 : memref<1x8x128xi32, #tpu.memory_space<vmem>> -> memref<8x128xi32, #tpu.memory_space<vmem>>
        %dma_start3A_30 = arith.constant 0 : i32
        %dma_start3A_31 = tpu.memref_slice %dma_start3A_29[%run_scoped3A_23, %dma_start3A_30] : memref<8x128xi32, #tpu.memory_space<vmem>> -> memref<1x128xi32, #tpu.memory_space<vmem>>
        %dma_start3A_32 = tpu.memref_squeeze %dma_start3A_31 : memref<1x128xi32, #tpu.memory_space<vmem>> -> memref<128xi32, #tpu.memory_space<vmem>>
        %dma_start3A_33 = arith.constant 0 : i32
        %dma_start3A_34 = arith.constant 0 : i32
        %dma_start3A_35 = tpu.memref_slice %arg8[%dma_start3A_33, %dma_start3A_34] : memref<12160x8xf32, #tpu.memory_space<vmem_shared>> -> memref<12160x8xf32, #tpu.memory_space<vmem_shared>>
        tpu.enqueue_indirect_dma source(%arg7 : memref<128x8xf32, #tpu.memory_space<vmem>>) target(%dma_start3A_35 : memref<12160x8xf32, #tpu.memory_space<vmem_shared>>) offsets(%dma_start3A_32 : memref<128xi32, #tpu.memory_space<vmem>>) semaphore(%run_scoped3A_26 : memref<!tpu.dma_semaphore, #tpu.memory_space<semaphore_mem>>) {add = true}
        %dma_wait3A = arith.constant 0 : i32
        %dma_wait3A_36 = arith.constant 0 : i32
        %dma_wait3A_37 = tpu.memref_slice %arg6[%scan3A_18, %dma_wait3A, %dma_wait3A_36] : memref<10x8x128xi32, #tpu.memory_space<vmem>> -> memref<1x8x128xi32, #tpu.memory_space<vmem>>
        %dma_wait3A_38 = tpu.memref_squeeze %dma_wait3A_37 : memref<1x8x128xi32, #tpu.memory_space<vmem>> -> memref<8x128xi32, #tpu.memory_space<vmem>>
        %dma_wait3A_39 = arith.constant 0 : i32
        %dma_wait3A_40 = tpu.memref_slice %dma_wait3A_38[%run_scoped3A_23, %dma_wait3A_39] : memref<8x128xi32, #tpu.memory_space<vmem>> -> memref<1x128xi32, #tpu.memory_space<vmem>>
        %dma_wait3A_41 = tpu.memref_squeeze %dma_wait3A_40 : memref<1x128xi32, #tpu.memory_space<vmem>> -> memref<128xi32, #tpu.memory_space<vmem>>
        %dma_wait3A_42 = arith.constant 0 : i32
        %dma_wait3A_43 = arith.constant 0 : i32
        %dma_wait3A_44 = tpu.memref_slice %arg8[%dma_wait3A_42, %dma_wait3A_43] : memref<12160x8xf32, #tpu.memory_space<vmem_shared>> -> memref<12160x8xf32, #tpu.memory_space<vmem_shared>>
        tpu.wait_indirect_dma semaphore(%run_scoped3A_26 : memref<!tpu.dma_semaphore, #tpu.memory_space<semaphore_mem>>) src(%arg7 : memref<128x8xf32, #tpu.memory_space<vmem>>) dst(%dma_wait3A_44 : memref<12160x8xf32, #tpu.memory_space<vmem_shared>>)
        tpu.yield
      }) : () -> ()
      %run_scoped3A_24 = arith.constant 6 : i32
      "tpu.region"() ({
        %run_scoped3A_26 = tpu.sem_alloc : memref<!tpu.dma_semaphore, #tpu.memory_space<semaphore_mem>>
        %dma_start3A = arith.constant 0 : i32
        %dma_start3A_27 = arith.constant 0 : i32
        %dma_start3A_28 = tpu.memref_slice %arg6[%scan3A_18, %dma_start3A, %dma_start3A_27] : memref<10x8x128xi32, #tpu.memory_space<vmem>> -> memref<1x8x128xi32, #tpu.memory_space<vmem>>
        %dma_start3A_29 = tpu.memref_squeeze %dma_start3A_28 : memref<1x8x128xi32, #tpu.memory_space<vmem>> -> memref<8x128xi32, #tpu.memory_space<vmem>>
        %dma_start3A_30 = arith.constant 0 : i32
        %dma_start3A_31 = tpu.memref_slice %dma_start3A_29[%run_scoped3A_24, %dma_start3A_30] : memref<8x128xi32, #tpu.memory_space<vmem>> -> memref<1x128xi32, #tpu.memory_space<vmem>>
        %dma_start3A_32 = tpu.memref_squeeze %dma_start3A_31 : memref<1x128xi32, #tpu.memory_space<vmem>> -> memref<128xi32, #tpu.memory_space<vmem>>
        %dma_start3A_33 = arith.constant 0 : i32
        %dma_start3A_34 = arith.constant 0 : i32
        %dma_start3A_35 = tpu.memref_slice %arg8[%dma_start3A_33, %dma_start3A_34] : memref<12160x8xf32, #tpu.memory_space<vmem_shared>> -> memref<12160x8xf32, #tpu.memory_space<vmem_shared>>
        tpu.enqueue_indirect_dma source(%arg7 : memref<128x8xf32, #tpu.memory_space<vmem>>) target(%dma_start3A_35 : memref<12160x8xf32, #tpu.memory_space<vmem_shared>>) offsets(%dma_start3A_32 : memref<128xi32, #tpu.memory_space<vmem>>) semaphore(%run_scoped3A_26 : memref<!tpu.dma_semaphore, #tpu.memory_space<semaphore_mem>>) {add = true}
        %dma_wait3A = arith.constant 0 : i32
        %dma_wait3A_36 = arith.constant 0 : i32
        %dma_wait3A_37 = tpu.memref_slice %arg6[%scan3A_18, %dma_wait3A, %dma_wait3A_36] : memref<10x8x128xi32, #tpu.memory_space<vmem>> -> memref<1x8x128xi32, #tpu.memory_space<vmem>>
        %dma_wait3A_38 = tpu.memref_squeeze %dma_wait3A_37 : memref<1x8x128xi32, #tpu.memory_space<vmem>> -> memref<8x128xi32, #tpu.memory_space<vmem>>
        %dma_wait3A_39 = arith.constant 0 : i32
        %dma_wait3A_40 = tpu.memref_slice %dma_wait3A_38[%run_scoped3A_24, %dma_wait3A_39] : memref<8x128xi32, #tpu.memory_space<vmem>> -> memref<1x128xi32, #tpu.memory_space<vmem>>
        %dma_wait3A_41 = tpu.memref_squeeze %dma_wait3A_40 : memref<1x128xi32, #tpu.memory_space<vmem>> -> memref<128xi32, #tpu.memory_space<vmem>>
        %dma_wait3A_42 = arith.constant 0 : i32
        %dma_wait3A_43 = arith.constant 0 : i32
        %dma_wait3A_44 = tpu.memref_slice %arg8[%dma_wait3A_42, %dma_wait3A_43] : memref<12160x8xf32, #tpu.memory_space<vmem_shared>> -> memref<12160x8xf32, #tpu.memory_space<vmem_shared>>
        tpu.wait_indirect_dma semaphore(%run_scoped3A_26 : memref<!tpu.dma_semaphore, #tpu.memory_space<semaphore_mem>>) src(%arg7 : memref<128x8xf32, #tpu.memory_space<vmem>>) dst(%dma_wait3A_44 : memref<12160x8xf32, #tpu.memory_space<vmem_shared>>)
        tpu.yield
      }) : () -> ()
      %run_scoped3A_25 = arith.constant 7 : i32
      "tpu.region"() ({
        %run_scoped3A_26 = tpu.sem_alloc : memref<!tpu.dma_semaphore, #tpu.memory_space<semaphore_mem>>
        %dma_start3A = arith.constant 0 : i32
        %dma_start3A_27 = arith.constant 0 : i32
        %dma_start3A_28 = tpu.memref_slice %arg6[%scan3A_18, %dma_start3A, %dma_start3A_27] : memref<10x8x128xi32, #tpu.memory_space<vmem>> -> memref<1x8x128xi32, #tpu.memory_space<vmem>>
        %dma_start3A_29 = tpu.memref_squeeze %dma_start3A_28 : memref<1x8x128xi32, #tpu.memory_space<vmem>> -> memref<8x128xi32, #tpu.memory_space<vmem>>
        %dma_start3A_30 = arith.constant 0 : i32
        %dma_start3A_31 = tpu.memref_slice %dma_start3A_29[%run_scoped3A_25, %dma_start3A_30] : memref<8x128xi32, #tpu.memory_space<vmem>> -> memref<1x128xi32, #tpu.memory_space<vmem>>
        %dma_start3A_32 = tpu.memref_squeeze %dma_start3A_31 : memref<1x128xi32, #tpu.memory_space<vmem>> -> memref<128xi32, #tpu.memory_space<vmem>>
        %dma_start3A_33 = arith.constant 0 : i32
        %dma_start3A_34 = arith.constant 0 : i32
        %dma_start3A_35 = tpu.memref_slice %arg8[%dma_start3A_33, %dma_start3A_34] : memref<12160x8xf32, #tpu.memory_space<vmem_shared>> -> memref<12160x8xf32, #tpu.memory_space<vmem_shared>>
        tpu.enqueue_indirect_dma source(%arg7 : memref<128x8xf32, #tpu.memory_space<vmem>>) target(%dma_start3A_35 : memref<12160x8xf32, #tpu.memory_space<vmem_shared>>) offsets(%dma_start3A_32 : memref<128xi32, #tpu.memory_space<vmem>>) semaphore(%run_scoped3A_26 : memref<!tpu.dma_semaphore, #tpu.memory_space<semaphore_mem>>) {add = true}
        %dma_wait3A = arith.constant 0 : i32
        %dma_wait3A_36 = arith.constant 0 : i32
        %dma_wait3A_37 = tpu.memref_slice %arg6[%scan3A_18, %dma_wait3A, %dma_wait3A_36] : memref<10x8x128xi32, #tpu.memory_space<vmem>> -> memref<1x8x128xi32, #tpu.memory_space<vmem>>
        %dma_wait3A_38 = tpu.memref_squeeze %dma_wait3A_37 : memref<1x8x128xi32, #tpu.memory_space<vmem>> -> memref<8x128xi32, #tpu.memory_space<vmem>>
        %dma_wait3A_39 = arith.constant 0 : i32
        %dma_wait3A_40 = tpu.memref_slice %dma_wait3A_38[%run_scoped3A_25, %dma_wait3A_39] : memref<8x128xi32, #tpu.memory_space<vmem>> -> memref<1x128xi32, #tpu.memory_space<vmem>>
        %dma_wait3A_41 = tpu.memref_squeeze %dma_wait3A_40 : memref<1x128xi32, #tpu.memory_space<vmem>> -> memref<128xi32, #tpu.memory_space<vmem>>
        %dma_wait3A_42 = arith.constant 0 : i32
        %dma_wait3A_43 = arith.constant 0 : i32
        %dma_wait3A_44 = tpu.memref_slice %arg8[%dma_wait3A_42, %dma_wait3A_43] : memref<12160x8xf32, #tpu.memory_space<vmem_shared>> -> memref<12160x8xf32, #tpu.memory_space<vmem_shared>>
        tpu.wait_indirect_dma semaphore(%run_scoped3A_26 : memref<!tpu.dma_semaphore, #tpu.memory_space<semaphore_mem>>) src(%arg7 : memref<128x8xf32, #tpu.memory_space<vmem>>) dst(%dma_wait3A_44 : memref<12160x8xf32, #tpu.memory_space<vmem_shared>>)
        tpu.yield
      }) : () -> ()
    }
    %scan3A_9 = arith.constant 10 : i32
    %barrier3A_10 = arith.constant 0 : index
    tpu.barrier barrier_id(%barrier3A_10)
    %mul3A_11 = arith.constant 760 : i32
    %mul3A_12 = arith.muli %arg1, %mul3A_11 : i32
    %mul3A_13 = arith.constant 16 : i32
    %mul3A_14 = arith.muli %arg0, %mul3A_13 : i32
    %add3A_15 = arith.addi %mul3A_14, %arg1 : i32
    %mul3A_16 = arith.constant 760 : i32
    %mul3A_17 = arith.muli %add3A_15, %mul3A_16 : i32
    "tpu.region"() ({
      %run_scoped3A = tpu.sem_alloc : memref<!tpu.dma_semaphore, #tpu.memory_space<semaphore_mem>>
      %dma_start3A = arith.constant 0 : i32
      %dma_start3A_18 = tpu.memref_slice %arg5[%mul3A_17, %dma_start3A] : memref<24320x8xf32, #tpu.memory_space<hbm>> -> memref<760x8xf32, #tpu.memory_space<hbm>>
      %dma_start3A_19 = arith.constant 0 : i32
      %dma_start3A_20 = tpu.memref_slice %arg8[%mul3A_12, %dma_start3A_19] : memref<12160x8xf32, #tpu.memory_space<vmem_shared>> -> memref<760x8xf32, #tpu.memory_space<vmem_shared>>
      tpu.enqueue_dma source(%dma_start3A_20 : memref<760x8xf32, #tpu.memory_space<vmem_shared>>) target(%dma_start3A_18 : memref<760x8xf32, #tpu.memory_space<hbm>>) target_semaphore(%run_scoped3A : memref<!tpu.dma_semaphore, #tpu.memory_space<semaphore_mem>>)
      %dma_wait3A = arith.constant 0 : i32
      %dma_wait3A_21 = tpu.memref_slice %arg5[%mul3A_17, %dma_wait3A] : memref<24320x8xf32, #tpu.memory_space<hbm>> -> memref<760x8xf32, #tpu.memory_space<hbm>>
      %dma_wait3A_22 = arith.constant 0 : i32
      %dma_wait3A_23 = tpu.memref_slice %arg8[%mul3A_12, %dma_wait3A_22] : memref<12160x8xf32, #tpu.memory_space<vmem_shared>> -> memref<760x8xf32, #tpu.memory_space<vmem_shared>>
      tpu.wait_dma2 semaphore(%run_scoped3A : memref<!tpu.dma_semaphore, #tpu.memory_space<semaphore_mem>>) src(%dma_wait3A_23 : memref<760x8xf32, #tpu.memory_space<vmem_shared>>) dst(%dma_wait3A_21 : memref<760x8xf32, #tpu.memory_space<hbm>>)
      tpu.yield
    }) : () -> ()
    return
  }
}

#map = affine_map<(d0, d1) -> (0, 0, 0)>
#map1 = affine_map<(d0, d1) -> (0, 0)>
module attributes {stable_mosaic.version = 14 : i64} {
  func.func @_sc_spmv_body(%arg0: i32, %arg1: i32, %arg2: memref<320x8x128xi32, #tpu.memory_space<hbm>>, %arg3: memref<320x8x128xi32, #tpu.memory_space<hbm>>, %arg4: memref<10000x32xf32, #tpu.memory_space<hbm>>, %arg5: memref<760x32xf32, #tpu.memory_space<hbm>>, %arg6: memref<24320x32xf32, #tpu.memory_space<hbm>>, %arg7: memref<10x8x128xi32, #tpu.memory_space<vmem>>, %arg8: memref<10x8x128xi32, #tpu.memory_space<vmem>>, %arg9: memref<2048x32xf32, #tpu.memory_space<vmem>>, %arg10: memref<12160x32xf32, #tpu.memory_space<vmem_shared>>, %arg11: memref<!tpu.dma_semaphore, #tpu.memory_space<semaphore_mem>>, %arg12: memref<!tpu.dma_semaphore, #tpu.memory_space<semaphore_mem>>) attributes {dimension_semantics = [#tpu.dimension_semantics<core_parallel>, #tpu.dimension_semantics<subcore_parallel>], iteration_bounds = array<i64: 2, 16>, scalar_prefetch = 0 : i64, scratch_operands = 6 : i64, tpu.core_type = #tpu.core_type<sc_vector_subcore>, window_params = [{transform_indices = #map}, {transform_indices = #map}, {transform_indices = #map1}, {transform_indices = #map1}, {transform_indices = #map1}]} {
    %mul3A = arith.constant 16 : i32
    %mul3A_0 = arith.muli %arg0, %mul3A : i32
    %add3A = arith.addi %mul3A_0, %arg1 : i32
    %mul3A_1 = arith.constant 760 : i32
    %mul3A_2 = arith.muli %arg1, %mul3A_1 : i32
    "tpu.region"() ({
      %run_scoped3A = tpu.sem_alloc : memref<!tpu.dma_semaphore, #tpu.memory_space<semaphore_mem>>
      %dma_start3A = arith.constant 0 : i32
      %dma_start3A_20 = tpu.memref_slice %arg10[%mul3A_2, %dma_start3A] : memref<12160x32xf32, #tpu.memory_space<vmem_shared>> -> memref<760x32xf32, #tpu.memory_space<vmem_shared>>
      tpu.enqueue_dma source(%arg5 : memref<760x32xf32, #tpu.memory_space<hbm>>) target(%dma_start3A_20 : memref<760x32xf32, #tpu.memory_space<vmem_shared>>) target_semaphore(%run_scoped3A : memref<!tpu.dma_semaphore, #tpu.memory_space<semaphore_mem>>)
      %dma_wait3A = arith.constant 0 : i32
      %dma_wait3A_21 = tpu.memref_slice %arg10[%mul3A_2, %dma_wait3A] : memref<12160x32xf32, #tpu.memory_space<vmem_shared>> -> memref<760x32xf32, #tpu.memory_space<vmem_shared>>
      tpu.wait_dma2 semaphore(%run_scoped3A : memref<!tpu.dma_semaphore, #tpu.memory_space<semaphore_mem>>) src(%arg5 : memref<760x32xf32, #tpu.memory_space<hbm>>) dst(%dma_wait3A_21 : memref<760x32xf32, #tpu.memory_space<vmem_shared>>)
      tpu.yield
    }) : () -> ()
    %mul3A_3 = arith.constant 10 : i32
    %mul3A_4 = arith.muli %add3A, %mul3A_3 : i32
    "tpu.region"() ({
      %run_scoped3A = tpu.sem_alloc : memref<!tpu.dma_semaphore, #tpu.memory_space<semaphore_mem>>
      %dma_start3A = arith.constant 0 : i32
      %dma_start3A_20 = arith.constant 0 : i32
      %dma_start3A_21 = tpu.memref_slice %arg2[%mul3A_4, %dma_start3A, %dma_start3A_20] : memref<320x8x128xi32, #tpu.memory_space<hbm>> -> memref<10x8x128xi32, #tpu.memory_space<hbm>>
      %dma_start3A_22 = arith.constant 0 : i32
      %dma_start3A_23 = arith.constant 0 : i32
      %dma_start3A_24 = tpu.memref_slice %arg2[%mul3A_4, %dma_start3A_22, %dma_start3A_23] : memref<320x8x128xi32, #tpu.memory_space<hbm>> -> memref<10x8x128xi32, #tpu.memory_space<hbm>>
      tpu.enqueue_dma source(%dma_start3A_24 : memref<10x8x128xi32, #tpu.memory_space<hbm>>) target(%arg7 : memref<10x8x128xi32, #tpu.memory_space<vmem>>) target_semaphore(%run_scoped3A : memref<!tpu.dma_semaphore, #tpu.memory_space<semaphore_mem>>)
      %dma_wait3A = arith.constant 0 : i32
      %dma_wait3A_25 = arith.constant 0 : i32
      %dma_wait3A_26 = tpu.memref_slice %arg2[%mul3A_4, %dma_wait3A, %dma_wait3A_25] : memref<320x8x128xi32, #tpu.memory_space<hbm>> -> memref<10x8x128xi32, #tpu.memory_space<hbm>>
      %dma_wait3A_27 = arith.constant 0 : i32
      %dma_wait3A_28 = arith.constant 0 : i32
      %dma_wait3A_29 = tpu.memref_slice %arg2[%mul3A_4, %dma_wait3A_27, %dma_wait3A_28] : memref<320x8x128xi32, #tpu.memory_space<hbm>> -> memref<10x8x128xi32, #tpu.memory_space<hbm>>
      tpu.wait_dma2 semaphore(%run_scoped3A : memref<!tpu.dma_semaphore, #tpu.memory_space<semaphore_mem>>) src(%dma_wait3A_29 : memref<10x8x128xi32, #tpu.memory_space<hbm>>) dst(%arg7 : memref<10x8x128xi32, #tpu.memory_space<vmem>>)
      tpu.yield
    }) : () -> ()
    %mul3A_5 = arith.constant 10 : i32
    %mul3A_6 = arith.muli %add3A, %mul3A_5 : i32
    "tpu.region"() ({
      %run_scoped3A = tpu.sem_alloc : memref<!tpu.dma_semaphore, #tpu.memory_space<semaphore_mem>>
      %dma_start3A = arith.constant 0 : i32
      %dma_start3A_20 = arith.constant 0 : i32
      %dma_start3A_21 = tpu.memref_slice %arg3[%mul3A_6, %dma_start3A, %dma_start3A_20] : memref<320x8x128xi32, #tpu.memory_space<hbm>> -> memref<10x8x128xi32, #tpu.memory_space<hbm>>
      %dma_start3A_22 = arith.constant 0 : i32
      %dma_start3A_23 = arith.constant 0 : i32
      %dma_start3A_24 = tpu.memref_slice %arg3[%mul3A_6, %dma_start3A_22, %dma_start3A_23] : memref<320x8x128xi32, #tpu.memory_space<hbm>> -> memref<10x8x128xi32, #tpu.memory_space<hbm>>
      tpu.enqueue_dma source(%dma_start3A_24 : memref<10x8x128xi32, #tpu.memory_space<hbm>>) target(%arg8 : memref<10x8x128xi32, #tpu.memory_space<vmem>>) target_semaphore(%run_scoped3A : memref<!tpu.dma_semaphore, #tpu.memory_space<semaphore_mem>>)
      %dma_wait3A = arith.constant 0 : i32
      %dma_wait3A_25 = arith.constant 0 : i32
      %dma_wait3A_26 = tpu.memref_slice %arg3[%mul3A_6, %dma_wait3A, %dma_wait3A_25] : memref<320x8x128xi32, #tpu.memory_space<hbm>> -> memref<10x8x128xi32, #tpu.memory_space<hbm>>
      %dma_wait3A_27 = arith.constant 0 : i32
      %dma_wait3A_28 = arith.constant 0 : i32
      %dma_wait3A_29 = tpu.memref_slice %arg3[%mul3A_6, %dma_wait3A_27, %dma_wait3A_28] : memref<320x8x128xi32, #tpu.memory_space<hbm>> -> memref<10x8x128xi32, #tpu.memory_space<hbm>>
      tpu.wait_dma2 semaphore(%run_scoped3A : memref<!tpu.dma_semaphore, #tpu.memory_space<semaphore_mem>>) src(%dma_wait3A_29 : memref<10x8x128xi32, #tpu.memory_space<hbm>>) dst(%arg8 : memref<10x8x128xi32, #tpu.memory_space<vmem>>)
      tpu.yield
    }) : () -> ()
    %barrier3A = arith.constant 0 : index
    tpu.barrier barrier_id(%barrier3A)
    %scan3A = arith.constant 0 : i32
    %scan3A_7 = arith.constant 0 : i32
    %scan3A_8 = arith.constant 10 : i32
    %scan3A_9 = arith.addi %scan3A_7, %scan3A_8 : i32
    %scan3A_10 = arith.constant 1 : i32
    scf.for %scan3A_20 = %scan3A_7 to %scan3A_9 step %scan3A_10  : i32 {
      %dma_start3A = arith.constant 0 : i32
      %dma_start3A_21 = arith.constant 0 : i32
      %dma_start3A_22 = arith.constant 0 : i32
      %dma_start3A_23 = tpu.memref_slice %arg9[%dma_start3A_21, %dma_start3A_22] : memref<2048x32xf32, #tpu.memory_space<vmem>> -> memref<128x32xf32, #tpu.memory_space<vmem>>
      %dma_start3A_24 = arith.constant 0 : i32
      %dma_start3A_25 = arith.constant 0 : i32
      %dma_start3A_26 = tpu.memref_slice %arg7[%scan3A_20, %dma_start3A_24, %dma_start3A_25] : memref<10x8x128xi32, #tpu.memory_space<vmem>> -> memref<1x8x128xi32, #tpu.memory_space<vmem>>
      %dma_start3A_27 = tpu.memref_squeeze %dma_start3A_26 : memref<1x8x128xi32, #tpu.memory_space<vmem>> -> memref<8x128xi32, #tpu.memory_space<vmem>>
      %dma_start3A_28 = arith.constant 0 : i32
      %dma_start3A_29 = tpu.memref_slice %dma_start3A_27[%dma_start3A, %dma_start3A_28] : memref<8x128xi32, #tpu.memory_space<vmem>> -> memref<1x128xi32, #tpu.memory_space<vmem>>
      %dma_start3A_30 = tpu.memref_squeeze %dma_start3A_29 : memref<1x128xi32, #tpu.memory_space<vmem>> -> memref<128xi32, #tpu.memory_space<vmem>>
      %dma_start3A_31 = arith.constant 0 : i32
      %dma_start3A_32 = arith.constant 0 : i32
      %dma_start3A_33 = tpu.memref_slice %arg4[%dma_start3A_31, %dma_start3A_32] : memref<10000x32xf32, #tpu.memory_space<hbm>> -> memref<10000x32xf32, #tpu.memory_space<hbm>>
      tpu.enqueue_indirect_dma source(%dma_start3A_33 : memref<10000x32xf32, #tpu.memory_space<hbm>>) target(%dma_start3A_23 : memref<128x32xf32, #tpu.memory_space<vmem>>) offsets(%dma_start3A_30 : memref<128xi32, #tpu.memory_space<vmem>>) semaphore(%arg11 : memref<!tpu.dma_semaphore, #tpu.memory_space<semaphore_mem>>)
      %dma_start3A_34 = arith.constant 1 : i32
      %dma_start3A_35 = arith.constant 128 : i32
      %dma_start3A_36 = arith.constant 0 : i32
      %dma_start3A_37 = tpu.memref_slice %arg9[%dma_start3A_35, %dma_start3A_36] : memref<2048x32xf32, #tpu.memory_space<vmem>> -> memref<128x32xf32, #tpu.memory_space<vmem>>
      %dma_start3A_38 = arith.constant 0 : i32
      %dma_start3A_39 = arith.constant 0 : i32
      %dma_start3A_40 = tpu.memref_slice %arg7[%scan3A_20, %dma_start3A_38, %dma_start3A_39] : memref<10x8x128xi32, #tpu.memory_space<vmem>> -> memref<1x8x128xi32, #tpu.memory_space<vmem>>
      %dma_start3A_41 = tpu.memref_squeeze %dma_start3A_40 : memref<1x8x128xi32, #tpu.memory_space<vmem>> -> memref<8x128xi32, #tpu.memory_space<vmem>>
      %dma_start3A_42 = arith.constant 0 : i32
      %dma_start3A_43 = tpu.memref_slice %dma_start3A_41[%dma_start3A_34, %dma_start3A_42] : memref<8x128xi32, #tpu.memory_space<vmem>> -> memref<1x128xi32, #tpu.memory_space<vmem>>
      %dma_start3A_44 = tpu.memref_squeeze %dma_start3A_43 : memref<1x128xi32, #tpu.memory_space<vmem>> -> memref<128xi32, #tpu.memory_space<vmem>>
      %dma_start3A_45 = arith.constant 0 : i32
      %dma_start3A_46 = arith.constant 0 : i32
      %dma_start3A_47 = tpu.memref_slice %arg4[%dma_start3A_45, %dma_start3A_46] : memref<10000x32xf32, #tpu.memory_space<hbm>> -> memref<10000x32xf32, #tpu.memory_space<hbm>>
      tpu.enqueue_indirect_dma source(%dma_start3A_47 : memref<10000x32xf32, #tpu.memory_space<hbm>>) target(%dma_start3A_37 : memref<128x32xf32, #tpu.memory_space<vmem>>) offsets(%dma_start3A_44 : memref<128xi32, #tpu.memory_space<vmem>>) semaphore(%arg11 : memref<!tpu.dma_semaphore, #tpu.memory_space<semaphore_mem>>)
      %dma_start3A_48 = arith.constant 2 : i32
      %dma_start3A_49 = arith.constant 256 : i32
      %dma_start3A_50 = arith.constant 0 : i32
      %dma_start3A_51 = tpu.memref_slice %arg9[%dma_start3A_49, %dma_start3A_50] : memref<2048x32xf32, #tpu.memory_space<vmem>> -> memref<128x32xf32, #tpu.memory_space<vmem>>
      %dma_start3A_52 = arith.constant 0 : i32
      %dma_start3A_53 = arith.constant 0 : i32
      %dma_start3A_54 = tpu.memref_slice %arg7[%scan3A_20, %dma_start3A_52, %dma_start3A_53] : memref<10x8x128xi32, #tpu.memory_space<vmem>> -> memref<1x8x128xi32, #tpu.memory_space<vmem>>
      %dma_start3A_55 = tpu.memref_squeeze %dma_start3A_54 : memref<1x8x128xi32, #tpu.memory_space<vmem>> -> memref<8x128xi32, #tpu.memory_space<vmem>>
      %dma_start3A_56 = arith.constant 0 : i32
      %dma_start3A_57 = tpu.memref_slice %dma_start3A_55[%dma_start3A_48, %dma_start3A_56] : memref<8x128xi32, #tpu.memory_space<vmem>> -> memref<1x128xi32, #tpu.memory_space<vmem>>
      %dma_start3A_58 = tpu.memref_squeeze %dma_start3A_57 : memref<1x128xi32, #tpu.memory_space<vmem>> -> memref<128xi32, #tpu.memory_space<vmem>>
      %dma_start3A_59 = arith.constant 0 : i32
      %dma_start3A_60 = arith.constant 0 : i32
      %dma_start3A_61 = tpu.memref_slice %arg4[%dma_start3A_59, %dma_start3A_60] : memref<10000x32xf32, #tpu.memory_space<hbm>> -> memref<10000x32xf32, #tpu.memory_space<hbm>>
      tpu.enqueue_indirect_dma source(%dma_start3A_61 : memref<10000x32xf32, #tpu.memory_space<hbm>>) target(%dma_start3A_51 : memref<128x32xf32, #tpu.memory_space<vmem>>) offsets(%dma_start3A_58 : memref<128xi32, #tpu.memory_space<vmem>>) semaphore(%arg11 : memref<!tpu.dma_semaphore, #tpu.memory_space<semaphore_mem>>)
      %dma_start3A_62 = arith.constant 3 : i32
      %dma_start3A_63 = arith.constant 384 : i32
      %dma_start3A_64 = arith.constant 0 : i32
      %dma_start3A_65 = tpu.memref_slice %arg9[%dma_start3A_63, %dma_start3A_64] : memref<2048x32xf32, #tpu.memory_space<vmem>> -> memref<128x32xf32, #tpu.memory_space<vmem>>
      %dma_start3A_66 = arith.constant 0 : i32
      %dma_start3A_67 = arith.constant 0 : i32
      %dma_start3A_68 = tpu.memref_slice %arg7[%scan3A_20, %dma_start3A_66, %dma_start3A_67] : memref<10x8x128xi32, #tpu.memory_space<vmem>> -> memref<1x8x128xi32, #tpu.memory_space<vmem>>
      %dma_start3A_69 = tpu.memref_squeeze %dma_start3A_68 : memref<1x8x128xi32, #tpu.memory_space<vmem>> -> memref<8x128xi32, #tpu.memory_space<vmem>>
      %dma_start3A_70 = arith.constant 0 : i32
      %dma_start3A_71 = tpu.memref_slice %dma_start3A_69[%dma_start3A_62, %dma_start3A_70] : memref<8x128xi32, #tpu.memory_space<vmem>> -> memref<1x128xi32, #tpu.memory_space<vmem>>
      %dma_start3A_72 = tpu.memref_squeeze %dma_start3A_71 : memref<1x128xi32, #tpu.memory_space<vmem>> -> memref<128xi32, #tpu.memory_space<vmem>>
      %dma_start3A_73 = arith.constant 0 : i32
      %dma_start3A_74 = arith.constant 0 : i32
      %dma_start3A_75 = tpu.memref_slice %arg4[%dma_start3A_73, %dma_start3A_74] : memref<10000x32xf32, #tpu.memory_space<hbm>> -> memref<10000x32xf32, #tpu.memory_space<hbm>>
      tpu.enqueue_indirect_dma source(%dma_start3A_75 : memref<10000x32xf32, #tpu.memory_space<hbm>>) target(%dma_start3A_65 : memref<128x32xf32, #tpu.memory_space<vmem>>) offsets(%dma_start3A_72 : memref<128xi32, #tpu.memory_space<vmem>>) semaphore(%arg11 : memref<!tpu.dma_semaphore, #tpu.memory_space<semaphore_mem>>)
      %dma_start3A_76 = arith.constant 4 : i32
      %dma_start3A_77 = arith.constant 512 : i32
      %dma_start3A_78 = arith.constant 0 : i32
      %dma_start3A_79 = tpu.memref_slice %arg9[%dma_start3A_77, %dma_start3A_78] : memref<2048x32xf32, #tpu.memory_space<vmem>> -> memref<128x32xf32, #tpu.memory_space<vmem>>
      %dma_start3A_80 = arith.constant 0 : i32
      %dma_start3A_81 = arith.constant 0 : i32
      %dma_start3A_82 = tpu.memref_slice %arg7[%scan3A_20, %dma_start3A_80, %dma_start3A_81] : memref<10x8x128xi32, #tpu.memory_space<vmem>> -> memref<1x8x128xi32, #tpu.memory_space<vmem>>
      %dma_start3A_83 = tpu.memref_squeeze %dma_start3A_82 : memref<1x8x128xi32, #tpu.memory_space<vmem>> -> memref<8x128xi32, #tpu.memory_space<vmem>>
      %dma_start3A_84 = arith.constant 0 : i32
      %dma_start3A_85 = tpu.memref_slice %dma_start3A_83[%dma_start3A_76, %dma_start3A_84] : memref<8x128xi32, #tpu.memory_space<vmem>> -> memref<1x128xi32, #tpu.memory_space<vmem>>
      %dma_start3A_86 = tpu.memref_squeeze %dma_start3A_85 : memref<1x128xi32, #tpu.memory_space<vmem>> -> memref<128xi32, #tpu.memory_space<vmem>>
      %dma_start3A_87 = arith.constant 0 : i32
      %dma_start3A_88 = arith.constant 0 : i32
      %dma_start3A_89 = tpu.memref_slice %arg4[%dma_start3A_87, %dma_start3A_88] : memref<10000x32xf32, #tpu.memory_space<hbm>> -> memref<10000x32xf32, #tpu.memory_space<hbm>>
      tpu.enqueue_indirect_dma source(%dma_start3A_89 : memref<10000x32xf32, #tpu.memory_space<hbm>>) target(%dma_start3A_79 : memref<128x32xf32, #tpu.memory_space<vmem>>) offsets(%dma_start3A_86 : memref<128xi32, #tpu.memory_space<vmem>>) semaphore(%arg11 : memref<!tpu.dma_semaphore, #tpu.memory_space<semaphore_mem>>)
      %dma_start3A_90 = arith.constant 5 : i32
      %dma_start3A_91 = arith.constant 640 : i32
      %dma_start3A_92 = arith.constant 0 : i32
      %dma_start3A_93 = tpu.memref_slice %arg9[%dma_start3A_91, %dma_start3A_92] : memref<2048x32xf32, #tpu.memory_space<vmem>> -> memref<128x32xf32, #tpu.memory_space<vmem>>
      %dma_start3A_94 = arith.constant 0 : i32
      %dma_start3A_95 = arith.constant 0 : i32
      %dma_start3A_96 = tpu.memref_slice %arg7[%scan3A_20, %dma_start3A_94, %dma_start3A_95] : memref<10x8x128xi32, #tpu.memory_space<vmem>> -> memref<1x8x128xi32, #tpu.memory_space<vmem>>
      %dma_start3A_97 = tpu.memref_squeeze %dma_start3A_96 : memref<1x8x128xi32, #tpu.memory_space<vmem>> -> memref<8x128xi32, #tpu.memory_space<vmem>>
      %dma_start3A_98 = arith.constant 0 : i32
      %dma_start3A_99 = tpu.memref_slice %dma_start3A_97[%dma_start3A_90, %dma_start3A_98] : memref<8x128xi32, #tpu.memory_space<vmem>> -> memref<1x128xi32, #tpu.memory_space<vmem>>
      %dma_start3A_100 = tpu.memref_squeeze %dma_start3A_99 : memref<1x128xi32, #tpu.memory_space<vmem>> -> memref<128xi32, #tpu.memory_space<vmem>>
      %dma_start3A_101 = arith.constant 0 : i32
      %dma_start3A_102 = arith.constant 0 : i32
      %dma_start3A_103 = tpu.memref_slice %arg4[%dma_start3A_101, %dma_start3A_102] : memref<10000x32xf32, #tpu.memory_space<hbm>> -> memref<10000x32xf32, #tpu.memory_space<hbm>>
      tpu.enqueue_indirect_dma source(%dma_start3A_103 : memref<10000x32xf32, #tpu.memory_space<hbm>>) target(%dma_start3A_93 : memref<128x32xf32, #tpu.memory_space<vmem>>) offsets(%dma_start3A_100 : memref<128xi32, #tpu.memory_space<vmem>>) semaphore(%arg11 : memref<!tpu.dma_semaphore, #tpu.memory_space<semaphore_mem>>)
      %dma_start3A_104 = arith.constant 6 : i32
      %dma_start3A_105 = arith.constant 768 : i32
      %dma_start3A_106 = arith.constant 0 : i32
      %dma_start3A_107 = tpu.memref_slice %arg9[%dma_start3A_105, %dma_start3A_106] : memref<2048x32xf32, #tpu.memory_space<vmem>> -> memref<128x32xf32, #tpu.memory_space<vmem>>
      %dma_start3A_108 = arith.constant 0 : i32
      %dma_start3A_109 = arith.constant 0 : i32
      %dma_start3A_110 = tpu.memref_slice %arg7[%scan3A_20, %dma_start3A_108, %dma_start3A_109] : memref<10x8x128xi32, #tpu.memory_space<vmem>> -> memref<1x8x128xi32, #tpu.memory_space<vmem>>
      %dma_start3A_111 = tpu.memref_squeeze %dma_start3A_110 : memref<1x8x128xi32, #tpu.memory_space<vmem>> -> memref<8x128xi32, #tpu.memory_space<vmem>>
      %dma_start3A_112 = arith.constant 0 : i32
      %dma_start3A_113 = tpu.memref_slice %dma_start3A_111[%dma_start3A_104, %dma_start3A_112] : memref<8x128xi32, #tpu.memory_space<vmem>> -> memref<1x128xi32, #tpu.memory_space<vmem>>
      %dma_start3A_114 = tpu.memref_squeeze %dma_start3A_113 : memref<1x128xi32, #tpu.memory_space<vmem>> -> memref<128xi32, #tpu.memory_space<vmem>>
      %dma_start3A_115 = arith.constant 0 : i32
      %dma_start3A_116 = arith.constant 0 : i32
      %dma_start3A_117 = tpu.memref_slice %arg4[%dma_start3A_115, %dma_start3A_116] : memref<10000x32xf32, #tpu.memory_space<hbm>> -> memref<10000x32xf32, #tpu.memory_space<hbm>>
      tpu.enqueue_indirect_dma source(%dma_start3A_117 : memref<10000x32xf32, #tpu.memory_space<hbm>>) target(%dma_start3A_107 : memref<128x32xf32, #tpu.memory_space<vmem>>) offsets(%dma_start3A_114 : memref<128xi32, #tpu.memory_space<vmem>>) semaphore(%arg11 : memref<!tpu.dma_semaphore, #tpu.memory_space<semaphore_mem>>)
      %dma_start3A_118 = arith.constant 7 : i32
      %dma_start3A_119 = arith.constant 896 : i32
      %dma_start3A_120 = arith.constant 0 : i32
      %dma_start3A_121 = tpu.memref_slice %arg9[%dma_start3A_119, %dma_start3A_120] : memref<2048x32xf32, #tpu.memory_space<vmem>> -> memref<128x32xf32, #tpu.memory_space<vmem>>
      %dma_start3A_122 = arith.constant 0 : i32
      %dma_start3A_123 = arith.constant 0 : i32
      %dma_start3A_124 = tpu.memref_slice %arg7[%scan3A_20, %dma_start3A_122, %dma_start3A_123] : memref<10x8x128xi32, #tpu.memory_space<vmem>> -> memref<1x8x128xi32, #tpu.memory_space<vmem>>
      %dma_start3A_125 = tpu.memref_squeeze %dma_start3A_124 : memref<1x8x128xi32, #tpu.memory_space<vmem>> -> memref<8x128xi32, #tpu.memory_space<vmem>>
      %dma_start3A_126 = arith.constant 0 : i32
      %dma_start3A_127 = tpu.memref_slice %dma_start3A_125[%dma_start3A_118, %dma_start3A_126] : memref<8x128xi32, #tpu.memory_space<vmem>> -> memref<1x128xi32, #tpu.memory_space<vmem>>
      %dma_start3A_128 = tpu.memref_squeeze %dma_start3A_127 : memref<1x128xi32, #tpu.memory_space<vmem>> -> memref<128xi32, #tpu.memory_space<vmem>>
      %dma_start3A_129 = arith.constant 0 : i32
      %dma_start3A_130 = arith.constant 0 : i32
      %dma_start3A_131 = tpu.memref_slice %arg4[%dma_start3A_129, %dma_start3A_130] : memref<10000x32xf32, #tpu.memory_space<hbm>> -> memref<10000x32xf32, #tpu.memory_space<hbm>>
      tpu.enqueue_indirect_dma source(%dma_start3A_131 : memref<10000x32xf32, #tpu.memory_space<hbm>>) target(%dma_start3A_121 : memref<128x32xf32, #tpu.memory_space<vmem>>) offsets(%dma_start3A_128 : memref<128xi32, #tpu.memory_space<vmem>>) semaphore(%arg11 : memref<!tpu.dma_semaphore, #tpu.memory_space<semaphore_mem>>)
      %dma_wait3A = arith.constant 0 : i32
      %dma_wait3A_132 = arith.constant 0 : i32
      %dma_wait3A_133 = arith.constant 0 : i32
      %dma_wait3A_134 = tpu.memref_slice %arg9[%dma_wait3A_132, %dma_wait3A_133] : memref<2048x32xf32, #tpu.memory_space<vmem>> -> memref<128x32xf32, #tpu.memory_space<vmem>>
      %dma_wait3A_135 = arith.constant 0 : i32
      %dma_wait3A_136 = arith.constant 0 : i32
      %dma_wait3A_137 = tpu.memref_slice %arg7[%scan3A_20, %dma_wait3A_135, %dma_wait3A_136] : memref<10x8x128xi32, #tpu.memory_space<vmem>> -> memref<1x8x128xi32, #tpu.memory_space<vmem>>
      %dma_wait3A_138 = tpu.memref_squeeze %dma_wait3A_137 : memref<1x8x128xi32, #tpu.memory_space<vmem>> -> memref<8x128xi32, #tpu.memory_space<vmem>>
      %dma_wait3A_139 = arith.constant 0 : i32
      %dma_wait3A_140 = tpu.memref_slice %dma_wait3A_138[%dma_wait3A, %dma_wait3A_139] : memref<8x128xi32, #tpu.memory_space<vmem>> -> memref<1x128xi32, #tpu.memory_space<vmem>>
      %dma_wait3A_141 = tpu.memref_squeeze %dma_wait3A_140 : memref<1x128xi32, #tpu.memory_space<vmem>> -> memref<128xi32, #tpu.memory_space<vmem>>
      %dma_wait3A_142 = arith.constant 0 : i32
      %dma_wait3A_143 = arith.constant 0 : i32
      %dma_wait3A_144 = tpu.memref_slice %arg4[%dma_wait3A_142, %dma_wait3A_143] : memref<10000x32xf32, #tpu.memory_space<hbm>> -> memref<10000x32xf32, #tpu.memory_space<hbm>>
      tpu.wait_indirect_dma semaphore(%arg11 : memref<!tpu.dma_semaphore, #tpu.memory_space<semaphore_mem>>) src(%dma_wait3A_144 : memref<10000x32xf32, #tpu.memory_space<hbm>>) dst(%dma_wait3A_134 : memref<128x32xf32, #tpu.memory_space<vmem>>)
      %dma_wait3A_145 = arith.constant 1 : i32
      %dma_wait3A_146 = arith.constant 128 : i32
      %dma_wait3A_147 = arith.constant 0 : i32
      %dma_wait3A_148 = tpu.memref_slice %arg9[%dma_wait3A_146, %dma_wait3A_147] : memref<2048x32xf32, #tpu.memory_space<vmem>> -> memref<128x32xf32, #tpu.memory_space<vmem>>
      %dma_wait3A_149 = arith.constant 0 : i32
      %dma_wait3A_150 = arith.constant 0 : i32
      %dma_wait3A_151 = tpu.memref_slice %arg7[%scan3A_20, %dma_wait3A_149, %dma_wait3A_150] : memref<10x8x128xi32, #tpu.memory_space<vmem>> -> memref<1x8x128xi32, #tpu.memory_space<vmem>>
      %dma_wait3A_152 = tpu.memref_squeeze %dma_wait3A_151 : memref<1x8x128xi32, #tpu.memory_space<vmem>> -> memref<8x128xi32, #tpu.memory_space<vmem>>
      %dma_wait3A_153 = arith.constant 0 : i32
      %dma_wait3A_154 = tpu.memref_slice %dma_wait3A_152[%dma_wait3A_145, %dma_wait3A_153] : memref<8x128xi32, #tpu.memory_space<vmem>> -> memref<1x128xi32, #tpu.memory_space<vmem>>
      %dma_wait3A_155 = tpu.memref_squeeze %dma_wait3A_154 : memref<1x128xi32, #tpu.memory_space<vmem>> -> memref<128xi32, #tpu.memory_space<vmem>>
      %dma_wait3A_156 = arith.constant 0 : i32
      %dma_wait3A_157 = arith.constant 0 : i32
      %dma_wait3A_158 = tpu.memref_slice %arg4[%dma_wait3A_156, %dma_wait3A_157] : memref<10000x32xf32, #tpu.memory_space<hbm>> -> memref<10000x32xf32, #tpu.memory_space<hbm>>
      tpu.wait_indirect_dma semaphore(%arg11 : memref<!tpu.dma_semaphore, #tpu.memory_space<semaphore_mem>>) src(%dma_wait3A_158 : memref<10000x32xf32, #tpu.memory_space<hbm>>) dst(%dma_wait3A_148 : memref<128x32xf32, #tpu.memory_space<vmem>>)
      %dma_wait3A_159 = arith.constant 2 : i32
      %dma_wait3A_160 = arith.constant 256 : i32
      %dma_wait3A_161 = arith.constant 0 : i32
      %dma_wait3A_162 = tpu.memref_slice %arg9[%dma_wait3A_160, %dma_wait3A_161] : memref<2048x32xf32, #tpu.memory_space<vmem>> -> memref<128x32xf32, #tpu.memory_space<vmem>>
      %dma_wait3A_163 = arith.constant 0 : i32
      %dma_wait3A_164 = arith.constant 0 : i32
      %dma_wait3A_165 = tpu.memref_slice %arg7[%scan3A_20, %dma_wait3A_163, %dma_wait3A_164] : memref<10x8x128xi32, #tpu.memory_space<vmem>> -> memref<1x8x128xi32, #tpu.memory_space<vmem>>
      %dma_wait3A_166 = tpu.memref_squeeze %dma_wait3A_165 : memref<1x8x128xi32, #tpu.memory_space<vmem>> -> memref<8x128xi32, #tpu.memory_space<vmem>>
      %dma_wait3A_167 = arith.constant 0 : i32
      %dma_wait3A_168 = tpu.memref_slice %dma_wait3A_166[%dma_wait3A_159, %dma_wait3A_167] : memref<8x128xi32, #tpu.memory_space<vmem>> -> memref<1x128xi32, #tpu.memory_space<vmem>>
      %dma_wait3A_169 = tpu.memref_squeeze %dma_wait3A_168 : memref<1x128xi32, #tpu.memory_space<vmem>> -> memref<128xi32, #tpu.memory_space<vmem>>
      %dma_wait3A_170 = arith.constant 0 : i32
      %dma_wait3A_171 = arith.constant 0 : i32
      %dma_wait3A_172 = tpu.memref_slice %arg4[%dma_wait3A_170, %dma_wait3A_171] : memref<10000x32xf32, #tpu.memory_space<hbm>> -> memref<10000x32xf32, #tpu.memory_space<hbm>>
      tpu.wait_indirect_dma semaphore(%arg11 : memref<!tpu.dma_semaphore, #tpu.memory_space<semaphore_mem>>) src(%dma_wait3A_172 : memref<10000x32xf32, #tpu.memory_space<hbm>>) dst(%dma_wait3A_162 : memref<128x32xf32, #tpu.memory_space<vmem>>)
      %dma_wait3A_173 = arith.constant 3 : i32
      %dma_wait3A_174 = arith.constant 384 : i32
      %dma_wait3A_175 = arith.constant 0 : i32
      %dma_wait3A_176 = tpu.memref_slice %arg9[%dma_wait3A_174, %dma_wait3A_175] : memref<2048x32xf32, #tpu.memory_space<vmem>> -> memref<128x32xf32, #tpu.memory_space<vmem>>
      %dma_wait3A_177 = arith.constant 0 : i32
      %dma_wait3A_178 = arith.constant 0 : i32
      %dma_wait3A_179 = tpu.memref_slice %arg7[%scan3A_20, %dma_wait3A_177, %dma_wait3A_178] : memref<10x8x128xi32, #tpu.memory_space<vmem>> -> memref<1x8x128xi32, #tpu.memory_space<vmem>>
      %dma_wait3A_180 = tpu.memref_squeeze %dma_wait3A_179 : memref<1x8x128xi32, #tpu.memory_space<vmem>> -> memref<8x128xi32, #tpu.memory_space<vmem>>
      %dma_wait3A_181 = arith.constant 0 : i32
      %dma_wait3A_182 = tpu.memref_slice %dma_wait3A_180[%dma_wait3A_173, %dma_wait3A_181] : memref<8x128xi32, #tpu.memory_space<vmem>> -> memref<1x128xi32, #tpu.memory_space<vmem>>
      %dma_wait3A_183 = tpu.memref_squeeze %dma_wait3A_182 : memref<1x128xi32, #tpu.memory_space<vmem>> -> memref<128xi32, #tpu.memory_space<vmem>>
      %dma_wait3A_184 = arith.constant 0 : i32
      %dma_wait3A_185 = arith.constant 0 : i32
      %dma_wait3A_186 = tpu.memref_slice %arg4[%dma_wait3A_184, %dma_wait3A_185] : memref<10000x32xf32, #tpu.memory_space<hbm>> -> memref<10000x32xf32, #tpu.memory_space<hbm>>
      tpu.wait_indirect_dma semaphore(%arg11 : memref<!tpu.dma_semaphore, #tpu.memory_space<semaphore_mem>>) src(%dma_wait3A_186 : memref<10000x32xf32, #tpu.memory_space<hbm>>) dst(%dma_wait3A_176 : memref<128x32xf32, #tpu.memory_space<vmem>>)
      %dma_wait3A_187 = arith.constant 4 : i32
      %dma_wait3A_188 = arith.constant 512 : i32
      %dma_wait3A_189 = arith.constant 0 : i32
      %dma_wait3A_190 = tpu.memref_slice %arg9[%dma_wait3A_188, %dma_wait3A_189] : memref<2048x32xf32, #tpu.memory_space<vmem>> -> memref<128x32xf32, #tpu.memory_space<vmem>>
      %dma_wait3A_191 = arith.constant 0 : i32
      %dma_wait3A_192 = arith.constant 0 : i32
      %dma_wait3A_193 = tpu.memref_slice %arg7[%scan3A_20, %dma_wait3A_191, %dma_wait3A_192] : memref<10x8x128xi32, #tpu.memory_space<vmem>> -> memref<1x8x128xi32, #tpu.memory_space<vmem>>
      %dma_wait3A_194 = tpu.memref_squeeze %dma_wait3A_193 : memref<1x8x128xi32, #tpu.memory_space<vmem>> -> memref<8x128xi32, #tpu.memory_space<vmem>>
      %dma_wait3A_195 = arith.constant 0 : i32
      %dma_wait3A_196 = tpu.memref_slice %dma_wait3A_194[%dma_wait3A_187, %dma_wait3A_195] : memref<8x128xi32, #tpu.memory_space<vmem>> -> memref<1x128xi32, #tpu.memory_space<vmem>>
      %dma_wait3A_197 = tpu.memref_squeeze %dma_wait3A_196 : memref<1x128xi32, #tpu.memory_space<vmem>> -> memref<128xi32, #tpu.memory_space<vmem>>
      %dma_wait3A_198 = arith.constant 0 : i32
      %dma_wait3A_199 = arith.constant 0 : i32
      %dma_wait3A_200 = tpu.memref_slice %arg4[%dma_wait3A_198, %dma_wait3A_199] : memref<10000x32xf32, #tpu.memory_space<hbm>> -> memref<10000x32xf32, #tpu.memory_space<hbm>>
      tpu.wait_indirect_dma semaphore(%arg11 : memref<!tpu.dma_semaphore, #tpu.memory_space<semaphore_mem>>) src(%dma_wait3A_200 : memref<10000x32xf32, #tpu.memory_space<hbm>>) dst(%dma_wait3A_190 : memref<128x32xf32, #tpu.memory_space<vmem>>)
      %dma_wait3A_201 = arith.constant 5 : i32
      %dma_wait3A_202 = arith.constant 640 : i32
      %dma_wait3A_203 = arith.constant 0 : i32
      %dma_wait3A_204 = tpu.memref_slice %arg9[%dma_wait3A_202, %dma_wait3A_203] : memref<2048x32xf32, #tpu.memory_space<vmem>> -> memref<128x32xf32, #tpu.memory_space<vmem>>
      %dma_wait3A_205 = arith.constant 0 : i32
      %dma_wait3A_206 = arith.constant 0 : i32
      %dma_wait3A_207 = tpu.memref_slice %arg7[%scan3A_20, %dma_wait3A_205, %dma_wait3A_206] : memref<10x8x128xi32, #tpu.memory_space<vmem>> -> memref<1x8x128xi32, #tpu.memory_space<vmem>>
      %dma_wait3A_208 = tpu.memref_squeeze %dma_wait3A_207 : memref<1x8x128xi32, #tpu.memory_space<vmem>> -> memref<8x128xi32, #tpu.memory_space<vmem>>
      %dma_wait3A_209 = arith.constant 0 : i32
      %dma_wait3A_210 = tpu.memref_slice %dma_wait3A_208[%dma_wait3A_201, %dma_wait3A_209] : memref<8x128xi32, #tpu.memory_space<vmem>> -> memref<1x128xi32, #tpu.memory_space<vmem>>
      %dma_wait3A_211 = tpu.memref_squeeze %dma_wait3A_210 : memref<1x128xi32, #tpu.memory_space<vmem>> -> memref<128xi32, #tpu.memory_space<vmem>>
      %dma_wait3A_212 = arith.constant 0 : i32
      %dma_wait3A_213 = arith.constant 0 : i32
      %dma_wait3A_214 = tpu.memref_slice %arg4[%dma_wait3A_212, %dma_wait3A_213] : memref<10000x32xf32, #tpu.memory_space<hbm>> -> memref<10000x32xf32, #tpu.memory_space<hbm>>
      tpu.wait_indirect_dma semaphore(%arg11 : memref<!tpu.dma_semaphore, #tpu.memory_space<semaphore_mem>>) src(%dma_wait3A_214 : memref<10000x32xf32, #tpu.memory_space<hbm>>) dst(%dma_wait3A_204 : memref<128x32xf32, #tpu.memory_space<vmem>>)
      %dma_wait3A_215 = arith.constant 6 : i32
      %dma_wait3A_216 = arith.constant 768 : i32
      %dma_wait3A_217 = arith.constant 0 : i32
      %dma_wait3A_218 = tpu.memref_slice %arg9[%dma_wait3A_216, %dma_wait3A_217] : memref<2048x32xf32, #tpu.memory_space<vmem>> -> memref<128x32xf32, #tpu.memory_space<vmem>>
      %dma_wait3A_219 = arith.constant 0 : i32
      %dma_wait3A_220 = arith.constant 0 : i32
      %dma_wait3A_221 = tpu.memref_slice %arg7[%scan3A_20, %dma_wait3A_219, %dma_wait3A_220] : memref<10x8x128xi32, #tpu.memory_space<vmem>> -> memref<1x8x128xi32, #tpu.memory_space<vmem>>
      %dma_wait3A_222 = tpu.memref_squeeze %dma_wait3A_221 : memref<1x8x128xi32, #tpu.memory_space<vmem>> -> memref<8x128xi32, #tpu.memory_space<vmem>>
      %dma_wait3A_223 = arith.constant 0 : i32
      %dma_wait3A_224 = tpu.memref_slice %dma_wait3A_222[%dma_wait3A_215, %dma_wait3A_223] : memref<8x128xi32, #tpu.memory_space<vmem>> -> memref<1x128xi32, #tpu.memory_space<vmem>>
      %dma_wait3A_225 = tpu.memref_squeeze %dma_wait3A_224 : memref<1x128xi32, #tpu.memory_space<vmem>> -> memref<128xi32, #tpu.memory_space<vmem>>
      %dma_wait3A_226 = arith.constant 0 : i32
      %dma_wait3A_227 = arith.constant 0 : i32
      %dma_wait3A_228 = tpu.memref_slice %arg4[%dma_wait3A_226, %dma_wait3A_227] : memref<10000x32xf32, #tpu.memory_space<hbm>> -> memref<10000x32xf32, #tpu.memory_space<hbm>>
      tpu.wait_indirect_dma semaphore(%arg11 : memref<!tpu.dma_semaphore, #tpu.memory_space<semaphore_mem>>) src(%dma_wait3A_228 : memref<10000x32xf32, #tpu.memory_space<hbm>>) dst(%dma_wait3A_218 : memref<128x32xf32, #tpu.memory_space<vmem>>)
      %dma_wait3A_229 = arith.constant 7 : i32
      %dma_wait3A_230 = arith.constant 896 : i32
      %dma_wait3A_231 = arith.constant 0 : i32
      %dma_wait3A_232 = tpu.memref_slice %arg9[%dma_wait3A_230, %dma_wait3A_231] : memref<2048x32xf32, #tpu.memory_space<vmem>> -> memref<128x32xf32, #tpu.memory_space<vmem>>
      %dma_wait3A_233 = arith.constant 0 : i32
      %dma_wait3A_234 = arith.constant 0 : i32
      %dma_wait3A_235 = tpu.memref_slice %arg7[%scan3A_20, %dma_wait3A_233, %dma_wait3A_234] : memref<10x8x128xi32, #tpu.memory_space<vmem>> -> memref<1x8x128xi32, #tpu.memory_space<vmem>>
      %dma_wait3A_236 = tpu.memref_squeeze %dma_wait3A_235 : memref<1x8x128xi32, #tpu.memory_space<vmem>> -> memref<8x128xi32, #tpu.memory_space<vmem>>
      %dma_wait3A_237 = arith.constant 0 : i32
      %dma_wait3A_238 = tpu.memref_slice %dma_wait3A_236[%dma_wait3A_229, %dma_wait3A_237] : memref<8x128xi32, #tpu.memory_space<vmem>> -> memref<1x128xi32, #tpu.memory_space<vmem>>
      %dma_wait3A_239 = tpu.memref_squeeze %dma_wait3A_238 : memref<1x128xi32, #tpu.memory_space<vmem>> -> memref<128xi32, #tpu.memory_space<vmem>>
      %dma_wait3A_240 = arith.constant 0 : i32
      %dma_wait3A_241 = arith.constant 0 : i32
      %dma_wait3A_242 = tpu.memref_slice %arg4[%dma_wait3A_240, %dma_wait3A_241] : memref<10000x32xf32, #tpu.memory_space<hbm>> -> memref<10000x32xf32, #tpu.memory_space<hbm>>
      tpu.wait_indirect_dma semaphore(%arg11 : memref<!tpu.dma_semaphore, #tpu.memory_space<semaphore_mem>>) src(%dma_wait3A_242 : memref<10000x32xf32, #tpu.memory_space<hbm>>) dst(%dma_wait3A_232 : memref<128x32xf32, #tpu.memory_space<vmem>>)
      %run_scoped3A = arith.constant 0 : i32
      "tpu.region"() ({
        %run_scoped3A_250 = tpu.sem_alloc : memref<!tpu.dma_semaphore, #tpu.memory_space<semaphore_mem>>
        %dma_start3A_251 = arith.constant 0 : i32
        %dma_start3A_252 = arith.constant 0 : i32
        %dma_start3A_253 = tpu.memref_slice %arg9[%dma_start3A_251, %dma_start3A_252] : memref<2048x32xf32, #tpu.memory_space<vmem>> -> memref<128x32xf32, #tpu.memory_space<vmem>>
        %dma_start3A_254 = arith.constant 0 : i32
        %dma_start3A_255 = arith.constant 0 : i32
        %dma_start3A_256 = tpu.memref_slice %arg8[%scan3A_20, %dma_start3A_254, %dma_start3A_255] : memref<10x8x128xi32, #tpu.memory_space<vmem>> -> memref<1x8x128xi32, #tpu.memory_space<vmem>>
        %dma_start3A_257 = tpu.memref_squeeze %dma_start3A_256 : memref<1x8x128xi32, #tpu.memory_space<vmem>> -> memref<8x128xi32, #tpu.memory_space<vmem>>
        %dma_start3A_258 = arith.constant 0 : i32
        %dma_start3A_259 = tpu.memref_slice %dma_start3A_257[%run_scoped3A, %dma_start3A_258] : memref<8x128xi32, #tpu.memory_space<vmem>> -> memref<1x128xi32, #tpu.memory_space<vmem>>
        %dma_start3A_260 = tpu.memref_squeeze %dma_start3A_259 : memref<1x128xi32, #tpu.memory_space<vmem>> -> memref<128xi32, #tpu.memory_space<vmem>>
        %dma_start3A_261 = arith.constant 0 : i32
        %dma_start3A_262 = arith.constant 0 : i32
        %dma_start3A_263 = tpu.memref_slice %arg10[%dma_start3A_261, %dma_start3A_262] : memref<12160x32xf32, #tpu.memory_space<vmem_shared>> -> memref<12160x32xf32, #tpu.memory_space<vmem_shared>>
        tpu.enqueue_indirect_dma source(%dma_start3A_253 : memref<128x32xf32, #tpu.memory_space<vmem>>) target(%dma_start3A_263 : memref<12160x32xf32, #tpu.memory_space<vmem_shared>>) offsets(%dma_start3A_260 : memref<128xi32, #tpu.memory_space<vmem>>) semaphore(%run_scoped3A_250 : memref<!tpu.dma_semaphore, #tpu.memory_space<semaphore_mem>>) {add = true}
        %dma_wait3A_264 = arith.constant 0 : i32
        %dma_wait3A_265 = arith.constant 0 : i32
        %dma_wait3A_266 = tpu.memref_slice %arg9[%dma_wait3A_264, %dma_wait3A_265] : memref<2048x32xf32, #tpu.memory_space<vmem>> -> memref<128x32xf32, #tpu.memory_space<vmem>>
        %dma_wait3A_267 = arith.constant 0 : i32
        %dma_wait3A_268 = arith.constant 0 : i32
        %dma_wait3A_269 = tpu.memref_slice %arg8[%scan3A_20, %dma_wait3A_267, %dma_wait3A_268] : memref<10x8x128xi32, #tpu.memory_space<vmem>> -> memref<1x8x128xi32, #tpu.memory_space<vmem>>
        %dma_wait3A_270 = tpu.memref_squeeze %dma_wait3A_269 : memref<1x8x128xi32, #tpu.memory_space<vmem>> -> memref<8x128xi32, #tpu.memory_space<vmem>>
        %dma_wait3A_271 = arith.constant 0 : i32
        %dma_wait3A_272 = tpu.memref_slice %dma_wait3A_270[%run_scoped3A, %dma_wait3A_271] : memref<8x128xi32, #tpu.memory_space<vmem>> -> memref<1x128xi32, #tpu.memory_space<vmem>>
        %dma_wait3A_273 = tpu.memref_squeeze %dma_wait3A_272 : memref<1x128xi32, #tpu.memory_space<vmem>> -> memref<128xi32, #tpu.memory_space<vmem>>
        %dma_wait3A_274 = arith.constant 0 : i32
        %dma_wait3A_275 = arith.constant 0 : i32
        %dma_wait3A_276 = tpu.memref_slice %arg10[%dma_wait3A_274, %dma_wait3A_275] : memref<12160x32xf32, #tpu.memory_space<vmem_shared>> -> memref<12160x32xf32, #tpu.memory_space<vmem_shared>>
        tpu.wait_indirect_dma semaphore(%run_scoped3A_250 : memref<!tpu.dma_semaphore, #tpu.memory_space<semaphore_mem>>) src(%dma_wait3A_266 : memref<128x32xf32, #tpu.memory_space<vmem>>) dst(%dma_wait3A_276 : memref<12160x32xf32, #tpu.memory_space<vmem_shared>>)
        tpu.yield
      }) : () -> ()
      %run_scoped3A_243 = arith.constant 1 : i32
      "tpu.region"() ({
        %run_scoped3A_250 = tpu.sem_alloc : memref<!tpu.dma_semaphore, #tpu.memory_space<semaphore_mem>>
        %dma_start3A_251 = arith.constant 128 : i32
        %dma_start3A_252 = arith.constant 0 : i32
        %dma_start3A_253 = tpu.memref_slice %arg9[%dma_start3A_251, %dma_start3A_252] : memref<2048x32xf32, #tpu.memory_space<vmem>> -> memref<128x32xf32, #tpu.memory_space<vmem>>
        %dma_start3A_254 = arith.constant 0 : i32
        %dma_start3A_255 = arith.constant 0 : i32
        %dma_start3A_256 = tpu.memref_slice %arg8[%scan3A_20, %dma_start3A_254, %dma_start3A_255] : memref<10x8x128xi32, #tpu.memory_space<vmem>> -> memref<1x8x128xi32, #tpu.memory_space<vmem>>
        %dma_start3A_257 = tpu.memref_squeeze %dma_start3A_256 : memref<1x8x128xi32, #tpu.memory_space<vmem>> -> memref<8x128xi32, #tpu.memory_space<vmem>>
        %dma_start3A_258 = arith.constant 0 : i32
        %dma_start3A_259 = tpu.memref_slice %dma_start3A_257[%run_scoped3A_243, %dma_start3A_258] : memref<8x128xi32, #tpu.memory_space<vmem>> -> memref<1x128xi32, #tpu.memory_space<vmem>>
        %dma_start3A_260 = tpu.memref_squeeze %dma_start3A_259 : memref<1x128xi32, #tpu.memory_space<vmem>> -> memref<128xi32, #tpu.memory_space<vmem>>
        %dma_start3A_261 = arith.constant 0 : i32
        %dma_start3A_262 = arith.constant 0 : i32
        %dma_start3A_263 = tpu.memref_slice %arg10[%dma_start3A_261, %dma_start3A_262] : memref<12160x32xf32, #tpu.memory_space<vmem_shared>> -> memref<12160x32xf32, #tpu.memory_space<vmem_shared>>
        tpu.enqueue_indirect_dma source(%dma_start3A_253 : memref<128x32xf32, #tpu.memory_space<vmem>>) target(%dma_start3A_263 : memref<12160x32xf32, #tpu.memory_space<vmem_shared>>) offsets(%dma_start3A_260 : memref<128xi32, #tpu.memory_space<vmem>>) semaphore(%run_scoped3A_250 : memref<!tpu.dma_semaphore, #tpu.memory_space<semaphore_mem>>) {add = true}
        %dma_wait3A_264 = arith.constant 128 : i32
        %dma_wait3A_265 = arith.constant 0 : i32
        %dma_wait3A_266 = tpu.memref_slice %arg9[%dma_wait3A_264, %dma_wait3A_265] : memref<2048x32xf32, #tpu.memory_space<vmem>> -> memref<128x32xf32, #tpu.memory_space<vmem>>
        %dma_wait3A_267 = arith.constant 0 : i32
        %dma_wait3A_268 = arith.constant 0 : i32
        %dma_wait3A_269 = tpu.memref_slice %arg8[%scan3A_20, %dma_wait3A_267, %dma_wait3A_268] : memref<10x8x128xi32, #tpu.memory_space<vmem>> -> memref<1x8x128xi32, #tpu.memory_space<vmem>>
        %dma_wait3A_270 = tpu.memref_squeeze %dma_wait3A_269 : memref<1x8x128xi32, #tpu.memory_space<vmem>> -> memref<8x128xi32, #tpu.memory_space<vmem>>
        %dma_wait3A_271 = arith.constant 0 : i32
        %dma_wait3A_272 = tpu.memref_slice %dma_wait3A_270[%run_scoped3A_243, %dma_wait3A_271] : memref<8x128xi32, #tpu.memory_space<vmem>> -> memref<1x128xi32, #tpu.memory_space<vmem>>
        %dma_wait3A_273 = tpu.memref_squeeze %dma_wait3A_272 : memref<1x128xi32, #tpu.memory_space<vmem>> -> memref<128xi32, #tpu.memory_space<vmem>>
        %dma_wait3A_274 = arith.constant 0 : i32
        %dma_wait3A_275 = arith.constant 0 : i32
        %dma_wait3A_276 = tpu.memref_slice %arg10[%dma_wait3A_274, %dma_wait3A_275] : memref<12160x32xf32, #tpu.memory_space<vmem_shared>> -> memref<12160x32xf32, #tpu.memory_space<vmem_shared>>
        tpu.wait_indirect_dma semaphore(%run_scoped3A_250 : memref<!tpu.dma_semaphore, #tpu.memory_space<semaphore_mem>>) src(%dma_wait3A_266 : memref<128x32xf32, #tpu.memory_space<vmem>>) dst(%dma_wait3A_276 : memref<12160x32xf32, #tpu.memory_space<vmem_shared>>)
        tpu.yield
      }) : () -> ()
      %run_scoped3A_244 = arith.constant 2 : i32
      "tpu.region"() ({
        %run_scoped3A_250 = tpu.sem_alloc : memref<!tpu.dma_semaphore, #tpu.memory_space<semaphore_mem>>
        %dma_start3A_251 = arith.constant 256 : i32
        %dma_start3A_252 = arith.constant 0 : i32
        %dma_start3A_253 = tpu.memref_slice %arg9[%dma_start3A_251, %dma_start3A_252] : memref<2048x32xf32, #tpu.memory_space<vmem>> -> memref<128x32xf32, #tpu.memory_space<vmem>>
        %dma_start3A_254 = arith.constant 0 : i32
        %dma_start3A_255 = arith.constant 0 : i32
        %dma_start3A_256 = tpu.memref_slice %arg8[%scan3A_20, %dma_start3A_254, %dma_start3A_255] : memref<10x8x128xi32, #tpu.memory_space<vmem>> -> memref<1x8x128xi32, #tpu.memory_space<vmem>>
        %dma_start3A_257 = tpu.memref_squeeze %dma_start3A_256 : memref<1x8x128xi32, #tpu.memory_space<vmem>> -> memref<8x128xi32, #tpu.memory_space<vmem>>
        %dma_start3A_258 = arith.constant 0 : i32
        %dma_start3A_259 = tpu.memref_slice %dma_start3A_257[%run_scoped3A_244, %dma_start3A_258] : memref<8x128xi32, #tpu.memory_space<vmem>> -> memref<1x128xi32, #tpu.memory_space<vmem>>
        %dma_start3A_260 = tpu.memref_squeeze %dma_start3A_259 : memref<1x128xi32, #tpu.memory_space<vmem>> -> memref<128xi32, #tpu.memory_space<vmem>>
        %dma_start3A_261 = arith.constant 0 : i32
        %dma_start3A_262 = arith.constant 0 : i32
        %dma_start3A_263 = tpu.memref_slice %arg10[%dma_start3A_261, %dma_start3A_262] : memref<12160x32xf32, #tpu.memory_space<vmem_shared>> -> memref<12160x32xf32, #tpu.memory_space<vmem_shared>>
        tpu.enqueue_indirect_dma source(%dma_start3A_253 : memref<128x32xf32, #tpu.memory_space<vmem>>) target(%dma_start3A_263 : memref<12160x32xf32, #tpu.memory_space<vmem_shared>>) offsets(%dma_start3A_260 : memref<128xi32, #tpu.memory_space<vmem>>) semaphore(%run_scoped3A_250 : memref<!tpu.dma_semaphore, #tpu.memory_space<semaphore_mem>>) {add = true}
        %dma_wait3A_264 = arith.constant 256 : i32
        %dma_wait3A_265 = arith.constant 0 : i32
        %dma_wait3A_266 = tpu.memref_slice %arg9[%dma_wait3A_264, %dma_wait3A_265] : memref<2048x32xf32, #tpu.memory_space<vmem>> -> memref<128x32xf32, #tpu.memory_space<vmem>>
        %dma_wait3A_267 = arith.constant 0 : i32
        %dma_wait3A_268 = arith.constant 0 : i32
        %dma_wait3A_269 = tpu.memref_slice %arg8[%scan3A_20, %dma_wait3A_267, %dma_wait3A_268] : memref<10x8x128xi32, #tpu.memory_space<vmem>> -> memref<1x8x128xi32, #tpu.memory_space<vmem>>
        %dma_wait3A_270 = tpu.memref_squeeze %dma_wait3A_269 : memref<1x8x128xi32, #tpu.memory_space<vmem>> -> memref<8x128xi32, #tpu.memory_space<vmem>>
        %dma_wait3A_271 = arith.constant 0 : i32
        %dma_wait3A_272 = tpu.memref_slice %dma_wait3A_270[%run_scoped3A_244, %dma_wait3A_271] : memref<8x128xi32, #tpu.memory_space<vmem>> -> memref<1x128xi32, #tpu.memory_space<vmem>>
        %dma_wait3A_273 = tpu.memref_squeeze %dma_wait3A_272 : memref<1x128xi32, #tpu.memory_space<vmem>> -> memref<128xi32, #tpu.memory_space<vmem>>
        %dma_wait3A_274 = arith.constant 0 : i32
        %dma_wait3A_275 = arith.constant 0 : i32
        %dma_wait3A_276 = tpu.memref_slice %arg10[%dma_wait3A_274, %dma_wait3A_275] : memref<12160x32xf32, #tpu.memory_space<vmem_shared>> -> memref<12160x32xf32, #tpu.memory_space<vmem_shared>>
        tpu.wait_indirect_dma semaphore(%run_scoped3A_250 : memref<!tpu.dma_semaphore, #tpu.memory_space<semaphore_mem>>) src(%dma_wait3A_266 : memref<128x32xf32, #tpu.memory_space<vmem>>) dst(%dma_wait3A_276 : memref<12160x32xf32, #tpu.memory_space<vmem_shared>>)
        tpu.yield
      }) : () -> ()
      %run_scoped3A_245 = arith.constant 3 : i32
      "tpu.region"() ({
        %run_scoped3A_250 = tpu.sem_alloc : memref<!tpu.dma_semaphore, #tpu.memory_space<semaphore_mem>>
        %dma_start3A_251 = arith.constant 384 : i32
        %dma_start3A_252 = arith.constant 0 : i32
        %dma_start3A_253 = tpu.memref_slice %arg9[%dma_start3A_251, %dma_start3A_252] : memref<2048x32xf32, #tpu.memory_space<vmem>> -> memref<128x32xf32, #tpu.memory_space<vmem>>
        %dma_start3A_254 = arith.constant 0 : i32
        %dma_start3A_255 = arith.constant 0 : i32
        %dma_start3A_256 = tpu.memref_slice %arg8[%scan3A_20, %dma_start3A_254, %dma_start3A_255] : memref<10x8x128xi32, #tpu.memory_space<vmem>> -> memref<1x8x128xi32, #tpu.memory_space<vmem>>
        %dma_start3A_257 = tpu.memref_squeeze %dma_start3A_256 : memref<1x8x128xi32, #tpu.memory_space<vmem>> -> memref<8x128xi32, #tpu.memory_space<vmem>>
        %dma_start3A_258 = arith.constant 0 : i32
        %dma_start3A_259 = tpu.memref_slice %dma_start3A_257[%run_scoped3A_245, %dma_start3A_258] : memref<8x128xi32, #tpu.memory_space<vmem>> -> memref<1x128xi32, #tpu.memory_space<vmem>>
        %dma_start3A_260 = tpu.memref_squeeze %dma_start3A_259 : memref<1x128xi32, #tpu.memory_space<vmem>> -> memref<128xi32, #tpu.memory_space<vmem>>
        %dma_start3A_261 = arith.constant 0 : i32
        %dma_start3A_262 = arith.constant 0 : i32
        %dma_start3A_263 = tpu.memref_slice %arg10[%dma_start3A_261, %dma_start3A_262] : memref<12160x32xf32, #tpu.memory_space<vmem_shared>> -> memref<12160x32xf32, #tpu.memory_space<vmem_shared>>
        tpu.enqueue_indirect_dma source(%dma_start3A_253 : memref<128x32xf32, #tpu.memory_space<vmem>>) target(%dma_start3A_263 : memref<12160x32xf32, #tpu.memory_space<vmem_shared>>) offsets(%dma_start3A_260 : memref<128xi32, #tpu.memory_space<vmem>>) semaphore(%run_scoped3A_250 : memref<!tpu.dma_semaphore, #tpu.memory_space<semaphore_mem>>) {add = true}
        %dma_wait3A_264 = arith.constant 384 : i32
        %dma_wait3A_265 = arith.constant 0 : i32
        %dma_wait3A_266 = tpu.memref_slice %arg9[%dma_wait3A_264, %dma_wait3A_265] : memref<2048x32xf32, #tpu.memory_space<vmem>> -> memref<128x32xf32, #tpu.memory_space<vmem>>
        %dma_wait3A_267 = arith.constant 0 : i32
        %dma_wait3A_268 = arith.constant 0 : i32
        %dma_wait3A_269 = tpu.memref_slice %arg8[%scan3A_20, %dma_wait3A_267, %dma_wait3A_268] : memref<10x8x128xi32, #tpu.memory_space<vmem>> -> memref<1x8x128xi32, #tpu.memory_space<vmem>>
        %dma_wait3A_270 = tpu.memref_squeeze %dma_wait3A_269 : memref<1x8x128xi32, #tpu.memory_space<vmem>> -> memref<8x128xi32, #tpu.memory_space<vmem>>
        %dma_wait3A_271 = arith.constant 0 : i32
        %dma_wait3A_272 = tpu.memref_slice %dma_wait3A_270[%run_scoped3A_245, %dma_wait3A_271] : memref<8x128xi32, #tpu.memory_space<vmem>> -> memref<1x128xi32, #tpu.memory_space<vmem>>
        %dma_wait3A_273 = tpu.memref_squeeze %dma_wait3A_272 : memref<1x128xi32, #tpu.memory_space<vmem>> -> memref<128xi32, #tpu.memory_space<vmem>>
        %dma_wait3A_274 = arith.constant 0 : i32
        %dma_wait3A_275 = arith.constant 0 : i32
        %dma_wait3A_276 = tpu.memref_slice %arg10[%dma_wait3A_274, %dma_wait3A_275] : memref<12160x32xf32, #tpu.memory_space<vmem_shared>> -> memref<12160x32xf32, #tpu.memory_space<vmem_shared>>
        tpu.wait_indirect_dma semaphore(%run_scoped3A_250 : memref<!tpu.dma_semaphore, #tpu.memory_space<semaphore_mem>>) src(%dma_wait3A_266 : memref<128x32xf32, #tpu.memory_space<vmem>>) dst(%dma_wait3A_276 : memref<12160x32xf32, #tpu.memory_space<vmem_shared>>)
        tpu.yield
      }) : () -> ()
      %run_scoped3A_246 = arith.constant 4 : i32
      "tpu.region"() ({
        %run_scoped3A_250 = tpu.sem_alloc : memref<!tpu.dma_semaphore, #tpu.memory_space<semaphore_mem>>
        %dma_start3A_251 = arith.constant 512 : i32
        %dma_start3A_252 = arith.constant 0 : i32
        %dma_start3A_253 = tpu.memref_slice %arg9[%dma_start3A_251, %dma_start3A_252] : memref<2048x32xf32, #tpu.memory_space<vmem>> -> memref<128x32xf32, #tpu.memory_space<vmem>>
        %dma_start3A_254 = arith.constant 0 : i32
        %dma_start3A_255 = arith.constant 0 : i32
        %dma_start3A_256 = tpu.memref_slice %arg8[%scan3A_20, %dma_start3A_254, %dma_start3A_255] : memref<10x8x128xi32, #tpu.memory_space<vmem>> -> memref<1x8x128xi32, #tpu.memory_space<vmem>>
        %dma_start3A_257 = tpu.memref_squeeze %dma_start3A_256 : memref<1x8x128xi32, #tpu.memory_space<vmem>> -> memref<8x128xi32, #tpu.memory_space<vmem>>
        %dma_start3A_258 = arith.constant 0 : i32
        %dma_start3A_259 = tpu.memref_slice %dma_start3A_257[%run_scoped3A_246, %dma_start3A_258] : memref<8x128xi32, #tpu.memory_space<vmem>> -> memref<1x128xi32, #tpu.memory_space<vmem>>
        %dma_start3A_260 = tpu.memref_squeeze %dma_start3A_259 : memref<1x128xi32, #tpu.memory_space<vmem>> -> memref<128xi32, #tpu.memory_space<vmem>>
        %dma_start3A_261 = arith.constant 0 : i32
        %dma_start3A_262 = arith.constant 0 : i32
        %dma_start3A_263 = tpu.memref_slice %arg10[%dma_start3A_261, %dma_start3A_262] : memref<12160x32xf32, #tpu.memory_space<vmem_shared>> -> memref<12160x32xf32, #tpu.memory_space<vmem_shared>>
        tpu.enqueue_indirect_dma source(%dma_start3A_253 : memref<128x32xf32, #tpu.memory_space<vmem>>) target(%dma_start3A_263 : memref<12160x32xf32, #tpu.memory_space<vmem_shared>>) offsets(%dma_start3A_260 : memref<128xi32, #tpu.memory_space<vmem>>) semaphore(%run_scoped3A_250 : memref<!tpu.dma_semaphore, #tpu.memory_space<semaphore_mem>>) {add = true}
        %dma_wait3A_264 = arith.constant 512 : i32
        %dma_wait3A_265 = arith.constant 0 : i32
        %dma_wait3A_266 = tpu.memref_slice %arg9[%dma_wait3A_264, %dma_wait3A_265] : memref<2048x32xf32, #tpu.memory_space<vmem>> -> memref<128x32xf32, #tpu.memory_space<vmem>>
        %dma_wait3A_267 = arith.constant 0 : i32
        %dma_wait3A_268 = arith.constant 0 : i32
        %dma_wait3A_269 = tpu.memref_slice %arg8[%scan3A_20, %dma_wait3A_267, %dma_wait3A_268] : memref<10x8x128xi32, #tpu.memory_space<vmem>> -> memref<1x8x128xi32, #tpu.memory_space<vmem>>
        %dma_wait3A_270 = tpu.memref_squeeze %dma_wait3A_269 : memref<1x8x128xi32, #tpu.memory_space<vmem>> -> memref<8x128xi32, #tpu.memory_space<vmem>>
        %dma_wait3A_271 = arith.constant 0 : i32
        %dma_wait3A_272 = tpu.memref_slice %dma_wait3A_270[%run_scoped3A_246, %dma_wait3A_271] : memref<8x128xi32, #tpu.memory_space<vmem>> -> memref<1x128xi32, #tpu.memory_space<vmem>>
        %dma_wait3A_273 = tpu.memref_squeeze %dma_wait3A_272 : memref<1x128xi32, #tpu.memory_space<vmem>> -> memref<128xi32, #tpu.memory_space<vmem>>
        %dma_wait3A_274 = arith.constant 0 : i32
        %dma_wait3A_275 = arith.constant 0 : i32
        %dma_wait3A_276 = tpu.memref_slice %arg10[%dma_wait3A_274, %dma_wait3A_275] : memref<12160x32xf32, #tpu.memory_space<vmem_shared>> -> memref<12160x32xf32, #tpu.memory_space<vmem_shared>>
        tpu.wait_indirect_dma semaphore(%run_scoped3A_250 : memref<!tpu.dma_semaphore, #tpu.memory_space<semaphore_mem>>) src(%dma_wait3A_266 : memref<128x32xf32, #tpu.memory_space<vmem>>) dst(%dma_wait3A_276 : memref<12160x32xf32, #tpu.memory_space<vmem_shared>>)
        tpu.yield
      }) : () -> ()
      %run_scoped3A_247 = arith.constant 5 : i32
      "tpu.region"() ({
        %run_scoped3A_250 = tpu.sem_alloc : memref<!tpu.dma_semaphore, #tpu.memory_space<semaphore_mem>>
        %dma_start3A_251 = arith.constant 640 : i32
        %dma_start3A_252 = arith.constant 0 : i32
        %dma_start3A_253 = tpu.memref_slice %arg9[%dma_start3A_251, %dma_start3A_252] : memref<2048x32xf32, #tpu.memory_space<vmem>> -> memref<128x32xf32, #tpu.memory_space<vmem>>
        %dma_start3A_254 = arith.constant 0 : i32
        %dma_start3A_255 = arith.constant 0 : i32
        %dma_start3A_256 = tpu.memref_slice %arg8[%scan3A_20, %dma_start3A_254, %dma_start3A_255] : memref<10x8x128xi32, #tpu.memory_space<vmem>> -> memref<1x8x128xi32, #tpu.memory_space<vmem>>
        %dma_start3A_257 = tpu.memref_squeeze %dma_start3A_256 : memref<1x8x128xi32, #tpu.memory_space<vmem>> -> memref<8x128xi32, #tpu.memory_space<vmem>>
        %dma_start3A_258 = arith.constant 0 : i32
        %dma_start3A_259 = tpu.memref_slice %dma_start3A_257[%run_scoped3A_247, %dma_start3A_258] : memref<8x128xi32, #tpu.memory_space<vmem>> -> memref<1x128xi32, #tpu.memory_space<vmem>>
        %dma_start3A_260 = tpu.memref_squeeze %dma_start3A_259 : memref<1x128xi32, #tpu.memory_space<vmem>> -> memref<128xi32, #tpu.memory_space<vmem>>
        %dma_start3A_261 = arith.constant 0 : i32
        %dma_start3A_262 = arith.constant 0 : i32
        %dma_start3A_263 = tpu.memref_slice %arg10[%dma_start3A_261, %dma_start3A_262] : memref<12160x32xf32, #tpu.memory_space<vmem_shared>> -> memref<12160x32xf32, #tpu.memory_space<vmem_shared>>
        tpu.enqueue_indirect_dma source(%dma_start3A_253 : memref<128x32xf32, #tpu.memory_space<vmem>>) target(%dma_start3A_263 : memref<12160x32xf32, #tpu.memory_space<vmem_shared>>) offsets(%dma_start3A_260 : memref<128xi32, #tpu.memory_space<vmem>>) semaphore(%run_scoped3A_250 : memref<!tpu.dma_semaphore, #tpu.memory_space<semaphore_mem>>) {add = true}
        %dma_wait3A_264 = arith.constant 640 : i32
        %dma_wait3A_265 = arith.constant 0 : i32
        %dma_wait3A_266 = tpu.memref_slice %arg9[%dma_wait3A_264, %dma_wait3A_265] : memref<2048x32xf32, #tpu.memory_space<vmem>> -> memref<128x32xf32, #tpu.memory_space<vmem>>
        %dma_wait3A_267 = arith.constant 0 : i32
        %dma_wait3A_268 = arith.constant 0 : i32
        %dma_wait3A_269 = tpu.memref_slice %arg8[%scan3A_20, %dma_wait3A_267, %dma_wait3A_268] : memref<10x8x128xi32, #tpu.memory_space<vmem>> -> memref<1x8x128xi32, #tpu.memory_space<vmem>>
        %dma_wait3A_270 = tpu.memref_squeeze %dma_wait3A_269 : memref<1x8x128xi32, #tpu.memory_space<vmem>> -> memref<8x128xi32, #tpu.memory_space<vmem>>
        %dma_wait3A_271 = arith.constant 0 : i32
        %dma_wait3A_272 = tpu.memref_slice %dma_wait3A_270[%run_scoped3A_247, %dma_wait3A_271] : memref<8x128xi32, #tpu.memory_space<vmem>> -> memref<1x128xi32, #tpu.memory_space<vmem>>
        %dma_wait3A_273 = tpu.memref_squeeze %dma_wait3A_272 : memref<1x128xi32, #tpu.memory_space<vmem>> -> memref<128xi32, #tpu.memory_space<vmem>>
        %dma_wait3A_274 = arith.constant 0 : i32
        %dma_wait3A_275 = arith.constant 0 : i32
        %dma_wait3A_276 = tpu.memref_slice %arg10[%dma_wait3A_274, %dma_wait3A_275] : memref<12160x32xf32, #tpu.memory_space<vmem_shared>> -> memref<12160x32xf32, #tpu.memory_space<vmem_shared>>
        tpu.wait_indirect_dma semaphore(%run_scoped3A_250 : memref<!tpu.dma_semaphore, #tpu.memory_space<semaphore_mem>>) src(%dma_wait3A_266 : memref<128x32xf32, #tpu.memory_space<vmem>>) dst(%dma_wait3A_276 : memref<12160x32xf32, #tpu.memory_space<vmem_shared>>)
        tpu.yield
      }) : () -> ()
      %run_scoped3A_248 = arith.constant 6 : i32
      "tpu.region"() ({
        %run_scoped3A_250 = tpu.sem_alloc : memref<!tpu.dma_semaphore, #tpu.memory_space<semaphore_mem>>
        %dma_start3A_251 = arith.constant 768 : i32
        %dma_start3A_252 = arith.constant 0 : i32
        %dma_start3A_253 = tpu.memref_slice %arg9[%dma_start3A_251, %dma_start3A_252] : memref<2048x32xf32, #tpu.memory_space<vmem>> -> memref<128x32xf32, #tpu.memory_space<vmem>>
        %dma_start3A_254 = arith.constant 0 : i32
        %dma_start3A_255 = arith.constant 0 : i32
        %dma_start3A_256 = tpu.memref_slice %arg8[%scan3A_20, %dma_start3A_254, %dma_start3A_255] : memref<10x8x128xi32, #tpu.memory_space<vmem>> -> memref<1x8x128xi32, #tpu.memory_space<vmem>>
        %dma_start3A_257 = tpu.memref_squeeze %dma_start3A_256 : memref<1x8x128xi32, #tpu.memory_space<vmem>> -> memref<8x128xi32, #tpu.memory_space<vmem>>
        %dma_start3A_258 = arith.constant 0 : i32
        %dma_start3A_259 = tpu.memref_slice %dma_start3A_257[%run_scoped3A_248, %dma_start3A_258] : memref<8x128xi32, #tpu.memory_space<vmem>> -> memref<1x128xi32, #tpu.memory_space<vmem>>
        %dma_start3A_260 = tpu.memref_squeeze %dma_start3A_259 : memref<1x128xi32, #tpu.memory_space<vmem>> -> memref<128xi32, #tpu.memory_space<vmem>>
        %dma_start3A_261 = arith.constant 0 : i32
        %dma_start3A_262 = arith.constant 0 : i32
        %dma_start3A_263 = tpu.memref_slice %arg10[%dma_start3A_261, %dma_start3A_262] : memref<12160x32xf32, #tpu.memory_space<vmem_shared>> -> memref<12160x32xf32, #tpu.memory_space<vmem_shared>>
        tpu.enqueue_indirect_dma source(%dma_start3A_253 : memref<128x32xf32, #tpu.memory_space<vmem>>) target(%dma_start3A_263 : memref<12160x32xf32, #tpu.memory_space<vmem_shared>>) offsets(%dma_start3A_260 : memref<128xi32, #tpu.memory_space<vmem>>) semaphore(%run_scoped3A_250 : memref<!tpu.dma_semaphore, #tpu.memory_space<semaphore_mem>>) {add = true}
        %dma_wait3A_264 = arith.constant 768 : i32
        %dma_wait3A_265 = arith.constant 0 : i32
        %dma_wait3A_266 = tpu.memref_slice %arg9[%dma_wait3A_264, %dma_wait3A_265] : memref<2048x32xf32, #tpu.memory_space<vmem>> -> memref<128x32xf32, #tpu.memory_space<vmem>>
        %dma_wait3A_267 = arith.constant 0 : i32
        %dma_wait3A_268 = arith.constant 0 : i32
        %dma_wait3A_269 = tpu.memref_slice %arg8[%scan3A_20, %dma_wait3A_267, %dma_wait3A_268] : memref<10x8x128xi32, #tpu.memory_space<vmem>> -> memref<1x8x128xi32, #tpu.memory_space<vmem>>
        %dma_wait3A_270 = tpu.memref_squeeze %dma_wait3A_269 : memref<1x8x128xi32, #tpu.memory_space<vmem>> -> memref<8x128xi32, #tpu.memory_space<vmem>>
        %dma_wait3A_271 = arith.constant 0 : i32
        %dma_wait3A_272 = tpu.memref_slice %dma_wait3A_270[%run_scoped3A_248, %dma_wait3A_271] : memref<8x128xi32, #tpu.memory_space<vmem>> -> memref<1x128xi32, #tpu.memory_space<vmem>>
        %dma_wait3A_273 = tpu.memref_squeeze %dma_wait3A_272 : memref<1x128xi32, #tpu.memory_space<vmem>> -> memref<128xi32, #tpu.memory_space<vmem>>
        %dma_wait3A_274 = arith.constant 0 : i32
        %dma_wait3A_275 = arith.constant 0 : i32
        %dma_wait3A_276 = tpu.memref_slice %arg10[%dma_wait3A_274, %dma_wait3A_275] : memref<12160x32xf32, #tpu.memory_space<vmem_shared>> -> memref<12160x32xf32, #tpu.memory_space<vmem_shared>>
        tpu.wait_indirect_dma semaphore(%run_scoped3A_250 : memref<!tpu.dma_semaphore, #tpu.memory_space<semaphore_mem>>) src(%dma_wait3A_266 : memref<128x32xf32, #tpu.memory_space<vmem>>) dst(%dma_wait3A_276 : memref<12160x32xf32, #tpu.memory_space<vmem_shared>>)
        tpu.yield
      }) : () -> ()
      %run_scoped3A_249 = arith.constant 7 : i32
      "tpu.region"() ({
        %run_scoped3A_250 = tpu.sem_alloc : memref<!tpu.dma_semaphore, #tpu.memory_space<semaphore_mem>>
        %dma_start3A_251 = arith.constant 896 : i32
        %dma_start3A_252 = arith.constant 0 : i32
        %dma_start3A_253 = tpu.memref_slice %arg9[%dma_start3A_251, %dma_start3A_252] : memref<2048x32xf32, #tpu.memory_space<vmem>> -> memref<128x32xf32, #tpu.memory_space<vmem>>
        %dma_start3A_254 = arith.constant 0 : i32
        %dma_start3A_255 = arith.constant 0 : i32
        %dma_start3A_256 = tpu.memref_slice %arg8[%scan3A_20, %dma_start3A_254, %dma_start3A_255] : memref<10x8x128xi32, #tpu.memory_space<vmem>> -> memref<1x8x128xi32, #tpu.memory_space<vmem>>
        %dma_start3A_257 = tpu.memref_squeeze %dma_start3A_256 : memref<1x8x128xi32, #tpu.memory_space<vmem>> -> memref<8x128xi32, #tpu.memory_space<vmem>>
        %dma_start3A_258 = arith.constant 0 : i32
        %dma_start3A_259 = tpu.memref_slice %dma_start3A_257[%run_scoped3A_249, %dma_start3A_258] : memref<8x128xi32, #tpu.memory_space<vmem>> -> memref<1x128xi32, #tpu.memory_space<vmem>>
        %dma_start3A_260 = tpu.memref_squeeze %dma_start3A_259 : memref<1x128xi32, #tpu.memory_space<vmem>> -> memref<128xi32, #tpu.memory_space<vmem>>
        %dma_start3A_261 = arith.constant 0 : i32
        %dma_start3A_262 = arith.constant 0 : i32
        %dma_start3A_263 = tpu.memref_slice %arg10[%dma_start3A_261, %dma_start3A_262] : memref<12160x32xf32, #tpu.memory_space<vmem_shared>> -> memref<12160x32xf32, #tpu.memory_space<vmem_shared>>
        tpu.enqueue_indirect_dma source(%dma_start3A_253 : memref<128x32xf32, #tpu.memory_space<vmem>>) target(%dma_start3A_263 : memref<12160x32xf32, #tpu.memory_space<vmem_shared>>) offsets(%dma_start3A_260 : memref<128xi32, #tpu.memory_space<vmem>>) semaphore(%run_scoped3A_250 : memref<!tpu.dma_semaphore, #tpu.memory_space<semaphore_mem>>) {add = true}
        %dma_wait3A_264 = arith.constant 896 : i32
        %dma_wait3A_265 = arith.constant 0 : i32
        %dma_wait3A_266 = tpu.memref_slice %arg9[%dma_wait3A_264, %dma_wait3A_265] : memref<2048x32xf32, #tpu.memory_space<vmem>> -> memref<128x32xf32, #tpu.memory_space<vmem>>
        %dma_wait3A_267 = arith.constant 0 : i32
        %dma_wait3A_268 = arith.constant 0 : i32
        %dma_wait3A_269 = tpu.memref_slice %arg8[%scan3A_20, %dma_wait3A_267, %dma_wait3A_268] : memref<10x8x128xi32, #tpu.memory_space<vmem>> -> memref<1x8x128xi32, #tpu.memory_space<vmem>>
        %dma_wait3A_270 = tpu.memref_squeeze %dma_wait3A_269 : memref<1x8x128xi32, #tpu.memory_space<vmem>> -> memref<8x128xi32, #tpu.memory_space<vmem>>
        %dma_wait3A_271 = arith.constant 0 : i32
        %dma_wait3A_272 = tpu.memref_slice %dma_wait3A_270[%run_scoped3A_249, %dma_wait3A_271] : memref<8x128xi32, #tpu.memory_space<vmem>> -> memref<1x128xi32, #tpu.memory_space<vmem>>
        %dma_wait3A_273 = tpu.memref_squeeze %dma_wait3A_272 : memref<1x128xi32, #tpu.memory_space<vmem>> -> memref<128xi32, #tpu.memory_space<vmem>>
        %dma_wait3A_274 = arith.constant 0 : i32
        %dma_wait3A_275 = arith.constant 0 : i32
        %dma_wait3A_276 = tpu.memref_slice %arg10[%dma_wait3A_274, %dma_wait3A_275] : memref<12160x32xf32, #tpu.memory_space<vmem_shared>> -> memref<12160x32xf32, #tpu.memory_space<vmem_shared>>
        tpu.wait_indirect_dma semaphore(%run_scoped3A_250 : memref<!tpu.dma_semaphore, #tpu.memory_space<semaphore_mem>>) src(%dma_wait3A_266 : memref<128x32xf32, #tpu.memory_space<vmem>>) dst(%dma_wait3A_276 : memref<12160x32xf32, #tpu.memory_space<vmem_shared>>)
        tpu.yield
      }) : () -> ()
    }
    %scan3A_11 = arith.constant 10 : i32
    %barrier3A_12 = arith.constant 0 : index
    tpu.barrier barrier_id(%barrier3A_12)
    %mul3A_13 = arith.constant 760 : i32
    %mul3A_14 = arith.muli %arg1, %mul3A_13 : i32
    %mul3A_15 = arith.constant 16 : i32
    %mul3A_16 = arith.muli %arg0, %mul3A_15 : i32
    %add3A_17 = arith.addi %mul3A_16, %arg1 : i32
    %mul3A_18 = arith.constant 760 : i32
    %mul3A_19 = arith.muli %add3A_17, %mul3A_18 : i32
    "tpu.region"() ({
      %run_scoped3A = tpu.sem_alloc : memref<!tpu.dma_semaphore, #tpu.memory_space<semaphore_mem>>
      %dma_start3A = arith.constant 0 : i32
      %dma_start3A_20 = tpu.memref_slice %arg6[%mul3A_19, %dma_start3A] : memref<24320x32xf32, #tpu.memory_space<hbm>> -> memref<760x32xf32, #tpu.memory_space<hbm>>
      %dma_start3A_21 = arith.constant 0 : i32
      %dma_start3A_22 = tpu.memref_slice %arg10[%mul3A_14, %dma_start3A_21] : memref<12160x32xf32, #tpu.memory_space<vmem_shared>> -> memref<760x32xf32, #tpu.memory_space<vmem_shared>>
      tpu.enqueue_dma source(%dma_start3A_22 : memref<760x32xf32, #tpu.memory_space<vmem_shared>>) target(%dma_start3A_20 : memref<760x32xf32, #tpu.memory_space<hbm>>) target_semaphore(%run_scoped3A : memref<!tpu.dma_semaphore, #tpu.memory_space<semaphore_mem>>)
      %dma_wait3A = arith.constant 0 : i32
      %dma_wait3A_23 = tpu.memref_slice %arg6[%mul3A_19, %dma_wait3A] : memref<24320x32xf32, #tpu.memory_space<hbm>> -> memref<760x32xf32, #tpu.memory_space<hbm>>
      %dma_wait3A_24 = arith.constant 0 : i32
      %dma_wait3A_25 = tpu.memref_slice %arg10[%mul3A_14, %dma_wait3A_24] : memref<12160x32xf32, #tpu.memory_space<vmem_shared>> -> memref<760x32xf32, #tpu.memory_space<vmem_shared>>
      tpu.wait_dma2 semaphore(%run_scoped3A : memref<!tpu.dma_semaphore, #tpu.memory_space<semaphore_mem>>) src(%dma_wait3A_25 : memref<760x32xf32, #tpu.memory_space<vmem_shared>>) dst(%dma_wait3A_23 : memref<760x32xf32, #tpu.memory_space<hbm>>)
      tpu.yield
    }) : () -> ()
    return
  }
}

#map = affine_map<(d0, d1) -> (0, 0, 0)>
#map1 = affine_map<(d0, d1) -> (0, 0)>
module attributes {stable_mosaic.version = 14 : i64} {
  func.func @_sc_spmv_body(%arg0: i32, %arg1: i32, %arg2: memref<320x8x128xi32, #tpu.memory_space<hbm>>, %arg3: memref<320x8x128xi32, #tpu.memory_space<hbm>>, %arg4: memref<10000x32xf32, #tpu.memory_space<hbm>>, %arg5: memref<760x32xf32, #tpu.memory_space<hbm>>, %arg6: memref<24320x32xf32, #tpu.memory_space<hbm>>, %arg7: memref<10x8x128xi32, #tpu.memory_space<vmem>>, %arg8: memref<10x8x128xi32, #tpu.memory_space<vmem>>, %arg9: memref<2048x32xf32, #tpu.memory_space<vmem>>, %arg10: memref<12160x32xf32, #tpu.memory_space<vmem_shared>>, %arg11: memref<!tpu.dma_semaphore, #tpu.memory_space<semaphore_mem>>, %arg12: memref<!tpu.dma_semaphore, #tpu.memory_space<semaphore_mem>>) attributes {dimension_semantics = [#tpu.dimension_semantics<core_parallel>, #tpu.dimension_semantics<subcore_parallel>], iteration_bounds = array<i64: 2, 16>, scalar_prefetch = 0 : i64, scratch_operands = 6 : i64, tpu.core_type = #tpu.core_type<sc_vector_subcore>, window_params = [{transform_indices = #map}, {transform_indices = #map}, {transform_indices = #map1}, {transform_indices = #map1}, {transform_indices = #map1}]} {
    %mul3A = arith.constant 16 : i32
    %mul3A_0 = arith.muli %arg0, %mul3A : i32
    %add3A = arith.addi %mul3A_0, %arg1 : i32
    %mul3A_1 = arith.constant 760 : i32
    %mul3A_2 = arith.muli %arg1, %mul3A_1 : i32
    "tpu.region"() ({
      %run_scoped3A = tpu.sem_alloc : memref<!tpu.dma_semaphore, #tpu.memory_space<semaphore_mem>>
      %dma_start3A = arith.constant 0 : i32
      %dma_start3A_20 = tpu.memref_slice %arg10[%mul3A_2, %dma_start3A] : memref<12160x32xf32, #tpu.memory_space<vmem_shared>> -> memref<760x32xf32, #tpu.memory_space<vmem_shared>>
      tpu.enqueue_dma source(%arg5 : memref<760x32xf32, #tpu.memory_space<hbm>>) target(%dma_start3A_20 : memref<760x32xf32, #tpu.memory_space<vmem_shared>>) target_semaphore(%run_scoped3A : memref<!tpu.dma_semaphore, #tpu.memory_space<semaphore_mem>>)
      %dma_wait3A = arith.constant 0 : i32
      %dma_wait3A_21 = tpu.memref_slice %arg10[%mul3A_2, %dma_wait3A] : memref<12160x32xf32, #tpu.memory_space<vmem_shared>> -> memref<760x32xf32, #tpu.memory_space<vmem_shared>>
      tpu.wait_dma2 semaphore(%run_scoped3A : memref<!tpu.dma_semaphore, #tpu.memory_space<semaphore_mem>>) src(%arg5 : memref<760x32xf32, #tpu.memory_space<hbm>>) dst(%dma_wait3A_21 : memref<760x32xf32, #tpu.memory_space<vmem_shared>>)
      tpu.yield
    }) : () -> ()
    %mul3A_3 = arith.constant 10 : i32
    %mul3A_4 = arith.muli %add3A, %mul3A_3 : i32
    "tpu.region"() ({
      %run_scoped3A = tpu.sem_alloc : memref<!tpu.dma_semaphore, #tpu.memory_space<semaphore_mem>>
      %dma_start3A = arith.constant 0 : i32
      %dma_start3A_20 = arith.constant 0 : i32
      %dma_start3A_21 = tpu.memref_slice %arg2[%mul3A_4, %dma_start3A, %dma_start3A_20] : memref<320x8x128xi32, #tpu.memory_space<hbm>> -> memref<10x8x128xi32, #tpu.memory_space<hbm>>
      %dma_start3A_22 = arith.constant 0 : i32
      %dma_start3A_23 = arith.constant 0 : i32
      %dma_start3A_24 = tpu.memref_slice %arg2[%mul3A_4, %dma_start3A_22, %dma_start3A_23] : memref<320x8x128xi32, #tpu.memory_space<hbm>> -> memref<10x8x128xi32, #tpu.memory_space<hbm>>
      tpu.enqueue_dma source(%dma_start3A_24 : memref<10x8x128xi32, #tpu.memory_space<hbm>>) target(%arg7 : memref<10x8x128xi32, #tpu.memory_space<vmem>>) target_semaphore(%run_scoped3A : memref<!tpu.dma_semaphore, #tpu.memory_space<semaphore_mem>>)
      %dma_wait3A = arith.constant 0 : i32
      %dma_wait3A_25 = arith.constant 0 : i32
      %dma_wait3A_26 = tpu.memref_slice %arg2[%mul3A_4, %dma_wait3A, %dma_wait3A_25] : memref<320x8x128xi32, #tpu.memory_space<hbm>> -> memref<10x8x128xi32, #tpu.memory_space<hbm>>
      %dma_wait3A_27 = arith.constant 0 : i32
      %dma_wait3A_28 = arith.constant 0 : i32
      %dma_wait3A_29 = tpu.memref_slice %arg2[%mul3A_4, %dma_wait3A_27, %dma_wait3A_28] : memref<320x8x128xi32, #tpu.memory_space<hbm>> -> memref<10x8x128xi32, #tpu.memory_space<hbm>>
      tpu.wait_dma2 semaphore(%run_scoped3A : memref<!tpu.dma_semaphore, #tpu.memory_space<semaphore_mem>>) src(%dma_wait3A_29 : memref<10x8x128xi32, #tpu.memory_space<hbm>>) dst(%arg7 : memref<10x8x128xi32, #tpu.memory_space<vmem>>)
      tpu.yield
    }) : () -> ()
    %mul3A_5 = arith.constant 10 : i32
    %mul3A_6 = arith.muli %add3A, %mul3A_5 : i32
    "tpu.region"() ({
      %run_scoped3A = tpu.sem_alloc : memref<!tpu.dma_semaphore, #tpu.memory_space<semaphore_mem>>
      %dma_start3A = arith.constant 0 : i32
      %dma_start3A_20 = arith.constant 0 : i32
      %dma_start3A_21 = tpu.memref_slice %arg3[%mul3A_6, %dma_start3A, %dma_start3A_20] : memref<320x8x128xi32, #tpu.memory_space<hbm>> -> memref<10x8x128xi32, #tpu.memory_space<hbm>>
      %dma_start3A_22 = arith.constant 0 : i32
      %dma_start3A_23 = arith.constant 0 : i32
      %dma_start3A_24 = tpu.memref_slice %arg3[%mul3A_6, %dma_start3A_22, %dma_start3A_23] : memref<320x8x128xi32, #tpu.memory_space<hbm>> -> memref<10x8x128xi32, #tpu.memory_space<hbm>>
      tpu.enqueue_dma source(%dma_start3A_24 : memref<10x8x128xi32, #tpu.memory_space<hbm>>) target(%arg8 : memref<10x8x128xi32, #tpu.memory_space<vmem>>) target_semaphore(%run_scoped3A : memref<!tpu.dma_semaphore, #tpu.memory_space<semaphore_mem>>)
      %dma_wait3A = arith.constant 0 : i32
      %dma_wait3A_25 = arith.constant 0 : i32
      %dma_wait3A_26 = tpu.memref_slice %arg3[%mul3A_6, %dma_wait3A, %dma_wait3A_25] : memref<320x8x128xi32, #tpu.memory_space<hbm>> -> memref<10x8x128xi32, #tpu.memory_space<hbm>>
      %dma_wait3A_27 = arith.constant 0 : i32
      %dma_wait3A_28 = arith.constant 0 : i32
      %dma_wait3A_29 = tpu.memref_slice %arg3[%mul3A_6, %dma_wait3A_27, %dma_wait3A_28] : memref<320x8x128xi32, #tpu.memory_space<hbm>> -> memref<10x8x128xi32, #tpu.memory_space<hbm>>
      tpu.wait_dma2 semaphore(%run_scoped3A : memref<!tpu.dma_semaphore, #tpu.memory_space<semaphore_mem>>) src(%dma_wait3A_29 : memref<10x8x128xi32, #tpu.memory_space<hbm>>) dst(%arg8 : memref<10x8x128xi32, #tpu.memory_space<vmem>>)
      tpu.yield
    }) : () -> ()
    %barrier3A = arith.constant 0 : index
    tpu.barrier barrier_id(%barrier3A)
    %scan3A = arith.constant 0 : i32
    %scan3A_7 = arith.constant 0 : i32
    %scan3A_8 = arith.constant 10 : i32
    %scan3A_9 = arith.addi %scan3A_7, %scan3A_8 : i32
    %scan3A_10 = arith.constant 1 : i32
    scf.for %scan3A_20 = %scan3A_7 to %scan3A_9 step %scan3A_10  : i32 {
      %dma_start3A = arith.constant 0 : i32
      %dma_start3A_21 = arith.constant 0 : i32
      %dma_start3A_22 = arith.constant 0 : i32
      %dma_start3A_23 = tpu.memref_slice %arg9[%dma_start3A_21, %dma_start3A_22] : memref<2048x32xf32, #tpu.memory_space<vmem>> -> memref<128x32xf32, #tpu.memory_space<vmem>>
      %dma_start3A_24 = arith.constant 0 : i32
      %dma_start3A_25 = arith.constant 0 : i32
      %dma_start3A_26 = tpu.memref_slice %arg7[%scan3A_20, %dma_start3A_24, %dma_start3A_25] : memref<10x8x128xi32, #tpu.memory_space<vmem>> -> memref<1x8x128xi32, #tpu.memory_space<vmem>>
      %dma_start3A_27 = tpu.memref_squeeze %dma_start3A_26 : memref<1x8x128xi32, #tpu.memory_space<vmem>> -> memref<8x128xi32, #tpu.memory_space<vmem>>
      %dma_start3A_28 = arith.constant 0 : i32
      %dma_start3A_29 = tpu.memref_slice %dma_start3A_27[%dma_start3A, %dma_start3A_28] : memref<8x128xi32, #tpu.memory_space<vmem>> -> memref<1x128xi32, #tpu.memory_space<vmem>>
      %dma_start3A_30 = tpu.memref_squeeze %dma_start3A_29 : memref<1x128xi32, #tpu.memory_space<vmem>> -> memref<128xi32, #tpu.memory_space<vmem>>
      %dma_start3A_31 = arith.constant 0 : i32
      %dma_start3A_32 = arith.constant 0 : i32
      %dma_start3A_33 = tpu.memref_slice %arg4[%dma_start3A_31, %dma_start3A_32] : memref<10000x32xf32, #tpu.memory_space<hbm>> -> memref<10000x32xf32, #tpu.memory_space<hbm>>
      tpu.enqueue_indirect_dma source(%dma_start3A_33 : memref<10000x32xf32, #tpu.memory_space<hbm>>) target(%dma_start3A_23 : memref<128x32xf32, #tpu.memory_space<vmem>>) offsets(%dma_start3A_30 : memref<128xi32, #tpu.memory_space<vmem>>) semaphore(%arg11 : memref<!tpu.dma_semaphore, #tpu.memory_space<semaphore_mem>>)
      %dma_start3A_34 = arith.constant 1 : i32
      %dma_start3A_35 = arith.constant 128 : i32
      %dma_start3A_36 = arith.constant 0 : i32
      %dma_start3A_37 = tpu.memref_slice %arg9[%dma_start3A_35, %dma_start3A_36] : memref<2048x32xf32, #tpu.memory_space<vmem>> -> memref<128x32xf32, #tpu.memory_space<vmem>>
      %dma_start3A_38 = arith.constant 0 : i32
      %dma_start3A_39 = arith.constant 0 : i32
      %dma_start3A_40 = tpu.memref_slice %arg7[%scan3A_20, %dma_start3A_38, %dma_start3A_39] : memref<10x8x128xi32, #tpu.memory_space<vmem>> -> memref<1x8x128xi32, #tpu.memory_space<vmem>>
      %dma_start3A_41 = tpu.memref_squeeze %dma_start3A_40 : memref<1x8x128xi32, #tpu.memory_space<vmem>> -> memref<8x128xi32, #tpu.memory_space<vmem>>
      %dma_start3A_42 = arith.constant 0 : i32
      %dma_start3A_43 = tpu.memref_slice %dma_start3A_41[%dma_start3A_34, %dma_start3A_42] : memref<8x128xi32, #tpu.memory_space<vmem>> -> memref<1x128xi32, #tpu.memory_space<vmem>>
      %dma_start3A_44 = tpu.memref_squeeze %dma_start3A_43 : memref<1x128xi32, #tpu.memory_space<vmem>> -> memref<128xi32, #tpu.memory_space<vmem>>
      %dma_start3A_45 = arith.constant 0 : i32
      %dma_start3A_46 = arith.constant 0 : i32
      %dma_start3A_47 = tpu.memref_slice %arg4[%dma_start3A_45, %dma_start3A_46] : memref<10000x32xf32, #tpu.memory_space<hbm>> -> memref<10000x32xf32, #tpu.memory_space<hbm>>
      tpu.enqueue_indirect_dma source(%dma_start3A_47 : memref<10000x32xf32, #tpu.memory_space<hbm>>) target(%dma_start3A_37 : memref<128x32xf32, #tpu.memory_space<vmem>>) offsets(%dma_start3A_44 : memref<128xi32, #tpu.memory_space<vmem>>) semaphore(%arg11 : memref<!tpu.dma_semaphore, #tpu.memory_space<semaphore_mem>>)
      %dma_start3A_48 = arith.constant 2 : i32
      %dma_start3A_49 = arith.constant 256 : i32
      %dma_start3A_50 = arith.constant 0 : i32
      %dma_start3A_51 = tpu.memref_slice %arg9[%dma_start3A_49, %dma_start3A_50] : memref<2048x32xf32, #tpu.memory_space<vmem>> -> memref<128x32xf32, #tpu.memory_space<vmem>>
      %dma_start3A_52 = arith.constant 0 : i32
      %dma_start3A_53 = arith.constant 0 : i32
      %dma_start3A_54 = tpu.memref_slice %arg7[%scan3A_20, %dma_start3A_52, %dma_start3A_53] : memref<10x8x128xi32, #tpu.memory_space<vmem>> -> memref<1x8x128xi32, #tpu.memory_space<vmem>>
      %dma_start3A_55 = tpu.memref_squeeze %dma_start3A_54 : memref<1x8x128xi32, #tpu.memory_space<vmem>> -> memref<8x128xi32, #tpu.memory_space<vmem>>
      %dma_start3A_56 = arith.constant 0 : i32
      %dma_start3A_57 = tpu.memref_slice %dma_start3A_55[%dma_start3A_48, %dma_start3A_56] : memref<8x128xi32, #tpu.memory_space<vmem>> -> memref<1x128xi32, #tpu.memory_space<vmem>>
      %dma_start3A_58 = tpu.memref_squeeze %dma_start3A_57 : memref<1x128xi32, #tpu.memory_space<vmem>> -> memref<128xi32, #tpu.memory_space<vmem>>
      %dma_start3A_59 = arith.constant 0 : i32
      %dma_start3A_60 = arith.constant 0 : i32
      %dma_start3A_61 = tpu.memref_slice %arg4[%dma_start3A_59, %dma_start3A_60] : memref<10000x32xf32, #tpu.memory_space<hbm>> -> memref<10000x32xf32, #tpu.memory_space<hbm>>
      tpu.enqueue_indirect_dma source(%dma_start3A_61 : memref<10000x32xf32, #tpu.memory_space<hbm>>) target(%dma_start3A_51 : memref<128x32xf32, #tpu.memory_space<vmem>>) offsets(%dma_start3A_58 : memref<128xi32, #tpu.memory_space<vmem>>) semaphore(%arg11 : memref<!tpu.dma_semaphore, #tpu.memory_space<semaphore_mem>>)
      %dma_start3A_62 = arith.constant 3 : i32
      %dma_start3A_63 = arith.constant 384 : i32
      %dma_start3A_64 = arith.constant 0 : i32
      %dma_start3A_65 = tpu.memref_slice %arg9[%dma_start3A_63, %dma_start3A_64] : memref<2048x32xf32, #tpu.memory_space<vmem>> -> memref<128x32xf32, #tpu.memory_space<vmem>>
      %dma_start3A_66 = arith.constant 0 : i32
      %dma_start3A_67 = arith.constant 0 : i32
      %dma_start3A_68 = tpu.memref_slice %arg7[%scan3A_20, %dma_start3A_66, %dma_start3A_67] : memref<10x8x128xi32, #tpu.memory_space<vmem>> -> memref<1x8x128xi32, #tpu.memory_space<vmem>>
      %dma_start3A_69 = tpu.memref_squeeze %dma_start3A_68 : memref<1x8x128xi32, #tpu.memory_space<vmem>> -> memref<8x128xi32, #tpu.memory_space<vmem>>
      %dma_start3A_70 = arith.constant 0 : i32
      %dma_start3A_71 = tpu.memref_slice %dma_start3A_69[%dma_start3A_62, %dma_start3A_70] : memref<8x128xi32, #tpu.memory_space<vmem>> -> memref<1x128xi32, #tpu.memory_space<vmem>>
      %dma_start3A_72 = tpu.memref_squeeze %dma_start3A_71 : memref<1x128xi32, #tpu.memory_space<vmem>> -> memref<128xi32, #tpu.memory_space<vmem>>
      %dma_start3A_73 = arith.constant 0 : i32
      %dma_start3A_74 = arith.constant 0 : i32
      %dma_start3A_75 = tpu.memref_slice %arg4[%dma_start3A_73, %dma_start3A_74] : memref<10000x32xf32, #tpu.memory_space<hbm>> -> memref<10000x32xf32, #tpu.memory_space<hbm>>
      tpu.enqueue_indirect_dma source(%dma_start3A_75 : memref<10000x32xf32, #tpu.memory_space<hbm>>) target(%dma_start3A_65 : memref<128x32xf32, #tpu.memory_space<vmem>>) offsets(%dma_start3A_72 : memref<128xi32, #tpu.memory_space<vmem>>) semaphore(%arg11 : memref<!tpu.dma_semaphore, #tpu.memory_space<semaphore_mem>>)
      %dma_start3A_76 = arith.constant 4 : i32
      %dma_start3A_77 = arith.constant 512 : i32
      %dma_start3A_78 = arith.constant 0 : i32
      %dma_start3A_79 = tpu.memref_slice %arg9[%dma_start3A_77, %dma_start3A_78] : memref<2048x32xf32, #tpu.memory_space<vmem>> -> memref<128x32xf32, #tpu.memory_space<vmem>>
      %dma_start3A_80 = arith.constant 0 : i32
      %dma_start3A_81 = arith.constant 0 : i32
      %dma_start3A_82 = tpu.memref_slice %arg7[%scan3A_20, %dma_start3A_80, %dma_start3A_81] : memref<10x8x128xi32, #tpu.memory_space<vmem>> -> memref<1x8x128xi32, #tpu.memory_space<vmem>>
      %dma_start3A_83 = tpu.memref_squeeze %dma_start3A_82 : memref<1x8x128xi32, #tpu.memory_space<vmem>> -> memref<8x128xi32, #tpu.memory_space<vmem>>
      %dma_start3A_84 = arith.constant 0 : i32
      %dma_start3A_85 = tpu.memref_slice %dma_start3A_83[%dma_start3A_76, %dma_start3A_84] : memref<8x128xi32, #tpu.memory_space<vmem>> -> memref<1x128xi32, #tpu.memory_space<vmem>>
      %dma_start3A_86 = tpu.memref_squeeze %dma_start3A_85 : memref<1x128xi32, #tpu.memory_space<vmem>> -> memref<128xi32, #tpu.memory_space<vmem>>
      %dma_start3A_87 = arith.constant 0 : i32
      %dma_start3A_88 = arith.constant 0 : i32
      %dma_start3A_89 = tpu.memref_slice %arg4[%dma_start3A_87, %dma_start3A_88] : memref<10000x32xf32, #tpu.memory_space<hbm>> -> memref<10000x32xf32, #tpu.memory_space<hbm>>
      tpu.enqueue_indirect_dma source(%dma_start3A_89 : memref<10000x32xf32, #tpu.memory_space<hbm>>) target(%dma_start3A_79 : memref<128x32xf32, #tpu.memory_space<vmem>>) offsets(%dma_start3A_86 : memref<128xi32, #tpu.memory_space<vmem>>) semaphore(%arg11 : memref<!tpu.dma_semaphore, #tpu.memory_space<semaphore_mem>>)
      %dma_start3A_90 = arith.constant 5 : i32
      %dma_start3A_91 = arith.constant 640 : i32
      %dma_start3A_92 = arith.constant 0 : i32
      %dma_start3A_93 = tpu.memref_slice %arg9[%dma_start3A_91, %dma_start3A_92] : memref<2048x32xf32, #tpu.memory_space<vmem>> -> memref<128x32xf32, #tpu.memory_space<vmem>>
      %dma_start3A_94 = arith.constant 0 : i32
      %dma_start3A_95 = arith.constant 0 : i32
      %dma_start3A_96 = tpu.memref_slice %arg7[%scan3A_20, %dma_start3A_94, %dma_start3A_95] : memref<10x8x128xi32, #tpu.memory_space<vmem>> -> memref<1x8x128xi32, #tpu.memory_space<vmem>>
      %dma_start3A_97 = tpu.memref_squeeze %dma_start3A_96 : memref<1x8x128xi32, #tpu.memory_space<vmem>> -> memref<8x128xi32, #tpu.memory_space<vmem>>
      %dma_start3A_98 = arith.constant 0 : i32
      %dma_start3A_99 = tpu.memref_slice %dma_start3A_97[%dma_start3A_90, %dma_start3A_98] : memref<8x128xi32, #tpu.memory_space<vmem>> -> memref<1x128xi32, #tpu.memory_space<vmem>>
      %dma_start3A_100 = tpu.memref_squeeze %dma_start3A_99 : memref<1x128xi32, #tpu.memory_space<vmem>> -> memref<128xi32, #tpu.memory_space<vmem>>
      %dma_start3A_101 = arith.constant 0 : i32
      %dma_start3A_102 = arith.constant 0 : i32
      %dma_start3A_103 = tpu.memref_slice %arg4[%dma_start3A_101, %dma_start3A_102] : memref<10000x32xf32, #tpu.memory_space<hbm>> -> memref<10000x32xf32, #tpu.memory_space<hbm>>
      tpu.enqueue_indirect_dma source(%dma_start3A_103 : memref<10000x32xf32, #tpu.memory_space<hbm>>) target(%dma_start3A_93 : memref<128x32xf32, #tpu.memory_space<vmem>>) offsets(%dma_start3A_100 : memref<128xi32, #tpu.memory_space<vmem>>) semaphore(%arg11 : memref<!tpu.dma_semaphore, #tpu.memory_space<semaphore_mem>>)
      %dma_start3A_104 = arith.constant 6 : i32
      %dma_start3A_105 = arith.constant 768 : i32
      %dma_start3A_106 = arith.constant 0 : i32
      %dma_start3A_107 = tpu.memref_slice %arg9[%dma_start3A_105, %dma_start3A_106] : memref<2048x32xf32, #tpu.memory_space<vmem>> -> memref<128x32xf32, #tpu.memory_space<vmem>>
      %dma_start3A_108 = arith.constant 0 : i32
      %dma_start3A_109 = arith.constant 0 : i32
      %dma_start3A_110 = tpu.memref_slice %arg7[%scan3A_20, %dma_start3A_108, %dma_start3A_109] : memref<10x8x128xi32, #tpu.memory_space<vmem>> -> memref<1x8x128xi32, #tpu.memory_space<vmem>>
      %dma_start3A_111 = tpu.memref_squeeze %dma_start3A_110 : memref<1x8x128xi32, #tpu.memory_space<vmem>> -> memref<8x128xi32, #tpu.memory_space<vmem>>
      %dma_start3A_112 = arith.constant 0 : i32
      %dma_start3A_113 = tpu.memref_slice %dma_start3A_111[%dma_start3A_104, %dma_start3A_112] : memref<8x128xi32, #tpu.memory_space<vmem>> -> memref<1x128xi32, #tpu.memory_space<vmem>>
      %dma_start3A_114 = tpu.memref_squeeze %dma_start3A_113 : memref<1x128xi32, #tpu.memory_space<vmem>> -> memref<128xi32, #tpu.memory_space<vmem>>
      %dma_start3A_115 = arith.constant 0 : i32
      %dma_start3A_116 = arith.constant 0 : i32
      %dma_start3A_117 = tpu.memref_slice %arg4[%dma_start3A_115, %dma_start3A_116] : memref<10000x32xf32, #tpu.memory_space<hbm>> -> memref<10000x32xf32, #tpu.memory_space<hbm>>
      tpu.enqueue_indirect_dma source(%dma_start3A_117 : memref<10000x32xf32, #tpu.memory_space<hbm>>) target(%dma_start3A_107 : memref<128x32xf32, #tpu.memory_space<vmem>>) offsets(%dma_start3A_114 : memref<128xi32, #tpu.memory_space<vmem>>) semaphore(%arg11 : memref<!tpu.dma_semaphore, #tpu.memory_space<semaphore_mem>>)
      %dma_start3A_118 = arith.constant 7 : i32
      %dma_start3A_119 = arith.constant 896 : i32
      %dma_start3A_120 = arith.constant 0 : i32
      %dma_start3A_121 = tpu.memref_slice %arg9[%dma_start3A_119, %dma_start3A_120] : memref<2048x32xf32, #tpu.memory_space<vmem>> -> memref<128x32xf32, #tpu.memory_space<vmem>>
      %dma_start3A_122 = arith.constant 0 : i32
      %dma_start3A_123 = arith.constant 0 : i32
      %dma_start3A_124 = tpu.memref_slice %arg7[%scan3A_20, %dma_start3A_122, %dma_start3A_123] : memref<10x8x128xi32, #tpu.memory_space<vmem>> -> memref<1x8x128xi32, #tpu.memory_space<vmem>>
      %dma_start3A_125 = tpu.memref_squeeze %dma_start3A_124 : memref<1x8x128xi32, #tpu.memory_space<vmem>> -> memref<8x128xi32, #tpu.memory_space<vmem>>
      %dma_start3A_126 = arith.constant 0 : i32
      %dma_start3A_127 = tpu.memref_slice %dma_start3A_125[%dma_start3A_118, %dma_start3A_126] : memref<8x128xi32, #tpu.memory_space<vmem>> -> memref<1x128xi32, #tpu.memory_space<vmem>>
      %dma_start3A_128 = tpu.memref_squeeze %dma_start3A_127 : memref<1x128xi32, #tpu.memory_space<vmem>> -> memref<128xi32, #tpu.memory_space<vmem>>
      %dma_start3A_129 = arith.constant 0 : i32
      %dma_start3A_130 = arith.constant 0 : i32
      %dma_start3A_131 = tpu.memref_slice %arg4[%dma_start3A_129, %dma_start3A_130] : memref<10000x32xf32, #tpu.memory_space<hbm>> -> memref<10000x32xf32, #tpu.memory_space<hbm>>
      tpu.enqueue_indirect_dma source(%dma_start3A_131 : memref<10000x32xf32, #tpu.memory_space<hbm>>) target(%dma_start3A_121 : memref<128x32xf32, #tpu.memory_space<vmem>>) offsets(%dma_start3A_128 : memref<128xi32, #tpu.memory_space<vmem>>) semaphore(%arg11 : memref<!tpu.dma_semaphore, #tpu.memory_space<semaphore_mem>>)
      %dma_wait3A = arith.constant 0 : i32
      %dma_wait3A_132 = arith.constant 0 : i32
      %dma_wait3A_133 = arith.constant 0 : i32
      %dma_wait3A_134 = tpu.memref_slice %arg9[%dma_wait3A_132, %dma_wait3A_133] : memref<2048x32xf32, #tpu.memory_space<vmem>> -> memref<128x32xf32, #tpu.memory_space<vmem>>
      %dma_wait3A_135 = arith.constant 0 : i32
      %dma_wait3A_136 = arith.constant 0 : i32
      %dma_wait3A_137 = tpu.memref_slice %arg7[%scan3A_20, %dma_wait3A_135, %dma_wait3A_136] : memref<10x8x128xi32, #tpu.memory_space<vmem>> -> memref<1x8x128xi32, #tpu.memory_space<vmem>>
      %dma_wait3A_138 = tpu.memref_squeeze %dma_wait3A_137 : memref<1x8x128xi32, #tpu.memory_space<vmem>> -> memref<8x128xi32, #tpu.memory_space<vmem>>
      %dma_wait3A_139 = arith.constant 0 : i32
      %dma_wait3A_140 = tpu.memref_slice %dma_wait3A_138[%dma_wait3A, %dma_wait3A_139] : memref<8x128xi32, #tpu.memory_space<vmem>> -> memref<1x128xi32, #tpu.memory_space<vmem>>
      %dma_wait3A_141 = tpu.memref_squeeze %dma_wait3A_140 : memref<1x128xi32, #tpu.memory_space<vmem>> -> memref<128xi32, #tpu.memory_space<vmem>>
      %dma_wait3A_142 = arith.constant 0 : i32
      %dma_wait3A_143 = arith.constant 0 : i32
      %dma_wait3A_144 = tpu.memref_slice %arg4[%dma_wait3A_142, %dma_wait3A_143] : memref<10000x32xf32, #tpu.memory_space<hbm>> -> memref<10000x32xf32, #tpu.memory_space<hbm>>
      tpu.wait_indirect_dma semaphore(%arg11 : memref<!tpu.dma_semaphore, #tpu.memory_space<semaphore_mem>>) src(%dma_wait3A_144 : memref<10000x32xf32, #tpu.memory_space<hbm>>) dst(%dma_wait3A_134 : memref<128x32xf32, #tpu.memory_space<vmem>>)
      %dma_wait3A_145 = arith.constant 1 : i32
      %dma_wait3A_146 = arith.constant 128 : i32
      %dma_wait3A_147 = arith.constant 0 : i32
      %dma_wait3A_148 = tpu.memref_slice %arg9[%dma_wait3A_146, %dma_wait3A_147] : memref<2048x32xf32, #tpu.memory_space<vmem>> -> memref<128x32xf32, #tpu.memory_space<vmem>>
      %dma_wait3A_149 = arith.constant 0 : i32
      %dma_wait3A_150 = arith.constant 0 : i32
      %dma_wait3A_151 = tpu.memref_slice %arg7[%scan3A_20, %dma_wait3A_149, %dma_wait3A_150] : memref<10x8x128xi32, #tpu.memory_space<vmem>> -> memref<1x8x128xi32, #tpu.memory_space<vmem>>
      %dma_wait3A_152 = tpu.memref_squeeze %dma_wait3A_151 : memref<1x8x128xi32, #tpu.memory_space<vmem>> -> memref<8x128xi32, #tpu.memory_space<vmem>>
      %dma_wait3A_153 = arith.constant 0 : i32
      %dma_wait3A_154 = tpu.memref_slice %dma_wait3A_152[%dma_wait3A_145, %dma_wait3A_153] : memref<8x128xi32, #tpu.memory_space<vmem>> -> memref<1x128xi32, #tpu.memory_space<vmem>>
      %dma_wait3A_155 = tpu.memref_squeeze %dma_wait3A_154 : memref<1x128xi32, #tpu.memory_space<vmem>> -> memref<128xi32, #tpu.memory_space<vmem>>
      %dma_wait3A_156 = arith.constant 0 : i32
      %dma_wait3A_157 = arith.constant 0 : i32
      %dma_wait3A_158 = tpu.memref_slice %arg4[%dma_wait3A_156, %dma_wait3A_157] : memref<10000x32xf32, #tpu.memory_space<hbm>> -> memref<10000x32xf32, #tpu.memory_space<hbm>>
      tpu.wait_indirect_dma semaphore(%arg11 : memref<!tpu.dma_semaphore, #tpu.memory_space<semaphore_mem>>) src(%dma_wait3A_158 : memref<10000x32xf32, #tpu.memory_space<hbm>>) dst(%dma_wait3A_148 : memref<128x32xf32, #tpu.memory_space<vmem>>)
      %dma_wait3A_159 = arith.constant 2 : i32
      %dma_wait3A_160 = arith.constant 256 : i32
      %dma_wait3A_161 = arith.constant 0 : i32
      %dma_wait3A_162 = tpu.memref_slice %arg9[%dma_wait3A_160, %dma_wait3A_161] : memref<2048x32xf32, #tpu.memory_space<vmem>> -> memref<128x32xf32, #tpu.memory_space<vmem>>
      %dma_wait3A_163 = arith.constant 0 : i32
      %dma_wait3A_164 = arith.constant 0 : i32
      %dma_wait3A_165 = tpu.memref_slice %arg7[%scan3A_20, %dma_wait3A_163, %dma_wait3A_164] : memref<10x8x128xi32, #tpu.memory_space<vmem>> -> memref<1x8x128xi32, #tpu.memory_space<vmem>>
      %dma_wait3A_166 = tpu.memref_squeeze %dma_wait3A_165 : memref<1x8x128xi32, #tpu.memory_space<vmem>> -> memref<8x128xi32, #tpu.memory_space<vmem>>
      %dma_wait3A_167 = arith.constant 0 : i32
      %dma_wait3A_168 = tpu.memref_slice %dma_wait3A_166[%dma_wait3A_159, %dma_wait3A_167] : memref<8x128xi32, #tpu.memory_space<vmem>> -> memref<1x128xi32, #tpu.memory_space<vmem>>
      %dma_wait3A_169 = tpu.memref_squeeze %dma_wait3A_168 : memref<1x128xi32, #tpu.memory_space<vmem>> -> memref<128xi32, #tpu.memory_space<vmem>>
      %dma_wait3A_170 = arith.constant 0 : i32
      %dma_wait3A_171 = arith.constant 0 : i32
      %dma_wait3A_172 = tpu.memref_slice %arg4[%dma_wait3A_170, %dma_wait3A_171] : memref<10000x32xf32, #tpu.memory_space<hbm>> -> memref<10000x32xf32, #tpu.memory_space<hbm>>
      tpu.wait_indirect_dma semaphore(%arg11 : memref<!tpu.dma_semaphore, #tpu.memory_space<semaphore_mem>>) src(%dma_wait3A_172 : memref<10000x32xf32, #tpu.memory_space<hbm>>) dst(%dma_wait3A_162 : memref<128x32xf32, #tpu.memory_space<vmem>>)
      %dma_wait3A_173 = arith.constant 3 : i32
      %dma_wait3A_174 = arith.constant 384 : i32
      %dma_wait3A_175 = arith.constant 0 : i32
      %dma_wait3A_176 = tpu.memref_slice %arg9[%dma_wait3A_174, %dma_wait3A_175] : memref<2048x32xf32, #tpu.memory_space<vmem>> -> memref<128x32xf32, #tpu.memory_space<vmem>>
      %dma_wait3A_177 = arith.constant 0 : i32
      %dma_wait3A_178 = arith.constant 0 : i32
      %dma_wait3A_179 = tpu.memref_slice %arg7[%scan3A_20, %dma_wait3A_177, %dma_wait3A_178] : memref<10x8x128xi32, #tpu.memory_space<vmem>> -> memref<1x8x128xi32, #tpu.memory_space<vmem>>
      %dma_wait3A_180 = tpu.memref_squeeze %dma_wait3A_179 : memref<1x8x128xi32, #tpu.memory_space<vmem>> -> memref<8x128xi32, #tpu.memory_space<vmem>>
      %dma_wait3A_181 = arith.constant 0 : i32
      %dma_wait3A_182 = tpu.memref_slice %dma_wait3A_180[%dma_wait3A_173, %dma_wait3A_181] : memref<8x128xi32, #tpu.memory_space<vmem>> -> memref<1x128xi32, #tpu.memory_space<vmem>>
      %dma_wait3A_183 = tpu.memref_squeeze %dma_wait3A_182 : memref<1x128xi32, #tpu.memory_space<vmem>> -> memref<128xi32, #tpu.memory_space<vmem>>
      %dma_wait3A_184 = arith.constant 0 : i32
      %dma_wait3A_185 = arith.constant 0 : i32
      %dma_wait3A_186 = tpu.memref_slice %arg4[%dma_wait3A_184, %dma_wait3A_185] : memref<10000x32xf32, #tpu.memory_space<hbm>> -> memref<10000x32xf32, #tpu.memory_space<hbm>>
      tpu.wait_indirect_dma semaphore(%arg11 : memref<!tpu.dma_semaphore, #tpu.memory_space<semaphore_mem>>) src(%dma_wait3A_186 : memref<10000x32xf32, #tpu.memory_space<hbm>>) dst(%dma_wait3A_176 : memref<128x32xf32, #tpu.memory_space<vmem>>)
      %dma_wait3A_187 = arith.constant 4 : i32
      %dma_wait3A_188 = arith.constant 512 : i32
      %dma_wait3A_189 = arith.constant 0 : i32
      %dma_wait3A_190 = tpu.memref_slice %arg9[%dma_wait3A_188, %dma_wait3A_189] : memref<2048x32xf32, #tpu.memory_space<vmem>> -> memref<128x32xf32, #tpu.memory_space<vmem>>
      %dma_wait3A_191 = arith.constant 0 : i32
      %dma_wait3A_192 = arith.constant 0 : i32
      %dma_wait3A_193 = tpu.memref_slice %arg7[%scan3A_20, %dma_wait3A_191, %dma_wait3A_192] : memref<10x8x128xi32, #tpu.memory_space<vmem>> -> memref<1x8x128xi32, #tpu.memory_space<vmem>>
      %dma_wait3A_194 = tpu.memref_squeeze %dma_wait3A_193 : memref<1x8x128xi32, #tpu.memory_space<vmem>> -> memref<8x128xi32, #tpu.memory_space<vmem>>
      %dma_wait3A_195 = arith.constant 0 : i32
      %dma_wait3A_196 = tpu.memref_slice %dma_wait3A_194[%dma_wait3A_187, %dma_wait3A_195] : memref<8x128xi32, #tpu.memory_space<vmem>> -> memref<1x128xi32, #tpu.memory_space<vmem>>
      %dma_wait3A_197 = tpu.memref_squeeze %dma_wait3A_196 : memref<1x128xi32, #tpu.memory_space<vmem>> -> memref<128xi32, #tpu.memory_space<vmem>>
      %dma_wait3A_198 = arith.constant 0 : i32
      %dma_wait3A_199 = arith.constant 0 : i32
      %dma_wait3A_200 = tpu.memref_slice %arg4[%dma_wait3A_198, %dma_wait3A_199] : memref<10000x32xf32, #tpu.memory_space<hbm>> -> memref<10000x32xf32, #tpu.memory_space<hbm>>
      tpu.wait_indirect_dma semaphore(%arg11 : memref<!tpu.dma_semaphore, #tpu.memory_space<semaphore_mem>>) src(%dma_wait3A_200 : memref<10000x32xf32, #tpu.memory_space<hbm>>) dst(%dma_wait3A_190 : memref<128x32xf32, #tpu.memory_space<vmem>>)
      %dma_wait3A_201 = arith.constant 5 : i32
      %dma_wait3A_202 = arith.constant 640 : i32
      %dma_wait3A_203 = arith.constant 0 : i32
      %dma_wait3A_204 = tpu.memref_slice %arg9[%dma_wait3A_202, %dma_wait3A_203] : memref<2048x32xf32, #tpu.memory_space<vmem>> -> memref<128x32xf32, #tpu.memory_space<vmem>>
      %dma_wait3A_205 = arith.constant 0 : i32
      %dma_wait3A_206 = arith.constant 0 : i32
      %dma_wait3A_207 = tpu.memref_slice %arg7[%scan3A_20, %dma_wait3A_205, %dma_wait3A_206] : memref<10x8x128xi32, #tpu.memory_space<vmem>> -> memref<1x8x128xi32, #tpu.memory_space<vmem>>
      %dma_wait3A_208 = tpu.memref_squeeze %dma_wait3A_207 : memref<1x8x128xi32, #tpu.memory_space<vmem>> -> memref<8x128xi32, #tpu.memory_space<vmem>>
      %dma_wait3A_209 = arith.constant 0 : i32
      %dma_wait3A_210 = tpu.memref_slice %dma_wait3A_208[%dma_wait3A_201, %dma_wait3A_209] : memref<8x128xi32, #tpu.memory_space<vmem>> -> memref<1x128xi32, #tpu.memory_space<vmem>>
      %dma_wait3A_211 = tpu.memref_squeeze %dma_wait3A_210 : memref<1x128xi32, #tpu.memory_space<vmem>> -> memref<128xi32, #tpu.memory_space<vmem>>
      %dma_wait3A_212 = arith.constant 0 : i32
      %dma_wait3A_213 = arith.constant 0 : i32
      %dma_wait3A_214 = tpu.memref_slice %arg4[%dma_wait3A_212, %dma_wait3A_213] : memref<10000x32xf32, #tpu.memory_space<hbm>> -> memref<10000x32xf32, #tpu.memory_space<hbm>>
      tpu.wait_indirect_dma semaphore(%arg11 : memref<!tpu.dma_semaphore, #tpu.memory_space<semaphore_mem>>) src(%dma_wait3A_214 : memref<10000x32xf32, #tpu.memory_space<hbm>>) dst(%dma_wait3A_204 : memref<128x32xf32, #tpu.memory_space<vmem>>)
      %dma_wait3A_215 = arith.constant 6 : i32
      %dma_wait3A_216 = arith.constant 768 : i32
      %dma_wait3A_217 = arith.constant 0 : i32
      %dma_wait3A_218 = tpu.memref_slice %arg9[%dma_wait3A_216, %dma_wait3A_217] : memref<2048x32xf32, #tpu.memory_space<vmem>> -> memref<128x32xf32, #tpu.memory_space<vmem>>
      %dma_wait3A_219 = arith.constant 0 : i32
      %dma_wait3A_220 = arith.constant 0 : i32
      %dma_wait3A_221 = tpu.memref_slice %arg7[%scan3A_20, %dma_wait3A_219, %dma_wait3A_220] : memref<10x8x128xi32, #tpu.memory_space<vmem>> -> memref<1x8x128xi32, #tpu.memory_space<vmem>>
      %dma_wait3A_222 = tpu.memref_squeeze %dma_wait3A_221 : memref<1x8x128xi32, #tpu.memory_space<vmem>> -> memref<8x128xi32, #tpu.memory_space<vmem>>
      %dma_wait3A_223 = arith.constant 0 : i32
      %dma_wait3A_224 = tpu.memref_slice %dma_wait3A_222[%dma_wait3A_215, %dma_wait3A_223] : memref<8x128xi32, #tpu.memory_space<vmem>> -> memref<1x128xi32, #tpu.memory_space<vmem>>
      %dma_wait3A_225 = tpu.memref_squeeze %dma_wait3A_224 : memref<1x128xi32, #tpu.memory_space<vmem>> -> memref<128xi32, #tpu.memory_space<vmem>>
      %dma_wait3A_226 = arith.constant 0 : i32
      %dma_wait3A_227 = arith.constant 0 : i32
      %dma_wait3A_228 = tpu.memref_slice %arg4[%dma_wait3A_226, %dma_wait3A_227] : memref<10000x32xf32, #tpu.memory_space<hbm>> -> memref<10000x32xf32, #tpu.memory_space<hbm>>
      tpu.wait_indirect_dma semaphore(%arg11 : memref<!tpu.dma_semaphore, #tpu.memory_space<semaphore_mem>>) src(%dma_wait3A_228 : memref<10000x32xf32, #tpu.memory_space<hbm>>) dst(%dma_wait3A_218 : memref<128x32xf32, #tpu.memory_space<vmem>>)
      %dma_wait3A_229 = arith.constant 7 : i32
      %dma_wait3A_230 = arith.constant 896 : i32
      %dma_wait3A_231 = arith.constant 0 : i32
      %dma_wait3A_232 = tpu.memref_slice %arg9[%dma_wait3A_230, %dma_wait3A_231] : memref<2048x32xf32, #tpu.memory_space<vmem>> -> memref<128x32xf32, #tpu.memory_space<vmem>>
      %dma_wait3A_233 = arith.constant 0 : i32
      %dma_wait3A_234 = arith.constant 0 : i32
      %dma_wait3A_235 = tpu.memref_slice %arg7[%scan3A_20, %dma_wait3A_233, %dma_wait3A_234] : memref<10x8x128xi32, #tpu.memory_space<vmem>> -> memref<1x8x128xi32, #tpu.memory_space<vmem>>
      %dma_wait3A_236 = tpu.memref_squeeze %dma_wait3A_235 : memref<1x8x128xi32, #tpu.memory_space<vmem>> -> memref<8x128xi32, #tpu.memory_space<vmem>>
      %dma_wait3A_237 = arith.constant 0 : i32
      %dma_wait3A_238 = tpu.memref_slice %dma_wait3A_236[%dma_wait3A_229, %dma_wait3A_237] : memref<8x128xi32, #tpu.memory_space<vmem>> -> memref<1x128xi32, #tpu.memory_space<vmem>>
      %dma_wait3A_239 = tpu.memref_squeeze %dma_wait3A_238 : memref<1x128xi32, #tpu.memory_space<vmem>> -> memref<128xi32, #tpu.memory_space<vmem>>
      %dma_wait3A_240 = arith.constant 0 : i32
      %dma_wait3A_241 = arith.constant 0 : i32
      %dma_wait3A_242 = tpu.memref_slice %arg4[%dma_wait3A_240, %dma_wait3A_241] : memref<10000x32xf32, #tpu.memory_space<hbm>> -> memref<10000x32xf32, #tpu.memory_space<hbm>>
      tpu.wait_indirect_dma semaphore(%arg11 : memref<!tpu.dma_semaphore, #tpu.memory_space<semaphore_mem>>) src(%dma_wait3A_242 : memref<10000x32xf32, #tpu.memory_space<hbm>>) dst(%dma_wait3A_232 : memref<128x32xf32, #tpu.memory_space<vmem>>)
      %run_scoped3A = arith.constant 0 : i32
      "tpu.region"() ({
        %run_scoped3A_250 = tpu.sem_alloc : memref<!tpu.dma_semaphore, #tpu.memory_space<semaphore_mem>>
        %dma_start3A_251 = arith.constant 0 : i32
        %dma_start3A_252 = arith.constant 0 : i32
        %dma_start3A_253 = tpu.memref_slice %arg9[%dma_start3A_251, %dma_start3A_252] : memref<2048x32xf32, #tpu.memory_space<vmem>> -> memref<128x32xf32, #tpu.memory_space<vmem>>
        %dma_start3A_254 = arith.constant 0 : i32
        %dma_start3A_255 = arith.constant 0 : i32
        %dma_start3A_256 = tpu.memref_slice %arg8[%scan3A_20, %dma_start3A_254, %dma_start3A_255] : memref<10x8x128xi32, #tpu.memory_space<vmem>> -> memref<1x8x128xi32, #tpu.memory_space<vmem>>
        %dma_start3A_257 = tpu.memref_squeeze %dma_start3A_256 : memref<1x8x128xi32, #tpu.memory_space<vmem>> -> memref<8x128xi32, #tpu.memory_space<vmem>>
        %dma_start3A_258 = arith.constant 0 : i32
        %dma_start3A_259 = tpu.memref_slice %dma_start3A_257[%run_scoped3A, %dma_start3A_258] : memref<8x128xi32, #tpu.memory_space<vmem>> -> memref<1x128xi32, #tpu.memory_space<vmem>>
        %dma_start3A_260 = tpu.memref_squeeze %dma_start3A_259 : memref<1x128xi32, #tpu.memory_space<vmem>> -> memref<128xi32, #tpu.memory_space<vmem>>
        %dma_start3A_261 = arith.constant 0 : i32
        %dma_start3A_262 = arith.constant 0 : i32
        %dma_start3A_263 = tpu.memref_slice %arg10[%dma_start3A_261, %dma_start3A_262] : memref<12160x32xf32, #tpu.memory_space<vmem_shared>> -> memref<12160x32xf32, #tpu.memory_space<vmem_shared>>
        tpu.enqueue_indirect_dma source(%dma_start3A_253 : memref<128x32xf32, #tpu.memory_space<vmem>>) target(%dma_start3A_263 : memref<12160x32xf32, #tpu.memory_space<vmem_shared>>) offsets(%dma_start3A_260 : memref<128xi32, #tpu.memory_space<vmem>>) semaphore(%run_scoped3A_250 : memref<!tpu.dma_semaphore, #tpu.memory_space<semaphore_mem>>) {add = true}
        %dma_wait3A_264 = arith.constant 0 : i32
        %dma_wait3A_265 = arith.constant 0 : i32
        %dma_wait3A_266 = tpu.memref_slice %arg9[%dma_wait3A_264, %dma_wait3A_265] : memref<2048x32xf32, #tpu.memory_space<vmem>> -> memref<128x32xf32, #tpu.memory_space<vmem>>
        %dma_wait3A_267 = arith.constant 0 : i32
        %dma_wait3A_268 = arith.constant 0 : i32
        %dma_wait3A_269 = tpu.memref_slice %arg8[%scan3A_20, %dma_wait3A_267, %dma_wait3A_268] : memref<10x8x128xi32, #tpu.memory_space<vmem>> -> memref<1x8x128xi32, #tpu.memory_space<vmem>>
        %dma_wait3A_270 = tpu.memref_squeeze %dma_wait3A_269 : memref<1x8x128xi32, #tpu.memory_space<vmem>> -> memref<8x128xi32, #tpu.memory_space<vmem>>
        %dma_wait3A_271 = arith.constant 0 : i32
        %dma_wait3A_272 = tpu.memref_slice %dma_wait3A_270[%run_scoped3A, %dma_wait3A_271] : memref<8x128xi32, #tpu.memory_space<vmem>> -> memref<1x128xi32, #tpu.memory_space<vmem>>
        %dma_wait3A_273 = tpu.memref_squeeze %dma_wait3A_272 : memref<1x128xi32, #tpu.memory_space<vmem>> -> memref<128xi32, #tpu.memory_space<vmem>>
        %dma_wait3A_274 = arith.constant 0 : i32
        %dma_wait3A_275 = arith.constant 0 : i32
        %dma_wait3A_276 = tpu.memref_slice %arg10[%dma_wait3A_274, %dma_wait3A_275] : memref<12160x32xf32, #tpu.memory_space<vmem_shared>> -> memref<12160x32xf32, #tpu.memory_space<vmem_shared>>
        tpu.wait_indirect_dma semaphore(%run_scoped3A_250 : memref<!tpu.dma_semaphore, #tpu.memory_space<semaphore_mem>>) src(%dma_wait3A_266 : memref<128x32xf32, #tpu.memory_space<vmem>>) dst(%dma_wait3A_276 : memref<12160x32xf32, #tpu.memory_space<vmem_shared>>)
        tpu.yield
      }) : () -> ()
      %run_scoped3A_243 = arith.constant 1 : i32
      "tpu.region"() ({
        %run_scoped3A_250 = tpu.sem_alloc : memref<!tpu.dma_semaphore, #tpu.memory_space<semaphore_mem>>
        %dma_start3A_251 = arith.constant 128 : i32
        %dma_start3A_252 = arith.constant 0 : i32
        %dma_start3A_253 = tpu.memref_slice %arg9[%dma_start3A_251, %dma_start3A_252] : memref<2048x32xf32, #tpu.memory_space<vmem>> -> memref<128x32xf32, #tpu.memory_space<vmem>>
        %dma_start3A_254 = arith.constant 0 : i32
        %dma_start3A_255 = arith.constant 0 : i32
        %dma_start3A_256 = tpu.memref_slice %arg8[%scan3A_20, %dma_start3A_254, %dma_start3A_255] : memref<10x8x128xi32, #tpu.memory_space<vmem>> -> memref<1x8x128xi32, #tpu.memory_space<vmem>>
        %dma_start3A_257 = tpu.memref_squeeze %dma_start3A_256 : memref<1x8x128xi32, #tpu.memory_space<vmem>> -> memref<8x128xi32, #tpu.memory_space<vmem>>
        %dma_start3A_258 = arith.constant 0 : i32
        %dma_start3A_259 = tpu.memref_slice %dma_start3A_257[%run_scoped3A_243, %dma_start3A_258] : memref<8x128xi32, #tpu.memory_space<vmem>> -> memref<1x128xi32, #tpu.memory_space<vmem>>
        %dma_start3A_260 = tpu.memref_squeeze %dma_start3A_259 : memref<1x128xi32, #tpu.memory_space<vmem>> -> memref<128xi32, #tpu.memory_space<vmem>>
        %dma_start3A_261 = arith.constant 0 : i32
        %dma_start3A_262 = arith.constant 0 : i32
        %dma_start3A_263 = tpu.memref_slice %arg10[%dma_start3A_261, %dma_start3A_262] : memref<12160x32xf32, #tpu.memory_space<vmem_shared>> -> memref<12160x32xf32, #tpu.memory_space<vmem_shared>>
        tpu.enqueue_indirect_dma source(%dma_start3A_253 : memref<128x32xf32, #tpu.memory_space<vmem>>) target(%dma_start3A_263 : memref<12160x32xf32, #tpu.memory_space<vmem_shared>>) offsets(%dma_start3A_260 : memref<128xi32, #tpu.memory_space<vmem>>) semaphore(%run_scoped3A_250 : memref<!tpu.dma_semaphore, #tpu.memory_space<semaphore_mem>>) {add = true}
        %dma_wait3A_264 = arith.constant 128 : i32
        %dma_wait3A_265 = arith.constant 0 : i32
        %dma_wait3A_266 = tpu.memref_slice %arg9[%dma_wait3A_264, %dma_wait3A_265] : memref<2048x32xf32, #tpu.memory_space<vmem>> -> memref<128x32xf32, #tpu.memory_space<vmem>>
        %dma_wait3A_267 = arith.constant 0 : i32
        %dma_wait3A_268 = arith.constant 0 : i32
        %dma_wait3A_269 = tpu.memref_slice %arg8[%scan3A_20, %dma_wait3A_267, %dma_wait3A_268] : memref<10x8x128xi32, #tpu.memory_space<vmem>> -> memref<1x8x128xi32, #tpu.memory_space<vmem>>
        %dma_wait3A_270 = tpu.memref_squeeze %dma_wait3A_269 : memref<1x8x128xi32, #tpu.memory_space<vmem>> -> memref<8x128xi32, #tpu.memory_space<vmem>>
        %dma_wait3A_271 = arith.constant 0 : i32
        %dma_wait3A_272 = tpu.memref_slice %dma_wait3A_270[%run_scoped3A_243, %dma_wait3A_271] : memref<8x128xi32, #tpu.memory_space<vmem>> -> memref<1x128xi32, #tpu.memory_space<vmem>>
        %dma_wait3A_273 = tpu.memref_squeeze %dma_wait3A_272 : memref<1x128xi32, #tpu.memory_space<vmem>> -> memref<128xi32, #tpu.memory_space<vmem>>
        %dma_wait3A_274 = arith.constant 0 : i32
        %dma_wait3A_275 = arith.constant 0 : i32
        %dma_wait3A_276 = tpu.memref_slice %arg10[%dma_wait3A_274, %dma_wait3A_275] : memref<12160x32xf32, #tpu.memory_space<vmem_shared>> -> memref<12160x32xf32, #tpu.memory_space<vmem_shared>>
        tpu.wait_indirect_dma semaphore(%run_scoped3A_250 : memref<!tpu.dma_semaphore, #tpu.memory_space<semaphore_mem>>) src(%dma_wait3A_266 : memref<128x32xf32, #tpu.memory_space<vmem>>) dst(%dma_wait3A_276 : memref<12160x32xf32, #tpu.memory_space<vmem_shared>>)
        tpu.yield
      }) : () -> ()
      %run_scoped3A_244 = arith.constant 2 : i32
      "tpu.region"() ({
        %run_scoped3A_250 = tpu.sem_alloc : memref<!tpu.dma_semaphore, #tpu.memory_space<semaphore_mem>>
        %dma_start3A_251 = arith.constant 256 : i32
        %dma_start3A_252 = arith.constant 0 : i32
        %dma_start3A_253 = tpu.memref_slice %arg9[%dma_start3A_251, %dma_start3A_252] : memref<2048x32xf32, #tpu.memory_space<vmem>> -> memref<128x32xf32, #tpu.memory_space<vmem>>
        %dma_start3A_254 = arith.constant 0 : i32
        %dma_start3A_255 = arith.constant 0 : i32
        %dma_start3A_256 = tpu.memref_slice %arg8[%scan3A_20, %dma_start3A_254, %dma_start3A_255] : memref<10x8x128xi32, #tpu.memory_space<vmem>> -> memref<1x8x128xi32, #tpu.memory_space<vmem>>
        %dma_start3A_257 = tpu.memref_squeeze %dma_start3A_256 : memref<1x8x128xi32, #tpu.memory_space<vmem>> -> memref<8x128xi32, #tpu.memory_space<vmem>>
        %dma_start3A_258 = arith.constant 0 : i32
        %dma_start3A_259 = tpu.memref_slice %dma_start3A_257[%run_scoped3A_244, %dma_start3A_258] : memref<8x128xi32, #tpu.memory_space<vmem>> -> memref<1x128xi32, #tpu.memory_space<vmem>>
        %dma_start3A_260 = tpu.memref_squeeze %dma_start3A_259 : memref<1x128xi32, #tpu.memory_space<vmem>> -> memref<128xi32, #tpu.memory_space<vmem>>
        %dma_start3A_261 = arith.constant 0 : i32
        %dma_start3A_262 = arith.constant 0 : i32
        %dma_start3A_263 = tpu.memref_slice %arg10[%dma_start3A_261, %dma_start3A_262] : memref<12160x32xf32, #tpu.memory_space<vmem_shared>> -> memref<12160x32xf32, #tpu.memory_space<vmem_shared>>
        tpu.enqueue_indirect_dma source(%dma_start3A_253 : memref<128x32xf32, #tpu.memory_space<vmem>>) target(%dma_start3A_263 : memref<12160x32xf32, #tpu.memory_space<vmem_shared>>) offsets(%dma_start3A_260 : memref<128xi32, #tpu.memory_space<vmem>>) semaphore(%run_scoped3A_250 : memref<!tpu.dma_semaphore, #tpu.memory_space<semaphore_mem>>) {add = true}
        %dma_wait3A_264 = arith.constant 256 : i32
        %dma_wait3A_265 = arith.constant 0 : i32
        %dma_wait3A_266 = tpu.memref_slice %arg9[%dma_wait3A_264, %dma_wait3A_265] : memref<2048x32xf32, #tpu.memory_space<vmem>> -> memref<128x32xf32, #tpu.memory_space<vmem>>
        %dma_wait3A_267 = arith.constant 0 : i32
        %dma_wait3A_268 = arith.constant 0 : i32
        %dma_wait3A_269 = tpu.memref_slice %arg8[%scan3A_20, %dma_wait3A_267, %dma_wait3A_268] : memref<10x8x128xi32, #tpu.memory_space<vmem>> -> memref<1x8x128xi32, #tpu.memory_space<vmem>>
        %dma_wait3A_270 = tpu.memref_squeeze %dma_wait3A_269 : memref<1x8x128xi32, #tpu.memory_space<vmem>> -> memref<8x128xi32, #tpu.memory_space<vmem>>
        %dma_wait3A_271 = arith.constant 0 : i32
        %dma_wait3A_272 = tpu.memref_slice %dma_wait3A_270[%run_scoped3A_244, %dma_wait3A_271] : memref<8x128xi32, #tpu.memory_space<vmem>> -> memref<1x128xi32, #tpu.memory_space<vmem>>
        %dma_wait3A_273 = tpu.memref_squeeze %dma_wait3A_272 : memref<1x128xi32, #tpu.memory_space<vmem>> -> memref<128xi32, #tpu.memory_space<vmem>>
        %dma_wait3A_274 = arith.constant 0 : i32
        %dma_wait3A_275 = arith.constant 0 : i32
        %dma_wait3A_276 = tpu.memref_slice %arg10[%dma_wait3A_274, %dma_wait3A_275] : memref<12160x32xf32, #tpu.memory_space<vmem_shared>> -> memref<12160x32xf32, #tpu.memory_space<vmem_shared>>
        tpu.wait_indirect_dma semaphore(%run_scoped3A_250 : memref<!tpu.dma_semaphore, #tpu.memory_space<semaphore_mem>>) src(%dma_wait3A_266 : memref<128x32xf32, #tpu.memory_space<vmem>>) dst(%dma_wait3A_276 : memref<12160x32xf32, #tpu.memory_space<vmem_shared>>)
        tpu.yield
      }) : () -> ()
      %run_scoped3A_245 = arith.constant 3 : i32
      "tpu.region"() ({
        %run_scoped3A_250 = tpu.sem_alloc : memref<!tpu.dma_semaphore, #tpu.memory_space<semaphore_mem>>
        %dma_start3A_251 = arith.constant 384 : i32
        %dma_start3A_252 = arith.constant 0 : i32
        %dma_start3A_253 = tpu.memref_slice %arg9[%dma_start3A_251, %dma_start3A_252] : memref<2048x32xf32, #tpu.memory_space<vmem>> -> memref<128x32xf32, #tpu.memory_space<vmem>>
        %dma_start3A_254 = arith.constant 0 : i32
        %dma_start3A_255 = arith.constant 0 : i32
        %dma_start3A_256 = tpu.memref_slice %arg8[%scan3A_20, %dma_start3A_254, %dma_start3A_255] : memref<10x8x128xi32, #tpu.memory_space<vmem>> -> memref<1x8x128xi32, #tpu.memory_space<vmem>>
        %dma_start3A_257 = tpu.memref_squeeze %dma_start3A_256 : memref<1x8x128xi32, #tpu.memory_space<vmem>> -> memref<8x128xi32, #tpu.memory_space<vmem>>
        %dma_start3A_258 = arith.constant 0 : i32
        %dma_start3A_259 = tpu.memref_slice %dma_start3A_257[%run_scoped3A_245, %dma_start3A_258] : memref<8x128xi32, #tpu.memory_space<vmem>> -> memref<1x128xi32, #tpu.memory_space<vmem>>
        %dma_start3A_260 = tpu.memref_squeeze %dma_start3A_259 : memref<1x128xi32, #tpu.memory_space<vmem>> -> memref<128xi32, #tpu.memory_space<vmem>>
        %dma_start3A_261 = arith.constant 0 : i32
        %dma_start3A_262 = arith.constant 0 : i32
        %dma_start3A_263 = tpu.memref_slice %arg10[%dma_start3A_261, %dma_start3A_262] : memref<12160x32xf32, #tpu.memory_space<vmem_shared>> -> memref<12160x32xf32, #tpu.memory_space<vmem_shared>>
        tpu.enqueue_indirect_dma source(%dma_start3A_253 : memref<128x32xf32, #tpu.memory_space<vmem>>) target(%dma_start3A_263 : memref<12160x32xf32, #tpu.memory_space<vmem_shared>>) offsets(%dma_start3A_260 : memref<128xi32, #tpu.memory_space<vmem>>) semaphore(%run_scoped3A_250 : memref<!tpu.dma_semaphore, #tpu.memory_space<semaphore_mem>>) {add = true}
        %dma_wait3A_264 = arith.constant 384 : i32
        %dma_wait3A_265 = arith.constant 0 : i32
        %dma_wait3A_266 = tpu.memref_slice %arg9[%dma_wait3A_264, %dma_wait3A_265] : memref<2048x32xf32, #tpu.memory_space<vmem>> -> memref<128x32xf32, #tpu.memory_space<vmem>>
        %dma_wait3A_267 = arith.constant 0 : i32
        %dma_wait3A_268 = arith.constant 0 : i32
        %dma_wait3A_269 = tpu.memref_slice %arg8[%scan3A_20, %dma_wait3A_267, %dma_wait3A_268] : memref<10x8x128xi32, #tpu.memory_space<vmem>> -> memref<1x8x128xi32, #tpu.memory_space<vmem>>
        %dma_wait3A_270 = tpu.memref_squeeze %dma_wait3A_269 : memref<1x8x128xi32, #tpu.memory_space<vmem>> -> memref<8x128xi32, #tpu.memory_space<vmem>>
        %dma_wait3A_271 = arith.constant 0 : i32
        %dma_wait3A_272 = tpu.memref_slice %dma_wait3A_270[%run_scoped3A_245, %dma_wait3A_271] : memref<8x128xi32, #tpu.memory_space<vmem>> -> memref<1x128xi32, #tpu.memory_space<vmem>>
        %dma_wait3A_273 = tpu.memref_squeeze %dma_wait3A_272 : memref<1x128xi32, #tpu.memory_space<vmem>> -> memref<128xi32, #tpu.memory_space<vmem>>
        %dma_wait3A_274 = arith.constant 0 : i32
        %dma_wait3A_275 = arith.constant 0 : i32
        %dma_wait3A_276 = tpu.memref_slice %arg10[%dma_wait3A_274, %dma_wait3A_275] : memref<12160x32xf32, #tpu.memory_space<vmem_shared>> -> memref<12160x32xf32, #tpu.memory_space<vmem_shared>>
        tpu.wait_indirect_dma semaphore(%run_scoped3A_250 : memref<!tpu.dma_semaphore, #tpu.memory_space<semaphore_mem>>) src(%dma_wait3A_266 : memref<128x32xf32, #tpu.memory_space<vmem>>) dst(%dma_wait3A_276 : memref<12160x32xf32, #tpu.memory_space<vmem_shared>>)
        tpu.yield
      }) : () -> ()
      %run_scoped3A_246 = arith.constant 4 : i32
      "tpu.region"() ({
        %run_scoped3A_250 = tpu.sem_alloc : memref<!tpu.dma_semaphore, #tpu.memory_space<semaphore_mem>>
        %dma_start3A_251 = arith.constant 512 : i32
        %dma_start3A_252 = arith.constant 0 : i32
        %dma_start3A_253 = tpu.memref_slice %arg9[%dma_start3A_251, %dma_start3A_252] : memref<2048x32xf32, #tpu.memory_space<vmem>> -> memref<128x32xf32, #tpu.memory_space<vmem>>
        %dma_start3A_254 = arith.constant 0 : i32
        %dma_start3A_255 = arith.constant 0 : i32
        %dma_start3A_256 = tpu.memref_slice %arg8[%scan3A_20, %dma_start3A_254, %dma_start3A_255] : memref<10x8x128xi32, #tpu.memory_space<vmem>> -> memref<1x8x128xi32, #tpu.memory_space<vmem>>
        %dma_start3A_257 = tpu.memref_squeeze %dma_start3A_256 : memref<1x8x128xi32, #tpu.memory_space<vmem>> -> memref<8x128xi32, #tpu.memory_space<vmem>>
        %dma_start3A_258 = arith.constant 0 : i32
        %dma_start3A_259 = tpu.memref_slice %dma_start3A_257[%run_scoped3A_246, %dma_start3A_258] : memref<8x128xi32, #tpu.memory_space<vmem>> -> memref<1x128xi32, #tpu.memory_space<vmem>>
        %dma_start3A_260 = tpu.memref_squeeze %dma_start3A_259 : memref<1x128xi32, #tpu.memory_space<vmem>> -> memref<128xi32, #tpu.memory_space<vmem>>
        %dma_start3A_261 = arith.constant 0 : i32
        %dma_start3A_262 = arith.constant 0 : i32
        %dma_start3A_263 = tpu.memref_slice %arg10[%dma_start3A_261, %dma_start3A_262] : memref<12160x32xf32, #tpu.memory_space<vmem_shared>> -> memref<12160x32xf32, #tpu.memory_space<vmem_shared>>
        tpu.enqueue_indirect_dma source(%dma_start3A_253 : memref<128x32xf32, #tpu.memory_space<vmem>>) target(%dma_start3A_263 : memref<12160x32xf32, #tpu.memory_space<vmem_shared>>) offsets(%dma_start3A_260 : memref<128xi32, #tpu.memory_space<vmem>>) semaphore(%run_scoped3A_250 : memref<!tpu.dma_semaphore, #tpu.memory_space<semaphore_mem>>) {add = true}
        %dma_wait3A_264 = arith.constant 512 : i32
        %dma_wait3A_265 = arith.constant 0 : i32
        %dma_wait3A_266 = tpu.memref_slice %arg9[%dma_wait3A_264, %dma_wait3A_265] : memref<2048x32xf32, #tpu.memory_space<vmem>> -> memref<128x32xf32, #tpu.memory_space<vmem>>
        %dma_wait3A_267 = arith.constant 0 : i32
        %dma_wait3A_268 = arith.constant 0 : i32
        %dma_wait3A_269 = tpu.memref_slice %arg8[%scan3A_20, %dma_wait3A_267, %dma_wait3A_268] : memref<10x8x128xi32, #tpu.memory_space<vmem>> -> memref<1x8x128xi32, #tpu.memory_space<vmem>>
        %dma_wait3A_270 = tpu.memref_squeeze %dma_wait3A_269 : memref<1x8x128xi32, #tpu.memory_space<vmem>> -> memref<8x128xi32, #tpu.memory_space<vmem>>
        %dma_wait3A_271 = arith.constant 0 : i32
        %dma_wait3A_272 = tpu.memref_slice %dma_wait3A_270[%run_scoped3A_246, %dma_wait3A_271] : memref<8x128xi32, #tpu.memory_space<vmem>> -> memref<1x128xi32, #tpu.memory_space<vmem>>
        %dma_wait3A_273 = tpu.memref_squeeze %dma_wait3A_272 : memref<1x128xi32, #tpu.memory_space<vmem>> -> memref<128xi32, #tpu.memory_space<vmem>>
        %dma_wait3A_274 = arith.constant 0 : i32
        %dma_wait3A_275 = arith.constant 0 : i32
        %dma_wait3A_276 = tpu.memref_slice %arg10[%dma_wait3A_274, %dma_wait3A_275] : memref<12160x32xf32, #tpu.memory_space<vmem_shared>> -> memref<12160x32xf32, #tpu.memory_space<vmem_shared>>
        tpu.wait_indirect_dma semaphore(%run_scoped3A_250 : memref<!tpu.dma_semaphore, #tpu.memory_space<semaphore_mem>>) src(%dma_wait3A_266 : memref<128x32xf32, #tpu.memory_space<vmem>>) dst(%dma_wait3A_276 : memref<12160x32xf32, #tpu.memory_space<vmem_shared>>)
        tpu.yield
      }) : () -> ()
      %run_scoped3A_247 = arith.constant 5 : i32
      "tpu.region"() ({
        %run_scoped3A_250 = tpu.sem_alloc : memref<!tpu.dma_semaphore, #tpu.memory_space<semaphore_mem>>
        %dma_start3A_251 = arith.constant 640 : i32
        %dma_start3A_252 = arith.constant 0 : i32
        %dma_start3A_253 = tpu.memref_slice %arg9[%dma_start3A_251, %dma_start3A_252] : memref<2048x32xf32, #tpu.memory_space<vmem>> -> memref<128x32xf32, #tpu.memory_space<vmem>>
        %dma_start3A_254 = arith.constant 0 : i32
        %dma_start3A_255 = arith.constant 0 : i32
        %dma_start3A_256 = tpu.memref_slice %arg8[%scan3A_20, %dma_start3A_254, %dma_start3A_255] : memref<10x8x128xi32, #tpu.memory_space<vmem>> -> memref<1x8x128xi32, #tpu.memory_space<vmem>>
        %dma_start3A_257 = tpu.memref_squeeze %dma_start3A_256 : memref<1x8x128xi32, #tpu.memory_space<vmem>> -> memref<8x128xi32, #tpu.memory_space<vmem>>
        %dma_start3A_258 = arith.constant 0 : i32
        %dma_start3A_259 = tpu.memref_slice %dma_start3A_257[%run_scoped3A_247, %dma_start3A_258] : memref<8x128xi32, #tpu.memory_space<vmem>> -> memref<1x128xi32, #tpu.memory_space<vmem>>
        %dma_start3A_260 = tpu.memref_squeeze %dma_start3A_259 : memref<1x128xi32, #tpu.memory_space<vmem>> -> memref<128xi32, #tpu.memory_space<vmem>>
        %dma_start3A_261 = arith.constant 0 : i32
        %dma_start3A_262 = arith.constant 0 : i32
        %dma_start3A_263 = tpu.memref_slice %arg10[%dma_start3A_261, %dma_start3A_262] : memref<12160x32xf32, #tpu.memory_space<vmem_shared>> -> memref<12160x32xf32, #tpu.memory_space<vmem_shared>>
        tpu.enqueue_indirect_dma source(%dma_start3A_253 : memref<128x32xf32, #tpu.memory_space<vmem>>) target(%dma_start3A_263 : memref<12160x32xf32, #tpu.memory_space<vmem_shared>>) offsets(%dma_start3A_260 : memref<128xi32, #tpu.memory_space<vmem>>) semaphore(%run_scoped3A_250 : memref<!tpu.dma_semaphore, #tpu.memory_space<semaphore_mem>>) {add = true}
        %dma_wait3A_264 = arith.constant 640 : i32
        %dma_wait3A_265 = arith.constant 0 : i32
        %dma_wait3A_266 = tpu.memref_slice %arg9[%dma_wait3A_264, %dma_wait3A_265] : memref<2048x32xf32, #tpu.memory_space<vmem>> -> memref<128x32xf32, #tpu.memory_space<vmem>>
        %dma_wait3A_267 = arith.constant 0 : i32
        %dma_wait3A_268 = arith.constant 0 : i32
        %dma_wait3A_269 = tpu.memref_slice %arg8[%scan3A_20, %dma_wait3A_267, %dma_wait3A_268] : memref<10x8x128xi32, #tpu.memory_space<vmem>> -> memref<1x8x128xi32, #tpu.memory_space<vmem>>
        %dma_wait3A_270 = tpu.memref_squeeze %dma_wait3A_269 : memref<1x8x128xi32, #tpu.memory_space<vmem>> -> memref<8x128xi32, #tpu.memory_space<vmem>>
        %dma_wait3A_271 = arith.constant 0 : i32
        %dma_wait3A_272 = tpu.memref_slice %dma_wait3A_270[%run_scoped3A_247, %dma_wait3A_271] : memref<8x128xi32, #tpu.memory_space<vmem>> -> memref<1x128xi32, #tpu.memory_space<vmem>>
        %dma_wait3A_273 = tpu.memref_squeeze %dma_wait3A_272 : memref<1x128xi32, #tpu.memory_space<vmem>> -> memref<128xi32, #tpu.memory_space<vmem>>
        %dma_wait3A_274 = arith.constant 0 : i32
        %dma_wait3A_275 = arith.constant 0 : i32
        %dma_wait3A_276 = tpu.memref_slice %arg10[%dma_wait3A_274, %dma_wait3A_275] : memref<12160x32xf32, #tpu.memory_space<vmem_shared>> -> memref<12160x32xf32, #tpu.memory_space<vmem_shared>>
        tpu.wait_indirect_dma semaphore(%run_scoped3A_250 : memref<!tpu.dma_semaphore, #tpu.memory_space<semaphore_mem>>) src(%dma_wait3A_266 : memref<128x32xf32, #tpu.memory_space<vmem>>) dst(%dma_wait3A_276 : memref<12160x32xf32, #tpu.memory_space<vmem_shared>>)
        tpu.yield
      }) : () -> ()
      %run_scoped3A_248 = arith.constant 6 : i32
      "tpu.region"() ({
        %run_scoped3A_250 = tpu.sem_alloc : memref<!tpu.dma_semaphore, #tpu.memory_space<semaphore_mem>>
        %dma_start3A_251 = arith.constant 768 : i32
        %dma_start3A_252 = arith.constant 0 : i32
        %dma_start3A_253 = tpu.memref_slice %arg9[%dma_start3A_251, %dma_start3A_252] : memref<2048x32xf32, #tpu.memory_space<vmem>> -> memref<128x32xf32, #tpu.memory_space<vmem>>
        %dma_start3A_254 = arith.constant 0 : i32
        %dma_start3A_255 = arith.constant 0 : i32
        %dma_start3A_256 = tpu.memref_slice %arg8[%scan3A_20, %dma_start3A_254, %dma_start3A_255] : memref<10x8x128xi32, #tpu.memory_space<vmem>> -> memref<1x8x128xi32, #tpu.memory_space<vmem>>
        %dma_start3A_257 = tpu.memref_squeeze %dma_start3A_256 : memref<1x8x128xi32, #tpu.memory_space<vmem>> -> memref<8x128xi32, #tpu.memory_space<vmem>>
        %dma_start3A_258 = arith.constant 0 : i32
        %dma_start3A_259 = tpu.memref_slice %dma_start3A_257[%run_scoped3A_248, %dma_start3A_258] : memref<8x128xi32, #tpu.memory_space<vmem>> -> memref<1x128xi32, #tpu.memory_space<vmem>>
        %dma_start3A_260 = tpu.memref_squeeze %dma_start3A_259 : memref<1x128xi32, #tpu.memory_space<vmem>> -> memref<128xi32, #tpu.memory_space<vmem>>
        %dma_start3A_261 = arith.constant 0 : i32
        %dma_start3A_262 = arith.constant 0 : i32
        %dma_start3A_263 = tpu.memref_slice %arg10[%dma_start3A_261, %dma_start3A_262] : memref<12160x32xf32, #tpu.memory_space<vmem_shared>> -> memref<12160x32xf32, #tpu.memory_space<vmem_shared>>
        tpu.enqueue_indirect_dma source(%dma_start3A_253 : memref<128x32xf32, #tpu.memory_space<vmem>>) target(%dma_start3A_263 : memref<12160x32xf32, #tpu.memory_space<vmem_shared>>) offsets(%dma_start3A_260 : memref<128xi32, #tpu.memory_space<vmem>>) semaphore(%run_scoped3A_250 : memref<!tpu.dma_semaphore, #tpu.memory_space<semaphore_mem>>) {add = true}
        %dma_wait3A_264 = arith.constant 768 : i32
        %dma_wait3A_265 = arith.constant 0 : i32
        %dma_wait3A_266 = tpu.memref_slice %arg9[%dma_wait3A_264, %dma_wait3A_265] : memref<2048x32xf32, #tpu.memory_space<vmem>> -> memref<128x32xf32, #tpu.memory_space<vmem>>
        %dma_wait3A_267 = arith.constant 0 : i32
        %dma_wait3A_268 = arith.constant 0 : i32
        %dma_wait3A_269 = tpu.memref_slice %arg8[%scan3A_20, %dma_wait3A_267, %dma_wait3A_268] : memref<10x8x128xi32, #tpu.memory_space<vmem>> -> memref<1x8x128xi32, #tpu.memory_space<vmem>>
        %dma_wait3A_270 = tpu.memref_squeeze %dma_wait3A_269 : memref<1x8x128xi32, #tpu.memory_space<vmem>> -> memref<8x128xi32, #tpu.memory_space<vmem>>
        %dma_wait3A_271 = arith.constant 0 : i32
        %dma_wait3A_272 = tpu.memref_slice %dma_wait3A_270[%run_scoped3A_248, %dma_wait3A_271] : memref<8x128xi32, #tpu.memory_space<vmem>> -> memref<1x128xi32, #tpu.memory_space<vmem>>
        %dma_wait3A_273 = tpu.memref_squeeze %dma_wait3A_272 : memref<1x128xi32, #tpu.memory_space<vmem>> -> memref<128xi32, #tpu.memory_space<vmem>>
        %dma_wait3A_274 = arith.constant 0 : i32
        %dma_wait3A_275 = arith.constant 0 : i32
        %dma_wait3A_276 = tpu.memref_slice %arg10[%dma_wait3A_274, %dma_wait3A_275] : memref<12160x32xf32, #tpu.memory_space<vmem_shared>> -> memref<12160x32xf32, #tpu.memory_space<vmem_shared>>
        tpu.wait_indirect_dma semaphore(%run_scoped3A_250 : memref<!tpu.dma_semaphore, #tpu.memory_space<semaphore_mem>>) src(%dma_wait3A_266 : memref<128x32xf32, #tpu.memory_space<vmem>>) dst(%dma_wait3A_276 : memref<12160x32xf32, #tpu.memory_space<vmem_shared>>)
        tpu.yield
      }) : () -> ()
      %run_scoped3A_249 = arith.constant 7 : i32
      "tpu.region"() ({
        %run_scoped3A_250 = tpu.sem_alloc : memref<!tpu.dma_semaphore, #tpu.memory_space<semaphore_mem>>
        %dma_start3A_251 = arith.constant 896 : i32
        %dma_start3A_252 = arith.constant 0 : i32
        %dma_start3A_253 = tpu.memref_slice %arg9[%dma_start3A_251, %dma_start3A_252] : memref<2048x32xf32, #tpu.memory_space<vmem>> -> memref<128x32xf32, #tpu.memory_space<vmem>>
        %dma_start3A_254 = arith.constant 0 : i32
        %dma_start3A_255 = arith.constant 0 : i32
        %dma_start3A_256 = tpu.memref_slice %arg8[%scan3A_20, %dma_start3A_254, %dma_start3A_255] : memref<10x8x128xi32, #tpu.memory_space<vmem>> -> memref<1x8x128xi32, #tpu.memory_space<vmem>>
        %dma_start3A_257 = tpu.memref_squeeze %dma_start3A_256 : memref<1x8x128xi32, #tpu.memory_space<vmem>> -> memref<8x128xi32, #tpu.memory_space<vmem>>
        %dma_start3A_258 = arith.constant 0 : i32
        %dma_start3A_259 = tpu.memref_slice %dma_start3A_257[%run_scoped3A_249, %dma_start3A_258] : memref<8x128xi32, #tpu.memory_space<vmem>> -> memref<1x128xi32, #tpu.memory_space<vmem>>
        %dma_start3A_260 = tpu.memref_squeeze %dma_start3A_259 : memref<1x128xi32, #tpu.memory_space<vmem>> -> memref<128xi32, #tpu.memory_space<vmem>>
        %dma_start3A_261 = arith.constant 0 : i32
        %dma_start3A_262 = arith.constant 0 : i32
        %dma_start3A_263 = tpu.memref_slice %arg10[%dma_start3A_261, %dma_start3A_262] : memref<12160x32xf32, #tpu.memory_space<vmem_shared>> -> memref<12160x32xf32, #tpu.memory_space<vmem_shared>>
        tpu.enqueue_indirect_dma source(%dma_start3A_253 : memref<128x32xf32, #tpu.memory_space<vmem>>) target(%dma_start3A_263 : memref<12160x32xf32, #tpu.memory_space<vmem_shared>>) offsets(%dma_start3A_260 : memref<128xi32, #tpu.memory_space<vmem>>) semaphore(%run_scoped3A_250 : memref<!tpu.dma_semaphore, #tpu.memory_space<semaphore_mem>>) {add = true}
        %dma_wait3A_264 = arith.constant 896 : i32
        %dma_wait3A_265 = arith.constant 0 : i32
        %dma_wait3A_266 = tpu.memref_slice %arg9[%dma_wait3A_264, %dma_wait3A_265] : memref<2048x32xf32, #tpu.memory_space<vmem>> -> memref<128x32xf32, #tpu.memory_space<vmem>>
        %dma_wait3A_267 = arith.constant 0 : i32
        %dma_wait3A_268 = arith.constant 0 : i32
        %dma_wait3A_269 = tpu.memref_slice %arg8[%scan3A_20, %dma_wait3A_267, %dma_wait3A_268] : memref<10x8x128xi32, #tpu.memory_space<vmem>> -> memref<1x8x128xi32, #tpu.memory_space<vmem>>
        %dma_wait3A_270 = tpu.memref_squeeze %dma_wait3A_269 : memref<1x8x128xi32, #tpu.memory_space<vmem>> -> memref<8x128xi32, #tpu.memory_space<vmem>>
        %dma_wait3A_271 = arith.constant 0 : i32
        %dma_wait3A_272 = tpu.memref_slice %dma_wait3A_270[%run_scoped3A_249, %dma_wait3A_271] : memref<8x128xi32, #tpu.memory_space<vmem>> -> memref<1x128xi32, #tpu.memory_space<vmem>>
        %dma_wait3A_273 = tpu.memref_squeeze %dma_wait3A_272 : memref<1x128xi32, #tpu.memory_space<vmem>> -> memref<128xi32, #tpu.memory_space<vmem>>
        %dma_wait3A_274 = arith.constant 0 : i32
        %dma_wait3A_275 = arith.constant 0 : i32
        %dma_wait3A_276 = tpu.memref_slice %arg10[%dma_wait3A_274, %dma_wait3A_275] : memref<12160x32xf32, #tpu.memory_space<vmem_shared>> -> memref<12160x32xf32, #tpu.memory_space<vmem_shared>>
        tpu.wait_indirect_dma semaphore(%run_scoped3A_250 : memref<!tpu.dma_semaphore, #tpu.memory_space<semaphore_mem>>) src(%dma_wait3A_266 : memref<128x32xf32, #tpu.memory_space<vmem>>) dst(%dma_wait3A_276 : memref<12160x32xf32, #tpu.memory_space<vmem_shared>>)
        tpu.yield
      }) : () -> ()
    }
    %scan3A_11 = arith.constant 10 : i32
    %barrier3A_12 = arith.constant 0 : index
    tpu.barrier barrier_id(%barrier3A_12)
    %mul3A_13 = arith.constant 760 : i32
    %mul3A_14 = arith.muli %arg1, %mul3A_13 : i32
    %mul3A_15 = arith.constant 16 : i32
    %mul3A_16 = arith.muli %arg0, %mul3A_15 : i32
    %add3A_17 = arith.addi %mul3A_16, %arg1 : i32
    %mul3A_18 = arith.constant 760 : i32
    %mul3A_19 = arith.muli %add3A_17, %mul3A_18 : i32
    "tpu.region"() ({
      %run_scoped3A = tpu.sem_alloc : memref<!tpu.dma_semaphore, #tpu.memory_space<semaphore_mem>>
      %dma_start3A = arith.constant 0 : i32
      %dma_start3A_20 = tpu.memref_slice %arg6[%mul3A_19, %dma_start3A] : memref<24320x32xf32, #tpu.memory_space<hbm>> -> memref<760x32xf32, #tpu.memory_space<hbm>>
      %dma_start3A_21 = arith.constant 0 : i32
      %dma_start3A_22 = tpu.memref_slice %arg10[%mul3A_14, %dma_start3A_21] : memref<12160x32xf32, #tpu.memory_space<vmem_shared>> -> memref<760x32xf32, #tpu.memory_space<vmem_shared>>
      tpu.enqueue_dma source(%dma_start3A_22 : memref<760x32xf32, #tpu.memory_space<vmem_shared>>) target(%dma_start3A_20 : memref<760x32xf32, #tpu.memory_space<hbm>>) target_semaphore(%run_scoped3A : memref<!tpu.dma_semaphore, #tpu.memory_space<semaphore_mem>>)
      %dma_wait3A = arith.constant 0 : i32
      %dma_wait3A_23 = tpu.memref_slice %arg6[%mul3A_19, %dma_wait3A] : memref<24320x32xf32, #tpu.memory_space<hbm>> -> memref<760x32xf32, #tpu.memory_space<hbm>>
      %dma_wait3A_24 = arith.constant 0 : i32
      %dma_wait3A_25 = tpu.memref_slice %arg10[%mul3A_14, %dma_wait3A_24] : memref<12160x32xf32, #tpu.memory_space<vmem_shared>> -> memref<760x32xf32, #tpu.memory_space<vmem_shared>>
      tpu.wait_dma2 semaphore(%run_scoped3A : memref<!tpu.dma_semaphore, #tpu.memory_space<semaphore_mem>>) src(%dma_wait3A_25 : memref<760x32xf32, #tpu.memory_space<vmem_shared>>) dst(%dma_wait3A_23 : memref<760x32xf32, #tpu.memory_space<hbm>>)
      tpu.yield
    }) : () -> ()
    return
  }
}

#map = affine_map<(d0, d1) -> (0, 0, 0)>
#map1 = affine_map<(d0, d1) -> (0, 0)>
module attributes {stable_mosaic.version = 14 : i64} {
  func.func @_sc_spmv_body(%arg0: i32, %arg1: i32, %arg2: memref<320x8x128xi32, #tpu.memory_space<hbm>>, %arg3: memref<320x8x128xi32, #tpu.memory_space<hbm>>, %arg4: memref<10000x32xf32, #tpu.memory_space<hbm>>, %arg5: memref<760x32xf32, #tpu.memory_space<hbm>>, %arg6: memref<24320x32xf32, #tpu.memory_space<hbm>>, %arg7: memref<10x8x128xi32, #tpu.memory_space<vmem>>, %arg8: memref<10x8x128xi32, #tpu.memory_space<vmem>>, %arg9: memref<2048x32xf32, #tpu.memory_space<vmem>>, %arg10: memref<12160x32xf32, #tpu.memory_space<vmem_shared>>, %arg11: memref<!tpu.dma_semaphore, #tpu.memory_space<semaphore_mem>>, %arg12: memref<!tpu.dma_semaphore, #tpu.memory_space<semaphore_mem>>) attributes {dimension_semantics = [#tpu.dimension_semantics<core_parallel>, #tpu.dimension_semantics<subcore_parallel>], iteration_bounds = array<i64: 2, 16>, scalar_prefetch = 0 : i64, scratch_operands = 6 : i64, tpu.core_type = #tpu.core_type<sc_vector_subcore>, window_params = [{transform_indices = #map}, {transform_indices = #map}, {transform_indices = #map1}, {transform_indices = #map1}, {transform_indices = #map1}]} {
    %mul3A = arith.constant 16 : i32
    %mul3A_0 = arith.muli %arg0, %mul3A : i32
    %add3A = arith.addi %mul3A_0, %arg1 : i32
    %mul3A_1 = arith.constant 760 : i32
    %mul3A_2 = arith.muli %arg1, %mul3A_1 : i32
    "tpu.region"() ({
      %run_scoped3A = tpu.sem_alloc : memref<!tpu.dma_semaphore, #tpu.memory_space<semaphore_mem>>
      %dma_start3A = arith.constant 0 : i32
      %dma_start3A_20 = tpu.memref_slice %arg10[%mul3A_2, %dma_start3A] : memref<12160x32xf32, #tpu.memory_space<vmem_shared>> -> memref<760x32xf32, #tpu.memory_space<vmem_shared>>
      tpu.enqueue_dma source(%arg5 : memref<760x32xf32, #tpu.memory_space<hbm>>) target(%dma_start3A_20 : memref<760x32xf32, #tpu.memory_space<vmem_shared>>) target_semaphore(%run_scoped3A : memref<!tpu.dma_semaphore, #tpu.memory_space<semaphore_mem>>)
      %dma_wait3A = arith.constant 0 : i32
      %dma_wait3A_21 = tpu.memref_slice %arg10[%mul3A_2, %dma_wait3A] : memref<12160x32xf32, #tpu.memory_space<vmem_shared>> -> memref<760x32xf32, #tpu.memory_space<vmem_shared>>
      tpu.wait_dma2 semaphore(%run_scoped3A : memref<!tpu.dma_semaphore, #tpu.memory_space<semaphore_mem>>) src(%arg5 : memref<760x32xf32, #tpu.memory_space<hbm>>) dst(%dma_wait3A_21 : memref<760x32xf32, #tpu.memory_space<vmem_shared>>)
      tpu.yield
    }) : () -> ()
    %mul3A_3 = arith.constant 10 : i32
    %mul3A_4 = arith.muli %add3A, %mul3A_3 : i32
    "tpu.region"() ({
      %run_scoped3A = tpu.sem_alloc : memref<!tpu.dma_semaphore, #tpu.memory_space<semaphore_mem>>
      %dma_start3A = arith.constant 0 : i32
      %dma_start3A_20 = arith.constant 0 : i32
      %dma_start3A_21 = tpu.memref_slice %arg2[%mul3A_4, %dma_start3A, %dma_start3A_20] : memref<320x8x128xi32, #tpu.memory_space<hbm>> -> memref<10x8x128xi32, #tpu.memory_space<hbm>>
      %dma_start3A_22 = arith.constant 0 : i32
      %dma_start3A_23 = arith.constant 0 : i32
      %dma_start3A_24 = tpu.memref_slice %arg2[%mul3A_4, %dma_start3A_22, %dma_start3A_23] : memref<320x8x128xi32, #tpu.memory_space<hbm>> -> memref<10x8x128xi32, #tpu.memory_space<hbm>>
      tpu.enqueue_dma source(%dma_start3A_24 : memref<10x8x128xi32, #tpu.memory_space<hbm>>) target(%arg7 : memref<10x8x128xi32, #tpu.memory_space<vmem>>) target_semaphore(%run_scoped3A : memref<!tpu.dma_semaphore, #tpu.memory_space<semaphore_mem>>)
      %dma_wait3A = arith.constant 0 : i32
      %dma_wait3A_25 = arith.constant 0 : i32
      %dma_wait3A_26 = tpu.memref_slice %arg2[%mul3A_4, %dma_wait3A, %dma_wait3A_25] : memref<320x8x128xi32, #tpu.memory_space<hbm>> -> memref<10x8x128xi32, #tpu.memory_space<hbm>>
      %dma_wait3A_27 = arith.constant 0 : i32
      %dma_wait3A_28 = arith.constant 0 : i32
      %dma_wait3A_29 = tpu.memref_slice %arg2[%mul3A_4, %dma_wait3A_27, %dma_wait3A_28] : memref<320x8x128xi32, #tpu.memory_space<hbm>> -> memref<10x8x128xi32, #tpu.memory_space<hbm>>
      tpu.wait_dma2 semaphore(%run_scoped3A : memref<!tpu.dma_semaphore, #tpu.memory_space<semaphore_mem>>) src(%dma_wait3A_29 : memref<10x8x128xi32, #tpu.memory_space<hbm>>) dst(%arg7 : memref<10x8x128xi32, #tpu.memory_space<vmem>>)
      tpu.yield
    }) : () -> ()
    %mul3A_5 = arith.constant 10 : i32
    %mul3A_6 = arith.muli %add3A, %mul3A_5 : i32
    "tpu.region"() ({
      %run_scoped3A = tpu.sem_alloc : memref<!tpu.dma_semaphore, #tpu.memory_space<semaphore_mem>>
      %dma_start3A = arith.constant 0 : i32
      %dma_start3A_20 = arith.constant 0 : i32
      %dma_start3A_21 = tpu.memref_slice %arg3[%mul3A_6, %dma_start3A, %dma_start3A_20] : memref<320x8x128xi32, #tpu.memory_space<hbm>> -> memref<10x8x128xi32, #tpu.memory_space<hbm>>
      %dma_start3A_22 = arith.constant 0 : i32
      %dma_start3A_23 = arith.constant 0 : i32
      %dma_start3A_24 = tpu.memref_slice %arg3[%mul3A_6, %dma_start3A_22, %dma_start3A_23] : memref<320x8x128xi32, #tpu.memory_space<hbm>> -> memref<10x8x128xi32, #tpu.memory_space<hbm>>
      tpu.enqueue_dma source(%dma_start3A_24 : memref<10x8x128xi32, #tpu.memory_space<hbm>>) target(%arg8 : memref<10x8x128xi32, #tpu.memory_space<vmem>>) target_semaphore(%run_scoped3A : memref<!tpu.dma_semaphore, #tpu.memory_space<semaphore_mem>>)
      %dma_wait3A = arith.constant 0 : i32
      %dma_wait3A_25 = arith.constant 0 : i32
      %dma_wait3A_26 = tpu.memref_slice %arg3[%mul3A_6, %dma_wait3A, %dma_wait3A_25] : memref<320x8x128xi32, #tpu.memory_space<hbm>> -> memref<10x8x128xi32, #tpu.memory_space<hbm>>
      %dma_wait3A_27 = arith.constant 0 : i32
      %dma_wait3A_28 = arith.constant 0 : i32
      %dma_wait3A_29 = tpu.memref_slice %arg3[%mul3A_6, %dma_wait3A_27, %dma_wait3A_28] : memref<320x8x128xi32, #tpu.memory_space<hbm>> -> memref<10x8x128xi32, #tpu.memory_space<hbm>>
      tpu.wait_dma2 semaphore(%run_scoped3A : memref<!tpu.dma_semaphore, #tpu.memory_space<semaphore_mem>>) src(%dma_wait3A_29 : memref<10x8x128xi32, #tpu.memory_space<hbm>>) dst(%arg8 : memref<10x8x128xi32, #tpu.memory_space<vmem>>)
      tpu.yield
    }) : () -> ()
    %barrier3A = arith.constant 0 : index
    tpu.barrier barrier_id(%barrier3A)
    %scan3A = arith.constant 0 : i32
    %scan3A_7 = arith.constant 0 : i32
    %scan3A_8 = arith.constant 10 : i32
    %scan3A_9 = arith.addi %scan3A_7, %scan3A_8 : i32
    %scan3A_10 = arith.constant 1 : i32
    scf.for %scan3A_20 = %scan3A_7 to %scan3A_9 step %scan3A_10  : i32 {
      %dma_start3A = arith.constant 0 : i32
      %dma_start3A_21 = arith.constant 0 : i32
      %dma_start3A_22 = arith.constant 0 : i32
      %dma_start3A_23 = tpu.memref_slice %arg9[%dma_start3A_21, %dma_start3A_22] : memref<2048x32xf32, #tpu.memory_space<vmem>> -> memref<128x32xf32, #tpu.memory_space<vmem>>
      %dma_start3A_24 = arith.constant 0 : i32
      %dma_start3A_25 = arith.constant 0 : i32
      %dma_start3A_26 = tpu.memref_slice %arg7[%scan3A_20, %dma_start3A_24, %dma_start3A_25] : memref<10x8x128xi32, #tpu.memory_space<vmem>> -> memref<1x8x128xi32, #tpu.memory_space<vmem>>
      %dma_start3A_27 = tpu.memref_squeeze %dma_start3A_26 : memref<1x8x128xi32, #tpu.memory_space<vmem>> -> memref<8x128xi32, #tpu.memory_space<vmem>>
      %dma_start3A_28 = arith.constant 0 : i32
      %dma_start3A_29 = tpu.memref_slice %dma_start3A_27[%dma_start3A, %dma_start3A_28] : memref<8x128xi32, #tpu.memory_space<vmem>> -> memref<1x128xi32, #tpu.memory_space<vmem>>
      %dma_start3A_30 = tpu.memref_squeeze %dma_start3A_29 : memref<1x128xi32, #tpu.memory_space<vmem>> -> memref<128xi32, #tpu.memory_space<vmem>>
      %dma_start3A_31 = arith.constant 0 : i32
      %dma_start3A_32 = arith.constant 0 : i32
      %dma_start3A_33 = tpu.memref_slice %arg4[%dma_start3A_31, %dma_start3A_32] : memref<10000x32xf32, #tpu.memory_space<hbm>> -> memref<10000x32xf32, #tpu.memory_space<hbm>>
      tpu.enqueue_indirect_dma source(%dma_start3A_33 : memref<10000x32xf32, #tpu.memory_space<hbm>>) target(%dma_start3A_23 : memref<128x32xf32, #tpu.memory_space<vmem>>) offsets(%dma_start3A_30 : memref<128xi32, #tpu.memory_space<vmem>>) semaphore(%arg11 : memref<!tpu.dma_semaphore, #tpu.memory_space<semaphore_mem>>)
      %dma_start3A_34 = arith.constant 1 : i32
      %dma_start3A_35 = arith.constant 128 : i32
      %dma_start3A_36 = arith.constant 0 : i32
      %dma_start3A_37 = tpu.memref_slice %arg9[%dma_start3A_35, %dma_start3A_36] : memref<2048x32xf32, #tpu.memory_space<vmem>> -> memref<128x32xf32, #tpu.memory_space<vmem>>
      %dma_start3A_38 = arith.constant 0 : i32
      %dma_start3A_39 = arith.constant 0 : i32
      %dma_start3A_40 = tpu.memref_slice %arg7[%scan3A_20, %dma_start3A_38, %dma_start3A_39] : memref<10x8x128xi32, #tpu.memory_space<vmem>> -> memref<1x8x128xi32, #tpu.memory_space<vmem>>
      %dma_start3A_41 = tpu.memref_squeeze %dma_start3A_40 : memref<1x8x128xi32, #tpu.memory_space<vmem>> -> memref<8x128xi32, #tpu.memory_space<vmem>>
      %dma_start3A_42 = arith.constant 0 : i32
      %dma_start3A_43 = tpu.memref_slice %dma_start3A_41[%dma_start3A_34, %dma_start3A_42] : memref<8x128xi32, #tpu.memory_space<vmem>> -> memref<1x128xi32, #tpu.memory_space<vmem>>
      %dma_start3A_44 = tpu.memref_squeeze %dma_start3A_43 : memref<1x128xi32, #tpu.memory_space<vmem>> -> memref<128xi32, #tpu.memory_space<vmem>>
      %dma_start3A_45 = arith.constant 0 : i32
      %dma_start3A_46 = arith.constant 0 : i32
      %dma_start3A_47 = tpu.memref_slice %arg4[%dma_start3A_45, %dma_start3A_46] : memref<10000x32xf32, #tpu.memory_space<hbm>> -> memref<10000x32xf32, #tpu.memory_space<hbm>>
      tpu.enqueue_indirect_dma source(%dma_start3A_47 : memref<10000x32xf32, #tpu.memory_space<hbm>>) target(%dma_start3A_37 : memref<128x32xf32, #tpu.memory_space<vmem>>) offsets(%dma_start3A_44 : memref<128xi32, #tpu.memory_space<vmem>>) semaphore(%arg11 : memref<!tpu.dma_semaphore, #tpu.memory_space<semaphore_mem>>)
      %dma_start3A_48 = arith.constant 2 : i32
      %dma_start3A_49 = arith.constant 256 : i32
      %dma_start3A_50 = arith.constant 0 : i32
      %dma_start3A_51 = tpu.memref_slice %arg9[%dma_start3A_49, %dma_start3A_50] : memref<2048x32xf32, #tpu.memory_space<vmem>> -> memref<128x32xf32, #tpu.memory_space<vmem>>
      %dma_start3A_52 = arith.constant 0 : i32
      %dma_start3A_53 = arith.constant 0 : i32
      %dma_start3A_54 = tpu.memref_slice %arg7[%scan3A_20, %dma_start3A_52, %dma_start3A_53] : memref<10x8x128xi32, #tpu.memory_space<vmem>> -> memref<1x8x128xi32, #tpu.memory_space<vmem>>
      %dma_start3A_55 = tpu.memref_squeeze %dma_start3A_54 : memref<1x8x128xi32, #tpu.memory_space<vmem>> -> memref<8x128xi32, #tpu.memory_space<vmem>>
      %dma_start3A_56 = arith.constant 0 : i32
      %dma_start3A_57 = tpu.memref_slice %dma_start3A_55[%dma_start3A_48, %dma_start3A_56] : memref<8x128xi32, #tpu.memory_space<vmem>> -> memref<1x128xi32, #tpu.memory_space<vmem>>
      %dma_start3A_58 = tpu.memref_squeeze %dma_start3A_57 : memref<1x128xi32, #tpu.memory_space<vmem>> -> memref<128xi32, #tpu.memory_space<vmem>>
      %dma_start3A_59 = arith.constant 0 : i32
      %dma_start3A_60 = arith.constant 0 : i32
      %dma_start3A_61 = tpu.memref_slice %arg4[%dma_start3A_59, %dma_start3A_60] : memref<10000x32xf32, #tpu.memory_space<hbm>> -> memref<10000x32xf32, #tpu.memory_space<hbm>>
      tpu.enqueue_indirect_dma source(%dma_start3A_61 : memref<10000x32xf32, #tpu.memory_space<hbm>>) target(%dma_start3A_51 : memref<128x32xf32, #tpu.memory_space<vmem>>) offsets(%dma_start3A_58 : memref<128xi32, #tpu.memory_space<vmem>>) semaphore(%arg11 : memref<!tpu.dma_semaphore, #tpu.memory_space<semaphore_mem>>)
      %dma_start3A_62 = arith.constant 3 : i32
      %dma_start3A_63 = arith.constant 384 : i32
      %dma_start3A_64 = arith.constant 0 : i32
      %dma_start3A_65 = tpu.memref_slice %arg9[%dma_start3A_63, %dma_start3A_64] : memref<2048x32xf32, #tpu.memory_space<vmem>> -> memref<128x32xf32, #tpu.memory_space<vmem>>
      %dma_start3A_66 = arith.constant 0 : i32
      %dma_start3A_67 = arith.constant 0 : i32
      %dma_start3A_68 = tpu.memref_slice %arg7[%scan3A_20, %dma_start3A_66, %dma_start3A_67] : memref<10x8x128xi32, #tpu.memory_space<vmem>> -> memref<1x8x128xi32, #tpu.memory_space<vmem>>
      %dma_start3A_69 = tpu.memref_squeeze %dma_start3A_68 : memref<1x8x128xi32, #tpu.memory_space<vmem>> -> memref<8x128xi32, #tpu.memory_space<vmem>>
      %dma_start3A_70 = arith.constant 0 : i32
      %dma_start3A_71 = tpu.memref_slice %dma_start3A_69[%dma_start3A_62, %dma_start3A_70] : memref<8x128xi32, #tpu.memory_space<vmem>> -> memref<1x128xi32, #tpu.memory_space<vmem>>
      %dma_start3A_72 = tpu.memref_squeeze %dma_start3A_71 : memref<1x128xi32, #tpu.memory_space<vmem>> -> memref<128xi32, #tpu.memory_space<vmem>>
      %dma_start3A_73 = arith.constant 0 : i32
      %dma_start3A_74 = arith.constant 0 : i32
      %dma_start3A_75 = tpu.memref_slice %arg4[%dma_start3A_73, %dma_start3A_74] : memref<10000x32xf32, #tpu.memory_space<hbm>> -> memref<10000x32xf32, #tpu.memory_space<hbm>>
      tpu.enqueue_indirect_dma source(%dma_start3A_75 : memref<10000x32xf32, #tpu.memory_space<hbm>>) target(%dma_start3A_65 : memref<128x32xf32, #tpu.memory_space<vmem>>) offsets(%dma_start3A_72 : memref<128xi32, #tpu.memory_space<vmem>>) semaphore(%arg11 : memref<!tpu.dma_semaphore, #tpu.memory_space<semaphore_mem>>)
      %dma_start3A_76 = arith.constant 4 : i32
      %dma_start3A_77 = arith.constant 512 : i32
      %dma_start3A_78 = arith.constant 0 : i32
      %dma_start3A_79 = tpu.memref_slice %arg9[%dma_start3A_77, %dma_start3A_78] : memref<2048x32xf32, #tpu.memory_space<vmem>> -> memref<128x32xf32, #tpu.memory_space<vmem>>
      %dma_start3A_80 = arith.constant 0 : i32
      %dma_start3A_81 = arith.constant 0 : i32
      %dma_start3A_82 = tpu.memref_slice %arg7[%scan3A_20, %dma_start3A_80, %dma_start3A_81] : memref<10x8x128xi32, #tpu.memory_space<vmem>> -> memref<1x8x128xi32, #tpu.memory_space<vmem>>
      %dma_start3A_83 = tpu.memref_squeeze %dma_start3A_82 : memref<1x8x128xi32, #tpu.memory_space<vmem>> -> memref<8x128xi32, #tpu.memory_space<vmem>>
      %dma_start3A_84 = arith.constant 0 : i32
      %dma_start3A_85 = tpu.memref_slice %dma_start3A_83[%dma_start3A_76, %dma_start3A_84] : memref<8x128xi32, #tpu.memory_space<vmem>> -> memref<1x128xi32, #tpu.memory_space<vmem>>
      %dma_start3A_86 = tpu.memref_squeeze %dma_start3A_85 : memref<1x128xi32, #tpu.memory_space<vmem>> -> memref<128xi32, #tpu.memory_space<vmem>>
      %dma_start3A_87 = arith.constant 0 : i32
      %dma_start3A_88 = arith.constant 0 : i32
      %dma_start3A_89 = tpu.memref_slice %arg4[%dma_start3A_87, %dma_start3A_88] : memref<10000x32xf32, #tpu.memory_space<hbm>> -> memref<10000x32xf32, #tpu.memory_space<hbm>>
      tpu.enqueue_indirect_dma source(%dma_start3A_89 : memref<10000x32xf32, #tpu.memory_space<hbm>>) target(%dma_start3A_79 : memref<128x32xf32, #tpu.memory_space<vmem>>) offsets(%dma_start3A_86 : memref<128xi32, #tpu.memory_space<vmem>>) semaphore(%arg11 : memref<!tpu.dma_semaphore, #tpu.memory_space<semaphore_mem>>)
      %dma_start3A_90 = arith.constant 5 : i32
      %dma_start3A_91 = arith.constant 640 : i32
      %dma_start3A_92 = arith.constant 0 : i32
      %dma_start3A_93 = tpu.memref_slice %arg9[%dma_start3A_91, %dma_start3A_92] : memref<2048x32xf32, #tpu.memory_space<vmem>> -> memref<128x32xf32, #tpu.memory_space<vmem>>
      %dma_start3A_94 = arith.constant 0 : i32
      %dma_start3A_95 = arith.constant 0 : i32
      %dma_start3A_96 = tpu.memref_slice %arg7[%scan3A_20, %dma_start3A_94, %dma_start3A_95] : memref<10x8x128xi32, #tpu.memory_space<vmem>> -> memref<1x8x128xi32, #tpu.memory_space<vmem>>
      %dma_start3A_97 = tpu.memref_squeeze %dma_start3A_96 : memref<1x8x128xi32, #tpu.memory_space<vmem>> -> memref<8x128xi32, #tpu.memory_space<vmem>>
      %dma_start3A_98 = arith.constant 0 : i32
      %dma_start3A_99 = tpu.memref_slice %dma_start3A_97[%dma_start3A_90, %dma_start3A_98] : memref<8x128xi32, #tpu.memory_space<vmem>> -> memref<1x128xi32, #tpu.memory_space<vmem>>
      %dma_start3A_100 = tpu.memref_squeeze %dma_start3A_99 : memref<1x128xi32, #tpu.memory_space<vmem>> -> memref<128xi32, #tpu.memory_space<vmem>>
      %dma_start3A_101 = arith.constant 0 : i32
      %dma_start3A_102 = arith.constant 0 : i32
      %dma_start3A_103 = tpu.memref_slice %arg4[%dma_start3A_101, %dma_start3A_102] : memref<10000x32xf32, #tpu.memory_space<hbm>> -> memref<10000x32xf32, #tpu.memory_space<hbm>>
      tpu.enqueue_indirect_dma source(%dma_start3A_103 : memref<10000x32xf32, #tpu.memory_space<hbm>>) target(%dma_start3A_93 : memref<128x32xf32, #tpu.memory_space<vmem>>) offsets(%dma_start3A_100 : memref<128xi32, #tpu.memory_space<vmem>>) semaphore(%arg11 : memref<!tpu.dma_semaphore, #tpu.memory_space<semaphore_mem>>)
      %dma_start3A_104 = arith.constant 6 : i32
      %dma_start3A_105 = arith.constant 768 : i32
      %dma_start3A_106 = arith.constant 0 : i32
      %dma_start3A_107 = tpu.memref_slice %arg9[%dma_start3A_105, %dma_start3A_106] : memref<2048x32xf32, #tpu.memory_space<vmem>> -> memref<128x32xf32, #tpu.memory_space<vmem>>
      %dma_start3A_108 = arith.constant 0 : i32
      %dma_start3A_109 = arith.constant 0 : i32
      %dma_start3A_110 = tpu.memref_slice %arg7[%scan3A_20, %dma_start3A_108, %dma_start3A_109] : memref<10x8x128xi32, #tpu.memory_space<vmem>> -> memref<1x8x128xi32, #tpu.memory_space<vmem>>
      %dma_start3A_111 = tpu.memref_squeeze %dma_start3A_110 : memref<1x8x128xi32, #tpu.memory_space<vmem>> -> memref<8x128xi32, #tpu.memory_space<vmem>>
      %dma_start3A_112 = arith.constant 0 : i32
      %dma_start3A_113 = tpu.memref_slice %dma_start3A_111[%dma_start3A_104, %dma_start3A_112] : memref<8x128xi32, #tpu.memory_space<vmem>> -> memref<1x128xi32, #tpu.memory_space<vmem>>
      %dma_start3A_114 = tpu.memref_squeeze %dma_start3A_113 : memref<1x128xi32, #tpu.memory_space<vmem>> -> memref<128xi32, #tpu.memory_space<vmem>>
      %dma_start3A_115 = arith.constant 0 : i32
      %dma_start3A_116 = arith.constant 0 : i32
      %dma_start3A_117 = tpu.memref_slice %arg4[%dma_start3A_115, %dma_start3A_116] : memref<10000x32xf32, #tpu.memory_space<hbm>> -> memref<10000x32xf32, #tpu.memory_space<hbm>>
      tpu.enqueue_indirect_dma source(%dma_start3A_117 : memref<10000x32xf32, #tpu.memory_space<hbm>>) target(%dma_start3A_107 : memref<128x32xf32, #tpu.memory_space<vmem>>) offsets(%dma_start3A_114 : memref<128xi32, #tpu.memory_space<vmem>>) semaphore(%arg11 : memref<!tpu.dma_semaphore, #tpu.memory_space<semaphore_mem>>)
      %dma_start3A_118 = arith.constant 7 : i32
      %dma_start3A_119 = arith.constant 896 : i32
      %dma_start3A_120 = arith.constant 0 : i32
      %dma_start3A_121 = tpu.memref_slice %arg9[%dma_start3A_119, %dma_start3A_120] : memref<2048x32xf32, #tpu.memory_space<vmem>> -> memref<128x32xf32, #tpu.memory_space<vmem>>
      %dma_start3A_122 = arith.constant 0 : i32
      %dma_start3A_123 = arith.constant 0 : i32
      %dma_start3A_124 = tpu.memref_slice %arg7[%scan3A_20, %dma_start3A_122, %dma_start3A_123] : memref<10x8x128xi32, #tpu.memory_space<vmem>> -> memref<1x8x128xi32, #tpu.memory_space<vmem>>
      %dma_start3A_125 = tpu.memref_squeeze %dma_start3A_124 : memref<1x8x128xi32, #tpu.memory_space<vmem>> -> memref<8x128xi32, #tpu.memory_space<vmem>>
      %dma_start3A_126 = arith.constant 0 : i32
      %dma_start3A_127 = tpu.memref_slice %dma_start3A_125[%dma_start3A_118, %dma_start3A_126] : memref<8x128xi32, #tpu.memory_space<vmem>> -> memref<1x128xi32, #tpu.memory_space<vmem>>
      %dma_start3A_128 = tpu.memref_squeeze %dma_start3A_127 : memref<1x128xi32, #tpu.memory_space<vmem>> -> memref<128xi32, #tpu.memory_space<vmem>>
      %dma_start3A_129 = arith.constant 0 : i32
      %dma_start3A_130 = arith.constant 0 : i32
      %dma_start3A_131 = tpu.memref_slice %arg4[%dma_start3A_129, %dma_start3A_130] : memref<10000x32xf32, #tpu.memory_space<hbm>> -> memref<10000x32xf32, #tpu.memory_space<hbm>>
      tpu.enqueue_indirect_dma source(%dma_start3A_131 : memref<10000x32xf32, #tpu.memory_space<hbm>>) target(%dma_start3A_121 : memref<128x32xf32, #tpu.memory_space<vmem>>) offsets(%dma_start3A_128 : memref<128xi32, #tpu.memory_space<vmem>>) semaphore(%arg11 : memref<!tpu.dma_semaphore, #tpu.memory_space<semaphore_mem>>)
      %dma_wait3A = arith.constant 0 : i32
      %dma_wait3A_132 = arith.constant 0 : i32
      %dma_wait3A_133 = arith.constant 0 : i32
      %dma_wait3A_134 = tpu.memref_slice %arg9[%dma_wait3A_132, %dma_wait3A_133] : memref<2048x32xf32, #tpu.memory_space<vmem>> -> memref<128x32xf32, #tpu.memory_space<vmem>>
      %dma_wait3A_135 = arith.constant 0 : i32
      %dma_wait3A_136 = arith.constant 0 : i32
      %dma_wait3A_137 = tpu.memref_slice %arg7[%scan3A_20, %dma_wait3A_135, %dma_wait3A_136] : memref<10x8x128xi32, #tpu.memory_space<vmem>> -> memref<1x8x128xi32, #tpu.memory_space<vmem>>
      %dma_wait3A_138 = tpu.memref_squeeze %dma_wait3A_137 : memref<1x8x128xi32, #tpu.memory_space<vmem>> -> memref<8x128xi32, #tpu.memory_space<vmem>>
      %dma_wait3A_139 = arith.constant 0 : i32
      %dma_wait3A_140 = tpu.memref_slice %dma_wait3A_138[%dma_wait3A, %dma_wait3A_139] : memref<8x128xi32, #tpu.memory_space<vmem>> -> memref<1x128xi32, #tpu.memory_space<vmem>>
      %dma_wait3A_141 = tpu.memref_squeeze %dma_wait3A_140 : memref<1x128xi32, #tpu.memory_space<vmem>> -> memref<128xi32, #tpu.memory_space<vmem>>
      %dma_wait3A_142 = arith.constant 0 : i32
      %dma_wait3A_143 = arith.constant 0 : i32
      %dma_wait3A_144 = tpu.memref_slice %arg4[%dma_wait3A_142, %dma_wait3A_143] : memref<10000x32xf32, #tpu.memory_space<hbm>> -> memref<10000x32xf32, #tpu.memory_space<hbm>>
      tpu.wait_indirect_dma semaphore(%arg11 : memref<!tpu.dma_semaphore, #tpu.memory_space<semaphore_mem>>) src(%dma_wait3A_144 : memref<10000x32xf32, #tpu.memory_space<hbm>>) dst(%dma_wait3A_134 : memref<128x32xf32, #tpu.memory_space<vmem>>)
      %dma_wait3A_145 = arith.constant 1 : i32
      %dma_wait3A_146 = arith.constant 128 : i32
      %dma_wait3A_147 = arith.constant 0 : i32
      %dma_wait3A_148 = tpu.memref_slice %arg9[%dma_wait3A_146, %dma_wait3A_147] : memref<2048x32xf32, #tpu.memory_space<vmem>> -> memref<128x32xf32, #tpu.memory_space<vmem>>
      %dma_wait3A_149 = arith.constant 0 : i32
      %dma_wait3A_150 = arith.constant 0 : i32
      %dma_wait3A_151 = tpu.memref_slice %arg7[%scan3A_20, %dma_wait3A_149, %dma_wait3A_150] : memref<10x8x128xi32, #tpu.memory_space<vmem>> -> memref<1x8x128xi32, #tpu.memory_space<vmem>>
      %dma_wait3A_152 = tpu.memref_squeeze %dma_wait3A_151 : memref<1x8x128xi32, #tpu.memory_space<vmem>> -> memref<8x128xi32, #tpu.memory_space<vmem>>
      %dma_wait3A_153 = arith.constant 0 : i32
      %dma_wait3A_154 = tpu.memref_slice %dma_wait3A_152[%dma_wait3A_145, %dma_wait3A_153] : memref<8x128xi32, #tpu.memory_space<vmem>> -> memref<1x128xi32, #tpu.memory_space<vmem>>
      %dma_wait3A_155 = tpu.memref_squeeze %dma_wait3A_154 : memref<1x128xi32, #tpu.memory_space<vmem>> -> memref<128xi32, #tpu.memory_space<vmem>>
      %dma_wait3A_156 = arith.constant 0 : i32
      %dma_wait3A_157 = arith.constant 0 : i32
      %dma_wait3A_158 = tpu.memref_slice %arg4[%dma_wait3A_156, %dma_wait3A_157] : memref<10000x32xf32, #tpu.memory_space<hbm>> -> memref<10000x32xf32, #tpu.memory_space<hbm>>
      tpu.wait_indirect_dma semaphore(%arg11 : memref<!tpu.dma_semaphore, #tpu.memory_space<semaphore_mem>>) src(%dma_wait3A_158 : memref<10000x32xf32, #tpu.memory_space<hbm>>) dst(%dma_wait3A_148 : memref<128x32xf32, #tpu.memory_space<vmem>>)
      %dma_wait3A_159 = arith.constant 2 : i32
      %dma_wait3A_160 = arith.constant 256 : i32
      %dma_wait3A_161 = arith.constant 0 : i32
      %dma_wait3A_162 = tpu.memref_slice %arg9[%dma_wait3A_160, %dma_wait3A_161] : memref<2048x32xf32, #tpu.memory_space<vmem>> -> memref<128x32xf32, #tpu.memory_space<vmem>>
      %dma_wait3A_163 = arith.constant 0 : i32
      %dma_wait3A_164 = arith.constant 0 : i32
      %dma_wait3A_165 = tpu.memref_slice %arg7[%scan3A_20, %dma_wait3A_163, %dma_wait3A_164] : memref<10x8x128xi32, #tpu.memory_space<vmem>> -> memref<1x8x128xi32, #tpu.memory_space<vmem>>
      %dma_wait3A_166 = tpu.memref_squeeze %dma_wait3A_165 : memref<1x8x128xi32, #tpu.memory_space<vmem>> -> memref<8x128xi32, #tpu.memory_space<vmem>>
      %dma_wait3A_167 = arith.constant 0 : i32
      %dma_wait3A_168 = tpu.memref_slice %dma_wait3A_166[%dma_wait3A_159, %dma_wait3A_167] : memref<8x128xi32, #tpu.memory_space<vmem>> -> memref<1x128xi32, #tpu.memory_space<vmem>>
      %dma_wait3A_169 = tpu.memref_squeeze %dma_wait3A_168 : memref<1x128xi32, #tpu.memory_space<vmem>> -> memref<128xi32, #tpu.memory_space<vmem>>
      %dma_wait3A_170 = arith.constant 0 : i32
      %dma_wait3A_171 = arith.constant 0 : i32
      %dma_wait3A_172 = tpu.memref_slice %arg4[%dma_wait3A_170, %dma_wait3A_171] : memref<10000x32xf32, #tpu.memory_space<hbm>> -> memref<10000x32xf32, #tpu.memory_space<hbm>>
      tpu.wait_indirect_dma semaphore(%arg11 : memref<!tpu.dma_semaphore, #tpu.memory_space<semaphore_mem>>) src(%dma_wait3A_172 : memref<10000x32xf32, #tpu.memory_space<hbm>>) dst(%dma_wait3A_162 : memref<128x32xf32, #tpu.memory_space<vmem>>)
      %dma_wait3A_173 = arith.constant 3 : i32
      %dma_wait3A_174 = arith.constant 384 : i32
      %dma_wait3A_175 = arith.constant 0 : i32
      %dma_wait3A_176 = tpu.memref_slice %arg9[%dma_wait3A_174, %dma_wait3A_175] : memref<2048x32xf32, #tpu.memory_space<vmem>> -> memref<128x32xf32, #tpu.memory_space<vmem>>
      %dma_wait3A_177 = arith.constant 0 : i32
      %dma_wait3A_178 = arith.constant 0 : i32
      %dma_wait3A_179 = tpu.memref_slice %arg7[%scan3A_20, %dma_wait3A_177, %dma_wait3A_178] : memref<10x8x128xi32, #tpu.memory_space<vmem>> -> memref<1x8x128xi32, #tpu.memory_space<vmem>>
      %dma_wait3A_180 = tpu.memref_squeeze %dma_wait3A_179 : memref<1x8x128xi32, #tpu.memory_space<vmem>> -> memref<8x128xi32, #tpu.memory_space<vmem>>
      %dma_wait3A_181 = arith.constant 0 : i32
      %dma_wait3A_182 = tpu.memref_slice %dma_wait3A_180[%dma_wait3A_173, %dma_wait3A_181] : memref<8x128xi32, #tpu.memory_space<vmem>> -> memref<1x128xi32, #tpu.memory_space<vmem>>
      %dma_wait3A_183 = tpu.memref_squeeze %dma_wait3A_182 : memref<1x128xi32, #tpu.memory_space<vmem>> -> memref<128xi32, #tpu.memory_space<vmem>>
      %dma_wait3A_184 = arith.constant 0 : i32
      %dma_wait3A_185 = arith.constant 0 : i32
      %dma_wait3A_186 = tpu.memref_slice %arg4[%dma_wait3A_184, %dma_wait3A_185] : memref<10000x32xf32, #tpu.memory_space<hbm>> -> memref<10000x32xf32, #tpu.memory_space<hbm>>
      tpu.wait_indirect_dma semaphore(%arg11 : memref<!tpu.dma_semaphore, #tpu.memory_space<semaphore_mem>>) src(%dma_wait3A_186 : memref<10000x32xf32, #tpu.memory_space<hbm>>) dst(%dma_wait3A_176 : memref<128x32xf32, #tpu.memory_space<vmem>>)
      %dma_wait3A_187 = arith.constant 4 : i32
      %dma_wait3A_188 = arith.constant 512 : i32
      %dma_wait3A_189 = arith.constant 0 : i32
      %dma_wait3A_190 = tpu.memref_slice %arg9[%dma_wait3A_188, %dma_wait3A_189] : memref<2048x32xf32, #tpu.memory_space<vmem>> -> memref<128x32xf32, #tpu.memory_space<vmem>>
      %dma_wait3A_191 = arith.constant 0 : i32
      %dma_wait3A_192 = arith.constant 0 : i32
      %dma_wait3A_193 = tpu.memref_slice %arg7[%scan3A_20, %dma_wait3A_191, %dma_wait3A_192] : memref<10x8x128xi32, #tpu.memory_space<vmem>> -> memref<1x8x128xi32, #tpu.memory_space<vmem>>
      %dma_wait3A_194 = tpu.memref_squeeze %dma_wait3A_193 : memref<1x8x128xi32, #tpu.memory_space<vmem>> -> memref<8x128xi32, #tpu.memory_space<vmem>>
      %dma_wait3A_195 = arith.constant 0 : i32
      %dma_wait3A_196 = tpu.memref_slice %dma_wait3A_194[%dma_wait3A_187, %dma_wait3A_195] : memref<8x128xi32, #tpu.memory_space<vmem>> -> memref<1x128xi32, #tpu.memory_space<vmem>>
      %dma_wait3A_197 = tpu.memref_squeeze %dma_wait3A_196 : memref<1x128xi32, #tpu.memory_space<vmem>> -> memref<128xi32, #tpu.memory_space<vmem>>
      %dma_wait3A_198 = arith.constant 0 : i32
      %dma_wait3A_199 = arith.constant 0 : i32
      %dma_wait3A_200 = tpu.memref_slice %arg4[%dma_wait3A_198, %dma_wait3A_199] : memref<10000x32xf32, #tpu.memory_space<hbm>> -> memref<10000x32xf32, #tpu.memory_space<hbm>>
      tpu.wait_indirect_dma semaphore(%arg11 : memref<!tpu.dma_semaphore, #tpu.memory_space<semaphore_mem>>) src(%dma_wait3A_200 : memref<10000x32xf32, #tpu.memory_space<hbm>>) dst(%dma_wait3A_190 : memref<128x32xf32, #tpu.memory_space<vmem>>)
      %dma_wait3A_201 = arith.constant 5 : i32
      %dma_wait3A_202 = arith.constant 640 : i32
      %dma_wait3A_203 = arith.constant 0 : i32
      %dma_wait3A_204 = tpu.memref_slice %arg9[%dma_wait3A_202, %dma_wait3A_203] : memref<2048x32xf32, #tpu.memory_space<vmem>> -> memref<128x32xf32, #tpu.memory_space<vmem>>
      %dma_wait3A_205 = arith.constant 0 : i32
      %dma_wait3A_206 = arith.constant 0 : i32
      %dma_wait3A_207 = tpu.memref_slice %arg7[%scan3A_20, %dma_wait3A_205, %dma_wait3A_206] : memref<10x8x128xi32, #tpu.memory_space<vmem>> -> memref<1x8x128xi32, #tpu.memory_space<vmem>>
      %dma_wait3A_208 = tpu.memref_squeeze %dma_wait3A_207 : memref<1x8x128xi32, #tpu.memory_space<vmem>> -> memref<8x128xi32, #tpu.memory_space<vmem>>
      %dma_wait3A_209 = arith.constant 0 : i32
      %dma_wait3A_210 = tpu.memref_slice %dma_wait3A_208[%dma_wait3A_201, %dma_wait3A_209] : memref<8x128xi32, #tpu.memory_space<vmem>> -> memref<1x128xi32, #tpu.memory_space<vmem>>
      %dma_wait3A_211 = tpu.memref_squeeze %dma_wait3A_210 : memref<1x128xi32, #tpu.memory_space<vmem>> -> memref<128xi32, #tpu.memory_space<vmem>>
      %dma_wait3A_212 = arith.constant 0 : i32
      %dma_wait3A_213 = arith.constant 0 : i32
      %dma_wait3A_214 = tpu.memref_slice %arg4[%dma_wait3A_212, %dma_wait3A_213] : memref<10000x32xf32, #tpu.memory_space<hbm>> -> memref<10000x32xf32, #tpu.memory_space<hbm>>
      tpu.wait_indirect_dma semaphore(%arg11 : memref<!tpu.dma_semaphore, #tpu.memory_space<semaphore_mem>>) src(%dma_wait3A_214 : memref<10000x32xf32, #tpu.memory_space<hbm>>) dst(%dma_wait3A_204 : memref<128x32xf32, #tpu.memory_space<vmem>>)
      %dma_wait3A_215 = arith.constant 6 : i32
      %dma_wait3A_216 = arith.constant 768 : i32
      %dma_wait3A_217 = arith.constant 0 : i32
      %dma_wait3A_218 = tpu.memref_slice %arg9[%dma_wait3A_216, %dma_wait3A_217] : memref<2048x32xf32, #tpu.memory_space<vmem>> -> memref<128x32xf32, #tpu.memory_space<vmem>>
      %dma_wait3A_219 = arith.constant 0 : i32
      %dma_wait3A_220 = arith.constant 0 : i32
      %dma_wait3A_221 = tpu.memref_slice %arg7[%scan3A_20, %dma_wait3A_219, %dma_wait3A_220] : memref<10x8x128xi32, #tpu.memory_space<vmem>> -> memref<1x8x128xi32, #tpu.memory_space<vmem>>
      %dma_wait3A_222 = tpu.memref_squeeze %dma_wait3A_221 : memref<1x8x128xi32, #tpu.memory_space<vmem>> -> memref<8x128xi32, #tpu.memory_space<vmem>>
      %dma_wait3A_223 = arith.constant 0 : i32
      %dma_wait3A_224 = tpu.memref_slice %dma_wait3A_222[%dma_wait3A_215, %dma_wait3A_223] : memref<8x128xi32, #tpu.memory_space<vmem>> -> memref<1x128xi32, #tpu.memory_space<vmem>>
      %dma_wait3A_225 = tpu.memref_squeeze %dma_wait3A_224 : memref<1x128xi32, #tpu.memory_space<vmem>> -> memref<128xi32, #tpu.memory_space<vmem>>
      %dma_wait3A_226 = arith.constant 0 : i32
      %dma_wait3A_227 = arith.constant 0 : i32
      %dma_wait3A_228 = tpu.memref_slice %arg4[%dma_wait3A_226, %dma_wait3A_227] : memref<10000x32xf32, #tpu.memory_space<hbm>> -> memref<10000x32xf32, #tpu.memory_space<hbm>>
      tpu.wait_indirect_dma semaphore(%arg11 : memref<!tpu.dma_semaphore, #tpu.memory_space<semaphore_mem>>) src(%dma_wait3A_228 : memref<10000x32xf32, #tpu.memory_space<hbm>>) dst(%dma_wait3A_218 : memref<128x32xf32, #tpu.memory_space<vmem>>)
      %dma_wait3A_229 = arith.constant 7 : i32
      %dma_wait3A_230 = arith.constant 896 : i32
      %dma_wait3A_231 = arith.constant 0 : i32
      %dma_wait3A_232 = tpu.memref_slice %arg9[%dma_wait3A_230, %dma_wait3A_231] : memref<2048x32xf32, #tpu.memory_space<vmem>> -> memref<128x32xf32, #tpu.memory_space<vmem>>
      %dma_wait3A_233 = arith.constant 0 : i32
      %dma_wait3A_234 = arith.constant 0 : i32
      %dma_wait3A_235 = tpu.memref_slice %arg7[%scan3A_20, %dma_wait3A_233, %dma_wait3A_234] : memref<10x8x128xi32, #tpu.memory_space<vmem>> -> memref<1x8x128xi32, #tpu.memory_space<vmem>>
      %dma_wait3A_236 = tpu.memref_squeeze %dma_wait3A_235 : memref<1x8x128xi32, #tpu.memory_space<vmem>> -> memref<8x128xi32, #tpu.memory_space<vmem>>
      %dma_wait3A_237 = arith.constant 0 : i32
      %dma_wait3A_238 = tpu.memref_slice %dma_wait3A_236[%dma_wait3A_229, %dma_wait3A_237] : memref<8x128xi32, #tpu.memory_space<vmem>> -> memref<1x128xi32, #tpu.memory_space<vmem>>
      %dma_wait3A_239 = tpu.memref_squeeze %dma_wait3A_238 : memref<1x128xi32, #tpu.memory_space<vmem>> -> memref<128xi32, #tpu.memory_space<vmem>>
      %dma_wait3A_240 = arith.constant 0 : i32
      %dma_wait3A_241 = arith.constant 0 : i32
      %dma_wait3A_242 = tpu.memref_slice %arg4[%dma_wait3A_240, %dma_wait3A_241] : memref<10000x32xf32, #tpu.memory_space<hbm>> -> memref<10000x32xf32, #tpu.memory_space<hbm>>
      tpu.wait_indirect_dma semaphore(%arg11 : memref<!tpu.dma_semaphore, #tpu.memory_space<semaphore_mem>>) src(%dma_wait3A_242 : memref<10000x32xf32, #tpu.memory_space<hbm>>) dst(%dma_wait3A_232 : memref<128x32xf32, #tpu.memory_space<vmem>>)
      %run_scoped3A = arith.constant 0 : i32
      "tpu.region"() ({
        %run_scoped3A_250 = tpu.sem_alloc : memref<!tpu.dma_semaphore, #tpu.memory_space<semaphore_mem>>
        %dma_start3A_251 = arith.constant 0 : i32
        %dma_start3A_252 = arith.constant 0 : i32
        %dma_start3A_253 = tpu.memref_slice %arg9[%dma_start3A_251, %dma_start3A_252] : memref<2048x32xf32, #tpu.memory_space<vmem>> -> memref<128x32xf32, #tpu.memory_space<vmem>>
        %dma_start3A_254 = arith.constant 0 : i32
        %dma_start3A_255 = arith.constant 0 : i32
        %dma_start3A_256 = tpu.memref_slice %arg8[%scan3A_20, %dma_start3A_254, %dma_start3A_255] : memref<10x8x128xi32, #tpu.memory_space<vmem>> -> memref<1x8x128xi32, #tpu.memory_space<vmem>>
        %dma_start3A_257 = tpu.memref_squeeze %dma_start3A_256 : memref<1x8x128xi32, #tpu.memory_space<vmem>> -> memref<8x128xi32, #tpu.memory_space<vmem>>
        %dma_start3A_258 = arith.constant 0 : i32
        %dma_start3A_259 = tpu.memref_slice %dma_start3A_257[%run_scoped3A, %dma_start3A_258] : memref<8x128xi32, #tpu.memory_space<vmem>> -> memref<1x128xi32, #tpu.memory_space<vmem>>
        %dma_start3A_260 = tpu.memref_squeeze %dma_start3A_259 : memref<1x128xi32, #tpu.memory_space<vmem>> -> memref<128xi32, #tpu.memory_space<vmem>>
        %dma_start3A_261 = arith.constant 0 : i32
        %dma_start3A_262 = arith.constant 0 : i32
        %dma_start3A_263 = tpu.memref_slice %arg10[%dma_start3A_261, %dma_start3A_262] : memref<12160x32xf32, #tpu.memory_space<vmem_shared>> -> memref<12160x32xf32, #tpu.memory_space<vmem_shared>>
        tpu.enqueue_indirect_dma source(%dma_start3A_253 : memref<128x32xf32, #tpu.memory_space<vmem>>) target(%dma_start3A_263 : memref<12160x32xf32, #tpu.memory_space<vmem_shared>>) offsets(%dma_start3A_260 : memref<128xi32, #tpu.memory_space<vmem>>) semaphore(%run_scoped3A_250 : memref<!tpu.dma_semaphore, #tpu.memory_space<semaphore_mem>>) {add = true}
        %dma_wait3A_264 = arith.constant 0 : i32
        %dma_wait3A_265 = arith.constant 0 : i32
        %dma_wait3A_266 = tpu.memref_slice %arg9[%dma_wait3A_264, %dma_wait3A_265] : memref<2048x32xf32, #tpu.memory_space<vmem>> -> memref<128x32xf32, #tpu.memory_space<vmem>>
        %dma_wait3A_267 = arith.constant 0 : i32
        %dma_wait3A_268 = arith.constant 0 : i32
        %dma_wait3A_269 = tpu.memref_slice %arg8[%scan3A_20, %dma_wait3A_267, %dma_wait3A_268] : memref<10x8x128xi32, #tpu.memory_space<vmem>> -> memref<1x8x128xi32, #tpu.memory_space<vmem>>
        %dma_wait3A_270 = tpu.memref_squeeze %dma_wait3A_269 : memref<1x8x128xi32, #tpu.memory_space<vmem>> -> memref<8x128xi32, #tpu.memory_space<vmem>>
        %dma_wait3A_271 = arith.constant 0 : i32
        %dma_wait3A_272 = tpu.memref_slice %dma_wait3A_270[%run_scoped3A, %dma_wait3A_271] : memref<8x128xi32, #tpu.memory_space<vmem>> -> memref<1x128xi32, #tpu.memory_space<vmem>>
        %dma_wait3A_273 = tpu.memref_squeeze %dma_wait3A_272 : memref<1x128xi32, #tpu.memory_space<vmem>> -> memref<128xi32, #tpu.memory_space<vmem>>
        %dma_wait3A_274 = arith.constant 0 : i32
        %dma_wait3A_275 = arith.constant 0 : i32
        %dma_wait3A_276 = tpu.memref_slice %arg10[%dma_wait3A_274, %dma_wait3A_275] : memref<12160x32xf32, #tpu.memory_space<vmem_shared>> -> memref<12160x32xf32, #tpu.memory_space<vmem_shared>>
        tpu.wait_indirect_dma semaphore(%run_scoped3A_250 : memref<!tpu.dma_semaphore, #tpu.memory_space<semaphore_mem>>) src(%dma_wait3A_266 : memref<128x32xf32, #tpu.memory_space<vmem>>) dst(%dma_wait3A_276 : memref<12160x32xf32, #tpu.memory_space<vmem_shared>>)
        tpu.yield
      }) : () -> ()
      %run_scoped3A_243 = arith.constant 1 : i32
      "tpu.region"() ({
        %run_scoped3A_250 = tpu.sem_alloc : memref<!tpu.dma_semaphore, #tpu.memory_space<semaphore_mem>>
        %dma_start3A_251 = arith.constant 128 : i32
        %dma_start3A_252 = arith.constant 0 : i32
        %dma_start3A_253 = tpu.memref_slice %arg9[%dma_start3A_251, %dma_start3A_252] : memref<2048x32xf32, #tpu.memory_space<vmem>> -> memref<128x32xf32, #tpu.memory_space<vmem>>
        %dma_start3A_254 = arith.constant 0 : i32
        %dma_start3A_255 = arith.constant 0 : i32
        %dma_start3A_256 = tpu.memref_slice %arg8[%scan3A_20, %dma_start3A_254, %dma_start3A_255] : memref<10x8x128xi32, #tpu.memory_space<vmem>> -> memref<1x8x128xi32, #tpu.memory_space<vmem>>
        %dma_start3A_257 = tpu.memref_squeeze %dma_start3A_256 : memref<1x8x128xi32, #tpu.memory_space<vmem>> -> memref<8x128xi32, #tpu.memory_space<vmem>>
        %dma_start3A_258 = arith.constant 0 : i32
        %dma_start3A_259 = tpu.memref_slice %dma_start3A_257[%run_scoped3A_243, %dma_start3A_258] : memref<8x128xi32, #tpu.memory_space<vmem>> -> memref<1x128xi32, #tpu.memory_space<vmem>>
        %dma_start3A_260 = tpu.memref_squeeze %dma_start3A_259 : memref<1x128xi32, #tpu.memory_space<vmem>> -> memref<128xi32, #tpu.memory_space<vmem>>
        %dma_start3A_261 = arith.constant 0 : i32
        %dma_start3A_262 = arith.constant 0 : i32
        %dma_start3A_263 = tpu.memref_slice %arg10[%dma_start3A_261, %dma_start3A_262] : memref<12160x32xf32, #tpu.memory_space<vmem_shared>> -> memref<12160x32xf32, #tpu.memory_space<vmem_shared>>
        tpu.enqueue_indirect_dma source(%dma_start3A_253 : memref<128x32xf32, #tpu.memory_space<vmem>>) target(%dma_start3A_263 : memref<12160x32xf32, #tpu.memory_space<vmem_shared>>) offsets(%dma_start3A_260 : memref<128xi32, #tpu.memory_space<vmem>>) semaphore(%run_scoped3A_250 : memref<!tpu.dma_semaphore, #tpu.memory_space<semaphore_mem>>) {add = true}
        %dma_wait3A_264 = arith.constant 128 : i32
        %dma_wait3A_265 = arith.constant 0 : i32
        %dma_wait3A_266 = tpu.memref_slice %arg9[%dma_wait3A_264, %dma_wait3A_265] : memref<2048x32xf32, #tpu.memory_space<vmem>> -> memref<128x32xf32, #tpu.memory_space<vmem>>
        %dma_wait3A_267 = arith.constant 0 : i32
        %dma_wait3A_268 = arith.constant 0 : i32
        %dma_wait3A_269 = tpu.memref_slice %arg8[%scan3A_20, %dma_wait3A_267, %dma_wait3A_268] : memref<10x8x128xi32, #tpu.memory_space<vmem>> -> memref<1x8x128xi32, #tpu.memory_space<vmem>>
        %dma_wait3A_270 = tpu.memref_squeeze %dma_wait3A_269 : memref<1x8x128xi32, #tpu.memory_space<vmem>> -> memref<8x128xi32, #tpu.memory_space<vmem>>
        %dma_wait3A_271 = arith.constant 0 : i32
        %dma_wait3A_272 = tpu.memref_slice %dma_wait3A_270[%run_scoped3A_243, %dma_wait3A_271] : memref<8x128xi32, #tpu.memory_space<vmem>> -> memref<1x128xi32, #tpu.memory_space<vmem>>
        %dma_wait3A_273 = tpu.memref_squeeze %dma_wait3A_272 : memref<1x128xi32, #tpu.memory_space<vmem>> -> memref<128xi32, #tpu.memory_space<vmem>>
        %dma_wait3A_274 = arith.constant 0 : i32
        %dma_wait3A_275 = arith.constant 0 : i32
        %dma_wait3A_276 = tpu.memref_slice %arg10[%dma_wait3A_274, %dma_wait3A_275] : memref<12160x32xf32, #tpu.memory_space<vmem_shared>> -> memref<12160x32xf32, #tpu.memory_space<vmem_shared>>
        tpu.wait_indirect_dma semaphore(%run_scoped3A_250 : memref<!tpu.dma_semaphore, #tpu.memory_space<semaphore_mem>>) src(%dma_wait3A_266 : memref<128x32xf32, #tpu.memory_space<vmem>>) dst(%dma_wait3A_276 : memref<12160x32xf32, #tpu.memory_space<vmem_shared>>)
        tpu.yield
      }) : () -> ()
      %run_scoped3A_244 = arith.constant 2 : i32
      "tpu.region"() ({
        %run_scoped3A_250 = tpu.sem_alloc : memref<!tpu.dma_semaphore, #tpu.memory_space<semaphore_mem>>
        %dma_start3A_251 = arith.constant 256 : i32
        %dma_start3A_252 = arith.constant 0 : i32
        %dma_start3A_253 = tpu.memref_slice %arg9[%dma_start3A_251, %dma_start3A_252] : memref<2048x32xf32, #tpu.memory_space<vmem>> -> memref<128x32xf32, #tpu.memory_space<vmem>>
        %dma_start3A_254 = arith.constant 0 : i32
        %dma_start3A_255 = arith.constant 0 : i32
        %dma_start3A_256 = tpu.memref_slice %arg8[%scan3A_20, %dma_start3A_254, %dma_start3A_255] : memref<10x8x128xi32, #tpu.memory_space<vmem>> -> memref<1x8x128xi32, #tpu.memory_space<vmem>>
        %dma_start3A_257 = tpu.memref_squeeze %dma_start3A_256 : memref<1x8x128xi32, #tpu.memory_space<vmem>> -> memref<8x128xi32, #tpu.memory_space<vmem>>
        %dma_start3A_258 = arith.constant 0 : i32
        %dma_start3A_259 = tpu.memref_slice %dma_start3A_257[%run_scoped3A_244, %dma_start3A_258] : memref<8x128xi32, #tpu.memory_space<vmem>> -> memref<1x128xi32, #tpu.memory_space<vmem>>
        %dma_start3A_260 = tpu.memref_squeeze %dma_start3A_259 : memref<1x128xi32, #tpu.memory_space<vmem>> -> memref<128xi32, #tpu.memory_space<vmem>>
        %dma_start3A_261 = arith.constant 0 : i32
        %dma_start3A_262 = arith.constant 0 : i32
        %dma_start3A_263 = tpu.memref_slice %arg10[%dma_start3A_261, %dma_start3A_262] : memref<12160x32xf32, #tpu.memory_space<vmem_shared>> -> memref<12160x32xf32, #tpu.memory_space<vmem_shared>>
        tpu.enqueue_indirect_dma source(%dma_start3A_253 : memref<128x32xf32, #tpu.memory_space<vmem>>) target(%dma_start3A_263 : memref<12160x32xf32, #tpu.memory_space<vmem_shared>>) offsets(%dma_start3A_260 : memref<128xi32, #tpu.memory_space<vmem>>) semaphore(%run_scoped3A_250 : memref<!tpu.dma_semaphore, #tpu.memory_space<semaphore_mem>>) {add = true}
        %dma_wait3A_264 = arith.constant 256 : i32
        %dma_wait3A_265 = arith.constant 0 : i32
        %dma_wait3A_266 = tpu.memref_slice %arg9[%dma_wait3A_264, %dma_wait3A_265] : memref<2048x32xf32, #tpu.memory_space<vmem>> -> memref<128x32xf32, #tpu.memory_space<vmem>>
        %dma_wait3A_267 = arith.constant 0 : i32
        %dma_wait3A_268 = arith.constant 0 : i32
        %dma_wait3A_269 = tpu.memref_slice %arg8[%scan3A_20, %dma_wait3A_267, %dma_wait3A_268] : memref<10x8x128xi32, #tpu.memory_space<vmem>> -> memref<1x8x128xi32, #tpu.memory_space<vmem>>
        %dma_wait3A_270 = tpu.memref_squeeze %dma_wait3A_269 : memref<1x8x128xi32, #tpu.memory_space<vmem>> -> memref<8x128xi32, #tpu.memory_space<vmem>>
        %dma_wait3A_271 = arith.constant 0 : i32
        %dma_wait3A_272 = tpu.memref_slice %dma_wait3A_270[%run_scoped3A_244, %dma_wait3A_271] : memref<8x128xi32, #tpu.memory_space<vmem>> -> memref<1x128xi32, #tpu.memory_space<vmem>>
        %dma_wait3A_273 = tpu.memref_squeeze %dma_wait3A_272 : memref<1x128xi32, #tpu.memory_space<vmem>> -> memref<128xi32, #tpu.memory_space<vmem>>
        %dma_wait3A_274 = arith.constant 0 : i32
        %dma_wait3A_275 = arith.constant 0 : i32
        %dma_wait3A_276 = tpu.memref_slice %arg10[%dma_wait3A_274, %dma_wait3A_275] : memref<12160x32xf32, #tpu.memory_space<vmem_shared>> -> memref<12160x32xf32, #tpu.memory_space<vmem_shared>>
        tpu.wait_indirect_dma semaphore(%run_scoped3A_250 : memref<!tpu.dma_semaphore, #tpu.memory_space<semaphore_mem>>) src(%dma_wait3A_266 : memref<128x32xf32, #tpu.memory_space<vmem>>) dst(%dma_wait3A_276 : memref<12160x32xf32, #tpu.memory_space<vmem_shared>>)
        tpu.yield
      }) : () -> ()
      %run_scoped3A_245 = arith.constant 3 : i32
      "tpu.region"() ({
        %run_scoped3A_250 = tpu.sem_alloc : memref<!tpu.dma_semaphore, #tpu.memory_space<semaphore_mem>>
        %dma_start3A_251 = arith.constant 384 : i32
        %dma_start3A_252 = arith.constant 0 : i32
        %dma_start3A_253 = tpu.memref_slice %arg9[%dma_start3A_251, %dma_start3A_252] : memref<2048x32xf32, #tpu.memory_space<vmem>> -> memref<128x32xf32, #tpu.memory_space<vmem>>
        %dma_start3A_254 = arith.constant 0 : i32
        %dma_start3A_255 = arith.constant 0 : i32
        %dma_start3A_256 = tpu.memref_slice %arg8[%scan3A_20, %dma_start3A_254, %dma_start3A_255] : memref<10x8x128xi32, #tpu.memory_space<vmem>> -> memref<1x8x128xi32, #tpu.memory_space<vmem>>
        %dma_start3A_257 = tpu.memref_squeeze %dma_start3A_256 : memref<1x8x128xi32, #tpu.memory_space<vmem>> -> memref<8x128xi32, #tpu.memory_space<vmem>>
        %dma_start3A_258 = arith.constant 0 : i32
        %dma_start3A_259 = tpu.memref_slice %dma_start3A_257[%run_scoped3A_245, %dma_start3A_258] : memref<8x128xi32, #tpu.memory_space<vmem>> -> memref<1x128xi32, #tpu.memory_space<vmem>>
        %dma_start3A_260 = tpu.memref_squeeze %dma_start3A_259 : memref<1x128xi32, #tpu.memory_space<vmem>> -> memref<128xi32, #tpu.memory_space<vmem>>
        %dma_start3A_261 = arith.constant 0 : i32
        %dma_start3A_262 = arith.constant 0 : i32
        %dma_start3A_263 = tpu.memref_slice %arg10[%dma_start3A_261, %dma_start3A_262] : memref<12160x32xf32, #tpu.memory_space<vmem_shared>> -> memref<12160x32xf32, #tpu.memory_space<vmem_shared>>
        tpu.enqueue_indirect_dma source(%dma_start3A_253 : memref<128x32xf32, #tpu.memory_space<vmem>>) target(%dma_start3A_263 : memref<12160x32xf32, #tpu.memory_space<vmem_shared>>) offsets(%dma_start3A_260 : memref<128xi32, #tpu.memory_space<vmem>>) semaphore(%run_scoped3A_250 : memref<!tpu.dma_semaphore, #tpu.memory_space<semaphore_mem>>) {add = true}
        %dma_wait3A_264 = arith.constant 384 : i32
        %dma_wait3A_265 = arith.constant 0 : i32
        %dma_wait3A_266 = tpu.memref_slice %arg9[%dma_wait3A_264, %dma_wait3A_265] : memref<2048x32xf32, #tpu.memory_space<vmem>> -> memref<128x32xf32, #tpu.memory_space<vmem>>
        %dma_wait3A_267 = arith.constant 0 : i32
        %dma_wait3A_268 = arith.constant 0 : i32
        %dma_wait3A_269 = tpu.memref_slice %arg8[%scan3A_20, %dma_wait3A_267, %dma_wait3A_268] : memref<10x8x128xi32, #tpu.memory_space<vmem>> -> memref<1x8x128xi32, #tpu.memory_space<vmem>>
        %dma_wait3A_270 = tpu.memref_squeeze %dma_wait3A_269 : memref<1x8x128xi32, #tpu.memory_space<vmem>> -> memref<8x128xi32, #tpu.memory_space<vmem>>
        %dma_wait3A_271 = arith.constant 0 : i32
        %dma_wait3A_272 = tpu.memref_slice %dma_wait3A_270[%run_scoped3A_245, %dma_wait3A_271] : memref<8x128xi32, #tpu.memory_space<vmem>> -> memref<1x128xi32, #tpu.memory_space<vmem>>
        %dma_wait3A_273 = tpu.memref_squeeze %dma_wait3A_272 : memref<1x128xi32, #tpu.memory_space<vmem>> -> memref<128xi32, #tpu.memory_space<vmem>>
        %dma_wait3A_274 = arith.constant 0 : i32
        %dma_wait3A_275 = arith.constant 0 : i32
        %dma_wait3A_276 = tpu.memref_slice %arg10[%dma_wait3A_274, %dma_wait3A_275] : memref<12160x32xf32, #tpu.memory_space<vmem_shared>> -> memref<12160x32xf32, #tpu.memory_space<vmem_shared>>
        tpu.wait_indirect_dma semaphore(%run_scoped3A_250 : memref<!tpu.dma_semaphore, #tpu.memory_space<semaphore_mem>>) src(%dma_wait3A_266 : memref<128x32xf32, #tpu.memory_space<vmem>>) dst(%dma_wait3A_276 : memref<12160x32xf32, #tpu.memory_space<vmem_shared>>)
        tpu.yield
      }) : () -> ()
      %run_scoped3A_246 = arith.constant 4 : i32
      "tpu.region"() ({
        %run_scoped3A_250 = tpu.sem_alloc : memref<!tpu.dma_semaphore, #tpu.memory_space<semaphore_mem>>
        %dma_start3A_251 = arith.constant 512 : i32
        %dma_start3A_252 = arith.constant 0 : i32
        %dma_start3A_253 = tpu.memref_slice %arg9[%dma_start3A_251, %dma_start3A_252] : memref<2048x32xf32, #tpu.memory_space<vmem>> -> memref<128x32xf32, #tpu.memory_space<vmem>>
        %dma_start3A_254 = arith.constant 0 : i32
        %dma_start3A_255 = arith.constant 0 : i32
        %dma_start3A_256 = tpu.memref_slice %arg8[%scan3A_20, %dma_start3A_254, %dma_start3A_255] : memref<10x8x128xi32, #tpu.memory_space<vmem>> -> memref<1x8x128xi32, #tpu.memory_space<vmem>>
        %dma_start3A_257 = tpu.memref_squeeze %dma_start3A_256 : memref<1x8x128xi32, #tpu.memory_space<vmem>> -> memref<8x128xi32, #tpu.memory_space<vmem>>
        %dma_start3A_258 = arith.constant 0 : i32
        %dma_start3A_259 = tpu.memref_slice %dma_start3A_257[%run_scoped3A_246, %dma_start3A_258] : memref<8x128xi32, #tpu.memory_space<vmem>> -> memref<1x128xi32, #tpu.memory_space<vmem>>
        %dma_start3A_260 = tpu.memref_squeeze %dma_start3A_259 : memref<1x128xi32, #tpu.memory_space<vmem>> -> memref<128xi32, #tpu.memory_space<vmem>>
        %dma_start3A_261 = arith.constant 0 : i32
        %dma_start3A_262 = arith.constant 0 : i32
        %dma_start3A_263 = tpu.memref_slice %arg10[%dma_start3A_261, %dma_start3A_262] : memref<12160x32xf32, #tpu.memory_space<vmem_shared>> -> memref<12160x32xf32, #tpu.memory_space<vmem_shared>>
        tpu.enqueue_indirect_dma source(%dma_start3A_253 : memref<128x32xf32, #tpu.memory_space<vmem>>) target(%dma_start3A_263 : memref<12160x32xf32, #tpu.memory_space<vmem_shared>>) offsets(%dma_start3A_260 : memref<128xi32, #tpu.memory_space<vmem>>) semaphore(%run_scoped3A_250 : memref<!tpu.dma_semaphore, #tpu.memory_space<semaphore_mem>>) {add = true}
        %dma_wait3A_264 = arith.constant 512 : i32
        %dma_wait3A_265 = arith.constant 0 : i32
        %dma_wait3A_266 = tpu.memref_slice %arg9[%dma_wait3A_264, %dma_wait3A_265] : memref<2048x32xf32, #tpu.memory_space<vmem>> -> memref<128x32xf32, #tpu.memory_space<vmem>>
        %dma_wait3A_267 = arith.constant 0 : i32
        %dma_wait3A_268 = arith.constant 0 : i32
        %dma_wait3A_269 = tpu.memref_slice %arg8[%scan3A_20, %dma_wait3A_267, %dma_wait3A_268] : memref<10x8x128xi32, #tpu.memory_space<vmem>> -> memref<1x8x128xi32, #tpu.memory_space<vmem>>
        %dma_wait3A_270 = tpu.memref_squeeze %dma_wait3A_269 : memref<1x8x128xi32, #tpu.memory_space<vmem>> -> memref<8x128xi32, #tpu.memory_space<vmem>>
        %dma_wait3A_271 = arith.constant 0 : i32
        %dma_wait3A_272 = tpu.memref_slice %dma_wait3A_270[%run_scoped3A_246, %dma_wait3A_271] : memref<8x128xi32, #tpu.memory_space<vmem>> -> memref<1x128xi32, #tpu.memory_space<vmem>>
        %dma_wait3A_273 = tpu.memref_squeeze %dma_wait3A_272 : memref<1x128xi32, #tpu.memory_space<vmem>> -> memref<128xi32, #tpu.memory_space<vmem>>
        %dma_wait3A_274 = arith.constant 0 : i32
        %dma_wait3A_275 = arith.constant 0 : i32
        %dma_wait3A_276 = tpu.memref_slice %arg10[%dma_wait3A_274, %dma_wait3A_275] : memref<12160x32xf32, #tpu.memory_space<vmem_shared>> -> memref<12160x32xf32, #tpu.memory_space<vmem_shared>>
        tpu.wait_indirect_dma semaphore(%run_scoped3A_250 : memref<!tpu.dma_semaphore, #tpu.memory_space<semaphore_mem>>) src(%dma_wait3A_266 : memref<128x32xf32, #tpu.memory_space<vmem>>) dst(%dma_wait3A_276 : memref<12160x32xf32, #tpu.memory_space<vmem_shared>>)
        tpu.yield
      }) : () -> ()
      %run_scoped3A_247 = arith.constant 5 : i32
      "tpu.region"() ({
        %run_scoped3A_250 = tpu.sem_alloc : memref<!tpu.dma_semaphore, #tpu.memory_space<semaphore_mem>>
        %dma_start3A_251 = arith.constant 640 : i32
        %dma_start3A_252 = arith.constant 0 : i32
        %dma_start3A_253 = tpu.memref_slice %arg9[%dma_start3A_251, %dma_start3A_252] : memref<2048x32xf32, #tpu.memory_space<vmem>> -> memref<128x32xf32, #tpu.memory_space<vmem>>
        %dma_start3A_254 = arith.constant 0 : i32
        %dma_start3A_255 = arith.constant 0 : i32
        %dma_start3A_256 = tpu.memref_slice %arg8[%scan3A_20, %dma_start3A_254, %dma_start3A_255] : memref<10x8x128xi32, #tpu.memory_space<vmem>> -> memref<1x8x128xi32, #tpu.memory_space<vmem>>
        %dma_start3A_257 = tpu.memref_squeeze %dma_start3A_256 : memref<1x8x128xi32, #tpu.memory_space<vmem>> -> memref<8x128xi32, #tpu.memory_space<vmem>>
        %dma_start3A_258 = arith.constant 0 : i32
        %dma_start3A_259 = tpu.memref_slice %dma_start3A_257[%run_scoped3A_247, %dma_start3A_258] : memref<8x128xi32, #tpu.memory_space<vmem>> -> memref<1x128xi32, #tpu.memory_space<vmem>>
        %dma_start3A_260 = tpu.memref_squeeze %dma_start3A_259 : memref<1x128xi32, #tpu.memory_space<vmem>> -> memref<128xi32, #tpu.memory_space<vmem>>
        %dma_start3A_261 = arith.constant 0 : i32
        %dma_start3A_262 = arith.constant 0 : i32
        %dma_start3A_263 = tpu.memref_slice %arg10[%dma_start3A_261, %dma_start3A_262] : memref<12160x32xf32, #tpu.memory_space<vmem_shared>> -> memref<12160x32xf32, #tpu.memory_space<vmem_shared>>
        tpu.enqueue_indirect_dma source(%dma_start3A_253 : memref<128x32xf32, #tpu.memory_space<vmem>>) target(%dma_start3A_263 : memref<12160x32xf32, #tpu.memory_space<vmem_shared>>) offsets(%dma_start3A_260 : memref<128xi32, #tpu.memory_space<vmem>>) semaphore(%run_scoped3A_250 : memref<!tpu.dma_semaphore, #tpu.memory_space<semaphore_mem>>) {add = true}
        %dma_wait3A_264 = arith.constant 640 : i32
        %dma_wait3A_265 = arith.constant 0 : i32
        %dma_wait3A_266 = tpu.memref_slice %arg9[%dma_wait3A_264, %dma_wait3A_265] : memref<2048x32xf32, #tpu.memory_space<vmem>> -> memref<128x32xf32, #tpu.memory_space<vmem>>
        %dma_wait3A_267 = arith.constant 0 : i32
        %dma_wait3A_268 = arith.constant 0 : i32
        %dma_wait3A_269 = tpu.memref_slice %arg8[%scan3A_20, %dma_wait3A_267, %dma_wait3A_268] : memref<10x8x128xi32, #tpu.memory_space<vmem>> -> memref<1x8x128xi32, #tpu.memory_space<vmem>>
        %dma_wait3A_270 = tpu.memref_squeeze %dma_wait3A_269 : memref<1x8x128xi32, #tpu.memory_space<vmem>> -> memref<8x128xi32, #tpu.memory_space<vmem>>
        %dma_wait3A_271 = arith.constant 0 : i32
        %dma_wait3A_272 = tpu.memref_slice %dma_wait3A_270[%run_scoped3A_247, %dma_wait3A_271] : memref<8x128xi32, #tpu.memory_space<vmem>> -> memref<1x128xi32, #tpu.memory_space<vmem>>
        %dma_wait3A_273 = tpu.memref_squeeze %dma_wait3A_272 : memref<1x128xi32, #tpu.memory_space<vmem>> -> memref<128xi32, #tpu.memory_space<vmem>>
        %dma_wait3A_274 = arith.constant 0 : i32
        %dma_wait3A_275 = arith.constant 0 : i32
        %dma_wait3A_276 = tpu.memref_slice %arg10[%dma_wait3A_274, %dma_wait3A_275] : memref<12160x32xf32, #tpu.memory_space<vmem_shared>> -> memref<12160x32xf32, #tpu.memory_space<vmem_shared>>
        tpu.wait_indirect_dma semaphore(%run_scoped3A_250 : memref<!tpu.dma_semaphore, #tpu.memory_space<semaphore_mem>>) src(%dma_wait3A_266 : memref<128x32xf32, #tpu.memory_space<vmem>>) dst(%dma_wait3A_276 : memref<12160x32xf32, #tpu.memory_space<vmem_shared>>)
        tpu.yield
      }) : () -> ()
      %run_scoped3A_248 = arith.constant 6 : i32
      "tpu.region"() ({
        %run_scoped3A_250 = tpu.sem_alloc : memref<!tpu.dma_semaphore, #tpu.memory_space<semaphore_mem>>
        %dma_start3A_251 = arith.constant 768 : i32
        %dma_start3A_252 = arith.constant 0 : i32
        %dma_start3A_253 = tpu.memref_slice %arg9[%dma_start3A_251, %dma_start3A_252] : memref<2048x32xf32, #tpu.memory_space<vmem>> -> memref<128x32xf32, #tpu.memory_space<vmem>>
        %dma_start3A_254 = arith.constant 0 : i32
        %dma_start3A_255 = arith.constant 0 : i32
        %dma_start3A_256 = tpu.memref_slice %arg8[%scan3A_20, %dma_start3A_254, %dma_start3A_255] : memref<10x8x128xi32, #tpu.memory_space<vmem>> -> memref<1x8x128xi32, #tpu.memory_space<vmem>>
        %dma_start3A_257 = tpu.memref_squeeze %dma_start3A_256 : memref<1x8x128xi32, #tpu.memory_space<vmem>> -> memref<8x128xi32, #tpu.memory_space<vmem>>
        %dma_start3A_258 = arith.constant 0 : i32
        %dma_start3A_259 = tpu.memref_slice %dma_start3A_257[%run_scoped3A_248, %dma_start3A_258] : memref<8x128xi32, #tpu.memory_space<vmem>> -> memref<1x128xi32, #tpu.memory_space<vmem>>
        %dma_start3A_260 = tpu.memref_squeeze %dma_start3A_259 : memref<1x128xi32, #tpu.memory_space<vmem>> -> memref<128xi32, #tpu.memory_space<vmem>>
        %dma_start3A_261 = arith.constant 0 : i32
        %dma_start3A_262 = arith.constant 0 : i32
        %dma_start3A_263 = tpu.memref_slice %arg10[%dma_start3A_261, %dma_start3A_262] : memref<12160x32xf32, #tpu.memory_space<vmem_shared>> -> memref<12160x32xf32, #tpu.memory_space<vmem_shared>>
        tpu.enqueue_indirect_dma source(%dma_start3A_253 : memref<128x32xf32, #tpu.memory_space<vmem>>) target(%dma_start3A_263 : memref<12160x32xf32, #tpu.memory_space<vmem_shared>>) offsets(%dma_start3A_260 : memref<128xi32, #tpu.memory_space<vmem>>) semaphore(%run_scoped3A_250 : memref<!tpu.dma_semaphore, #tpu.memory_space<semaphore_mem>>) {add = true}
        %dma_wait3A_264 = arith.constant 768 : i32
        %dma_wait3A_265 = arith.constant 0 : i32
        %dma_wait3A_266 = tpu.memref_slice %arg9[%dma_wait3A_264, %dma_wait3A_265] : memref<2048x32xf32, #tpu.memory_space<vmem>> -> memref<128x32xf32, #tpu.memory_space<vmem>>
        %dma_wait3A_267 = arith.constant 0 : i32
        %dma_wait3A_268 = arith.constant 0 : i32
        %dma_wait3A_269 = tpu.memref_slice %arg8[%scan3A_20, %dma_wait3A_267, %dma_wait3A_268] : memref<10x8x128xi32, #tpu.memory_space<vmem>> -> memref<1x8x128xi32, #tpu.memory_space<vmem>>
        %dma_wait3A_270 = tpu.memref_squeeze %dma_wait3A_269 : memref<1x8x128xi32, #tpu.memory_space<vmem>> -> memref<8x128xi32, #tpu.memory_space<vmem>>
        %dma_wait3A_271 = arith.constant 0 : i32
        %dma_wait3A_272 = tpu.memref_slice %dma_wait3A_270[%run_scoped3A_248, %dma_wait3A_271] : memref<8x128xi32, #tpu.memory_space<vmem>> -> memref<1x128xi32, #tpu.memory_space<vmem>>
        %dma_wait3A_273 = tpu.memref_squeeze %dma_wait3A_272 : memref<1x128xi32, #tpu.memory_space<vmem>> -> memref<128xi32, #tpu.memory_space<vmem>>
        %dma_wait3A_274 = arith.constant 0 : i32
        %dma_wait3A_275 = arith.constant 0 : i32
        %dma_wait3A_276 = tpu.memref_slice %arg10[%dma_wait3A_274, %dma_wait3A_275] : memref<12160x32xf32, #tpu.memory_space<vmem_shared>> -> memref<12160x32xf32, #tpu.memory_space<vmem_shared>>
        tpu.wait_indirect_dma semaphore(%run_scoped3A_250 : memref<!tpu.dma_semaphore, #tpu.memory_space<semaphore_mem>>) src(%dma_wait3A_266 : memref<128x32xf32, #tpu.memory_space<vmem>>) dst(%dma_wait3A_276 : memref<12160x32xf32, #tpu.memory_space<vmem_shared>>)
        tpu.yield
      }) : () -> ()
      %run_scoped3A_249 = arith.constant 7 : i32
      "tpu.region"() ({
        %run_scoped3A_250 = tpu.sem_alloc : memref<!tpu.dma_semaphore, #tpu.memory_space<semaphore_mem>>
        %dma_start3A_251 = arith.constant 896 : i32
        %dma_start3A_252 = arith.constant 0 : i32
        %dma_start3A_253 = tpu.memref_slice %arg9[%dma_start3A_251, %dma_start3A_252] : memref<2048x32xf32, #tpu.memory_space<vmem>> -> memref<128x32xf32, #tpu.memory_space<vmem>>
        %dma_start3A_254 = arith.constant 0 : i32
        %dma_start3A_255 = arith.constant 0 : i32
        %dma_start3A_256 = tpu.memref_slice %arg8[%scan3A_20, %dma_start3A_254, %dma_start3A_255] : memref<10x8x128xi32, #tpu.memory_space<vmem>> -> memref<1x8x128xi32, #tpu.memory_space<vmem>>
        %dma_start3A_257 = tpu.memref_squeeze %dma_start3A_256 : memref<1x8x128xi32, #tpu.memory_space<vmem>> -> memref<8x128xi32, #tpu.memory_space<vmem>>
        %dma_start3A_258 = arith.constant 0 : i32
        %dma_start3A_259 = tpu.memref_slice %dma_start3A_257[%run_scoped3A_249, %dma_start3A_258] : memref<8x128xi32, #tpu.memory_space<vmem>> -> memref<1x128xi32, #tpu.memory_space<vmem>>
        %dma_start3A_260 = tpu.memref_squeeze %dma_start3A_259 : memref<1x128xi32, #tpu.memory_space<vmem>> -> memref<128xi32, #tpu.memory_space<vmem>>
        %dma_start3A_261 = arith.constant 0 : i32
        %dma_start3A_262 = arith.constant 0 : i32
        %dma_start3A_263 = tpu.memref_slice %arg10[%dma_start3A_261, %dma_start3A_262] : memref<12160x32xf32, #tpu.memory_space<vmem_shared>> -> memref<12160x32xf32, #tpu.memory_space<vmem_shared>>
        tpu.enqueue_indirect_dma source(%dma_start3A_253 : memref<128x32xf32, #tpu.memory_space<vmem>>) target(%dma_start3A_263 : memref<12160x32xf32, #tpu.memory_space<vmem_shared>>) offsets(%dma_start3A_260 : memref<128xi32, #tpu.memory_space<vmem>>) semaphore(%run_scoped3A_250 : memref<!tpu.dma_semaphore, #tpu.memory_space<semaphore_mem>>) {add = true}
        %dma_wait3A_264 = arith.constant 896 : i32
        %dma_wait3A_265 = arith.constant 0 : i32
        %dma_wait3A_266 = tpu.memref_slice %arg9[%dma_wait3A_264, %dma_wait3A_265] : memref<2048x32xf32, #tpu.memory_space<vmem>> -> memref<128x32xf32, #tpu.memory_space<vmem>>
        %dma_wait3A_267 = arith.constant 0 : i32
        %dma_wait3A_268 = arith.constant 0 : i32
        %dma_wait3A_269 = tpu.memref_slice %arg8[%scan3A_20, %dma_wait3A_267, %dma_wait3A_268] : memref<10x8x128xi32, #tpu.memory_space<vmem>> -> memref<1x8x128xi32, #tpu.memory_space<vmem>>
        %dma_wait3A_270 = tpu.memref_squeeze %dma_wait3A_269 : memref<1x8x128xi32, #tpu.memory_space<vmem>> -> memref<8x128xi32, #tpu.memory_space<vmem>>
        %dma_wait3A_271 = arith.constant 0 : i32
        %dma_wait3A_272 = tpu.memref_slice %dma_wait3A_270[%run_scoped3A_249, %dma_wait3A_271] : memref<8x128xi32, #tpu.memory_space<vmem>> -> memref<1x128xi32, #tpu.memory_space<vmem>>
        %dma_wait3A_273 = tpu.memref_squeeze %dma_wait3A_272 : memref<1x128xi32, #tpu.memory_space<vmem>> -> memref<128xi32, #tpu.memory_space<vmem>>
        %dma_wait3A_274 = arith.constant 0 : i32
        %dma_wait3A_275 = arith.constant 0 : i32
        %dma_wait3A_276 = tpu.memref_slice %arg10[%dma_wait3A_274, %dma_wait3A_275] : memref<12160x32xf32, #tpu.memory_space<vmem_shared>> -> memref<12160x32xf32, #tpu.memory_space<vmem_shared>>
        tpu.wait_indirect_dma semaphore(%run_scoped3A_250 : memref<!tpu.dma_semaphore, #tpu.memory_space<semaphore_mem>>) src(%dma_wait3A_266 : memref<128x32xf32, #tpu.memory_space<vmem>>) dst(%dma_wait3A_276 : memref<12160x32xf32, #tpu.memory_space<vmem_shared>>)
        tpu.yield
      }) : () -> ()
    }
    %scan3A_11 = arith.constant 10 : i32
    %barrier3A_12 = arith.constant 0 : index
    tpu.barrier barrier_id(%barrier3A_12)
    %mul3A_13 = arith.constant 760 : i32
    %mul3A_14 = arith.muli %arg1, %mul3A_13 : i32
    %mul3A_15 = arith.constant 16 : i32
    %mul3A_16 = arith.muli %arg0, %mul3A_15 : i32
    %add3A_17 = arith.addi %mul3A_16, %arg1 : i32
    %mul3A_18 = arith.constant 760 : i32
    %mul3A_19 = arith.muli %add3A_17, %mul3A_18 : i32
    "tpu.region"() ({
      %run_scoped3A = tpu.sem_alloc : memref<!tpu.dma_semaphore, #tpu.memory_space<semaphore_mem>>
      %dma_start3A = arith.constant 0 : i32
      %dma_start3A_20 = tpu.memref_slice %arg6[%mul3A_19, %dma_start3A] : memref<24320x32xf32, #tpu.memory_space<hbm>> -> memref<760x32xf32, #tpu.memory_space<hbm>>
      %dma_start3A_21 = arith.constant 0 : i32
      %dma_start3A_22 = tpu.memref_slice %arg10[%mul3A_14, %dma_start3A_21] : memref<12160x32xf32, #tpu.memory_space<vmem_shared>> -> memref<760x32xf32, #tpu.memory_space<vmem_shared>>
      tpu.enqueue_dma source(%dma_start3A_22 : memref<760x32xf32, #tpu.memory_space<vmem_shared>>) target(%dma_start3A_20 : memref<760x32xf32, #tpu.memory_space<hbm>>) target_semaphore(%run_scoped3A : memref<!tpu.dma_semaphore, #tpu.memory_space<semaphore_mem>>)
      %dma_wait3A = arith.constant 0 : i32
      %dma_wait3A_23 = tpu.memref_slice %arg6[%mul3A_19, %dma_wait3A] : memref<24320x32xf32, #tpu.memory_space<hbm>> -> memref<760x32xf32, #tpu.memory_space<hbm>>
      %dma_wait3A_24 = arith.constant 0 : i32
      %dma_wait3A_25 = tpu.memref_slice %arg10[%mul3A_14, %dma_wait3A_24] : memref<12160x32xf32, #tpu.memory_space<vmem_shared>> -> memref<760x32xf32, #tpu.memory_space<vmem_shared>>
      tpu.wait_dma2 semaphore(%run_scoped3A : memref<!tpu.dma_semaphore, #tpu.memory_space<semaphore_mem>>) src(%dma_wait3A_25 : memref<760x32xf32, #tpu.memory_space<vmem_shared>>) dst(%dma_wait3A_23 : memref<760x32xf32, #tpu.memory_space<hbm>>)
      tpu.yield
    }) : () -> ()
    return
  }
}

module attributes {stable_mosaic.version = 14 : i64} {
  func.func @_proj0_body(%arg0: memref<10000x128xf32, #tpu.memory_space<vmem>>, %arg1: memref<128x32xf32, #tpu.memory_space<vmem>>, %arg2: memref<128x32xf32, #tpu.memory_space<vmem>>, %arg3: memref<1x32xf32, #tpu.memory_space<vmem>>, %arg4: memref<1x1xf32, #tpu.memory_space<vmem>>, %arg5: memref<10000x32xf32, #tpu.memory_space<vmem>>, %arg6: memref<10000x32xf32, #tpu.memory_space<vmem>>) attributes {dimension_semantics = [], scalar_prefetch = 0 : i64, scratch_operands = 0 : i64, tpu.core_type = #tpu.core_type<tc>} {
    %get3A = arith.constant 0 : index
    %get3A_0 = arith.constant 0 : index
    %get3A_1 = vector.load %arg4[%get3A, %get3A_0] : memref<1x1xf32, #tpu.memory_space<vmem>>, vector<1x1xf32>
    %get3A_2 = vector.extract %get3A_1[0, 0] : f32 from vector<1x1xf32>
    %div3A = arith.constant 2.000000e+00 : f32
    %div3A_3 = arith.divf %div3A, %get3A_2 : f32
    %sub3A = arith.constant 1.000000e+00 : f32
    %sub3A_4 = arith.subf %div3A_3, %sub3A : f32
    %get3A_5 = arith.constant 0 : index
    %get3A_6 = arith.constant 0 : index
    %get3A_7 = vector.load %arg0[%get3A_5, %get3A_6] : memref<10000x128xf32, #tpu.memory_space<vmem>>, vector<10000x128xf32>
    %get3A_8 = arith.constant 0 : index
    %get3A_9 = arith.constant 0 : index
    %get3A_10 = vector.load %arg2[%get3A_8, %get3A_9] : memref<128x32xf32, #tpu.memory_space<vmem>>, vector<128x32xf32>
    %get3A_11 = arith.constant 0 : index
    %get3A_12 = arith.constant 0 : index
    %get3A_13 = vector.load %arg1[%get3A_11, %get3A_12] : memref<128x32xf32, #tpu.memory_space<vmem>>, vector<128x32xf32>
    %mul3A = vector.broadcast %sub3A_4 : f32 to vector<128x32xf32>
    %mul3A_14 = arith.mulf %mul3A, %get3A_10 : vector<128x32xf32>
    %add3A = arith.addf %get3A_13, %mul3A_14 : vector<128x32xf32>
    %dot_general3A = arith.constant dense<0.000000e+00> : vector<10000x32xf32>
    %dot_general3A_15 = tpu.matmul %get3A_7, %add3A, %dot_general3A {dimension_numbers = #tpu.dot_dimension_numbers<[1], [0], [0], [1], [0, 0, 1, 1], [], []>, precision = #tpu.contract_precision<fp32>, transpose_lhs_hint = false} : vector<10000x128xf32>, vector<128x32xf32>, vector<10000x32xf32> -> vector<10000x32xf32>
    %get3A_16 = arith.constant 0 : index
    %get3A_17 = arith.constant 0 : index
    %get3A_18 = vector.load %arg3[%get3A_16, %get3A_17] : memref<1x32xf32, #tpu.memory_space<vmem>>, vector<1x32xf32>
    %add3A_19 = vector.broadcast %get3A_18 : vector<1x32xf32> to vector<10000x32xf32>
    %add3A_20 = arith.addf %dot_general3A_15, %add3A_19 : vector<10000x32xf32>
    %swap3A = arith.constant 0 : index
    %swap3A_21 = arith.constant 0 : index
    %swap3A_22 = vector.load %arg5[%swap3A, %swap3A_21] : memref<10000x32xf32, #tpu.memory_space<vmem>>, vector<10000x32xf32>
    tpu.vector_store %arg5[%swap3A, %swap3A_21], %add3A_20 {strides = array<i32>} : memref<10000x32xf32, #tpu.memory_space<vmem>>, vector<10000x32xf32>,
    %dot_general3A_23 = arith.constant dense<0.000000e+00> : vector<10000x32xf32>
    %dot_general3A_24 = tpu.matmul %get3A_7, %get3A_10, %dot_general3A_23 {dimension_numbers = #tpu.dot_dimension_numbers<[1], [0], [0], [1], [0, 0, 1, 1], [], []>, precision = #tpu.contract_precision<fp32>, transpose_lhs_hint = false} : vector<10000x128xf32>, vector<128x32xf32>, vector<10000x32xf32> -> vector<10000x32xf32>
    %swap3A_25 = arith.constant 0 : index
    %swap3A_26 = arith.constant 0 : index
    %swap3A_27 = vector.load %arg6[%swap3A_25, %swap3A_26] : memref<10000x32xf32, #tpu.memory_space<vmem>>, vector<10000x32xf32>
    tpu.vector_store %arg6[%swap3A_25, %swap3A_26], %dot_general3A_24 {strides = array<i32>} : memref<10000x32xf32, #tpu.memory_space<vmem>>, vector<10000x32xf32>,
    return
  }
}

module attributes {stable_mosaic.version = 14 : i64} {
  func.func @_prep_body(%arg0: memref<2500x128xi32, #tpu.memory_space<vmem>>, %arg1: memref<2500x128xi32, #tpu.memory_space<vmem>>, %arg2: memref<2560x128xi32, #tpu.memory_space<vmem>>, %arg3: memref<2560x128xi32, #tpu.memory_space<vmem>>, %arg4: memref<2560x128xi32, #tpu.memory_space<vmem>>) attributes {dimension_semantics = [], scalar_prefetch = 0 : i64, scratch_operands = 0 : i64, tpu.core_type = #tpu.core_type<tc>} {
    %get3A = arith.constant 0 : index
    %get3A_0 = arith.constant 0 : index
    %get3A_1 = vector.load %arg0[%get3A, %get3A_0] : memref<2500x128xi32, #tpu.memory_space<vmem>>, vector<2500x128xi32>
    %get3A_2 = arith.constant 0 : index
    %get3A_3 = arith.constant 0 : index
    %get3A_4 = vector.load %arg1[%get3A_2, %get3A_3] : memref<2500x128xi32, #tpu.memory_space<vmem>>, vector<2500x128xi32>
    %ne3A = arith.cmpi ne, %get3A_1, %get3A_4 : vector<2500x128xi32>
    %iota3A = tpu.iota {dimensions = array<i32: 0>} : vector<2500x128xi32>
    %mul3A = arith.constant 128 : i32
    %mul3A_5 = vector.broadcast %mul3A : i32 to vector<2500x128xi32>
    %mul3A_6 = arith.muli %iota3A, %mul3A_5 : vector<2500x128xi32>
    %iota3A_7 = tpu.iota {dimensions = array<i32: 1>} : vector<2500x128xi32>
    %add3A = arith.addi %mul3A_6, %iota3A_7 : vector<2500x128xi32>
    %rem3A = arith.constant 2160 : i32
    %rem3A_8 = vector.broadcast %rem3A : i32 to vector<2500x128xi32>
    %rem3A_9 = arith.remsi %add3A, %rem3A_8 : vector<2500x128xi32>
    %add3A_10 = arith.constant 10000 : i32
    %add3A_11 = vector.broadcast %add3A_10 : i32 to vector<2500x128xi32>
    %add3A_12 = arith.addi %add3A_11, %rem3A_9 : vector<2500x128xi32>
    %select_n3A = arith.select %ne3A, %get3A_4, %add3A_12 : vector<2500x128xi1>, vector<2500x128xi32>
    %swap3A = arith.constant 0 : index
    %swap3A_13 = arith.constant 0 : index
    %swap3A_14 = vector.load %arg3[%swap3A, %swap3A_13] : memref<2560x128xi32, #tpu.memory_space<vmem>>, vector<2500x128xi32>
    tpu.vector_store %arg3[%swap3A, %swap3A_13], %select_n3A {strides = array<i32>} : memref<2560x128xi32, #tpu.memory_space<vmem>>, vector<2500x128xi32>,
    %select_n3A_15 = arith.select %ne3A, %get3A_1, %add3A_12 : vector<2500x128xi1>, vector<2500x128xi32>
    %swap3A_16 = arith.constant 0 : index
    %swap3A_17 = arith.constant 0 : index
    %swap3A_18 = vector.load %arg4[%swap3A_16, %swap3A_17] : memref<2560x128xi32, #tpu.memory_space<vmem>>, vector<2500x128xi32>
    tpu.vector_store %arg4[%swap3A_16, %swap3A_17], %select_n3A_15 {strides = array<i32>} : memref<2560x128xi32, #tpu.memory_space<vmem>>, vector<2500x128xi32>,
    %swap3A_19 = arith.constant 0 : index
    %swap3A_20 = arith.constant 0 : index
    %swap3A_21 = vector.load %arg2[%swap3A_19, %swap3A_20] : memref<2560x128xi32, #tpu.memory_space<vmem>>, vector<2500x128xi32>
    tpu.vector_store %arg2[%swap3A_19, %swap3A_20], %get3A_1 {strides = array<i32>} : memref<2560x128xi32, #tpu.memory_space<vmem>>, vector<2500x128xi32>,
    %iota3A_22 = tpu.iota {dimensions = array<i32: 0>} : vector<60x128xi32>
    %mul3A_23 = arith.constant 128 : i32
    %mul3A_24 = vector.broadcast %mul3A_23 : i32 to vector<60x128xi32>
    %mul3A_25 = arith.muli %iota3A_22, %mul3A_24 : vector<60x128xi32>
    %iota3A_26 = tpu.iota {dimensions = array<i32: 1>} : vector<60x128xi32>
    %add3A_27 = arith.addi %mul3A_25, %iota3A_26 : vector<60x128xi32>
    %rem3A_28 = arith.constant 2160 : i32
    %rem3A_29 = vector.broadcast %rem3A_28 : i32 to vector<60x128xi32>
    %rem3A_30 = arith.remsi %add3A_27, %rem3A_29 : vector<60x128xi32>
    %add3A_31 = arith.constant 10000 : i32
    %add3A_32 = vector.broadcast %add3A_31 : i32 to vector<60x128xi32>
    %add3A_33 = arith.addi %add3A_32, %rem3A_30 : vector<60x128xi32>
    %rem3A_34 = arith.constant 10000 : i32
    %rem3A_35 = vector.broadcast %rem3A_34 : i32 to vector<60x128xi32>
    %rem3A_36 = arith.remsi %add3A_27, %rem3A_35 : vector<60x128xi32>
    %swap3A_37 = arith.constant 2500 : index
    %swap3A_38 = arith.constant 0 : index
    %swap3A_39 = vector.load %arg2[%swap3A_37, %swap3A_38] : memref<2560x128xi32, #tpu.memory_space<vmem>>, vector<60x128xi32>
    tpu.vector_store %arg2[%swap3A_37, %swap3A_38], %rem3A_36 {strides = array<i32>} : memref<2560x128xi32, #tpu.memory_space<vmem>>, vector<60x128xi32>,
    %swap3A_40 = arith.constant 2500 : index
    %swap3A_41 = arith.constant 0 : index
    %swap3A_42 = vector.load %arg3[%swap3A_40, %swap3A_41] : memref<2560x128xi32, #tpu.memory_space<vmem>>, vector<60x128xi32>
    tpu.vector_store %arg3[%swap3A_40, %swap3A_41], %add3A_33 {strides = array<i32>} : memref<2560x128xi32, #tpu.memory_space<vmem>>, vector<60x128xi32>,
    %swap3A_43 = arith.constant 2500 : index
    %swap3A_44 = arith.constant 0 : index
    %swap3A_45 = vector.load %arg4[%swap3A_43, %swap3A_44] : memref<2560x128xi32, #tpu.memory_space<vmem>>, vector<60x128xi32>
    tpu.vector_store %arg4[%swap3A_43, %swap3A_44], %add3A_33 {strides = array<i32>} : memref<2560x128xi32, #tpu.memory_space<vmem>>, vector<60x128xi32>,
    return
  }
}

module attributes {stable_mosaic.version = 14 : i64} {
  func.func @_dis_body(%arg0: memref<24320x8xf32, #tpu.memory_space<vmem>>, %arg1: memref<10000x32xf32, #tpu.memory_space<vmem>>, %arg2: memref<10000x8xf32, #tpu.memory_space<vmem>>, %arg3: memref<10000x32xf32, #tpu.memory_space<vmem>>) attributes {dimension_semantics = [], scalar_prefetch = 0 : i64, scratch_operands = 0 : i64, tpu.core_type = #tpu.core_type<tc>} {
    %get3A = arith.constant 0 : index
    %get3A_0 = arith.constant 0 : index
    %get3A_1 = vector.load %arg0[%get3A, %get3A_0] : memref<24320x8xf32, #tpu.memory_space<vmem>>, vector<12160x8xf32>
    %get3A_2 = arith.constant 12160 : index
    %get3A_3 = arith.constant 0 : index
    %get3A_4 = vector.load %arg0[%get3A_2, %get3A_3] : memref<24320x8xf32, #tpu.memory_space<vmem>>, vector<12160x8xf32>
    %add3A = arith.addf %get3A_1, %get3A_4 : vector<12160x8xf32>
    %max3A = arith.constant 1.000000e+00 : f32
    %max3A_5 = vector.broadcast %max3A : f32 to vector<12160x8xf32>
    %max3A_6 = arith.maximumf %add3A, %max3A_5 : vector<12160x8xf32>
    %gt3A = arith.constant 0.000000e+00 : f32
    %gt3A_7 = vector.broadcast %gt3A : f32 to vector<12160x8xf32>
    %gt3A_8 = arith.cmpf ogt, %add3A, %gt3A_7 : vector<12160x8xf32>
    %sqrt3A = math.sqrt %max3A_6 : vector<12160x8xf32>
    %div3A = arith.constant 1.000000e+00 : f32
    %div3A_9 = vector.broadcast %div3A : f32 to vector<12160x8xf32>
    %div3A_10 = arith.divf %div3A_9, %sqrt3A : vector<12160x8xf32>
    %jit3A = arith.constant 0.000000e+00 : f32
    %broadcast_in_dim3A = vector.broadcast %jit3A : f32 to vector<12160x8xf32>
    %select_n3A = arith.select %gt3A_8, %div3A_10, %broadcast_in_dim3A : vector<12160x8xi1>, vector<12160x8xf32>
    %slice3A = vector.extract_strided_slice %select_n3A {offsets = [0, 0], sizes = [10000, 8], strides = [1, 1]} : vector<12160x8xf32> to vector<10000x8xf32>
    %swap3A = arith.constant 0 : index
    %swap3A_11 = arith.constant 0 : index
    %swap3A_12 = vector.load %arg2[%swap3A, %swap3A_11] : memref<10000x8xf32, #tpu.memory_space<vmem>>, vector<10000x8xf32>
    tpu.vector_store %arg2[%swap3A, %swap3A_11], %slice3A {strides = array<i32>} : memref<10000x8xf32, #tpu.memory_space<vmem>>, vector<10000x8xf32>,
    %slice3A_13 = vector.extract_strided_slice %slice3A {offsets = [0, 0], sizes = [10000, 1], strides = [1, 1]} : vector<10000x8xf32> to vector<10000x1xf32>
    %get3A_14 = arith.constant 0 : index
    %get3A_15 = arith.constant 0 : index
    %get3A_16 = vector.load %arg1[%get3A_14, %get3A_15] : memref<10000x32xf32, #tpu.memory_space<vmem>>, vector<10000x32xf32>
    %mul3A = vector.broadcast %slice3A_13 : vector<10000x1xf32> to vector<10000x32xf32>
    %mul3A_17 = arith.mulf %mul3A, %get3A_16 : vector<10000x32xf32>
    %swap3A_18 = arith.constant 0 : index
    %swap3A_19 = arith.constant 0 : index
    %swap3A_20 = vector.load %arg3[%swap3A_18, %swap3A_19] : memref<10000x32xf32, #tpu.memory_space<vmem>>, vector<10000x32xf32>
    tpu.vector_store %arg3[%swap3A_18, %swap3A_19], %mul3A_17 {strides = array<i32>} : memref<10000x32xf32, #tpu.memory_space<vmem>>, vector<10000x32xf32>,
    return
  }
}

module attributes {stable_mosaic.version = 14 : i64} {
  func.func @_mid_body(%arg0: memref<24320x32xf32, #tpu.memory_space<vmem>>, %arg1: memref<10000x8xf32, #tpu.memory_space<vmem>>, %arg2: memref<10000x32xf32, #tpu.memory_space<vmem>>, %arg3: memref<32x32xf32, #tpu.memory_space<vmem>>, %arg4: memref<32x32xf32, #tpu.memory_space<vmem>>, %arg5: memref<1x32xf32, #tpu.memory_space<vmem>>, %arg6: memref<1x1xf32, #tpu.memory_space<vmem>>, %arg7: memref<10000x32xf32, #tpu.memory_space<vmem>>, %arg8: memref<10000x32xf32, #tpu.memory_space<vmem>>) attributes {dimension_semantics = [], scalar_prefetch = 0 : i64, scratch_operands = 0 : i64, tpu.core_type = #tpu.core_type<tc>} {
    %get3A = arith.constant 0 : index
    %get3A_0 = arith.constant 0 : index
    %get3A_1 = vector.load %arg6[%get3A, %get3A_0] : memref<1x1xf32, #tpu.memory_space<vmem>>, vector<1x1xf32>
    %get3A_2 = vector.extract %get3A_1[0, 0] : f32 from vector<1x1xf32>
    %div3A = arith.constant 2.000000e+00 : f32
    %div3A_3 = arith.divf %div3A, %get3A_2 : f32
    %sub3A = arith.constant 1.000000e+00 : f32
    %sub3A_4 = arith.subf %div3A_3, %sub3A : f32
    %get3A_5 = arith.constant 0 : index
    %get3A_6 = arith.constant 0 : index
    %get3A_7 = vector.load %arg0[%get3A_5, %get3A_6] : memref<24320x32xf32, #tpu.memory_space<vmem>>, vector<10000x32xf32>
    %get3A_8 = arith.constant 12160 : index
    %get3A_9 = arith.constant 0 : index
    %get3A_10 = vector.load %arg0[%get3A_8, %get3A_9] : memref<24320x32xf32, #tpu.memory_space<vmem>>, vector<10000x32xf32>
    %add3A = arith.addf %get3A_7, %get3A_10 : vector<10000x32xf32>
    %get3A_11 = arith.constant 0 : index
    %get3A_12 = arith.constant 0 : index
    %get3A_13 = vector.load %arg1[%get3A_11, %get3A_12] : memref<10000x8xf32, #tpu.memory_space<vmem>>, vector<10000x8xf32>
    %slice3A = vector.extract_strided_slice %get3A_13 {offsets = [0, 0], sizes = [10000, 1], strides = [1, 1]} : vector<10000x8xf32> to vector<10000x1xf32>
    %get3A_14 = arith.constant 0 : index
    %get3A_15 = arith.constant 0 : index
    %get3A_16 = vector.load %arg2[%get3A_14, %get3A_15] : memref<10000x32xf32, #tpu.memory_space<vmem>>, vector<10000x32xf32>
    %mul3A = vector.broadcast %div3A_3 : f32 to vector<10000x1xf32>
    %mul3A_17 = arith.mulf %mul3A, %slice3A : vector<10000x1xf32>
    %mul3A_18 = vector.broadcast %mul3A_17 : vector<10000x1xf32> to vector<10000x32xf32>
    %mul3A_19 = arith.mulf %mul3A_18, %add3A : vector<10000x32xf32>
    %sub3A_20 = arith.subf %get3A_16, %mul3A_19 : vector<10000x32xf32>
    %max3A = arith.constant 0.000000e+00 : f32
    %max3A_21 = vector.broadcast %max3A : f32 to vector<10000x32xf32>
    %max3A_22 = arith.maximumf %sub3A_20, %max3A_21 : vector<10000x32xf32>
    %get3A_23 = arith.constant 0 : index
    %get3A_24 = arith.constant 0 : index
    %get3A_25 = vector.load %arg4[%get3A_23, %get3A_24] : memref<32x32xf32, #tpu.memory_space<vmem>>, vector<32x32xf32>
    %get3A_26 = arith.constant 0 : index
    %get3A_27 = arith.constant 0 : index
    %get3A_28 = vector.load %arg3[%get3A_26, %get3A_27] : memref<32x32xf32, #tpu.memory_space<vmem>>, vector<32x32xf32>
    %mul3A_29 = vector.broadcast %sub3A_4 : f32 to vector<32x32xf32>
    %mul3A_30 = arith.mulf %mul3A_29, %get3A_25 : vector<32x32xf32>
    %add3A_31 = arith.addf %get3A_28, %mul3A_30 : vector<32x32xf32>
    %dot_general3A = arith.constant dense<0.000000e+00> : vector<10000x32xf32>
    %dot_general3A_32 = tpu.matmul %max3A_22, %add3A_31, %dot_general3A {dimension_numbers = #tpu.dot_dimension_numbers<[1], [0], [0], [1], [0, 0, 1, 1], [], []>, precision = #tpu.contract_precision<fp32>, transpose_lhs_hint = false} : vector<10000x32xf32>, vector<32x32xf32>, vector<10000x32xf32> -> vector<10000x32xf32>
    %get3A_33 = arith.constant 0 : index
    %get3A_34 = arith.constant 0 : index
    %get3A_35 = vector.load %arg5[%get3A_33, %get3A_34] : memref<1x32xf32, #tpu.memory_space<vmem>>, vector<1x32xf32>
    %add3A_36 = vector.broadcast %get3A_35 : vector<1x32xf32> to vector<10000x32xf32>
    %add3A_37 = arith.addf %dot_general3A_32, %add3A_36 : vector<10000x32xf32>
    %swap3A = arith.constant 0 : index
    %swap3A_38 = arith.constant 0 : index
    %swap3A_39 = vector.load %arg7[%swap3A, %swap3A_38] : memref<10000x32xf32, #tpu.memory_space<vmem>>, vector<10000x32xf32>
    tpu.vector_store %arg7[%swap3A, %swap3A_38], %add3A_37 {strides = array<i32>} : memref<10000x32xf32, #tpu.memory_space<vmem>>, vector<10000x32xf32>,
    %dot_general3A_40 = arith.constant dense<0.000000e+00> : vector<10000x32xf32>
    %dot_general3A_41 = tpu.matmul %max3A_22, %get3A_25, %dot_general3A_40 {dimension_numbers = #tpu.dot_dimension_numbers<[1], [0], [0], [1], [0, 0, 1, 1], [], []>, precision = #tpu.contract_precision<fp32>, transpose_lhs_hint = false} : vector<10000x32xf32>, vector<32x32xf32>, vector<10000x32xf32> -> vector<10000x32xf32>
    %mul3A_42 = vector.broadcast %slice3A : vector<10000x1xf32> to vector<10000x32xf32>
    %mul3A_43 = arith.mulf %mul3A_42, %dot_general3A_41 : vector<10000x32xf32>
    %swap3A_44 = arith.constant 0 : index
    %swap3A_45 = arith.constant 0 : index
    %swap3A_46 = vector.load %arg8[%swap3A_44, %swap3A_45] : memref<10000x32xf32, #tpu.memory_space<vmem>>, vector<10000x32xf32>
    tpu.vector_store %arg8[%swap3A_44, %swap3A_45], %mul3A_43 {strides = array<i32>} : memref<10000x32xf32, #tpu.memory_space<vmem>>, vector<10000x32xf32>,
    return
  }
}

module attributes {stable_mosaic.version = 14 : i64} {
  func.func @_final_body(%arg0: memref<24320x32xf32, #tpu.memory_space<vmem>>, %arg1: memref<10000x8xf32, #tpu.memory_space<vmem>>, %arg2: memref<10000x32xf32, #tpu.memory_space<vmem>>, %arg3: memref<32x1xf32, #tpu.memory_space<vmem>>, %arg4: memref<1x1xf32, #tpu.memory_space<vmem>>, %arg5: memref<1x1xf32, #tpu.memory_space<vmem>>, %arg6: memref<10000x1xf32, #tpu.memory_space<vmem>>) attributes {dimension_semantics = [], scalar_prefetch = 0 : i64, scratch_operands = 0 : i64, tpu.core_type = #tpu.core_type<tc>} {
    %get3A = arith.constant 0 : index
    %get3A_0 = arith.constant 0 : index
    %get3A_1 = vector.load %arg5[%get3A, %get3A_0] : memref<1x1xf32, #tpu.memory_space<vmem>>, vector<1x1xf32>
    %get3A_2 = vector.extract %get3A_1[0, 0] : f32 from vector<1x1xf32>
    %div3A = arith.constant 2.000000e+00 : f32
    %div3A_3 = arith.divf %div3A, %get3A_2 : f32
    %get3A_4 = arith.constant 0 : index
    %get3A_5 = arith.constant 0 : index
    %get3A_6 = vector.load %arg0[%get3A_4, %get3A_5] : memref<24320x32xf32, #tpu.memory_space<vmem>>, vector<10000x32xf32>
    %get3A_7 = arith.constant 12160 : index
    %get3A_8 = arith.constant 0 : index
    %get3A_9 = vector.load %arg0[%get3A_7, %get3A_8] : memref<24320x32xf32, #tpu.memory_space<vmem>>, vector<10000x32xf32>
    %add3A = arith.addf %get3A_6, %get3A_9 : vector<10000x32xf32>
    %get3A_10 = arith.constant 0 : index
    %get3A_11 = arith.constant 0 : index
    %get3A_12 = vector.load %arg1[%get3A_10, %get3A_11] : memref<10000x8xf32, #tpu.memory_space<vmem>>, vector<10000x8xf32>
    %slice3A = vector.extract_strided_slice %get3A_12 {offsets = [0, 0], sizes = [10000, 1], strides = [1, 1]} : vector<10000x8xf32> to vector<10000x1xf32>
    %get3A_13 = arith.constant 0 : index
    %get3A_14 = arith.constant 0 : index
    %get3A_15 = vector.load %arg2[%get3A_13, %get3A_14] : memref<10000x32xf32, #tpu.memory_space<vmem>>, vector<10000x32xf32>
    %mul3A = vector.broadcast %div3A_3 : f32 to vector<10000x1xf32>
    %mul3A_16 = arith.mulf %mul3A, %slice3A : vector<10000x1xf32>
    %mul3A_17 = vector.broadcast %mul3A_16 : vector<10000x1xf32> to vector<10000x32xf32>
    %mul3A_18 = arith.mulf %mul3A_17, %add3A : vector<10000x32xf32>
    %sub3A = arith.subf %get3A_15, %mul3A_18 : vector<10000x32xf32>
    %max3A = arith.constant 0.000000e+00 : f32
    %max3A_19 = vector.broadcast %max3A : f32 to vector<10000x32xf32>
    %max3A_20 = arith.maximumf %sub3A, %max3A_19 : vector<10000x32xf32>
    %get3A_21 = arith.constant 0 : index
    %get3A_22 = arith.constant 0 : index
    %get3A_23 = vector.load %arg3[%get3A_21, %get3A_22] : memref<32x1xf32, #tpu.memory_space<vmem>>, vector<32x1xf32>
    %dot_general3A = arith.constant dense<0.000000e+00> : vector<10000x1xf32>
    %dot_general3A_24 = tpu.matmul %max3A_20, %get3A_23, %dot_general3A {dimension_numbers = #tpu.dot_dimension_numbers<[1], [0], [0], [1], [0, 0, 1, 1], [], []>, precision = #tpu.contract_precision<fp32>, transpose_lhs_hint = false} : vector<10000x32xf32>, vector<32x1xf32>, vector<10000x1xf32> -> vector<10000x1xf32>
    %get3A_25 = arith.constant 0 : index
    %get3A_26 = arith.constant 0 : index
    %get3A_27 = vector.load %arg4[%get3A_25, %get3A_26] : memref<1x1xf32, #tpu.memory_space<vmem>>, vector<1x1xf32>
    %add3A_28 = vector.broadcast %get3A_27 : vector<1x1xf32> to vector<10000x1xf32>
    %add3A_29 = arith.addf %dot_general3A_24, %add3A_28 : vector<10000x1xf32>
    %swap3A = arith.constant 0 : index
    %swap3A_30 = arith.constant 0 : index
    %swap3A_31 = vector.load %arg6[%swap3A, %swap3A_30] : memref<10000x1xf32, #tpu.memory_space<vmem>>, vector<10000x1xf32>
    tpu.vector_store %arg6[%swap3A, %swap3A_30], %add3A_29 {strides = array<i32>} : memref<10000x1xf32, #tpu.memory_space<vmem>>, vector<10000x1xf32>,
    return
  }
}

</mosaic_0001>

<sc_bundles>
// kernel: kernel.12.cloned.1.call-start
scs
__scs_entry_jumppad:
0x0: {  	(pc) =	sbr.rel $0x88, $3  }
0x1: {  	(tag) =	ssettag $0x0;
	lr =	simm.s32 $0x1  }
0x2: {  	[smem:$0x3F93] =	sst lr;
	_ =	strace $0xD0000000  }
0x3: {  	_ = 	snop  }
0x4: {  	_ = 	snop  }
0x5: {  	_ = 	snop  }
0x6: {  	_ = 	snop  }
0x7: {  	_ = 	snop  }
__scs_overlays_trampoline_lowered:
0x8: {  	[smem:$0x3FA2] =	sst s0  }
0x9: {  	[smem:$0x3FA3] =	sst s1  }
0xa: {  	[smem:$0x3FA4] =	sst s2  }
0xb: {  	[smem:$0x3FA5] =	sst s3  }
0xc: {  	[smem:$0x3FA6] =	sst s4  }
0xd: {  	[smem:$0x3FA7] =	sst s5  }
0xe: {  	[smem:$0x3FA8] =	sst s6  }
0xf: {  	[smem:$0x3FA9] =	sst s7  }
0x10: {  	[smem:$0x3FAA] =	sst s8  }
0x11: {  	[smem:$0x3FAB] =	sst s9;
	s0 =	simm.s32 @!p0 $0x0  }
0x12: {  	s1 =	sld [smem:$0x3F91];
	s0 =	simm.s32 @p0 $0x1  }
0x13: {  	[smem:$0x3FAC] =	sst s0;
	s0 =	simm.s32 @!p1 $0x0  }
0x14: {  	s2 =	sld [smem:$0x3F90];
	s0 =	simm.s32 @p1 $0x1  }
0x15: {  	[smem:$0x3FAD] =	sst s0;
	s0 =	simm.s32 @!p2 $0x0  }
0x16: {  	s3 =	sld [smem:$0x3FDB];
	s0 =	simm.s32 @p2 $0x1  }
0x17: {  	s4 =	simm.s32 $0x1BF5;
	[smem:$0x3FAF] =	sst s0  }
0x18: {  	s0 =	sld [smem:$0x3F92];
	_ =	swait.ge [sflag:s4], $0x0  }
0x19: {  	s7 =	sld [smem:$0x3F93]  }
0x1a: {  	s8 =	sadd.s32 $0xFFFFE003, lr  }
0x1b: {  	s9 =	sadd.s32 $0xFFFFFEF7, lr;
	s5 =	simm.s32 $0xFFFFFFFF;
	p2 =	slt.u32 s8, $0xFFFFF086  }
0x1c: {  	p1 =	slt.u32 s9, $0xF7A;
	s5 =	simm.s32 @!p2 $0x0  }
0x1d: {  	s5 =	simm.s32 @p1 $0x1;
	p0 =	seq.s32 s7, s2  }
0x1e: {  	s7 =	smul.u32 @!p0 $0xF7A, s2;
	p2 =	seq.s32 @!p0 s5, $0x0  }
0x1f: {  	s9 =	smul.u32 $0xF7A, s1;
	s8 =	simm.s32 @!p0 $0x1BF5;
	p2 =	por !p2, p0  }
0x20: {  	[sflag:s8] =	ssyncset.s32 @!p0 $0xFFFFF086;
	s6 =	sadd.s32 @!p0 s3, s7;
	s7 =	simm.s32 @!p0 $0x108  }
0x21: {  	s3 =	sadd.s32 s3, s9;
	s6 =	sadd.s32 @!p0 $0x88, s6;
	s7 =	simm.s32 @p2 $0x1082  }
0x22: {  	[simem:s7], [sflag:s8] =	dma.local @!p0 [hbm:s6], $0xF7A  }
0x23: {  	s9 =	sor.u32 $0xD0000000, s2;
	s6 =	simm.s32 $0x108;
	_ =	swait.ge @!p0 [sflag:s8], $0x0  }
0x24: {  	s3 =	sadd.s32 $0x88, s3;
	s6 =	simm.s32 @!p1 $0x1082;
	[sflag:s4] =	ssyncset.s32 $0xFFFFF086  }
0x25: {  	[simem:s6], [sflag:s4] =	dma.local [hbm:s3], $0xF7A  }
0x26: {  	[smem:$0x3F93] =	sst s1;
	(tag) =	ssettag s2;
	_ =	strace s9  }
0x27: {  	s1 =	sld [smem:$0x3FA3]  }
0x28: {  	s2 =	sld [smem:$0x3FA4]  }
0x29: {  	s4 =	sld [smem:$0x3FA6]  }
0x2a: {  	p0 =	seq.s32 s5, $0x0;
	s5 =	sld [smem:$0x3FA7]  }
0x2b: {  	s6 =	sld [smem:$0x3FA8]  }
0x2c: {  	s7 =	sld [smem:$0x3FA9]  }
0x2d: {  	s3 =	simm.s32 $0x108;
	s8 =	sld [smem:$0x3FAA]  }
0x2e: {  	s3 =	simm.s32 @!p0 $0x1082;
	s9 =	sld [smem:$0x3FAB]  }
0x2f: {  	lr =	sadd.s32 s0, s3;
	s0 =	sld [smem:$0x3FA2]  }
0x30: {  	s3 =	sld [smem:$0x3FA5]  }
0x31: {  	[smem:$0x3FAE] =	sst s10  }
0x32: {  	s10 =	sld [smem:$0x3FAC];
	_ =	sdelay $0x3  }
0x33: {  	p0 =	seq.s32 s10, $0x1;
	s10 =	sld [smem:$0x3FAE];
	_ =	sdelay $0x3  }
0x34: {  	[smem:$0x3FAE] =	sst s10  }
0x35: {  	s10 =	sld [smem:$0x3FAD];
	_ =	sdelay $0x3  }
0x36: {  	p1 =	seq.s32 s10, $0x1;
	s10 =	sld [smem:$0x3FAE];
	_ =	sdelay $0x3  }
0x37: {  	[smem:$0x3FAE] =	sst s10  }
0x38: {  	s10 =	sld [smem:$0x3FAF]  }
0x39: {  	_ = 	snop;
	(pc) =	sbr.ind lr, $3  }
0x3a: {  	_ = 	snop  }
0x3b: {  	_ = 	snop  }
0x3c: {  	p2 =	seq.s32 s10, $0x1;
	s10 =	sld [smem:$0x3FAE]  }
0x3d: {  	_ =	shalt  }
0x3e: {  	_ =	shalt  }
0x3f: {  	_ =	shalt  }
0x40: {  	_ =	shalt  }
0x41: {  	_ =	shalt  }
0x42: {  	_ =	shalt  }
0x43: {  	_ =	shalt  }
0x44: {  	_ =	shalt  }
0x45: {  	_ =	shalt  }
0x46: {  	_ =	shalt  }
0x47: {  	_ =	shalt  }
0x48: {  	_ =	shalt  }
0x49: {  	_ =	shalt  }
0x4a: {  	_ =	shalt  }
0x4b: {  	_ =	shalt  }
0x4c: {  	_ =	shalt  }
0x4d: {  	_ =	shalt  }
0x4e: {  	_ =	shalt  }
0x4f: {  	_ =	shalt  }
0x50: {  	_ =	shalt  }
0x51: {  	_ =	shalt  }
0x52: {  	_ =	shalt  }
0x53: {  	_ =	shalt  }
0x54: {  	_ =	shalt  }
0x55: {  	_ =	shalt  }
0x56: {  	_ =	shalt  }
0x57: {  	_ =	shalt  }
0x58: {  	_ =	shalt  }
0x59: {  	_ =	shalt  }
0x5a: {  	_ =	shalt  }
0x5b: {  	_ =	shalt  }
0x5c: {  	_ =	shalt  }
0x5d: {  	_ =	shalt  }
0x5e: {  	_ =	shalt  }
0x5f: {  	_ =	shalt  }
0x60: {  	_ =	shalt  }
0x61: {  	_ =	shalt  }
0x62: {  	_ =	shalt  }
0x63: {  	_ =	shalt  }
0x64: {  	_ =	shalt  }
0x65: {  	_ =	shalt  }
0x66: {  	_ =	shalt  }
0x67: {  	_ =	shalt  }
0x68: {  	_ =	shalt  }
0x69: {  	_ =	shalt  }
0x6a: {  	_ =	shalt  }
0x6b: {  	_ =	shalt  }
0x6c: {  	_ =	shalt  }
0x6d: {  	_ =	shalt  }
0x6e: {  	_ =	shalt  }
0x6f: {  	_ =	shalt  }
0x70: {  	_ =	shalt  }
0x71: {  	_ =	shalt  }
0x72: {  	_ =	shalt  }
0x73: {  	_ =	shalt  }
0x74: {  	_ =	shalt  }
0x75: {  	_ =	shalt  }
0x76: {  	_ =	shalt  }
0x77: {  	_ =	shalt  }
0x78: {  	_ =	shalt  }
0x79: {  	_ =	shalt  }
0x7a: {  	_ =	shalt  }
0x7b: {  	_ =	shalt  }
0x7c: {  	_ =	shalt  }
0x7d: {  	_ =	shalt  }
0x7e: {  	_ =	shalt  }
0x7f: {  	_ =	shalt  }
0x80: {  	_ =	shalt  }
0x81: {  	_ =	shalt  }
0x82: {  	_ =	shalt  }
0x83: {  	_ =	shalt  }
0x84: {  	_ =	shalt  }
0x85: {  	_ =	shalt  }
0x86: {  	_ =	shalt  }
0x87: {  	_ =	shalt  }
.Lfunc_end0:
.L_simem_size_0:
called_computation_lowered:
.L_overlay_start_0:
0x88: {  	s2 =	sld [smem:$0x3FD9]  }
0x89: {  	s3 =	sld [smem:$0x3FFE];
	_ =	sdelay $0x1  }
0x8a: {  	s1 =	srdreg.scid  }
0x8b: {  	s0 =	sand.u32 $0x1, s1  }
0x8c: {  	s17 =	sshll.u32 s0, $0xA;
	s2 =	sadd.s32 s3, s2  }
0x8d: {  	s2 =	sadd.s32 s2, s17  }
0x8e: {  	[smem:$0x3FBA] =	sst s2  }
0x8f: {  	_ = 	snop  }
0x90: {  	s2 =	sld [smem:$0x3FD0];
	(tm) =	ssettm $0x1  }
0x91: {  	s18 =	sld [smem:$0x3FFB];
	_ =	sdelay $0x3  }
0x92: {  	_ =	strace s18  }
0x93: {  	s3 =	sld [smem:$0x3FFC];
	_ =	sdelay $0x3  }
0x94: {  	_ =	strace s3  }
0x95: {  	s3 =	sld [smem:$0x3FFD];
	_ =	sdelay $0x3  }
0x96: {  	_ =	strace s3  }
0x97: {  	_ =	strace $0x8FFFFFFF  }
0x98: {  	s19 =	sld [smem:$0x3FDB];
	_ =	sdelay $0x1  }
0x99: {  	s4 =	simm.s32 $_scs_section_size  }
0x9a: {  	s5 =	simm.s32 $_size__tile_overlayer_lowered;
	s6 =	simm.s32 $_tile_overlayer_lowered  }
0x9b: {  	s22 =	simm.s32 $0x1BFF;
	s21 =	sshll.u32 s6, $0x1;
	s3 =	sadd.s32 s4, s19  }
0x9c: {  	s7 =	simm.s32 $0x0;
	s20 =	sshll.u32 s5, $0x1;
	s5 =	sadd.s32 s21, s3  }
0x9d: {  	[timem:s7], [sflag:s22] =	dma.local [hbm:s5], s20  }
0x9e: {  	_ =	swait.ge [sflag:s22], s20  }
0x9f: {  	s4 =	ssub.s32 $0x0, s20;
	[sflag:s22] =	ssyncset.done $0x0  }
0xa0: {  	[sflag:s22] =	ssyncadd.s32 s4;
	_ =	sdelay $0x1  }
0xa1: {  	s23 =	simm.s32 $0x1B8B  }
0xa2: {  	_ =	swait.ge [sflag:s23], $0x1  }
0xa3: {  	[sflag:s23] =	ssyncset.done $0x0  }
0xa4: {  	s25 =	simm.s32 $0x1B8E;
	s24 =	sld [smem:$0x3FFE];
	[sflag:s23] =	ssyncadd.s32 $0xFFFFFFFF  }
0xa5: {  	s26 =	simm.s32 $execute0_lowered;
	[smem:$0x3FD2] =	sst s25  }
0xa6: {  	s5 =	sshll.u32 s26, $0x1;
	_ =	strace $0x80000046;
	[dreg:$0x1] =	wrdreg $0xFFFFFFFF  }
0xa7: {  	s28 =	simm.s32 $_size_execute0_lowered;
	s3 =	sadd.s32 s3, s5;
	[dreg:$0x0] =	wrdreg $0x0  }
0xa8: {  	s5 =	sshll.u32 s28, $0x1;
	[dreg:$0x2] =	wrdreg s3  }
0xa9: {  	[dreg:$0x3] =	wrdreg s5  }
0xaa: {  	[dreg:$0x4] =	wrdreg $0xC0  }
0xab: {  	_ =	task [dreg:s7], $0x5FFFF  }
0xac: {  	[dreg:$0x1] =	wrdreg $0xFFFFFFFF  }
0xad: {  	[dreg:$0x0] =	wrdreg $0x60  }
0xae: {  	[dreg:$0x2] =	wrdreg s24  }
0xaf: {  	[dreg:$0x3] =	wrdreg s2  }
0xb0: {  	[dreg:$0x4] =	wrdreg $0x2C000  }
0xb1: {  	[dreg:$0x5] =	wrdreg $0x9  }
0xb2: {  	_ =	task.clear_ibuf [dreg:s7], $0x6FFFF;
	_ =	strace $0x90000046  }
0xb3: {  	s29 =	simm.s32 $0x9;
	_ =	strace $0x80000048  }
0xb4: {  	_ =	swait.ge [sflag:s29], $0x1  }
0xb5: {  	[sflag:s29] =	ssyncadd.s32 $0xFFFFFFFF  }
0xb6: {  	_ =	strace $0x90000048  }
0xb7: {  	_ =	sfence  }
0xb8: {  	s30 =	sld [smem:$0x0];
	_ =	sdelay $0x2  }
0xb9: {  	s31 =	sshll.u32 s1, $0xD;
	s1 =	sshrl.u32 s1, $0x2  }
0xba: {  	s3 =	sand.u32 $0x4000, s31;
	s1 =	sadd.s32 s1, s30  }
0xbb: {  	s0 =	sor.u32 s3, s0;
	s1 =	sshll.u32 s1, $0x11  }
0xbc: {  	s0 =	sor.u32 s1, s0  }
0xbd: {  	s0 =	sadd.s32 $0x8F2B, s0  }
0xbe: {  	[sflag:s0] =	ssyncadd.remote.s32 $0x1  }
0xbf: {  	_ =	sfence.sel $0xFFFF  }
0xc0: {  	[dreg:$0x0] =	wrdreg $0xFFFFFFFF;
	(pc) =	sbr.abs _section_cstart, $3  }
0xc1: {  	[dreg:$0x1] =	wrdreg $0xFFFFFFFF  }
0xc2: {  	_ =	task.clear_ibuf [dreg:s7], $0x2FFFF;
	_ =	strace $0x9FFFFFFF  }
0xc3: {  	(tm) =	ssettm $0x7FFFFFFF  }
tec
execute0_lowered:
.L_overlay_start_1:
0x0: {  	(tag) =	ssettag $0x1  }
0x1: {  	s6 =	rddreg [dreg:$0x0]  }
0x2: {  	s0 =	srdreg.scid;
	s2 =	rddreg [dreg:$0x1]  }
0x3: {  	s3 =	rddreg [dreg:$0x2];
	s4 =	simm.s32 $0x0;
	s12 =	simm.s32 $0x2800  }
0x4: {  	s13 =	simm.s32 $0x80;
	s14 =	simm.s32 $0x0;
	s7 =	sand.u32 $0x1, s0  }
0x5: {  	s0 =	stileid.u32;
	[smem:$0x7FF] =	sst s4;
	s1 =	sshll.u32 s7, $0x4  }
0x6: {  	s10 =	smul.u32 $0x5F00, s0;
	s7 =	ssub.s32 $0x2, s7;
	s5 =	sor.u32 s0, s1  }
0x7: {  	s31 =	sshll.u32 s0, $0x6;
	s1 =	rddreg [dreg:$0x3];
	s8 =	smul.u32 $0x500, s5  }
0x8: {  	_ =	strace $0x80000047;
	s30 =	sshrl.u32 s7, $0x1;
	s9 =	smul.u32 $0x2F8, s5  }
0x9: {  	s5 =	sadd.s32 $0x1FE00, s6;
	s10 =	sshrl.u32 s10, $0x2;
	s11 =	ssub.s32 s7, s30  }
0xa: {  	s10 =	sadd.s32 s10, s3;
	s8 =	sadd.s32 s8, s6;
	s9 =	sadd.s32 s9, s6  }
0xb: {  	s6 =	sor.u32 $0x1C01, s31;
	s10 =	sshrl.u32 s10, $0x3;
	s7 =	sadd.s32 $0x1E00, s8  }
0xc: {  	s8 =	sadd.s32 $0x20000, s9;
	s9 =	smax.u32 s11, $0x1;
	s11 =	simm.s32 $0x1  }
.LBB2_1:
0xd: {  	[spmem:s10], [sflag:s6] =	dma.local [hbm:s2], $0x2F8  }
0xe: {  	_ =	swait.ge [sflag:s11], $0x2F8  }
0xf: {  	[sflag:s11] =	ssyncset.done $0x0  }
0x10: {  	[sflag:s11] =	ssyncadd.s32 $0xFFFFFD08  }
0x11: {  	[tilespmem:s12], [sflag:$0x1] =	stream.linear.gather [hbm4b:s5+s4], $0x400, $0x38;
	[tilespmem:$0x43C0] =	vst v63  }
0x12: {  	_ =	swait.ge [sflag:s11], $0x400  }
0x13: {  	[sflag:s11] =	ssyncset.done $0x0  }
0x14: {  	[sflag:s11] =	ssyncadd.s32 $0xFFFFFC00  }
0x15: {  	[tilespmem:s4], [sflag:$0x1] =	stream.linear.gather [hbm4b:s7+s4], $0x2800, $0x38;
	[tilespmem:$0x43C0] =	vst v63  }
0x16: {  	_ =	swait.ge [sflag:s11], $0x2800  }
0x17: {  	[sflag:s11] =	ssyncset.done $0x0  }
0x18: {  	[sflag:s11] =	ssyncadd.s32 $0xFFFFD800  }
0x19: {  	s15 =	simm.s32 $0x0;
	[bflag:$0x0] =	sbarrier.arrive $0xFFFF  }
0x1a: {  	[spmem:s3] =	stream.indirect.scatter.add.f32 [tilespmem:s12], [sflag:$0x1], $0x8, s15, s13, $0xb8;
	[tilespmem:$0x43C0] =	vst v63  }
0x1b: {  	_ =	swait.ge [sflag:s11], $0x400  }
0x1c: {  	[sflag:s11] =	ssyncset.done $0x0  }
0x1d: {  	s24 =	simm.s32 $0x80;
	[sflag:s11] =	ssyncadd.s32 $0xFFFFFC00  }
0x1e: {  	[spmem:s3] =	stream.indirect.scatter.add.f32 [tilespmem:s12], [sflag:$0x1], $0x8, s24, s13, $0xb8;
	[tilespmem:$0x43C0] =	vst v63  }
0x1f: {  	_ =	swait.ge [sflag:s11], $0x400  }
0x20: {  	[sflag:s11] =	ssyncset.done $0x0  }
0x21: {  	s25 =	simm.s32 $0x100;
	[sflag:s11] =	ssyncadd.s32 $0xFFFFFC00  }
0x22: {  	[spmem:s3] =	stream.indirect.scatter.add.f32 [tilespmem:s12], [sflag:$0x1], $0x8, s25, s13, $0xb8;
	[tilespmem:$0x43C0] =	vst v63  }
0x23: {  	_ =	swait.ge [sflag:s11], $0x400  }
0x24: {  	[sflag:s11] =	ssyncset.done $0x0  }
0x25: {  	s26 =	simm.s32 $0x180;
	[sflag:s11] =	ssyncadd.s32 $0xFFFFFC00  }
0x26: {  	[spmem:s3] =	stream.indirect.scatter.add.f32 [tilespmem:s12], [sflag:$0x1], $0x8, s26, s13, $0xb8;
	[tilespmem:$0x43C0] =	vst v63  }
0x27: {  	_ =	swait.ge [sflag:s11], $0x400  }
0x28: {  	[sflag:s11] =	ssyncset.done $0x0  }
0x29: {  	s28 =	simm.s32 $0x200;
	[sflag:s11] =	ssyncadd.s32 $0xFFFFFC00  }
0x2a: {  	[spmem:s3] =	stream.indirect.scatter.add.f32 [tilespmem:s12], [sflag:$0x1], $0x8, s28, s13, $0xb8;
	[tilespmem:$0x43C0] =	vst v63  }
0x2b: {  	_ =	swait.ge [sflag:s11], $0x400  }
0x2c: {  	[sflag:s11] =	ssyncset.done $0x0  }
0x2d: {  	s29 =	simm.s32 $0x280;
	[sflag:s11] =	ssyncadd.s32 $0xFFFFFC00  }
0x2e: {  	[spmem:s3] =	stream.indirect.scatter.add.f32 [tilespmem:s12], [sflag:$0x1], $0x8, s29, s13, $0xb8;
	[tilespmem:$0x43C0] =	vst v63  }
0x2f: {  	_ =	swait.ge [sflag:s11], $0x400  }
0x30: {  	[sflag:s11] =	ssyncset.done $0x0  }
0x31: {  	s30 =	simm.s32 $0x300;
	[sflag:s11] =	ssyncadd.s32 $0xFFFFFC00  }
0x32: {  	[spmem:s3] =	stream.indirect.scatter.add.f32 [tilespmem:s12], [sflag:$0x1], $0x8, s30, s13, $0xb8;
	[tilespmem:$0x43C0] =	vst v63  }
0x33: {  	_ =	swait.ge [sflag:s11], $0x400  }
0x34: {  	[sflag:s11] =	ssyncset.done $0x0  }
0x35: {  	s31 =	simm.s32 $0x380;
	[sflag:s11] =	ssyncadd.s32 $0xFFFFFC00  }
0x36: {  	[spmem:s3] =	stream.indirect.scatter.add.f32 [tilespmem:s12], [sflag:$0x1], $0x8, s31, s13, $0xb8;
	[tilespmem:$0x43C0] =	vst v63  }
0x37: {  	_ =	swait.ge [sflag:s11], $0x400  }
0x38: {  	s18 =	simm.s32 $0x2000;
	s15 =	simm.s32 $0x1000;
	[sflag:s11] =	ssyncset.done $0x0  }
.LBB2_2:
0x39: {  	s17 =	sshra.s32 s15, $0x2  }
0x3a: {  	[sflag:s11] =	ssyncadd.s32 $0xFFFFFC00;
	s15 =	smov.u32 s18;
	s16 =	sadd.s32 $0x1000, s18  }
0x3b: {  	[spmem:s3] =	stream.indirect.scatter.add.f32 [tilespmem:s12], [sflag:$0x1], $0x8, s17, s13, $0xb8;
	[tilespmem:$0x43C0] =	vst v63  }
0x3c: {  	p0 =	sne.s32 s18, $0x9000;
	_ =	swait.ge [sflag:s11], $0x400  }
0x3d: {  	[sflag:s11] =	ssyncset.done $0x0  }
0x3e: {  	s18 =	sadd.s32 $0x80, s17;
	[sflag:s11] =	ssyncadd.s32 $0xFFFFFC00  }
0x3f: {  	[spmem:s3] =	stream.indirect.scatter.add.f32 [tilespmem:s12], [sflag:$0x1], $0x8, s18, s13, $0xb8;
	[tilespmem:$0x43C0] =	vst v63  }
0x40: {  	_ =	swait.ge [sflag:s11], $0x400  }
0x41: {  	[sflag:s11] =	ssyncset.done $0x0  }
0x42: {  	s18 =	sadd.s32 $0x100, s17;
	[sflag:s11] =	ssyncadd.s32 $0xFFFFFC00  }
0x43: {  	[spmem:s3] =	stream.indirect.scatter.add.f32 [tilespmem:s12], [sflag:$0x1], $0x8, s18, s13, $0xb8;
	[tilespmem:$0x43C0] =	vst v63  }
0x44: {  	_ =	swait.ge [sflag:s11], $0x400  }
0x45: {  	[sflag:s11] =	ssyncset.done $0x0  }
0x46: {  	s18 =	sadd.s32 $0x180, s17;
	[sflag:s11] =	ssyncadd.s32 $0xFFFFFC00  }
0x47: {  	[spmem:s3] =	stream.indirect.scatter.add.f32 [tilespmem:s12], [sflag:$0x1], $0x8, s18, s13, $0xb8;
	[tilespmem:$0x43C0] =	vst v63  }
0x48: {  	_ =	swait.ge [sflag:s11], $0x400  }
0x49: {  	[sflag:s11] =	ssyncset.done $0x0  }
0x4a: {  	s18 =	sadd.s32 $0x200, s17;
	[sflag:s11] =	ssyncadd.s32 $0xFFFFFC00  }
0x4b: {  	[spmem:s3] =	stream.indirect.scatter.add.f32 [tilespmem:s12], [sflag:$0x1], $0x8, s18, s13, $0xb8;
	[tilespmem:$0x43C0] =	vst v63  }
0x4c: {  	_ =	swait.ge [sflag:s11], $0x400  }
0x4d: {  	[sflag:s11] =	ssyncset.done $0x0  }
0x4e: {  	s18 =	sadd.s32 $0x280, s17;
	[sflag:s11] =	ssyncadd.s32 $0xFFFFFC00  }
0x4f: {  	[spmem:s3] =	stream.indirect.scatter.add.f32 [tilespmem:s12], [sflag:$0x1], $0x8, s18, s13, $0xb8;
	[tilespmem:$0x43C0] =	vst v63  }
0x50: {  	_ =	swait.ge [sflag:s11], $0x400  }
0x51: {  	[sflag:s11] =	ssyncset.done $0x0  }
0x52: {  	s18 =	sadd.s32 $0x300, s17;
	[sflag:s11] =	ssyncadd.s32 $0xFFFFFC00  }
0x53: {  	[spmem:s3] =	stream.indirect.scatter.add.f32 [tilespmem:s12], [sflag:$0x1], $0x8, s18, s13, $0xb8;
	[tilespmem:$0x43C0] =	vst v63  }
0x54: {  	_ =	swait.ge [sflag:s11], $0x400  }
.Ltmp0:
0x55: {  	[sflag:s11] =	ssyncset.done $0x0;
	(pc) =	sbr.rel @p0 .LBB2_2-.Ltmp0, $4  }
0x56: {  	s17 =	sadd.s32 $0x380, s17;
	[sflag:s11] =	ssyncadd.s32 $0xFFFFFC00  }
0x57: {  	[spmem:s3] =	stream.indirect.scatter.add.f32 [tilespmem:s12], [sflag:$0x1], $0x8, s17, s13, $0xb8;
	[tilespmem:$0x43C0] =	vst v63  }
0x58: {  	_ =	swait.ge [sflag:s11], $0x400  }
0x59: {  	s18 =	smov.u32 s16;
	[sflag:s11] =	ssyncset.done $0x0  }
0x5a: {  	s15 =	sshra.s32 s15, $0x2;
	[sflag:s11] =	ssyncadd.s32 $0xFFFFFC00  }
0x5b: {  	[spmem:s3] =	stream.indirect.scatter.add.f32 [tilespmem:s12], [sflag:$0x1], $0x8, s15, s13, $0xb8;
	[tilespmem:$0x43C0] =	vst v63  }
0x5c: {  	_ =	swait.ge [sflag:s11], $0x400  }
0x5d: {  	[sflag:s11] =	ssyncset.done $0x0  }
0x5e: {  	s16 =	sadd.s32 $0x80, s15;
	[sflag:s11] =	ssyncadd.s32 $0xFFFFFC00  }
0x5f: {  	[spmem:s3] =	stream.indirect.scatter.add.f32 [tilespmem:s12], [sflag:$0x1], $0x8, s16, s13, $0xb8;
	[tilespmem:$0x43C0] =	vst v63  }
0x60: {  	_ =	swait.ge [sflag:s11], $0x400  }
0x61: {  	[sflag:s11] =	ssyncset.done $0x0  }
0x62: {  	s26 =	sadd.s32 $0x100, s15;
	[sflag:s11] =	ssyncadd.s32 $0xFFFFFC00  }
0x63: {  	[spmem:s3] =	stream.indirect.scatter.add.f32 [tilespmem:s12], [sflag:$0x1], $0x8, s26, s13, $0xb8;
	[tilespmem:$0x43C0] =	vst v63  }
0x64: {  	_ =	swait.ge [sflag:s11], $0x400  }
0x65: {  	[sflag:s11] =	ssyncset.done $0x0  }
0x66: {  	s28 =	sadd.s32 $0x180, s15;
	[sflag:s11] =	ssyncadd.s32 $0xFFFFFC00  }
0x67: {  	[spmem:s3] =	stream.indirect.scatter.add.f32 [tilespmem:s12], [sflag:$0x1], $0x8, s28, s13, $0xb8;
	[tilespmem:$0x43C0] =	vst v63  }
0x68: {  	_ =	swait.ge [sflag:s11], $0x400  }
0x69: {  	[sflag:s11] =	ssyncset.done $0x0  }
0x6a: {  	s29 =	sadd.s32 $0x200, s15;
	[sflag:s11] =	ssyncadd.s32 $0xFFFFFC00  }
0x6b: {  	[spmem:s3] =	stream.indirect.scatter.add.f32 [tilespmem:s12], [sflag:$0x1], $0x8, s29, s13, $0xb8;
	[tilespmem:$0x43C0] =	vst v63  }
0x6c: {  	_ =	swait.ge [sflag:s11], $0x400  }
0x6d: {  	[sflag:s11] =	ssyncset.done $0x0  }
0x6e: {  	s30 =	sadd.s32 $0x280, s15;
	[sflag:s11] =	ssyncadd.s32 $0xFFFFFC00  }
0x6f: {  	[spmem:s3] =	stream.indirect.scatter.add.f32 [tilespmem:s12], [sflag:$0x1], $0x8, s30, s13, $0xb8;
	[tilespmem:$0x43C0] =	vst v63  }
0x70: {  	_ =	swait.ge [sflag:s11], $0x400  }
0x71: {  	[sflag:s11] =	ssyncset.done $0x0  }
0x72: {  	s31 =	sadd.s32 $0x300, s15;
	[sflag:s11] =	ssyncadd.s32 $0xFFFFFC00  }
0x73: {  	[spmem:s3] =	stream.indirect.scatter.add.f32 [tilespmem:s12], [sflag:$0x1], $0x8, s31, s13, $0xb8;
	[tilespmem:$0x43C0] =	vst v63  }
0x74: {  	_ =	swait.ge [sflag:s11], $0x400  }
0x75: {  	[sflag:s11] =	ssyncset.done $0x0  }
0x76: {  	s15 =	sadd.s32 $0x380, s15;
	[sflag:s11] =	ssyncadd.s32 $0xFFFFFC00  }
0x77: {  	[spmem:s3] =	stream.indirect.scatter.add.f32 [tilespmem:s12], [sflag:$0x1], $0x8, s15, s13, $0xb8;
	[tilespmem:$0x43C0] =	vst v63  }
0x78: {  	_ =	swait.ge [sflag:s11], $0x400  }
0x79: {  	s14 =	sadd.s32 $0x1, s14;
	[sflag:s11] =	ssyncset.done $0x0  }
0x7a: {  	p0 =	sne.s32 s14, s9;
	[sflag:s11] =	ssyncadd.s32 $0xFFFFFC00  }
.Ltmp1:
0x7b: {  	[bflag:$0x0] =	sbarrier.arrive $0xFFFF;
	(pc) =	sbr.rel @p0 .LBB2_1-.Ltmp1, $4  }
0x7c: {  	[hbm:s8], [sflag:s6] =	dma.local [spmem:s10], $0x2F8  }
0x7d: {  	_ =	swait.ge [sflag:s11], $0x2F8  }
0x7e: {  	[sflag:s11] =	ssyncset.done $0x0  }
0x7f: {  	[sflag:s11] =	ssyncadd.s32 $0xFFFFFD08  }
0x80: {  	_ =	sfence.sel $0x180000  }
0x81: {  	[bflag:$0x0] =	sbarrier.arrive $0xFFFF  }
0x82: {  	p0 =	sne.s32 s0, $0x0;
	_ =	strace $0x90000047  }
0x83: {  	s0 =	sadd.s32 @!p0 $0x100000, s1;
	[bflag:$0x2] =	sbarrier.arrive $0xFFFF  }
0x84: {  	[sflag:s0] =	ssyncadd.tile.s32 @!p0 $0x1;
	_ =	shalt  }
.Lfunc_end2:
_tile_overlayer_lowered:
.L_overlay_start_2:
0x85: {  	(tag) =	ssettag $0x2  }
0x86: {  	s0 =	rddreg [dreg:$0x0];
	s2 =	stileid.u32  }
0x87: {  	s1 =	rddreg [dreg:$0x1];
	p0 =	sne.s32 s2, $0x0  }
0x88: {  	s3 =	rddreg [dreg:$0x2];
	[bflag:$0x3] =	sbarrier.arrive $0xFFFF;
	s2 =	simm.s32 @!p0 $0x1C01  }
0x89: {  	[timem:s3], [sflag:s2] =	dma.local @!p0 [hbm:s0], s1  }
0x8a: {  	s0 =	simm.s32 @!p0 $0x1  }
0x8b: {  	_ =	swait.ge @!p0 [sflag:s0], s1  }
0x8c: {  	s1 =	ssub.s32 @!p0 $0x0, s1;
	[sflag:s0] =	ssyncset.done @!p0 $0x0  }
0x8d: {  	[sflag:s0] =	ssyncadd.s32 @!p0 s1  }
0x8e: {  	[bflag:$0x3] =	sbarrier.arrive $0xFFFF  }
0x8f: {  	_ =	shalt  }

// kernel: kernel.15.cloned.1.call-start
scs
__scs_entry_jumppad:
0x0: {  	(pc) =	sbr.rel $0x88, $3  }
0x1: {  	(tag) =	ssettag $0x0;
	lr =	simm.s32 $0x1  }
0x2: {  	[smem:$0x3F93] =	sst lr;
	_ =	strace $0xD0000000  }
0x3: {  	_ = 	snop  }
0x4: {  	_ = 	snop  }
0x5: {  	_ = 	snop  }
0x6: {  	_ = 	snop  }
0x7: {  	_ = 	snop  }
__scs_overlays_trampoline_lowered:
0x8: {  	[smem:$0x3FA2] =	sst s0  }
0x9: {  	[smem:$0x3FA3] =	sst s1  }
0xa: {  	[smem:$0x3FA4] =	sst s2  }
0xb: {  	[smem:$0x3FA5] =	sst s3  }
0xc: {  	[smem:$0x3FA6] =	sst s4  }
0xd: {  	[smem:$0x3FA7] =	sst s5  }
0xe: {  	[smem:$0x3FA8] =	sst s6  }
0xf: {  	[smem:$0x3FA9] =	sst s7  }
0x10: {  	[smem:$0x3FAA] =	sst s8  }
0x11: {  	[smem:$0x3FAB] =	sst s9;
	s0 =	simm.s32 @!p0 $0x0  }
0x12: {  	s1 =	sld [smem:$0x3F91];
	s0 =	simm.s32 @p0 $0x1  }
0x13: {  	[smem:$0x3FAC] =	sst s0;
	s0 =	simm.s32 @!p1 $0x0  }
0x14: {  	s2 =	sld [smem:$0x3F90];
	s0 =	simm.s32 @p1 $0x1  }
0x15: {  	[smem:$0x3FAD] =	sst s0;
	s0 =	simm.s32 @!p2 $0x0  }
0x16: {  	s3 =	sld [smem:$0x3FDB];
	s0 =	simm.s32 @p2 $0x1  }
0x17: {  	s4 =	simm.s32 $0x1BF5;
	[smem:$0x3FAF] =	sst s0  }
0x18: {  	s0 =	sld [smem:$0x3F92];
	_ =	swait.ge [sflag:s4], $0x0  }
0x19: {  	s7 =	sld [smem:$0x3F93]  }
0x1a: {  	s8 =	sadd.s32 $0xFFFFE003, lr  }
0x1b: {  	s9 =	sadd.s32 $0xFFFFFEF7, lr;
	s5 =	simm.s32 $0xFFFFFFFF;
	p2 =	slt.u32 s8, $0xFFFFF086  }
0x1c: {  	p1 =	slt.u32 s9, $0xF7A;
	s5 =	simm.s32 @!p2 $0x0  }
0x1d: {  	s5 =	simm.s32 @p1 $0x1;
	p0 =	seq.s32 s7, s2  }
0x1e: {  	s7 =	smul.u32 @!p0 $0xF7A, s2;
	p2 =	seq.s32 @!p0 s5, $0x0  }
0x1f: {  	s9 =	smul.u32 $0xF7A, s1;
	s8 =	simm.s32 @!p0 $0x1BF5;
	p2 =	por !p2, p0  }
0x20: {  	[sflag:s8] =	ssyncset.s32 @!p0 $0xFFFFF086;
	s6 =	sadd.s32 @!p0 s3, s7;
	s7 =	simm.s32 @!p0 $0x108  }
0x21: {  	s3 =	sadd.s32 s3, s9;
	s6 =	sadd.s32 @!p0 $0x88, s6;
	s7 =	simm.s32 @p2 $0x1082  }
0x22: {  	[simem:s7], [sflag:s8] =	dma.local @!p0 [hbm:s6], $0xF7A  }
0x23: {  	s9 =	sor.u32 $0xD0000000, s2;
	s6 =	simm.s32 $0x108;
	_ =	swait.ge @!p0 [sflag:s8], $0x0  }
0x24: {  	s3 =	sadd.s32 $0x88, s3;
	s6 =	simm.s32 @!p1 $0x1082;
	[sflag:s4] =	ssyncset.s32 $0xFFFFF086  }
0x25: {  	[simem:s6], [sflag:s4] =	dma.local [hbm:s3], $0xF7A  }
0x26: {  	[smem:$0x3F93] =	sst s1;
	(tag) =	ssettag s2;
	_ =	strace s9  }
0x27: {  	s1 =	sld [smem:$0x3FA3]  }
0x28: {  	s2 =	sld [smem:$0x3FA4]  }
0x29: {  	s4 =	sld [smem:$0x3FA6]  }
0x2a: {  	p0 =	seq.s32 s5, $0x0;
	s5 =	sld [smem:$0x3FA7]  }
0x2b: {  	s6 =	sld [smem:$0x3FA8]  }
0x2c: {  	s7 =	sld [smem:$0x3FA9]  }
0x2d: {  	s3 =	simm.s32 $0x108;
	s8 =	sld [smem:$0x3FAA]  }
0x2e: {  	s3 =	simm.s32 @!p0 $0x1082;
	s9 =	sld [smem:$0x3FAB]  }
0x2f: {  	lr =	sadd.s32 s0, s3;
	s0 =	sld [smem:$0x3FA2]  }
0x30: {  	s3 =	sld [smem:$0x3FA5]  }
0x31: {  	[smem:$0x3FAE] =	sst s10  }
0x32: {  	s10 =	sld [smem:$0x3FAC];
	_ =	sdelay $0x3  }
0x33: {  	p0 =	seq.s32 s10, $0x1;
	s10 =	sld [smem:$0x3FAE];
	_ =	sdelay $0x3  }
0x34: {  	[smem:$0x3FAE] =	sst s10  }
0x35: {  	s10 =	sld [smem:$0x3FAD];
	_ =	sdelay $0x3  }
0x36: {  	p1 =	seq.s32 s10, $0x1;
	s10 =	sld [smem:$0x3FAE];
	_ =	sdelay $0x3  }
0x37: {  	[smem:$0x3FAE] =	sst s10  }
0x38: {  	s10 =	sld [smem:$0x3FAF]  }
0x39: {  	_ = 	snop;
	(pc) =	sbr.ind lr, $3  }
0x3a: {  	_ = 	snop  }
0x3b: {  	_ = 	snop  }
0x3c: {  	p2 =	seq.s32 s10, $0x1;
	s10 =	sld [smem:$0x3FAE]  }
0x3d: {  	_ =	shalt  }
0x3e: {  	_ =	shalt  }
0x3f: {  	_ =	shalt  }
0x40: {  	_ =	shalt  }
0x41: {  	_ =	shalt  }
0x42: {  	_ =	shalt  }
0x43: {  	_ =	shalt  }
0x44: {  	_ =	shalt  }
0x45: {  	_ =	shalt  }
0x46: {  	_ =	shalt  }
0x47: {  	_ =	shalt  }
0x48: {  	_ =	shalt  }
0x49: {  	_ =	shalt  }
0x4a: {  	_ =	shalt  }
0x4b: {  	_ =	shalt  }
0x4c: {  	_ =	shalt  }
0x4d: {  	_ =	shalt  }
0x4e: {  	_ =	shalt  }
0x4f: {  	_ =	shalt  }
0x50: {  	_ =	shalt  }
0x51: {  	_ =	shalt  }
0x52: {  	_ =	shalt  }
0x53: {  	_ =	shalt  }
0x54: {  	_ =	shalt  }
0x55: {  	_ =	shalt  }
0x56: {  	_ =	shalt  }
0x57: {  	_ =	shalt  }
0x58: {  	_ =	shalt  }
0x59: {  	_ =	shalt  }
0x5a: {  	_ =	shalt  }
0x5b: {  	_ =	shalt  }
0x5c: {  	_ =	shalt  }
0x5d: {  	_ =	shalt  }
0x5e: {  	_ =	shalt  }
0x5f: {  	_ =	shalt  }
0x60: {  	_ =	shalt  }
0x61: {  	_ =	shalt  }
0x62: {  	_ =	shalt  }
0x63: {  	_ =	shalt  }
0x64: {  	_ =	shalt  }
0x65: {  	_ =	shalt  }
0x66: {  	_ =	shalt  }
0x67: {  	_ =	shalt  }
0x68: {  	_ =	shalt  }
0x69: {  	_ =	shalt  }
0x6a: {  	_ =	shalt  }
0x6b: {  	_ =	shalt  }
0x6c: {  	_ =	shalt  }
0x6d: {  	_ =	shalt  }
0x6e: {  	_ =	shalt  }
0x6f: {  	_ =	shalt  }
0x70: {  	_ =	shalt  }
0x71: {  	_ =	shalt  }
0x72: {  	_ =	shalt  }
0x73: {  	_ =	shalt  }
0x74: {  	_ =	shalt  }
0x75: {  	_ =	shalt  }
0x76: {  	_ =	shalt  }
0x77: {  	_ =	shalt  }
0x78: {  	_ =	shalt  }
0x79: {  	_ =	shalt  }
0x7a: {  	_ =	shalt  }
0x7b: {  	_ =	shalt  }
0x7c: {  	_ =	shalt  }
0x7d: {  	_ =	shalt  }
0x7e: {  	_ =	shalt  }
0x7f: {  	_ =	shalt  }
0x80: {  	_ =	shalt  }
0x81: {  	_ =	shalt  }
0x82: {  	_ =	shalt  }
0x83: {  	_ =	shalt  }
0x84: {  	_ =	shalt  }
0x85: {  	_ =	shalt  }
0x86: {  	_ =	shalt  }
0x87: {  	_ =	shalt  }
.Lfunc_end0:
.L_simem_size_0:
called_computation.1_lowered:
.L_overlay_start_0:
0x88: {  	s2 =	sld [smem:$0x3FD9]  }
0x89: {  	s3 =	sld [smem:$0x3FFE];
	_ =	sdelay $0x1  }
0x8a: {  	s1 =	srdreg.scid  }
0x8b: {  	s0 =	sand.u32 $0x1, s1  }
0x8c: {  	s16 =	sshll.u32 s0, $0xA;
	s2 =	sadd.s32 s3, s2  }
0x8d: {  	s2 =	sadd.s32 s2, s16  }
0x8e: {  	[smem:$0x3FBA] =	sst s2  }
0x8f: {  	_ = 	snop  }
0x90: {  	(tm) =	ssettm $0x1  }
0x91: {  	s17 =	sld [smem:$0x3FFB];
	_ =	sdelay $0x3  }
0x92: {  	_ =	strace s17  }
0x93: {  	s2 =	sld [smem:$0x3FFC];
	_ =	sdelay $0x3  }
0x94: {  	_ =	strace s2  }
0x95: {  	s2 =	sld [smem:$0x3FFD];
	_ =	sdelay $0x3  }
0x96: {  	_ =	strace s2  }
0x97: {  	_ =	strace $0x8FFFFFFF  }
0x98: {  	s18 =	sld [smem:$0x3FDB];
	_ =	sdelay $0x1  }
0x99: {  	s19 =	simm.s32 $_scs_section_size  }
0x9a: {  	s4 =	simm.s32 $_size__tile_overlayer_lowered;
	s5 =	simm.s32 $_tile_overlayer_lowered  }
0x9b: {  	s22 =	simm.s32 $0x1BFF;
	s21 =	sshll.u32 s5, $0x1;
	s2 =	sadd.s32 s19, s18  }
0x9c: {  	s6 =	simm.s32 $0x0;
	s20 =	sshll.u32 s4, $0x1;
	s4 =	sadd.s32 s21, s2  }
0x9d: {  	[timem:s6], [sflag:s22] =	dma.local [hbm:s4], s20  }
0x9e: {  	_ =	swait.ge [sflag:s22], s20  }
0x9f: {  	s3 =	ssub.s32 $0x0, s20;
	[sflag:s22] =	ssyncset.done $0x0  }
0xa0: {  	[sflag:s22] =	ssyncadd.s32 s3;
	_ =	sdelay $0x1  }
0xa1: {  	s23 =	simm.s32 $0x1B8B  }
0xa2: {  	_ =	swait.ge [sflag:s23], $0x1  }
0xa3: {  	[sflag:s23] =	ssyncset.done $0x0  }
0xa4: {  	s25 =	simm.s32 $0x1B8E;
	s24 =	sld [smem:$0x3FFE];
	[sflag:s23] =	ssyncadd.s32 $0xFFFFFFFF  }
0xa5: {  	s26 =	simm.s32 $execute0_lowered;
	[smem:$0x3FD2] =	sst s25  }
0xa6: {  	s4 =	sshll.u32 s26, $0x1;
	_ =	strace $0x80000049;
	[dreg:$0x1] =	wrdreg $0xFFFFFFFF  }
0xa7: {  	s28 =	simm.s32 $_size_execute0_lowered;
	s2 =	sadd.s32 s2, s4;
	[dreg:$0x0] =	wrdreg $0x0  }
0xa8: {  	s4 =	sshll.u32 s28, $0x1;
	[dreg:$0x2] =	wrdreg s2  }
0xa9: {  	[dreg:$0x3] =	wrdreg s4  }
0xaa: {  	[dreg:$0x4] =	wrdreg $0xC0  }
0xab: {  	_ =	task [dreg:s6], $0x5FFFF  }
0xac: {  	[dreg:$0x1] =	wrdreg $0xFFFFFFFF  }
0xad: {  	[dreg:$0x0] =	wrdreg $0x60  }
0xae: {  	[dreg:$0x2] =	wrdreg s24  }
0xaf: {  	[dreg:$0x3] =	wrdreg $0x150000  }
0xb0: {  	[dreg:$0x4] =	wrdreg $0x9  }
0xb1: {  	_ =	task.clear_ibuf [dreg:s6], $0x5FFFF;
	_ =	strace $0x90000049  }
0xb2: {  	s29 =	simm.s32 $0x9;
	_ =	strace $0x8000004B  }
0xb3: {  	_ =	swait.ge [sflag:s29], $0x1  }
0xb4: {  	[sflag:s29] =	ssyncadd.s32 $0xFFFFFFFF  }
0xb5: {  	_ =	strace $0x9000004B  }
0xb6: {  	_ =	sfence  }
0xb7: {  	s30 =	sld [smem:$0x0];
	_ =	sdelay $0x2  }
0xb8: {  	s31 =	sshll.u32 s1, $0xD;
	s1 =	sshrl.u32 s1, $0x2  }
0xb9: {  	s3 =	sand.u32 $0x4000, s31;
	s1 =	sadd.s32 s1, s30  }
0xba: {  	s0 =	sor.u32 s3, s0;
	s1 =	sshll.u32 s1, $0x11  }
0xbb: {  	s0 =	sor.u32 s1, s0  }
0xbc: {  	s0 =	sadd.s32 $0x8F2B, s0  }
0xbd: {  	[sflag:s0] =	ssyncadd.remote.s32 $0x1  }
0xbe: {  	_ =	sfence.sel $0xFFFF  }
0xbf: {  	[dreg:$0x0] =	wrdreg $0xFFFFFFFF;
	(pc) =	sbr.abs _section_cstart, $3  }
0xc0: {  	[dreg:$0x1] =	wrdreg $0xFFFFFFFF  }
0xc1: {  	_ =	task.clear_ibuf [dreg:s6], $0x2FFFF;
	_ =	strace $0x9FFFFFFF  }
0xc2: {  	(tm) =	ssettm $0x7FFFFFFF  }
0xc3: {  	_ =	shalt  }
tec
execute0_lowered:
.L_overlay_start_1:
0x0: {  	(tag) =	ssettag $0x1  }
0x1: {  	s0 =	srdreg.scid;
	s6 =	rddreg [dreg:$0x0]  }
0x2: {  	s2 =	rddreg [dreg:$0x1];
	s1 =	stileid.u32  }
0x3: {  	s3 =	simm.s32 $0x0;
	s14 =	simm.s32 $0x80;
	s15 =	simm.s32 $0x5000  }
0x4: {  	s16 =	simm.s32 $0x6000;
	s17 =	simm.s32 $0x7000;
	s18 =	simm.s32 $0x8000  }
0x5: {  	s19 =	simm.s32 $0x9000;
	s20 =	simm.s32 $0xA000;
	s21 =	simm.s32 $0xB000  }
0x6: {  	s22 =	simm.s32 $0xC000;
	s7 =	sand.u32 $0x1, s0;
	s0 =	rddreg [dreg:$0x2]  }
0x7: {  	s23 =	simm.s32 $0x1;
	s24 =	simm.s32 $0x0;
	[smem:$0x7FF] =	sst s3  }
0x8: {  	s10 =	smul.u32 $0x17C00, s1;
	s31 =	sshll.u32 s1, $0x6;
	s4 =	sshll.u32 s7, $0x4  }
0x9: {  	_ =	strace $0x8000004A;
	s29 =	ssub.s32 $0x2, s7;
	s4 =	sor.u32 s1, s4  }
0xa: {  	s7 =	sshrl.u32 s29, $0x1;
	s30 =	sshrl.u32 s10, $0x2;
	s5 =	smul.u32 $0x500, s4  }
0xb: {  	s8 =	smul.u32 $0xBE0, s4;
	s4 =	sadd.s32 $0x1E00, s6;
	s12 =	ssub.s32 s29, s7  }
0xc: {  	s13 =	sadd.s32 s30, s2;
	s10 =	smax.u32 s12, $0x1;
	s12 =	simm.s32 $0x2  }
0xd: {  	s9 =	sadd.s32 s5, s6;
	s5 =	sadd.s32 $0x1FE00, s6;
	s11 =	sadd.s32 s8, s6  }
0xe: {  	s6 =	sor.u32 $0x1C02, s31;
	s7 =	sadd.s32 $0xBE00, s9;
	s8 =	sadd.s32 $0x15E00, s9  }
0xf: {  	s9 =	sadd.s32 $0x26200, s11;
	s11 =	sshrl.u32 s13, $0x3;
	s13 =	simm.s32 $0x2800  }
.LBB2_1:
0x10: {  	[spmem:s11], [sflag:s6] =	dma.local [hbm:s5], $0xBE0  }
0x11: {  	_ =	swait.ge [sflag:s12], $0xBE0  }
0x12: {  	[sflag:s12] =	ssyncset.done $0x0  }
0x13: {  	[sflag:s12] =	ssyncadd.s32 $0xFFFFF420  }
0x14: {  	[tilespmem:s3], [sflag:$0x2] =	stream.linear.gather [hbm4b:s7+s3], $0x2800, $0x38;
	[tilespmem:$0x1AF00] =	vst v63  }
0x15: {  	_ =	swait.ge [sflag:s12], $0x2800  }
0x16: {  	[sflag:s12] =	ssyncset.done $0x0  }
0x17: {  	[sflag:s12] =	ssyncadd.s32 $0xFFFFD800  }
0x18: {  	[tilespmem:s13], [sflag:$0x2] =	stream.linear.gather [hbm4b:s8+s3], $0x2800, $0x38;
	[tilespmem:$0x1AF00] =	vst v63  }
0x19: {  	_ =	swait.ge [sflag:s12], $0x2800  }
0x1a: {  	[sflag:s12] =	ssyncset.done $0x0  }
0x1b: {  	[sflag:s12] =	ssyncadd.s32 $0xFFFFD800  }
0x1c: {  	s25 =	simm.s32 $0x0;
	[bflag:$0x0] =	sbarrier.arrive $0xFFFF  }
0x1d: {  	[tilespmem:s15], [sflag:$0x1] =	stream.indirect.gather [hbm4b:s4+s14], $0x20, s25, s14, $0xb8;
	[tilespmem:$0x1AF00] =	vst v63  }
0x1e: {  	s28 =	simm.s32 $0x80  }
0x1f: {  	[tilespmem:s16], [sflag:$0x1] =	stream.indirect.gather [hbm4b:s4+s14], $0x20, s28, s14, $0xb8;
	[tilespmem:$0x1AF00] =	vst v63  }
0x20: {  	s30 =	simm.s32 $0x100  }
0x21: {  	[tilespmem:s17], [sflag:$0x1] =	stream.indirect.gather [hbm4b:s4+s14], $0x20, s30, s14, $0xb8;
	[tilespmem:$0x1AF00] =	vst v63  }
0x22: {  	s31 =	simm.s32 $0x180  }
0x23: {  	[tilespmem:s18], [sflag:$0x1] =	stream.indirect.gather [hbm4b:s4+s14], $0x20, s31, s14, $0xb8;
	[tilespmem:$0x1AF00] =	vst v63  }
0x24: {  	s26 =	simm.s32 $0x200  }
0x25: {  	[tilespmem:s19], [sflag:$0x1] =	stream.indirect.gather [hbm4b:s4+s14], $0x20, s26, s14, $0xb8;
	[tilespmem:$0x1AF00] =	vst v63  }
0x26: {  	s28 =	simm.s32 $0x280  }
0x27: {  	[tilespmem:s20], [sflag:$0x1] =	stream.indirect.gather [hbm4b:s4+s14], $0x20, s28, s14, $0xb8;
	[tilespmem:$0x1AF00] =	vst v63  }
0x28: {  	s30 =	simm.s32 $0x300  }
0x29: {  	[tilespmem:s21], [sflag:$0x1] =	stream.indirect.gather [hbm4b:s4+s14], $0x20, s30, s14, $0xb8;
	[tilespmem:$0x1AF00] =	vst v63  }
0x2a: {  	s31 =	simm.s32 $0x380  }
0x2b: {  	[tilespmem:s22], [sflag:$0x1] =	stream.indirect.gather [hbm4b:s4+s14], $0x20, s31, s14, $0xb8;
	[tilespmem:$0x1AF00] =	vst v63  }
0x2c: {  	_ =	swait.ge [sflag:s23], $0x1000  }
0x2d: {  	[sflag:s23] =	ssyncset.done $0x0  }
0x2e: {  	[sflag:s23] =	ssyncadd.s32 $0xFFFFF000  }
0x2f: {  	_ =	swait.ge [sflag:s23], $0x1000  }
0x30: {  	[sflag:s23] =	ssyncset.done $0x0  }
0x31: {  	[sflag:s23] =	ssyncadd.s32 $0xFFFFF000  }
0x32: {  	_ =	swait.ge [sflag:s23], $0x1000  }
0x33: {  	[sflag:s23] =	ssyncset.done $0x0  }
0x34: {  	[sflag:s23] =	ssyncadd.s32 $0xFFFFF000  }
0x35: {  	_ =	swait.ge [sflag:s23], $0x1000  }
0x36: {  	[sflag:s23] =	ssyncset.done $0x0  }
0x37: {  	[sflag:s23] =	ssyncadd.s32 $0xFFFFF000  }
0x38: {  	_ =	swait.ge [sflag:s23], $0x1000  }
0x39: {  	[sflag:s23] =	ssyncset.done $0x0  }
0x3a: {  	[sflag:s23] =	ssyncadd.s32 $0xFFFFF000  }
0x3b: {  	_ =	swait.ge [sflag:s23], $0x1000  }
0x3c: {  	[sflag:s23] =	ssyncset.done $0x0  }
0x3d: {  	[sflag:s23] =	ssyncadd.s32 $0xFFFFF000  }
0x3e: {  	_ =	swait.ge [sflag:s23], $0x1000  }
0x3f: {  	[sflag:s23] =	ssyncset.done $0x0  }
0x40: {  	[sflag:s23] =	ssyncadd.s32 $0xFFFFF000  }
0x41: {  	_ =	swait.ge [sflag:s23], $0x1000  }
0x42: {  	[sflag:s23] =	ssyncset.done $0x0  }
0x43: {  	s26 =	simm.s32 $0x2800;
	[sflag:s23] =	ssyncadd.s32 $0xFFFFF000  }
0x44: {  	[spmem:s2] =	stream.indirect.scatter.add.f32 [tilespmem:s15], [sflag:$0x2], $0x20, s26, s14, $0xb8;
	[tilespmem:$0x1AF00] =	vst v63  }
0x45: {  	_ =	swait.ge [sflag:s12], $0x1000  }
0x46: {  	[sflag:s12] =	ssyncset.done $0x0  }
0x47: {  	s28 =	simm.s32 $0x2880;
	[sflag:s12] =	ssyncadd.s32 $0xFFFFF000  }
0x48: {  	[spmem:s2] =	stream.indirect.scatter.add.f32 [tilespmem:s16], [sflag:$0x2], $0x20, s28, s14, $0xb8;
	[tilespmem:$0x1AF00] =	vst v63  }
0x49: {  	_ =	swait.ge [sflag:s12], $0x1000  }
0x4a: {  	[sflag:s12] =	ssyncset.done $0x0  }
0x4b: {  	s30 =	simm.s32 $0x2900;
	[sflag:s12] =	ssyncadd.s32 $0xFFFFF000  }
0x4c: {  	[spmem:s2] =	stream.indirect.scatter.add.f32 [tilespmem:s17], [sflag:$0x2], $0x20, s30, s14, $0xb8;
	[tilespmem:$0x1AF00] =	vst v63  }
0x4d: {  	_ =	swait.ge [sflag:s12], $0x1000  }
0x4e: {  	[sflag:s12] =	ssyncset.done $0x0  }
0x4f: {  	s31 =	simm.s32 $0x2980;
	[sflag:s12] =	ssyncadd.s32 $0xFFFFF000  }
0x50: {  	[spmem:s2] =	stream.indirect.scatter.add.f32 [tilespmem:s18], [sflag:$0x2], $0x20, s31, s14, $0xb8;
	[tilespmem:$0x1AF00] =	vst v63  }
0x51: {  	_ =	swait.ge [sflag:s12], $0x1000  }
0x52: {  	[sflag:s12] =	ssyncset.done $0x0  }
0x53: {  	s26 =	simm.s32 $0x2A00;
	[sflag:s12] =	ssyncadd.s32 $0xFFFFF000  }
0x54: {  	[spmem:s2] =	stream.indirect.scatter.add.f32 [tilespmem:s19], [sflag:$0x2], $0x20, s26, s14, $0xb8;
	[tilespmem:$0x1AF00] =	vst v63  }
0x55: {  	_ =	swait.ge [sflag:s12], $0x1000  }
0x56: {  	[sflag:s12] =	ssyncset.done $0x0  }
0x57: {  	s28 =	simm.s32 $0x2A80;
	[sflag:s12] =	ssyncadd.s32 $0xFFFFF000  }
0x58: {  	[spmem:s2] =	stream.indirect.scatter.add.f32 [tilespmem:s20], [sflag:$0x2], $0x20, s28, s14, $0xb8;
	[tilespmem:$0x1AF00] =	vst v63  }
0x59: {  	_ =	swait.ge [sflag:s12], $0x1000  }
0x5a: {  	[sflag:s12] =	ssyncset.done $0x0  }
0x5b: {  	s30 =	simm.s32 $0x2B00;
	[sflag:s12] =	ssyncadd.s32 $0xFFFFF000  }
0x5c: {  	[spmem:s2] =	stream.indirect.scatter.add.f32 [tilespmem:s21], [sflag:$0x2], $0x20, s30, s14, $0xb8;
	[tilespmem:$0x1AF00] =	vst v63  }
0x5d: {  	_ =	swait.ge [sflag:s12], $0x1000  }
0x5e: {  	[sflag:s12] =	ssyncset.done $0x0  }
0x5f: {  	s31 =	simm.s32 $0x2B80;
	[sflag:s12] =	ssyncadd.s32 $0xFFFFF000  }
0x60: {  	[spmem:s2] =	stream.indirect.scatter.add.f32 [tilespmem:s22], [sflag:$0x2], $0x20, s31, s14, $0xb8;
	[tilespmem:$0x1AF00] =	vst v63  }
0x61: {  	_ =	swait.ge [sflag:s12], $0x1000  }
0x62: {  	s29 =	simm.s32 $0x2000;
	s25 =	simm.s32 $0x1000;
	[sflag:s12] =	ssyncset.done $0x0  }
.LBB2_2:
0x63: {  	s28 =	sshra.s32 s25, $0x2  }
0x64: {  	[sflag:s12] =	ssyncadd.s32 $0xFFFFF000;
	s25 =	smov.u32 s29;
	s26 =	sadd.s32 $0x1000, s29  }
0x65: {  	[tilespmem:s15], [sflag:$0x1] =	stream.indirect.gather [hbm4b:s4+s14], $0x20, s28, s14, $0xb8;
	[tilespmem:$0x1AF00] =	vst v63  }
0x66: {  	p0 =	sne.s32 s29, $0x9000;
	s29 =	sadd.s32 $0x80, s28  }
0x67: {  	[tilespmem:s16], [sflag:$0x1] =	stream.indirect.gather [hbm4b:s4+s14], $0x20, s29, s14, $0xb8;
	[tilespmem:$0x1AF00] =	vst v63  }
0x68: {  	s29 =	sadd.s32 $0x100, s28  }
0x69: {  	[tilespmem:s17], [sflag:$0x1] =	stream.indirect.gather [hbm4b:s4+s14], $0x20, s29, s14, $0xb8;
	[tilespmem:$0x1AF00] =	vst v63  }
0x6a: {  	s29 =	sadd.s32 $0x180, s28  }
0x6b: {  	[tilespmem:s18], [sflag:$0x1] =	stream.indirect.gather [hbm4b:s4+s14], $0x20, s29, s14, $0xb8;
	[tilespmem:$0x1AF00] =	vst v63  }
0x6c: {  	s29 =	sadd.s32 $0x200, s28  }
0x6d: {  	[tilespmem:s19], [sflag:$0x1] =	stream.indirect.gather [hbm4b:s4+s14], $0x20, s29, s14, $0xb8;
	[tilespmem:$0x1AF00] =	vst v63  }
0x6e: {  	s29 =	sadd.s32 $0x280, s28  }
0x6f: {  	[tilespmem:s20], [sflag:$0x1] =	stream.indirect.gather [hbm4b:s4+s14], $0x20, s29, s14, $0xb8;
	[tilespmem:$0x1AF00] =	vst v63  }
0x70: {  	s29 =	sadd.s32 $0x300, s28  }
0x71: {  	[tilespmem:s21], [sflag:$0x1] =	stream.indirect.gather [hbm4b:s4+s14], $0x20, s29, s14, $0xb8;
	[tilespmem:$0x1AF00] =	vst v63  }
0x72: {  	s29 =	sadd.s32 $0x380, s28  }
0x73: {  	[tilespmem:s22], [sflag:$0x1] =	stream.indirect.gather [hbm4b:s4+s14], $0x20, s29, s14, $0xb8;
	[tilespmem:$0x1AF00] =	vst v63  }
0x74: {  	_ =	swait.ge [sflag:s23], $0x1000  }
0x75: {  	[sflag:s23] =	ssyncset.done $0x0  }
0x76: {  	[sflag:s23] =	ssyncadd.s32 $0xFFFFF000  }
0x77: {  	_ =	swait.ge [sflag:s23], $0x1000  }
0x78: {  	[sflag:s23] =	ssyncset.done $0x0  }
0x79: {  	[sflag:s23] =	ssyncadd.s32 $0xFFFFF000  }
0x7a: {  	_ =	swait.ge [sflag:s23], $0x1000  }
0x7b: {  	[sflag:s23] =	ssyncset.done $0x0  }
0x7c: {  	[sflag:s23] =	ssyncadd.s32 $0xFFFFF000  }
0x7d: {  	_ =	swait.ge [sflag:s23], $0x1000  }
0x7e: {  	[sflag:s23] =	ssyncset.done $0x0  }
0x7f: {  	[sflag:s23] =	ssyncadd.s32 $0xFFFFF000  }
0x80: {  	_ =	swait.ge [sflag:s23], $0x1000  }
0x81: {  	[sflag:s23] =	ssyncset.done $0x0  }
0x82: {  	[sflag:s23] =	ssyncadd.s32 $0xFFFFF000  }
0x83: {  	_ =	swait.ge [sflag:s23], $0x1000  }
0x84: {  	[sflag:s23] =	ssyncset.done $0x0  }
0x85: {  	[sflag:s23] =	ssyncadd.s32 $0xFFFFF000  }
0x86: {  	_ =	swait.ge [sflag:s23], $0x1000  }
0x87: {  	[sflag:s23] =	ssyncset.done $0x0  }
0x88: {  	[sflag:s23] =	ssyncadd.s32 $0xFFFFF000  }
0x89: {  	_ =	swait.ge [sflag:s23], $0x1000  }
0x8a: {  	[sflag:s23] =	ssyncset.done $0x0  }
0x8b: {  	s29 =	sadd.s32 $0x2800, s28;
	[sflag:s23] =	ssyncadd.s32 $0xFFFFF000  }
0x8c: {  	[spmem:s2] =	stream.indirect.scatter.add.f32 [tilespmem:s15], [sflag:$0x2], $0x20, s29, s14, $0xb8;
	[tilespmem:$0x1AF00] =	vst v63  }
0x8d: {  	_ =	swait.ge [sflag:s12], $0x1000  }
0x8e: {  	[sflag:s12] =	ssyncset.done $0x0  }
0x8f: {  	s29 =	sadd.s32 $0x2880, s28;
	[sflag:s12] =	ssyncadd.s32 $0xFFFFF000  }
0x90: {  	[spmem:s2] =	stream.indirect.scatter.add.f32 [tilespmem:s16], [sflag:$0x2], $0x20, s29, s14, $0xb8;
	[tilespmem:$0x1AF00] =	vst v63  }
0x91: {  	_ =	swait.ge [sflag:s12], $0x1000  }
0x92: {  	[sflag:s12] =	ssyncset.done $0x0  }
0x93: {  	s29 =	sadd.s32 $0x2900, s28;
	[sflag:s12] =	ssyncadd.s32 $0xFFFFF000  }
0x94: {  	[spmem:s2] =	stream.indirect.scatter.add.f32 [tilespmem:s17], [sflag:$0x2], $0x20, s29, s14, $0xb8;
	[tilespmem:$0x1AF00] =	vst v63  }
0x95: {  	_ =	swait.ge [sflag:s12], $0x1000  }
0x96: {  	[sflag:s12] =	ssyncset.done $0x0  }
0x97: {  	s29 =	sadd.s32 $0x2980, s28;
	[sflag:s12] =	ssyncadd.s32 $0xFFFFF000  }
0x98: {  	[spmem:s2] =	stream.indirect.scatter.add.f32 [tilespmem:s18], [sflag:$0x2], $0x20, s29, s14, $0xb8;
	[tilespmem:$0x1AF00] =	vst v63  }
0x99: {  	_ =	swait.ge [sflag:s12], $0x1000  }
0x9a: {  	[sflag:s12] =	ssyncset.done $0x0  }
0x9b: {  	s29 =	sadd.s32 $0x2A00, s28;
	[sflag:s12] =	ssyncadd.s32 $0xFFFFF000  }
0x9c: {  	[spmem:s2] =	stream.indirect.scatter.add.f32 [tilespmem:s19], [sflag:$0x2], $0x20, s29, s14, $0xb8;
	[tilespmem:$0x1AF00] =	vst v63  }
0x9d: {  	_ =	swait.ge [sflag:s12], $0x1000  }
0x9e: {  	[sflag:s12] =	ssyncset.done $0x0  }
0x9f: {  	s29 =	sadd.s32 $0x2A80, s28;
	[sflag:s12] =	ssyncadd.s32 $0xFFFFF000  }
0xa0: {  	[spmem:s2] =	stream.indirect.scatter.add.f32 [tilespmem:s20], [sflag:$0x2], $0x20, s29, s14, $0xb8;
	[tilespmem:$0x1AF00] =	vst v63  }
0xa1: {  	_ =	swait.ge [sflag:s12], $0x1000  }
0xa2: {  	[sflag:s12] =	ssyncset.done $0x0  }
0xa3: {  	s29 =	sadd.s32 $0x2B00, s28;
	[sflag:s12] =	ssyncadd.s32 $0xFFFFF000  }
0xa4: {  	[spmem:s2] =	stream.indirect.scatter.add.f32 [tilespmem:s21], [sflag:$0x2], $0x20, s29, s14, $0xb8;
	[tilespmem:$0x1AF00] =	vst v63  }
0xa5: {  	_ =	swait.ge [sflag:s12], $0x1000  }
.Ltmp0:
0xa6: {  	[sflag:s12] =	ssyncset.done $0x0;
	(pc) =	sbr.rel @p0 .LBB2_2-.Ltmp0, $4  }
0xa7: {  	s28 =	sadd.s32 $0x2B80, s28;
	[sflag:s12] =	ssyncadd.s32 $0xFFFFF000  }
0xa8: {  	[spmem:s2] =	stream.indirect.scatter.add.f32 [tilespmem:s22], [sflag:$0x2], $0x20, s28, s14, $0xb8;
	[tilespmem:$0x1AF00] =	vst v63  }
0xa9: {  	_ =	swait.ge [sflag:s12], $0x1000  }
0xaa: {  	s29 =	smov.u32 s26;
	[sflag:s12] =	ssyncset.done $0x0  }
0xab: {  	s25 =	sshra.s32 s25, $0x2;
	[sflag:s12] =	ssyncadd.s32 $0xFFFFF000  }
0xac: {  	[tilespmem:s15], [sflag:$0x1] =	stream.indirect.gather [hbm4b:s4+s14], $0x20, s25, s14, $0xb8;
	[tilespmem:$0x1AF00] =	vst v63  }
0xad: {  	s26 =	sadd.s32 $0x80, s25  }
0xae: {  	[tilespmem:s16], [sflag:$0x1] =	stream.indirect.gather [hbm4b:s4+s14], $0x20, s26, s14, $0xb8;
	[tilespmem:$0x1AF00] =	vst v63  }
0xaf: {  	s31 =	sadd.s32 $0x100, s25  }
0xb0: {  	[tilespmem:s17], [sflag:$0x1] =	stream.indirect.gather [hbm4b:s4+s14], $0x20, s31, s14, $0xb8;
	[tilespmem:$0x1AF00] =	vst v63  }
0xb1: {  	s28 =	sadd.s32 $0x180, s25  }
0xb2: {  	[tilespmem:s18], [sflag:$0x1] =	stream.indirect.gather [hbm4b:s4+s14], $0x20, s28, s14, $0xb8;
	[tilespmem:$0x1AF00] =	vst v63  }
0xb3: {  	s29 =	sadd.s32 $0x200, s25  }
0xb4: {  	[tilespmem:s19], [sflag:$0x1] =	stream.indirect.gather [hbm4b:s4+s14], $0x20, s29, s14, $0xb8;
	[tilespmem:$0x1AF00] =	vst v63  }
0xb5: {  	s30 =	sadd.s32 $0x280, s25  }
0xb6: {  	[tilespmem:s20], [sflag:$0x1] =	stream.indirect.gather [hbm4b:s4+s14], $0x20, s30, s14, $0xb8;
	[tilespmem:$0x1AF00] =	vst v63  }
0xb7: {  	s31 =	sadd.s32 $0x300, s25  }
0xb8: {  	[tilespmem:s21], [sflag:$0x1] =	stream.indirect.gather [hbm4b:s4+s14], $0x20, s31, s14, $0xb8;
	[tilespmem:$0x1AF00] =	vst v63  }
0xb9: {  	s28 =	sadd.s32 $0x380, s25  }
0xba: {  	[tilespmem:s22], [sflag:$0x1] =	stream.indirect.gather [hbm4b:s4+s14], $0x20, s28, s14, $0xb8;
	[tilespmem:$0x1AF00] =	vst v63  }
0xbb: {  	_ =	swait.ge [sflag:s23], $0x1000  }
0xbc: {  	[sflag:s23] =	ssyncset.done $0x0  }
0xbd: {  	[sflag:s23] =	ssyncadd.s32 $0xFFFFF000  }
0xbe: {  	_ =	swait.ge [sflag:s23], $0x1000  }
0xbf: {  	[sflag:s23] =	ssyncset.done $0x0  }
0xc0: {  	[sflag:s23] =	ssyncadd.s32 $0xFFFFF000  }
0xc1: {  	_ =	swait.ge [sflag:s23], $0x1000  }
0xc2: {  	[sflag:s23] =	ssyncset.done $0x0  }
0xc3: {  	[sflag:s23] =	ssyncadd.s32 $0xFFFFF000  }
0xc4: {  	_ =	swait.ge [sflag:s23], $0x1000  }
0xc5: {  	[sflag:s23] =	ssyncset.done $0x0  }
0xc6: {  	[sflag:s23] =	ssyncadd.s32 $0xFFFFF000  }
0xc7: {  	_ =	swait.ge [sflag:s23], $0x1000  }
0xc8: {  	[sflag:s23] =	ssyncset.done $0x0  }
0xc9: {  	[sflag:s23] =	ssyncadd.s32 $0xFFFFF000  }
0xca: {  	_ =	swait.ge [sflag:s23], $0x1000  }
0xcb: {  	[sflag:s23] =	ssyncset.done $0x0  }
0xcc: {  	[sflag:s23] =	ssyncadd.s32 $0xFFFFF000  }
0xcd: {  	_ =	swait.ge [sflag:s23], $0x1000  }
0xce: {  	[sflag:s23] =	ssyncset.done $0x0  }
0xcf: {  	[sflag:s23] =	ssyncadd.s32 $0xFFFFF000  }
0xd0: {  	_ =	swait.ge [sflag:s23], $0x1000  }
0xd1: {  	[sflag:s23] =	ssyncset.done $0x0  }
0xd2: {  	s29 =	sadd.s32 $0x2800, s25;
	[sflag:s23] =	ssyncadd.s32 $0xFFFFF000  }
0xd3: {  	[spmem:s2] =	stream.indirect.scatter.add.f32 [tilespmem:s15], [sflag:$0x2], $0x20, s29, s14, $0xb8;
	[tilespmem:$0x1AF00] =	vst v63  }
0xd4: {  	_ =	swait.ge [sflag:s12], $0x1000  }
0xd5: {  	[sflag:s12] =	ssyncset.done $0x0  }
0xd6: {  	s30 =	sadd.s32 $0x2880, s25;
	[sflag:s12] =	ssyncadd.s32 $0xFFFFF000  }
0xd7: {  	[spmem:s2] =	stream.indirect.scatter.add.f32 [tilespmem:s16], [sflag:$0x2], $0x20, s30, s14, $0xb8;
	[tilespmem:$0x1AF00] =	vst v63  }
0xd8: {  	_ =	swait.ge [sflag:s12], $0x1000  }
0xd9: {  	[sflag:s12] =	ssyncset.done $0x0  }
0xda: {  	s31 =	sadd.s32 $0x2900, s25;
	[sflag:s12] =	ssyncadd.s32 $0xFFFFF000  }
0xdb: {  	[spmem:s2] =	stream.indirect.scatter.add.f32 [tilespmem:s17], [sflag:$0x2], $0x20, s31, s14, $0xb8;
	[tilespmem:$0x1AF00] =	vst v63  }
0xdc: {  	_ =	swait.ge [sflag:s12], $0x1000  }
0xdd: {  	[sflag:s12] =	ssyncset.done $0x0  }
0xde: {  	s28 =	sadd.s32 $0x2980, s25;
	[sflag:s12] =	ssyncadd.s32 $0xFFFFF000  }
0xdf: {  	[spmem:s2] =	stream.indirect.scatter.add.f32 [tilespmem:s18], [sflag:$0x2], $0x20, s28, s14, $0xb8;
	[tilespmem:$0x1AF00] =	vst v63  }
0xe0: {  	_ =	swait.ge [sflag:s12], $0x1000  }
0xe1: {  	[sflag:s12] =	ssyncset.done $0x0  }
0xe2: {  	s29 =	sadd.s32 $0x2A00, s25;
	[sflag:s12] =	ssyncadd.s32 $0xFFFFF000  }
0xe3: {  	[spmem:s2] =	stream.indirect.scatter.add.f32 [tilespmem:s19], [sflag:$0x2], $0x20, s29, s14, $0xb8;
	[tilespmem:$0x1AF00] =	vst v63  }
0xe4: {  	_ =	swait.ge [sflag:s12], $0x1000  }
0xe5: {  	[sflag:s12] =	ssyncset.done $0x0  }
0xe6: {  	s30 =	sadd.s32 $0x2A80, s25;
	[sflag:s12] =	ssyncadd.s32 $0xFFFFF000  }
0xe7: {  	[spmem:s2] =	stream.indirect.scatter.add.f32 [tilespmem:s20], [sflag:$0x2], $0x20, s30, s14, $0xb8;
	[tilespmem:$0x1AF00] =	vst v63  }
0xe8: {  	_ =	swait.ge [sflag:s12], $0x1000  }
0xe9: {  	[sflag:s12] =	ssyncset.done $0x0  }
0xea: {  	s31 =	sadd.s32 $0x2B00, s25;
	[sflag:s12] =	ssyncadd.s32 $0xFFFFF000  }
0xeb: {  	[spmem:s2] =	stream.indirect.scatter.add.f32 [tilespmem:s21], [sflag:$0x2], $0x20, s31, s14, $0xb8;
	[tilespmem:$0x1AF00] =	vst v63  }
0xec: {  	_ =	swait.ge [sflag:s12], $0x1000  }
0xed: {  	[sflag:s12] =	ssyncset.done $0x0  }
0xee: {  	s25 =	sadd.s32 $0x2B80, s25;
	[sflag:s12] =	ssyncadd.s32 $0xFFFFF000  }
0xef: {  	[spmem:s2] =	stream.indirect.scatter.add.f32 [tilespmem:s22], [sflag:$0x2], $0x20, s25, s14, $0xb8;
	[tilespmem:$0x1AF00] =	vst v63  }
0xf0: {  	_ =	swait.ge [sflag:s12], $0x1000  }
0xf1: {  	s24 =	sadd.s32 $0x1, s24;
	[sflag:s12] =	ssyncset.done $0x0  }
0xf2: {  	p0 =	sne.s32 s24, s10;
	[sflag:s12] =	ssyncadd.s32 $0xFFFFF000  }
.Ltmp1:
0xf3: {  	[bflag:$0x0] =	sbarrier.arrive $0xFFFF;
	(pc) =	sbr.rel @p0 .LBB2_1-.Ltmp1, $4  }
0xf4: {  	[hbm:s9], [sflag:s6] =	dma.local [spmem:s11], $0xBE0  }
0xf5: {  	_ =	swait.ge [sflag:s12], $0xBE0  }
0xf6: {  	[sflag:s12] =	ssyncset.done $0x0  }
0xf7: {  	[sflag:s12] =	ssyncadd.s32 $0xFFFFF420  }
0xf8: {  	_ =	sfence.sel $0x180000  }
0xf9: {  	[bflag:$0x0] =	sbarrier.arrive $0xFFFF  }
0xfa: {  	p0 =	sne.s32 s1, $0x0;
	_ =	strace $0x9000004A  }
0xfb: {  	s0 =	sadd.s32 @!p0 $0x100000, s0;
	[bflag:$0x2] =	sbarrier.arrive $0xFFFF  }
0xfc: {  	[sflag:s0] =	ssyncadd.tile.s32 @!p0 $0x1;
	_ =	shalt  }
.Lfunc_end2:
_tile_overlayer_lowered:
.L_overlay_start_2:
0xfd: {  	(tag) =	ssettag $0x2  }
0xfe: {  	s0 =	rddreg [dreg:$0x0];
	s2 =	stileid.u32  }
0xff: {  	s1 =	rddreg [dreg:$0x1];
	p0 =	sne.s32 s2, $0x0  }
0x100: {  	s3 =	rddreg [dreg:$0x2];
	[bflag:$0x3] =	sbarrier.arrive $0xFFFF;
	s2 =	simm.s32 @!p0 $0x1C02  }
0x101: {  	[timem:s3], [sflag:s2] =	dma.local @!p0 [hbm:s0], s1  }
0x102: {  	s0 =	simm.s32 @!p0 $0x2  }
0x103: {  	_ =	swait.ge @!p0 [sflag:s0], s1  }
0x104: {  	s1 =	ssub.s32 @!p0 $0x0, s1;
	[sflag:s0] =	ssyncset.done @!p0 $0x0  }
0x105: {  	[sflag:s0] =	ssyncadd.s32 @!p0 s1  }
0x106: {  	[bflag:$0x3] =	sbarrier.arrive $0xFFFF  }
0x107: {  	_ =	shalt  }

// kernel: kernel.18.cloned.1.call-start
scs
__scs_entry_jumppad:
0x0: {  	(pc) =	sbr.rel $0x88, $3  }
0x1: {  	(tag) =	ssettag $0x0;
	lr =	simm.s32 $0x1  }
0x2: {  	[smem:$0x3F93] =	sst lr;
	_ =	strace $0xD0000000  }
0x3: {  	_ = 	snop  }
0x4: {  	_ = 	snop  }
0x5: {  	_ = 	snop  }
0x6: {  	_ = 	snop  }
0x7: {  	_ = 	snop  }
__scs_overlays_trampoline_lowered:
0x8: {  	[smem:$0x3FA2] =	sst s0  }
0x9: {  	[smem:$0x3FA3] =	sst s1  }
0xa: {  	[smem:$0x3FA4] =	sst s2  }
0xb: {  	[smem:$0x3FA5] =	sst s3  }
0xc: {  	[smem:$0x3FA6] =	sst s4  }
0xd: {  	[smem:$0x3FA7] =	sst s5  }
0xe: {  	[smem:$0x3FA8] =	sst s6  }
0xf: {  	[smem:$0x3FA9] =	sst s7  }
0x10: {  	[smem:$0x3FAA] =	sst s8  }
0x11: {  	[smem:$0x3FAB] =	sst s9;
	s0 =	simm.s32 @!p0 $0x0  }
0x12: {  	s1 =	sld [smem:$0x3F91];
	s0 =	simm.s32 @p0 $0x1  }
0x13: {  	[smem:$0x3FAC] =	sst s0;
	s0 =	simm.s32 @!p1 $0x0  }
0x14: {  	s2 =	sld [smem:$0x3F90];
	s0 =	simm.s32 @p1 $0x1  }
0x15: {  	[smem:$0x3FAD] =	sst s0;
	s0 =	simm.s32 @!p2 $0x0  }
0x16: {  	s3 =	sld [smem:$0x3FDB];
	s0 =	simm.s32 @p2 $0x1  }
0x17: {  	s4 =	simm.s32 $0x1BF5;
	[smem:$0x3FAF] =	sst s0  }
0x18: {  	s0 =	sld [smem:$0x3F92];
	_ =	swait.ge [sflag:s4], $0x0  }
0x19: {  	s7 =	sld [smem:$0x3F93]  }
0x1a: {  	s8 =	sadd.s32 $0xFFFFE003, lr  }
0x1b: {  	s9 =	sadd.s32 $0xFFFFFEF7, lr;
	s5 =	simm.s32 $0xFFFFFFFF;
	p2 =	slt.u32 s8, $0xFFFFF086  }
0x1c: {  	p1 =	slt.u32 s9, $0xF7A;
	s5 =	simm.s32 @!p2 $0x0  }
0x1d: {  	s5 =	simm.s32 @p1 $0x1;
	p0 =	seq.s32 s7, s2  }
0x1e: {  	s7 =	smul.u32 @!p0 $0xF7A, s2;
	p2 =	seq.s32 @!p0 s5, $0x0  }
0x1f: {  	s9 =	smul.u32 $0xF7A, s1;
	s8 =	simm.s32 @!p0 $0x1BF5;
	p2 =	por !p2, p0  }
0x20: {  	[sflag:s8] =	ssyncset.s32 @!p0 $0xFFFFF086;
	s6 =	sadd.s32 @!p0 s3, s7;
	s7 =	simm.s32 @!p0 $0x108  }
0x21: {  	s3 =	sadd.s32 s3, s9;
	s6 =	sadd.s32 @!p0 $0x88, s6;
	s7 =	simm.s32 @p2 $0x1082  }
0x22: {  	[simem:s7], [sflag:s8] =	dma.local @!p0 [hbm:s6], $0xF7A  }
0x23: {  	s9 =	sor.u32 $0xD0000000, s2;
	s6 =	simm.s32 $0x108;
	_ =	swait.ge @!p0 [sflag:s8], $0x0  }
0x24: {  	s3 =	sadd.s32 $0x88, s3;
	s6 =	simm.s32 @!p1 $0x1082;
	[sflag:s4] =	ssyncset.s32 $0xFFFFF086  }
0x25: {  	[simem:s6], [sflag:s4] =	dma.local [hbm:s3], $0xF7A  }
0x26: {  	[smem:$0x3F93] =	sst s1;
	(tag) =	ssettag s2;
	_ =	strace s9  }
0x27: {  	s1 =	sld [smem:$0x3FA3]  }
0x28: {  	s2 =	sld [smem:$0x3FA4]  }
0x29: {  	s4 =	sld [smem:$0x3FA6]  }
0x2a: {  	p0 =	seq.s32 s5, $0x0;
	s5 =	sld [smem:$0x3FA7]  }
0x2b: {  	s6 =	sld [smem:$0x3FA8]  }
0x2c: {  	s7 =	sld [smem:$0x3FA9]  }
0x2d: {  	s3 =	simm.s32 $0x108;
	s8 =	sld [smem:$0x3FAA]  }
0x2e: {  	s3 =	simm.s32 @!p0 $0x1082;
	s9 =	sld [smem:$0x3FAB]  }
0x2f: {  	lr =	sadd.s32 s0, s3;
	s0 =	sld [smem:$0x3FA2]  }
0x30: {  	s3 =	sld [smem:$0x3FA5]  }
0x31: {  	[smem:$0x3FAE] =	sst s10  }
0x32: {  	s10 =	sld [smem:$0x3FAC];
	_ =	sdelay $0x3  }
0x33: {  	p0 =	seq.s32 s10, $0x1;
	s10 =	sld [smem:$0x3FAE];
	_ =	sdelay $0x3  }
0x34: {  	[smem:$0x3FAE] =	sst s10  }
0x35: {  	s10 =	sld [smem:$0x3FAD];
	_ =	sdelay $0x3  }
0x36: {  	p1 =	seq.s32 s10, $0x1;
	s10 =	sld [smem:$0x3FAE];
	_ =	sdelay $0x3  }
0x37: {  	[smem:$0x3FAE] =	sst s10  }
0x38: {  	s10 =	sld [smem:$0x3FAF]  }
0x39: {  	_ = 	snop;
	(pc) =	sbr.ind lr, $3  }
0x3a: {  	_ = 	snop  }
0x3b: {  	_ = 	snop  }
0x3c: {  	p2 =	seq.s32 s10, $0x1;
	s10 =	sld [smem:$0x3FAE]  }
0x3d: {  	_ =	shalt  }
0x3e: {  	_ =	shalt  }
0x3f: {  	_ =	shalt  }
0x40: {  	_ =	shalt  }
0x41: {  	_ =	shalt  }
0x42: {  	_ =	shalt  }
0x43: {  	_ =	shalt  }
0x44: {  	_ =	shalt  }
0x45: {  	_ =	shalt  }
0x46: {  	_ =	shalt  }
0x47: {  	_ =	shalt  }
0x48: {  	_ =	shalt  }
0x49: {  	_ =	shalt  }
0x4a: {  	_ =	shalt  }
0x4b: {  	_ =	shalt  }
0x4c: {  	_ =	shalt  }
0x4d: {  	_ =	shalt  }
0x4e: {  	_ =	shalt  }
0x4f: {  	_ =	shalt  }
0x50: {  	_ =	shalt  }
0x51: {  	_ =	shalt  }
0x52: {  	_ =	shalt  }
0x53: {  	_ =	shalt  }
0x54: {  	_ =	shalt  }
0x55: {  	_ =	shalt  }
0x56: {  	_ =	shalt  }
0x57: {  	_ =	shalt  }
0x58: {  	_ =	shalt  }
0x59: {  	_ =	shalt  }
0x5a: {  	_ =	shalt  }
0x5b: {  	_ =	shalt  }
0x5c: {  	_ =	shalt  }
0x5d: {  	_ =	shalt  }
0x5e: {  	_ =	shalt  }
0x5f: {  	_ =	shalt  }
0x60: {  	_ =	shalt  }
0x61: {  	_ =	shalt  }
0x62: {  	_ =	shalt  }
0x63: {  	_ =	shalt  }
0x64: {  	_ =	shalt  }
0x65: {  	_ =	shalt  }
0x66: {  	_ =	shalt  }
0x67: {  	_ =	shalt  }
0x68: {  	_ =	shalt  }
0x69: {  	_ =	shalt  }
0x6a: {  	_ =	shalt  }
0x6b: {  	_ =	shalt  }
0x6c: {  	_ =	shalt  }
0x6d: {  	_ =	shalt  }
0x6e: {  	_ =	shalt  }
0x6f: {  	_ =	shalt  }
0x70: {  	_ =	shalt  }
0x71: {  	_ =	shalt  }
0x72: {  	_ =	shalt  }
0x73: {  	_ =	shalt  }
0x74: {  	_ =	shalt  }
0x75: {  	_ =	shalt  }
0x76: {  	_ =	shalt  }
0x77: {  	_ =	shalt  }
0x78: {  	_ =	shalt  }
0x79: {  	_ =	shalt  }
0x7a: {  	_ =	shalt  }
0x7b: {  	_ =	shalt  }
0x7c: {  	_ =	shalt  }
0x7d: {  	_ =	shalt  }
0x7e: {  	_ =	shalt  }
0x7f: {  	_ =	shalt  }
0x80: {  	_ =	shalt  }
0x81: {  	_ =	shalt  }
0x82: {  	_ =	shalt  }
0x83: {  	_ =	shalt  }
0x84: {  	_ =	shalt  }
0x85: {  	_ =	shalt  }
0x86: {  	_ =	shalt  }
0x87: {  	_ =	shalt  }
.Lfunc_end0:
.L_simem_size_0:
called_computation.2_lowered:
.L_overlay_start_0:
0x88: {  	s2 =	sld [smem:$0x3FD9]  }
0x89: {  	s3 =	sld [smem:$0x3FFE];
	_ =	sdelay $0x1  }
0x8a: {  	s1 =	srdreg.scid  }
0x8b: {  	s0 =	sand.u32 $0x1, s1  }
0x8c: {  	s16 =	sshll.u32 s0, $0xA;
	s2 =	sadd.s32 s3, s2  }
0x8d: {  	s2 =	sadd.s32 s2, s16  }
0x8e: {  	[smem:$0x3FBA] =	sst s2  }
0x8f: {  	_ = 	snop  }
0x90: {  	(tm) =	ssettm $0x1  }
0x91: {  	s17 =	sld [smem:$0x3FFB];
	_ =	sdelay $0x3  }
0x92: {  	_ =	strace s17  }
0x93: {  	s2 =	sld [smem:$0x3FFC];
	_ =	sdelay $0x3  }
0x94: {  	_ =	strace s2  }
0x95: {  	s2 =	sld [smem:$0x3FFD];
	_ =	sdelay $0x3  }
0x96: {  	_ =	strace s2  }
0x97: {  	_ =	strace $0x8FFFFFFF  }
0x98: {  	s18 =	sld [smem:$0x3FDB];
	_ =	sdelay $0x1  }
0x99: {  	s19 =	simm.s32 $_scs_section_size  }
0x9a: {  	s4 =	simm.s32 $_size__tile_overlayer_lowered;
	s5 =	simm.s32 $_tile_overlayer_lowered  }
0x9b: {  	s22 =	simm.s32 $0x1BFF;
	s21 =	sshll.u32 s5, $0x1;
	s2 =	sadd.s32 s19, s18  }
0x9c: {  	s6 =	simm.s32 $0x0;
	s20 =	sshll.u32 s4, $0x1;
	s4 =	sadd.s32 s21, s2  }
0x9d: {  	[timem:s6], [sflag:s22] =	dma.local [hbm:s4], s20  }
0x9e: {  	_ =	swait.ge [sflag:s22], s20  }
0x9f: {  	s3 =	ssub.s32 $0x0, s20;
	[sflag:s22] =	ssyncset.done $0x0  }
0xa0: {  	[sflag:s22] =	ssyncadd.s32 s3;
	_ =	sdelay $0x1  }
0xa1: {  	s23 =	simm.s32 $0x1B8B  }
0xa2: {  	_ =	swait.ge [sflag:s23], $0x1  }
0xa3: {  	[sflag:s23] =	ssyncset.done $0x0  }
0xa4: {  	s25 =	simm.s32 $0x1B8E;
	s24 =	sld [smem:$0x3FFE];
	[sflag:s23] =	ssyncadd.s32 $0xFFFFFFFF  }
0xa5: {  	s26 =	simm.s32 $execute0_lowered;
	[smem:$0x3FD2] =	sst s25  }
0xa6: {  	s4 =	sshll.u32 s26, $0x1;
	_ =	strace $0x8000004C;
	[dreg:$0x1] =	wrdreg $0xFFFFFFFF  }
0xa7: {  	s28 =	simm.s32 $_size_execute0_lowered;
	s2 =	sadd.s32 s2, s4;
	[dreg:$0x0] =	wrdreg $0x0  }
0xa8: {  	s4 =	sshll.u32 s28, $0x1;
	[dreg:$0x2] =	wrdreg s2  }
0xa9: {  	[dreg:$0x3] =	wrdreg s4  }
0xaa: {  	[dreg:$0x4] =	wrdreg $0xC0  }
0xab: {  	_ =	task [dreg:s6], $0x5FFFF  }
0xac: {  	[dreg:$0x1] =	wrdreg $0xFFFFFFFF  }
0xad: {  	[dreg:$0x0] =	wrdreg $0x60  }
0xae: {  	[dreg:$0x2] =	wrdreg s24  }
0xaf: {  	[dreg:$0x3] =	wrdreg $0x150000  }
0xb0: {  	[dreg:$0x4] =	wrdreg $0x9  }
0xb1: {  	_ =	task.clear_ibuf [dreg:s6], $0x5FFFF;
	_ =	strace $0x9000004C  }
0xb2: {  	s29 =	simm.s32 $0x9;
	_ =	strace $0x8000004E  }
0xb3: {  	_ =	swait.ge [sflag:s29], $0x1  }
0xb4: {  	[sflag:s29] =	ssyncadd.s32 $0xFFFFFFFF  }
0xb5: {  	_ =	strace $0x9000004E  }
0xb6: {  	_ =	sfence  }
0xb7: {  	s30 =	sld [smem:$0x0];
	_ =	sdelay $0x2  }
0xb8: {  	s31 =	sshll.u32 s1, $0xD;
	s1 =	sshrl.u32 s1, $0x2  }
0xb9: {  	s3 =	sand.u32 $0x4000, s31;
	s1 =	sadd.s32 s1, s30  }
0xba: {  	s0 =	sor.u32 s3, s0;
	s1 =	sshll.u32 s1, $0x11  }
0xbb: {  	s0 =	sor.u32 s1, s0  }
0xbc: {  	s0 =	sadd.s32 $0x8F2B, s0  }
0xbd: {  	[sflag:s0] =	ssyncadd.remote.s32 $0x1  }
0xbe: {  	_ =	sfence.sel $0xFFFF  }
0xbf: {  	[dreg:$0x0] =	wrdreg $0xFFFFFFFF;
	(pc) =	sbr.abs _section_cstart, $3  }
0xc0: {  	[dreg:$0x1] =	wrdreg $0xFFFFFFFF  }
0xc1: {  	_ =	task.clear_ibuf [dreg:s6], $0x2FFFF;
	_ =	strace $0x9FFFFFFF  }
0xc2: {  	(tm) =	ssettm $0x7FFFFFFF  }
0xc3: {  	_ =	shalt  }
tec
execute0_lowered:
.L_overlay_start_1:
0x0: {  	(tag) =	ssettag $0x1  }
0x1: {  	s0 =	srdreg.scid;
	s6 =	rddreg [dreg:$0x0]  }
0x2: {  	s2 =	rddreg [dreg:$0x1];
	s1 =	stileid.u32  }
0x3: {  	s3 =	simm.s32 $0x0;
	s14 =	simm.s32 $0x80;
	s15 =	simm.s32 $0x5000  }
0x4: {  	s16 =	simm.s32 $0x6000;
	s17 =	simm.s32 $0x7000;
	s18 =	simm.s32 $0x8000  }
0x5: {  	s19 =	simm.s32 $0x9000;
	s20 =	simm.s32 $0xA000;
	s21 =	simm.s32 $0xB000  }
0x6: {  	s22 =	simm.s32 $0xC000;
	s7 =	sand.u32 $0x1, s0;
	s0 =	rddreg [dreg:$0x2]  }
0x7: {  	s23 =	simm.s32 $0x1;
	s24 =	simm.s32 $0x0;
	[smem:$0x7FF] =	sst s3  }
0x8: {  	s10 =	smul.u32 $0x17C00, s1;
	s31 =	sshll.u32 s1, $0x6;
	s4 =	sshll.u32 s7, $0x4  }
0x9: {  	_ =	strace $0x8000004D;
	s29 =	ssub.s32 $0x2, s7;
	s4 =	sor.u32 s1, s4  }
0xa: {  	s7 =	sshrl.u32 s29, $0x1;
	s30 =	sshrl.u32 s10, $0x2;
	s5 =	smul.u32 $0x500, s4  }
0xb: {  	s8 =	smul.u32 $0xBE0, s4;
	s4 =	sadd.s32 $0x1E00, s6;
	s12 =	ssub.s32 s29, s7  }
0xc: {  	s13 =	sadd.s32 s30, s2;
	s10 =	smax.u32 s12, $0x1;
	s12 =	simm.s32 $0x2  }
0xd: {  	s9 =	sadd.s32 s5, s6;
	s5 =	sadd.s32 $0x1FE00, s6;
	s11 =	sadd.s32 s8, s6  }
0xe: {  	s6 =	sor.u32 $0x1C02, s31;
	s7 =	sadd.s32 $0xBE00, s9;
	s8 =	sadd.s32 $0x15E00, s9  }
0xf: {  	s9 =	sadd.s32 $0x4D400, s11;
	s11 =	sshrl.u32 s13, $0x3;
	s13 =	simm.s32 $0x2800  }
.LBB2_1:
0x10: {  	[spmem:s11], [sflag:s6] =	dma.local [hbm:s5], $0xBE0  }
0x11: {  	_ =	swait.ge [sflag:s12], $0xBE0  }
0x12: {  	[sflag:s12] =	ssyncset.done $0x0  }
0x13: {  	[sflag:s12] =	ssyncadd.s32 $0xFFFFF420  }
0x14: {  	[tilespmem:s3], [sflag:$0x2] =	stream.linear.gather [hbm4b:s7+s3], $0x2800, $0x38;
	[tilespmem:$0x1AF00] =	vst v63  }
0x15: {  	_ =	swait.ge [sflag:s12], $0x2800  }
0x16: {  	[sflag:s12] =	ssyncset.done $0x0  }
0x17: {  	[sflag:s12] =	ssyncadd.s32 $0xFFFFD800  }
0x18: {  	[tilespmem:s13], [sflag:$0x2] =	stream.linear.gather [hbm4b:s8+s3], $0x2800, $0x38;
	[tilespmem:$0x1AF00] =	vst v63  }
0x19: {  	_ =	swait.ge [sflag:s12], $0x2800  }
0x1a: {  	[sflag:s12] =	ssyncset.done $0x0  }
0x1b: {  	[sflag:s12] =	ssyncadd.s32 $0xFFFFD800  }
0x1c: {  	s25 =	simm.s32 $0x0;
	[bflag:$0x0] =	sbarrier.arrive $0xFFFF  }
0x1d: {  	[tilespmem:s15], [sflag:$0x1] =	stream.indirect.gather [hbm4b:s4+s14], $0x20, s25, s14, $0xb8;
	[tilespmem:$0x1AF00] =	vst v63  }
0x1e: {  	s28 =	simm.s32 $0x80  }
0x1f: {  	[tilespmem:s16], [sflag:$0x1] =	stream.indirect.gather [hbm4b:s4+s14], $0x20, s28, s14, $0xb8;
	[tilespmem:$0x1AF00] =	vst v63  }
0x20: {  	s30 =	simm.s32 $0x100  }
0x21: {  	[tilespmem:s17], [sflag:$0x1] =	stream.indirect.gather [hbm4b:s4+s14], $0x20, s30, s14, $0xb8;
	[tilespmem:$0x1AF00] =	vst v63  }
0x22: {  	s31 =	simm.s32 $0x180  }
0x23: {  	[tilespmem:s18], [sflag:$0x1] =	stream.indirect.gather [hbm4b:s4+s14], $0x20, s31, s14, $0xb8;
	[tilespmem:$0x1AF00] =	vst v63  }
0x24: {  	s26 =	simm.s32 $0x200  }
0x25: {  	[tilespmem:s19], [sflag:$0x1] =	stream.indirect.gather [hbm4b:s4+s14], $0x20, s26, s14, $0xb8;
	[tilespmem:$0x1AF00] =	vst v63  }
0x26: {  	s28 =	simm.s32 $0x280  }
0x27: {  	[tilespmem:s20], [sflag:$0x1] =	stream.indirect.gather [hbm4b:s4+s14], $0x20, s28, s14, $0xb8;
	[tilespmem:$0x1AF00] =	vst v63  }
0x28: {  	s30 =	simm.s32 $0x300  }
0x29: {  	[tilespmem:s21], [sflag:$0x1] =	stream.indirect.gather [hbm4b:s4+s14], $0x20, s30, s14, $0xb8;
	[tilespmem:$0x1AF00] =	vst v63  }
0x2a: {  	s31 =	simm.s32 $0x380  }
0x2b: {  	[tilespmem:s22], [sflag:$0x1] =	stream.indirect.gather [hbm4b:s4+s14], $0x20, s31, s14, $0xb8;
	[tilespmem:$0x1AF00] =	vst v63  }
0x2c: {  	_ =	swait.ge [sflag:s23], $0x1000  }
0x2d: {  	[sflag:s23] =	ssyncset.done $0x0  }
0x2e: {  	[sflag:s23] =	ssyncadd.s32 $0xFFFFF000  }
0x2f: {  	_ =	swait.ge [sflag:s23], $0x1000  }
0x30: {  	[sflag:s23] =	ssyncset.done $0x0  }
0x31: {  	[sflag:s23] =	ssyncadd.s32 $0xFFFFF000  }
0x32: {  	_ =	swait.ge [sflag:s23], $0x1000  }
0x33: {  	[sflag:s23] =	ssyncset.done $0x0  }
0x34: {  	[sflag:s23] =	ssyncadd.s32 $0xFFFFF000  }
0x35: {  	_ =	swait.ge [sflag:s23], $0x1000  }
0x36: {  	[sflag:s23] =	ssyncset.done $0x0  }
0x37: {  	[sflag:s23] =	ssyncadd.s32 $0xFFFFF000  }
0x38: {  	_ =	swait.ge [sflag:s23], $0x1000  }
0x39: {  	[sflag:s23] =	ssyncset.done $0x0  }
0x3a: {  	[sflag:s23] =	ssyncadd.s32 $0xFFFFF000  }
0x3b: {  	_ =	swait.ge [sflag:s23], $0x1000  }
0x3c: {  	[sflag:s23] =	ssyncset.done $0x0  }
0x3d: {  	[sflag:s23] =	ssyncadd.s32 $0xFFFFF000  }
0x3e: {  	_ =	swait.ge [sflag:s23], $0x1000  }
0x3f: {  	[sflag:s23] =	ssyncset.done $0x0  }
0x40: {  	[sflag:s23] =	ssyncadd.s32 $0xFFFFF000  }
0x41: {  	_ =	swait.ge [sflag:s23], $0x1000  }
0x42: {  	[sflag:s23] =	ssyncset.done $0x0  }
0x43: {  	s26 =	simm.s32 $0x2800;
	[sflag:s23] =	ssyncadd.s32 $0xFFFFF000  }
0x44: {  	[spmem:s2] =	stream.indirect.scatter.add.f32 [tilespmem:s15], [sflag:$0x2], $0x20, s26, s14, $0xb8;
	[tilespmem:$0x1AF00] =	vst v63  }
0x45: {  	_ =	swait.ge [sflag:s12], $0x1000  }
0x46: {  	[sflag:s12] =	ssyncset.done $0x0  }
0x47: {  	s28 =	simm.s32 $0x2880;
	[sflag:s12] =	ssyncadd.s32 $0xFFFFF000  }
0x48: {  	[spmem:s2] =	stream.indirect.scatter.add.f32 [tilespmem:s16], [sflag:$0x2], $0x20, s28, s14, $0xb8;
	[tilespmem:$0x1AF00] =	vst v63  }
0x49: {  	_ =	swait.ge [sflag:s12], $0x1000  }
0x4a: {  	[sflag:s12] =	ssyncset.done $0x0  }
0x4b: {  	s30 =	simm.s32 $0x2900;
	[sflag:s12] =	ssyncadd.s32 $0xFFFFF000  }
0x4c: {  	[spmem:s2] =	stream.indirect.scatter.add.f32 [tilespmem:s17], [sflag:$0x2], $0x20, s30, s14, $0xb8;
	[tilespmem:$0x1AF00] =	vst v63  }
0x4d: {  	_ =	swait.ge [sflag:s12], $0x1000  }
0x4e: {  	[sflag:s12] =	ssyncset.done $0x0  }
0x4f: {  	s31 =	simm.s32 $0x2980;
	[sflag:s12] =	ssyncadd.s32 $0xFFFFF000  }
0x50: {  	[spmem:s2] =	stream.indirect.scatter.add.f32 [tilespmem:s18], [sflag:$0x2], $0x20, s31, s14, $0xb8;
	[tilespmem:$0x1AF00] =	vst v63  }
0x51: {  	_ =	swait.ge [sflag:s12], $0x1000  }
0x52: {  	[sflag:s12] =	ssyncset.done $0x0  }
0x53: {  	s26 =	simm.s32 $0x2A00;
	[sflag:s12] =	ssyncadd.s32 $0xFFFFF000  }
0x54: {  	[spmem:s2] =	stream.indirect.scatter.add.f32 [tilespmem:s19], [sflag:$0x2], $0x20, s26, s14, $0xb8;
	[tilespmem:$0x1AF00] =	vst v63  }
0x55: {  	_ =	swait.ge [sflag:s12], $0x1000  }
0x56: {  	[sflag:s12] =	ssyncset.done $0x0  }
0x57: {  	s28 =	simm.s32 $0x2A80;
	[sflag:s12] =	ssyncadd.s32 $0xFFFFF000  }
0x58: {  	[spmem:s2] =	stream.indirect.scatter.add.f32 [tilespmem:s20], [sflag:$0x2], $0x20, s28, s14, $0xb8;
	[tilespmem:$0x1AF00] =	vst v63  }
0x59: {  	_ =	swait.ge [sflag:s12], $0x1000  }
0x5a: {  	[sflag:s12] =	ssyncset.done $0x0  }
0x5b: {  	s30 =	simm.s32 $0x2B00;
	[sflag:s12] =	ssyncadd.s32 $0xFFFFF000  }
0x5c: {  	[spmem:s2] =	stream.indirect.scatter.add.f32 [tilespmem:s21], [sflag:$0x2], $0x20, s30, s14, $0xb8;
	[tilespmem:$0x1AF00] =	vst v63  }
0x5d: {  	_ =	swait.ge [sflag:s12], $0x1000  }
0x5e: {  	[sflag:s12] =	ssyncset.done $0x0  }
0x5f: {  	s31 =	simm.s32 $0x2B80;
	[sflag:s12] =	ssyncadd.s32 $0xFFFFF000  }
0x60: {  	[spmem:s2] =	stream.indirect.scatter.add.f32 [tilespmem:s22], [sflag:$0x2], $0x20, s31, s14, $0xb8;
	[tilespmem:$0x1AF00] =	vst v63  }
0x61: {  	_ =	swait.ge [sflag:s12], $0x1000  }
0x62: {  	s29 =	simm.s32 $0x2000;
	s25 =	simm.s32 $0x1000;
	[sflag:s12] =	ssyncset.done $0x0  }
.LBB2_2:
0x63: {  	s28 =	sshra.s32 s25, $0x2  }
0x64: {  	[sflag:s12] =	ssyncadd.s32 $0xFFFFF000;
	s25 =	smov.u32 s29;
	s26 =	sadd.s32 $0x1000, s29  }
0x65: {  	[tilespmem:s15], [sflag:$0x1] =	stream.indirect.gather [hbm4b:s4+s14], $0x20, s28, s14, $0xb8;
	[tilespmem:$0x1AF00] =	vst v63  }
0x66: {  	p0 =	sne.s32 s29, $0x9000;
	s29 =	sadd.s32 $0x80, s28  }
0x67: {  	[tilespmem:s16], [sflag:$0x1] =	stream.indirect.gather [hbm4b:s4+s14], $0x20, s29, s14, $0xb8;
	[tilespmem:$0x1AF00] =	vst v63  }
0x68: {  	s29 =	sadd.s32 $0x100, s28  }
0x69: {  	[tilespmem:s17], [sflag:$0x1] =	stream.indirect.gather [hbm4b:s4+s14], $0x20, s29, s14, $0xb8;
	[tilespmem:$0x1AF00] =	vst v63  }
0x6a: {  	s29 =	sadd.s32 $0x180, s28  }
0x6b: {  	[tilespmem:s18], [sflag:$0x1] =	stream.indirect.gather [hbm4b:s4+s14], $0x20, s29, s14, $0xb8;
	[tilespmem:$0x1AF00] =	vst v63  }
0x6c: {  	s29 =	sadd.s32 $0x200, s28  }
0x6d: {  	[tilespmem:s19], [sflag:$0x1] =	stream.indirect.gather [hbm4b:s4+s14], $0x20, s29, s14, $0xb8;
	[tilespmem:$0x1AF00] =	vst v63  }
0x6e: {  	s29 =	sadd.s32 $0x280, s28  }
0x6f: {  	[tilespmem:s20], [sflag:$0x1] =	stream.indirect.gather [hbm4b:s4+s14], $0x20, s29, s14, $0xb8;
	[tilespmem:$0x1AF00] =	vst v63  }
0x70: {  	s29 =	sadd.s32 $0x300, s28  }
0x71: {  	[tilespmem:s21], [sflag:$0x1] =	stream.indirect.gather [hbm4b:s4+s14], $0x20, s29, s14, $0xb8;
	[tilespmem:$0x1AF00] =	vst v63  }
0x72: {  	s29 =	sadd.s32 $0x380, s28  }
0x73: {  	[tilespmem:s22], [sflag:$0x1] =	stream.indirect.gather [hbm4b:s4+s14], $0x20, s29, s14, $0xb8;
	[tilespmem:$0x1AF00] =	vst v63  }
0x74: {  	_ =	swait.ge [sflag:s23], $0x1000  }
0x75: {  	[sflag:s23] =	ssyncset.done $0x0  }
0x76: {  	[sflag:s23] =	ssyncadd.s32 $0xFFFFF000  }
0x77: {  	_ =	swait.ge [sflag:s23], $0x1000  }
0x78: {  	[sflag:s23] =	ssyncset.done $0x0  }
0x79: {  	[sflag:s23] =	ssyncadd.s32 $0xFFFFF000  }
0x7a: {  	_ =	swait.ge [sflag:s23], $0x1000  }
0x7b: {  	[sflag:s23] =	ssyncset.done $0x0  }
0x7c: {  	[sflag:s23] =	ssyncadd.s32 $0xFFFFF000  }
0x7d: {  	_ =	swait.ge [sflag:s23], $0x1000  }
0x7e: {  	[sflag:s23] =	ssyncset.done $0x0  }
0x7f: {  	[sflag:s23] =	ssyncadd.s32 $0xFFFFF000  }
0x80: {  	_ =	swait.ge [sflag:s23], $0x1000  }
0x81: {  	[sflag:s23] =	ssyncset.done $0x0  }
0x82: {  	[sflag:s23] =	ssyncadd.s32 $0xFFFFF000  }
0x83: {  	_ =	swait.ge [sflag:s23], $0x1000  }
0x84: {  	[sflag:s23] =	ssyncset.done $0x0  }
0x85: {  	[sflag:s23] =	ssyncadd.s32 $0xFFFFF000  }
0x86: {  	_ =	swait.ge [sflag:s23], $0x1000  }
0x87: {  	[sflag:s23] =	ssyncset.done $0x0  }
0x88: {  	[sflag:s23] =	ssyncadd.s32 $0xFFFFF000  }
0x89: {  	_ =	swait.ge [sflag:s23], $0x1000  }
0x8a: {  	[sflag:s23] =	ssyncset.done $0x0  }
0x8b: {  	s29 =	sadd.s32 $0x2800, s28;
	[sflag:s23] =	ssyncadd.s32 $0xFFFFF000  }
0x8c: {  	[spmem:s2] =	stream.indirect.scatter.add.f32 [tilespmem:s15], [sflag:$0x2], $0x20, s29, s14, $0xb8;
	[tilespmem:$0x1AF00] =	vst v63  }
0x8d: {  	_ =	swait.ge [sflag:s12], $0x1000  }
0x8e: {  	[sflag:s12] =	ssyncset.done $0x0  }
0x8f: {  	s29 =	sadd.s32 $0x2880, s28;
	[sflag:s12] =	ssyncadd.s32 $0xFFFFF000  }
0x90: {  	[spmem:s2] =	stream.indirect.scatter.add.f32 [tilespmem:s16], [sflag:$0x2], $0x20, s29, s14, $0xb8;
	[tilespmem:$0x1AF00] =	vst v63  }
0x91: {  	_ =	swait.ge [sflag:s12], $0x1000  }
0x92: {  	[sflag:s12] =	ssyncset.done $0x0  }
0x93: {  	s29 =	sadd.s32 $0x2900, s28;
	[sflag:s12] =	ssyncadd.s32 $0xFFFFF000  }
0x94: {  	[spmem:s2] =	stream.indirect.scatter.add.f32 [tilespmem:s17], [sflag:$0x2], $0x20, s29, s14, $0xb8;
	[tilespmem:$0x1AF00] =	vst v63  }
0x95: {  	_ =	swait.ge [sflag:s12], $0x1000  }
0x96: {  	[sflag:s12] =	ssyncset.done $0x0  }
0x97: {  	s29 =	sadd.s32 $0x2980, s28;
	[sflag:s12] =	ssyncadd.s32 $0xFFFFF000  }
0x98: {  	[spmem:s2] =	stream.indirect.scatter.add.f32 [tilespmem:s18], [sflag:$0x2], $0x20, s29, s14, $0xb8;
	[tilespmem:$0x1AF00] =	vst v63  }
0x99: {  	_ =	swait.ge [sflag:s12], $0x1000  }
0x9a: {  	[sflag:s12] =	ssyncset.done $0x0  }
0x9b: {  	s29 =	sadd.s32 $0x2A00, s28;
	[sflag:s12] =	ssyncadd.s32 $0xFFFFF000  }
0x9c: {  	[spmem:s2] =	stream.indirect.scatter.add.f32 [tilespmem:s19], [sflag:$0x2], $0x20, s29, s14, $0xb8;
	[tilespmem:$0x1AF00] =	vst v63  }
0x9d: {  	_ =	swait.ge [sflag:s12], $0x1000  }
0x9e: {  	[sflag:s12] =	ssyncset.done $0x0  }
0x9f: {  	s29 =	sadd.s32 $0x2A80, s28;
	[sflag:s12] =	ssyncadd.s32 $0xFFFFF000  }
0xa0: {  	[spmem:s2] =	stream.indirect.scatter.add.f32 [tilespmem:s20], [sflag:$0x2], $0x20, s29, s14, $0xb8;
	[tilespmem:$0x1AF00] =	vst v63  }
0xa1: {  	_ =	swait.ge [sflag:s12], $0x1000  }
0xa2: {  	[sflag:s12] =	ssyncset.done $0x0  }
0xa3: {  	s29 =	sadd.s32 $0x2B00, s28;
	[sflag:s12] =	ssyncadd.s32 $0xFFFFF000  }
0xa4: {  	[spmem:s2] =	stream.indirect.scatter.add.f32 [tilespmem:s21], [sflag:$0x2], $0x20, s29, s14, $0xb8;
	[tilespmem:$0x1AF00] =	vst v63  }
0xa5: {  	_ =	swait.ge [sflag:s12], $0x1000  }
.Ltmp0:
0xa6: {  	[sflag:s12] =	ssyncset.done $0x0;
	(pc) =	sbr.rel @p0 .LBB2_2-.Ltmp0, $4  }
0xa7: {  	s28 =	sadd.s32 $0x2B80, s28;
	[sflag:s12] =	ssyncadd.s32 $0xFFFFF000  }
0xa8: {  	[spmem:s2] =	stream.indirect.scatter.add.f32 [tilespmem:s22], [sflag:$0x2], $0x20, s28, s14, $0xb8;
	[tilespmem:$0x1AF00] =	vst v63  }
0xa9: {  	_ =	swait.ge [sflag:s12], $0x1000  }
0xaa: {  	s29 =	smov.u32 s26;
	[sflag:s12] =	ssyncset.done $0x0  }
0xab: {  	s25 =	sshra.s32 s25, $0x2;
	[sflag:s12] =	ssyncadd.s32 $0xFFFFF000  }
0xac: {  	[tilespmem:s15], [sflag:$0x1] =	stream.indirect.gather [hbm4b:s4+s14], $0x20, s25, s14, $0xb8;
	[tilespmem:$0x1AF00] =	vst v63  }
0xad: {  	s26 =	sadd.s32 $0x80, s25  }
0xae: {  	[tilespmem:s16], [sflag:$0x1] =	stream.indirect.gather [hbm4b:s4+s14], $0x20, s26, s14, $0xb8;
	[tilespmem:$0x1AF00] =	vst v63  }
0xaf: {  	s31 =	sadd.s32 $0x100, s25  }
0xb0: {  	[tilespmem:s17], [sflag:$0x1] =	stream.indirect.gather [hbm4b:s4+s14], $0x20, s31, s14, $0xb8;
	[tilespmem:$0x1AF00] =	vst v63  }
0xb1: {  	s28 =	sadd.s32 $0x180, s25  }
0xb2: {  	[tilespmem:s18], [sflag:$0x1] =	stream.indirect.gather [hbm4b:s4+s14], $0x20, s28, s14, $0xb8;
	[tilespmem:$0x1AF00] =	vst v63  }
0xb3: {  	s29 =	sadd.s32 $0x200, s25  }
0xb4: {  	[tilespmem:s19], [sflag:$0x1] =	stream.indirect.gather [hbm4b:s4+s14], $0x20, s29, s14, $0xb8;
	[tilespmem:$0x1AF00] =	vst v63  }
0xb5: {  	s30 =	sadd.s32 $0x280, s25  }
0xb6: {  	[tilespmem:s20], [sflag:$0x1] =	stream.indirect.gather [hbm4b:s4+s14], $0x20, s30, s14, $0xb8;
	[tilespmem:$0x1AF00] =	vst v63  }
0xb7: {  	s31 =	sadd.s32 $0x300, s25  }
0xb8: {  	[tilespmem:s21], [sflag:$0x1] =	stream.indirect.gather [hbm4b:s4+s14], $0x20, s31, s14, $0xb8;
	[tilespmem:$0x1AF00] =	vst v63  }
0xb9: {  	s28 =	sadd.s32 $0x380, s25  }
0xba: {  	[tilespmem:s22], [sflag:$0x1] =	stream.indirect.gather [hbm4b:s4+s14], $0x20, s28, s14, $0xb8;
	[tilespmem:$0x1AF00] =	vst v63  }
0xbb: {  	_ =	swait.ge [sflag:s23], $0x1000  }
0xbc: {  	[sflag:s23] =	ssyncset.done $0x0  }
0xbd: {  	[sflag:s23] =	ssyncadd.s32 $0xFFFFF000  }
0xbe: {  	_ =	swait.ge [sflag:s23], $0x1000  }
0xbf: {  	[sflag:s23] =	ssyncset.done $0x0  }
0xc0: {  	[sflag:s23] =	ssyncadd.s32 $0xFFFFF000  }
0xc1: {  	_ =	swait.ge [sflag:s23], $0x1000  }
0xc2: {  	[sflag:s23] =	ssyncset.done $0x0  }
0xc3: {  	[sflag:s23] =	ssyncadd.s32 $0xFFFFF000  }
0xc4: {  	_ =	swait.ge [sflag:s23], $0x1000  }
0xc5: {  	[sflag:s23] =	ssyncset.done $0x0  }
0xc6: {  	[sflag:s23] =	ssyncadd.s32 $0xFFFFF000  }
0xc7: {  	_ =	swait.ge [sflag:s23], $0x1000  }
0xc8: {  	[sflag:s23] =	ssyncset.done $0x0  }
0xc9: {  	[sflag:s23] =	ssyncadd.s32 $0xFFFFF000  }
0xca: {  	_ =	swait.ge [sflag:s23], $0x1000  }
0xcb: {  	[sflag:s23] =	ssyncset.done $0x0  }
0xcc: {  	[sflag:s23] =	ssyncadd.s32 $0xFFFFF000  }
0xcd: {  	_ =	swait.ge [sflag:s23], $0x1000  }
0xce: {  	[sflag:s23] =	ssyncset.done $0x0  }
0xcf: {  	[sflag:s23] =	ssyncadd.s32 $0xFFFFF000  }
0xd0: {  	_ =	swait.ge [sflag:s23], $0x1000  }
0xd1: {  	[sflag:s23] =	ssyncset.done $0x0  }
0xd2: {  	s29 =	sadd.s32 $0x2800, s25;
	[sflag:s23] =	ssyncadd.s32 $0xFFFFF000  }
0xd3: {  	[spmem:s2] =	stream.indirect.scatter.add.f32 [tilespmem:s15], [sflag:$0x2], $0x20, s29, s14, $0xb8;
	[tilespmem:$0x1AF00] =	vst v63  }
0xd4: {  	_ =	swait.ge [sflag:s12], $0x1000  }
0xd5: {  	[sflag:s12] =	ssyncset.done $0x0  }
0xd6: {  	s30 =	sadd.s32 $0x2880, s25;
	[sflag:s12] =	ssyncadd.s32 $0xFFFFF000  }
0xd7: {  	[spmem:s2] =	stream.indirect.scatter.add.f32 [tilespmem:s16], [sflag:$0x2], $0x20, s30, s14, $0xb8;
	[tilespmem:$0x1AF00] =	vst v63  }
0xd8: {  	_ =	swait.ge [sflag:s12], $0x1000  }
0xd9: {  	[sflag:s12] =	ssyncset.done $0x0  }
0xda: {  	s31 =	sadd.s32 $0x2900, s25;
	[sflag:s12] =	ssyncadd.s32 $0xFFFFF000  }
0xdb: {  	[spmem:s2] =	stream.indirect.scatter.add.f32 [tilespmem:s17], [sflag:$0x2], $0x20, s31, s14, $0xb8;
	[tilespmem:$0x1AF00] =	vst v63  }
0xdc: {  	_ =	swait.ge [sflag:s12], $0x1000  }
0xdd: {  	[sflag:s12] =	ssyncset.done $0x0  }
0xde: {  	s28 =	sadd.s32 $0x2980, s25;
	[sflag:s12] =	ssyncadd.s32 $0xFFFFF000  }
0xdf: {  	[spmem:s2] =	stream.indirect.scatter.add.f32 [tilespmem:s18], [sflag:$0x2], $0x20, s28, s14, $0xb8;
	[tilespmem:$0x1AF00] =	vst v63  }
0xe0: {  	_ =	swait.ge [sflag:s12], $0x1000  }
0xe1: {  	[sflag:s12] =	ssyncset.done $0x0  }
0xe2: {  	s29 =	sadd.s32 $0x2A00, s25;
	[sflag:s12] =	ssyncadd.s32 $0xFFFFF000  }
0xe3: {  	[spmem:s2] =	stream.indirect.scatter.add.f32 [tilespmem:s19], [sflag:$0x2], $0x20, s29, s14, $0xb8;
	[tilespmem:$0x1AF00] =	vst v63  }
0xe4: {  	_ =	swait.ge [sflag:s12], $0x1000  }
0xe5: {  	[sflag:s12] =	ssyncset.done $0x0  }
0xe6: {  	s30 =	sadd.s32 $0x2A80, s25;
	[sflag:s12] =	ssyncadd.s32 $0xFFFFF000  }
0xe7: {  	[spmem:s2] =	stream.indirect.scatter.add.f32 [tilespmem:s20], [sflag:$0x2], $0x20, s30, s14, $0xb8;
	[tilespmem:$0x1AF00] =	vst v63  }
0xe8: {  	_ =	swait.ge [sflag:s12], $0x1000  }
0xe9: {  	[sflag:s12] =	ssyncset.done $0x0  }
0xea: {  	s31 =	sadd.s32 $0x2B00, s25;
	[sflag:s12] =	ssyncadd.s32 $0xFFFFF000  }
0xeb: {  	[spmem:s2] =	stream.indirect.scatter.add.f32 [tilespmem:s21], [sflag:$0x2], $0x20, s31, s14, $0xb8;
	[tilespmem:$0x1AF00] =	vst v63  }
0xec: {  	_ =	swait.ge [sflag:s12], $0x1000  }
0xed: {  	[sflag:s12] =	ssyncset.done $0x0  }
0xee: {  	s25 =	sadd.s32 $0x2B80, s25;
	[sflag:s12] =	ssyncadd.s32 $0xFFFFF000  }
0xef: {  	[spmem:s2] =	stream.indirect.scatter.add.f32 [tilespmem:s22], [sflag:$0x2], $0x20, s25, s14, $0xb8;
	[tilespmem:$0x1AF00] =	vst v63  }
0xf0: {  	_ =	swait.ge [sflag:s12], $0x1000  }
0xf1: {  	s24 =	sadd.s32 $0x1, s24;
	[sflag:s12] =	ssyncset.done $0x0  }
0xf2: {  	p0 =	sne.s32 s24, s10;
	[sflag:s12] =	ssyncadd.s32 $0xFFFFF000  }
.Ltmp1:
0xf3: {  	[bflag:$0x0] =	sbarrier.arrive $0xFFFF;
	(pc) =	sbr.rel @p0 .LBB2_1-.Ltmp1, $4  }
0xf4: {  	[hbm:s9], [sflag:s6] =	dma.local [spmem:s11], $0xBE0  }
0xf5: {  	_ =	swait.ge [sflag:s12], $0xBE0  }
0xf6: {  	[sflag:s12] =	ssyncset.done $0x0  }
0xf7: {  	[sflag:s12] =	ssyncadd.s32 $0xFFFFF420  }
0xf8: {  	_ =	sfence.sel $0x180000  }
0xf9: {  	[bflag:$0x0] =	sbarrier.arrive $0xFFFF  }
0xfa: {  	p0 =	sne.s32 s1, $0x0;
	_ =	strace $0x9000004D  }
0xfb: {  	s0 =	sadd.s32 @!p0 $0x100000, s0;
	[bflag:$0x2] =	sbarrier.arrive $0xFFFF  }
0xfc: {  	[sflag:s0] =	ssyncadd.tile.s32 @!p0 $0x1;
	_ =	shalt  }
.Lfunc_end2:
_tile_overlayer_lowered:
.L_overlay_start_2:
0xfd: {  	(tag) =	ssettag $0x2  }
0xfe: {  	s0 =	rddreg [dreg:$0x0];
	s2 =	stileid.u32  }
0xff: {  	s1 =	rddreg [dreg:$0x1];
	p0 =	sne.s32 s2, $0x0  }
0x100: {  	s3 =	rddreg [dreg:$0x2];
	[bflag:$0x3] =	sbarrier.arrive $0xFFFF;
	s2 =	simm.s32 @!p0 $0x1C02  }
0x101: {  	[timem:s3], [sflag:s2] =	dma.local @!p0 [hbm:s0], s1  }
0x102: {  	s0 =	simm.s32 @!p0 $0x2  }
0x103: {  	_ =	swait.ge @!p0 [sflag:s0], s1  }
0x104: {  	s1 =	ssub.s32 @!p0 $0x0, s1;
	[sflag:s0] =	ssyncset.done @!p0 $0x0  }
0x105: {  	[sflag:s0] =	ssyncadd.s32 @!p0 s1  }
0x106: {  	[bflag:$0x3] =	sbarrier.arrive $0xFFFF  }
0x107: {  	_ =	shalt  }

// kernel: kernel.21.cloned.1.call-start
scs
__scs_entry_jumppad:
0x0: {  	(pc) =	sbr.rel $0x88, $3  }
0x1: {  	(tag) =	ssettag $0x0;
	lr =	simm.s32 $0x1  }
0x2: {  	[smem:$0x3F93] =	sst lr;
	_ =	strace $0xD0000000  }
0x3: {  	_ = 	snop  }
0x4: {  	_ = 	snop  }
0x5: {  	_ = 	snop  }
0x6: {  	_ = 	snop  }
0x7: {  	_ = 	snop  }
__scs_overlays_trampoline_lowered:
0x8: {  	[smem:$0x3FA2] =	sst s0  }
0x9: {  	[smem:$0x3FA3] =	sst s1  }
0xa: {  	[smem:$0x3FA4] =	sst s2  }
0xb: {  	[smem:$0x3FA5] =	sst s3  }
0xc: {  	[smem:$0x3FA6] =	sst s4  }
0xd: {  	[smem:$0x3FA7] =	sst s5  }
0xe: {  	[smem:$0x3FA8] =	sst s6  }
0xf: {  	[smem:$0x3FA9] =	sst s7  }
0x10: {  	[smem:$0x3FAA] =	sst s8  }
0x11: {  	[smem:$0x3FAB] =	sst s9;
	s0 =	simm.s32 @!p0 $0x0  }
0x12: {  	s1 =	sld [smem:$0x3F91];
	s0 =	simm.s32 @p0 $0x1  }
0x13: {  	[smem:$0x3FAC] =	sst s0;
	s0 =	simm.s32 @!p1 $0x0  }
0x14: {  	s2 =	sld [smem:$0x3F90];
	s0 =	simm.s32 @p1 $0x1  }
0x15: {  	[smem:$0x3FAD] =	sst s0;
	s0 =	simm.s32 @!p2 $0x0  }
0x16: {  	s3 =	sld [smem:$0x3FDB];
	s0 =	simm.s32 @p2 $0x1  }
0x17: {  	s4 =	simm.s32 $0x1BF5;
	[smem:$0x3FAF] =	sst s0  }
0x18: {  	s0 =	sld [smem:$0x3F92];
	_ =	swait.ge [sflag:s4], $0x0  }
0x19: {  	s7 =	sld [smem:$0x3F93]  }
0x1a: {  	s8 =	sadd.s32 $0xFFFFE003, lr  }
0x1b: {  	s9 =	sadd.s32 $0xFFFFFEF7, lr;
	s5 =	simm.s32 $0xFFFFFFFF;
	p2 =	slt.u32 s8, $0xFFFFF086  }
0x1c: {  	p1 =	slt.u32 s9, $0xF7A;
	s5 =	simm.s32 @!p2 $0x0  }
0x1d: {  	s5 =	simm.s32 @p1 $0x1;
	p0 =	seq.s32 s7, s2  }
0x1e: {  	s7 =	smul.u32 @!p0 $0xF7A, s2;
	p2 =	seq.s32 @!p0 s5, $0x0  }
0x1f: {  	s9 =	smul.u32 $0xF7A, s1;
	s8 =	simm.s32 @!p0 $0x1BF5;
	p2 =	por !p2, p0  }
0x20: {  	[sflag:s8] =	ssyncset.s32 @!p0 $0xFFFFF086;
	s6 =	sadd.s32 @!p0 s3, s7;
	s7 =	simm.s32 @!p0 $0x108  }
0x21: {  	s3 =	sadd.s32 s3, s9;
	s6 =	sadd.s32 @!p0 $0x88, s6;
	s7 =	simm.s32 @p2 $0x1082  }
0x22: {  	[simem:s7], [sflag:s8] =	dma.local @!p0 [hbm:s6], $0xF7A  }
0x23: {  	s9 =	sor.u32 $0xD0000000, s2;
	s6 =	simm.s32 $0x108;
	_ =	swait.ge @!p0 [sflag:s8], $0x0  }
0x24: {  	s3 =	sadd.s32 $0x88, s3;
	s6 =	simm.s32 @!p1 $0x1082;
	[sflag:s4] =	ssyncset.s32 $0xFFFFF086  }
0x25: {  	[simem:s6], [sflag:s4] =	dma.local [hbm:s3], $0xF7A  }
0x26: {  	[smem:$0x3F93] =	sst s1;
	(tag) =	ssettag s2;
	_ =	strace s9  }
0x27: {  	s1 =	sld [smem:$0x3FA3]  }
0x28: {  	s2 =	sld [smem:$0x3FA4]  }
0x29: {  	s4 =	sld [smem:$0x3FA6]  }
0x2a: {  	p0 =	seq.s32 s5, $0x0;
	s5 =	sld [smem:$0x3FA7]  }
0x2b: {  	s6 =	sld [smem:$0x3FA8]  }
0x2c: {  	s7 =	sld [smem:$0x3FA9]  }
0x2d: {  	s3 =	simm.s32 $0x108;
	s8 =	sld [smem:$0x3FAA]  }
0x2e: {  	s3 =	simm.s32 @!p0 $0x1082;
	s9 =	sld [smem:$0x3FAB]  }
0x2f: {  	lr =	sadd.s32 s0, s3;
	s0 =	sld [smem:$0x3FA2]  }
0x30: {  	s3 =	sld [smem:$0x3FA5]  }
0x31: {  	[smem:$0x3FAE] =	sst s10  }
0x32: {  	s10 =	sld [smem:$0x3FAC];
	_ =	sdelay $0x3  }
0x33: {  	p0 =	seq.s32 s10, $0x1;
	s10 =	sld [smem:$0x3FAE];
	_ =	sdelay $0x3  }
0x34: {  	[smem:$0x3FAE] =	sst s10  }
0x35: {  	s10 =	sld [smem:$0x3FAD];
	_ =	sdelay $0x3  }
0x36: {  	p1 =	seq.s32 s10, $0x1;
	s10 =	sld [smem:$0x3FAE];
	_ =	sdelay $0x3  }
0x37: {  	[smem:$0x3FAE] =	sst s10  }
0x38: {  	s10 =	sld [smem:$0x3FAF]  }
0x39: {  	_ = 	snop;
	(pc) =	sbr.ind lr, $3  }
0x3a: {  	_ = 	snop  }
0x3b: {  	_ = 	snop  }
0x3c: {  	p2 =	seq.s32 s10, $0x1;
	s10 =	sld [smem:$0x3FAE]  }
0x3d: {  	_ =	shalt  }
0x3e: {  	_ =	shalt  }
0x3f: {  	_ =	shalt  }
0x40: {  	_ =	shalt  }
0x41: {  	_ =	shalt  }
0x42: {  	_ =	shalt  }
0x43: {  	_ =	shalt  }
0x44: {  	_ =	shalt  }
0x45: {  	_ =	shalt  }
0x46: {  	_ =	shalt  }
0x47: {  	_ =	shalt  }
0x48: {  	_ =	shalt  }
0x49: {  	_ =	shalt  }
0x4a: {  	_ =	shalt  }
0x4b: {  	_ =	shalt  }
0x4c: {  	_ =	shalt  }
0x4d: {  	_ =	shalt  }
0x4e: {  	_ =	shalt  }
0x4f: {  	_ =	shalt  }
0x50: {  	_ =	shalt  }
0x51: {  	_ =	shalt  }
0x52: {  	_ =	shalt  }
0x53: {  	_ =	shalt  }
0x54: {  	_ =	shalt  }
0x55: {  	_ =	shalt  }
0x56: {  	_ =	shalt  }
0x57: {  	_ =	shalt  }
0x58: {  	_ =	shalt  }
0x59: {  	_ =	shalt  }
0x5a: {  	_ =	shalt  }
0x5b: {  	_ =	shalt  }
0x5c: {  	_ =	shalt  }
0x5d: {  	_ =	shalt  }
0x5e: {  	_ =	shalt  }
0x5f: {  	_ =	shalt  }
0x60: {  	_ =	shalt  }
0x61: {  	_ =	shalt  }
0x62: {  	_ =	shalt  }
0x63: {  	_ =	shalt  }
0x64: {  	_ =	shalt  }
0x65: {  	_ =	shalt  }
0x66: {  	_ =	shalt  }
0x67: {  	_ =	shalt  }
0x68: {  	_ =	shalt  }
0x69: {  	_ =	shalt  }
0x6a: {  	_ =	shalt  }
0x6b: {  	_ =	shalt  }
0x6c: {  	_ =	shalt  }
0x6d: {  	_ =	shalt  }
0x6e: {  	_ =	shalt  }
0x6f: {  	_ =	shalt  }
0x70: {  	_ =	shalt  }
0x71: {  	_ =	shalt  }
0x72: {  	_ =	shalt  }
0x73: {  	_ =	shalt  }
0x74: {  	_ =	shalt  }
0x75: {  	_ =	shalt  }
0x76: {  	_ =	shalt  }
0x77: {  	_ =	shalt  }
0x78: {  	_ =	shalt  }
0x79: {  	_ =	shalt  }
0x7a: {  	_ =	shalt  }
0x7b: {  	_ =	shalt  }
0x7c: {  	_ =	shalt  }
0x7d: {  	_ =	shalt  }
0x7e: {  	_ =	shalt  }
0x7f: {  	_ =	shalt  }
0x80: {  	_ =	shalt  }
0x81: {  	_ =	shalt  }
0x82: {  	_ =	shalt  }
0x83: {  	_ =	shalt  }
0x84: {  	_ =	shalt  }
0x85: {  	_ =	shalt  }
0x86: {  	_ =	shalt  }
0x87: {  	_ =	shalt  }
.Lfunc_end0:
.L_simem_size_0:
called_computation.3_lowered:
.L_overlay_start_0:
0x88: {  	s2 =	sld [smem:$0x3FD9]  }
0x89: {  	s3 =	sld [smem:$0x3FFE];
	_ =	sdelay $0x1  }
0x8a: {  	s1 =	srdreg.scid  }
0x8b: {  	s0 =	sand.u32 $0x1, s1  }
0x8c: {  	s16 =	sshll.u32 s0, $0xA;
	s2 =	sadd.s32 s3, s2  }
0x8d: {  	s2 =	sadd.s32 s2, s16  }
0x8e: {  	[smem:$0x3FBA] =	sst s2  }
0x8f: {  	_ = 	snop  }
0x90: {  	(tm) =	ssettm $0x1  }
0x91: {  	s17 =	sld [smem:$0x3FFB];
	_ =	sdelay $0x3  }
0x92: {  	_ =	strace s17  }
0x93: {  	s2 =	sld [smem:$0x3FFC];
	_ =	sdelay $0x3  }
0x94: {  	_ =	strace s2  }
0x95: {  	s2 =	sld [smem:$0x3FFD];
	_ =	sdelay $0x3  }
0x96: {  	_ =	strace s2  }
0x97: {  	_ =	strace $0x8FFFFFFF  }
0x98: {  	s18 =	sld [smem:$0x3FDB];
	_ =	sdelay $0x1  }
0x99: {  	s19 =	simm.s32 $_scs_section_size  }
0x9a: {  	s4 =	simm.s32 $_size__tile_overlayer_lowered;
	s5 =	simm.s32 $_tile_overlayer_lowered  }
0x9b: {  	s22 =	simm.s32 $0x1BFF;
	s21 =	sshll.u32 s5, $0x1;
	s2 =	sadd.s32 s19, s18  }
0x9c: {  	s6 =	simm.s32 $0x0;
	s20 =	sshll.u32 s4, $0x1;
	s4 =	sadd.s32 s21, s2  }
0x9d: {  	[timem:s6], [sflag:s22] =	dma.local [hbm:s4], s20  }
0x9e: {  	_ =	swait.ge [sflag:s22], s20  }
0x9f: {  	s3 =	ssub.s32 $0x0, s20;
	[sflag:s22] =	ssyncset.done $0x0  }
0xa0: {  	[sflag:s22] =	ssyncadd.s32 s3;
	_ =	sdelay $0x1  }
0xa1: {  	s23 =	simm.s32 $0x1B8B  }
0xa2: {  	_ =	swait.ge [sflag:s23], $0x1  }
0xa3: {  	[sflag:s23] =	ssyncset.done $0x0  }
0xa4: {  	s25 =	simm.s32 $0x1B8E;
	s24 =	sld [smem:$0x3FFE];
	[sflag:s23] =	ssyncadd.s32 $0xFFFFFFFF  }
0xa5: {  	s26 =	simm.s32 $execute0_lowered;
	[smem:$0x3FD2] =	sst s25  }
0xa6: {  	s4 =	sshll.u32 s26, $0x1;
	_ =	strace $0x8000004F;
	[dreg:$0x1] =	wrdreg $0xFFFFFFFF  }
0xa7: {  	s28 =	simm.s32 $_size_execute0_lowered;
	s2 =	sadd.s32 s2, s4;
	[dreg:$0x0] =	wrdreg $0x0  }
0xa8: {  	s4 =	sshll.u32 s28, $0x1;
	[dreg:$0x2] =	wrdreg s2  }
0xa9: {  	[dreg:$0x3] =	wrdreg s4  }
0xaa: {  	[dreg:$0x4] =	wrdreg $0xC0  }
0xab: {  	_ =	task [dreg:s6], $0x5FFFF  }
0xac: {  	[dreg:$0x1] =	wrdreg $0xFFFFFFFF  }
0xad: {  	[dreg:$0x0] =	wrdreg $0x60  }
0xae: {  	[dreg:$0x2] =	wrdreg s24  }
0xaf: {  	[dreg:$0x3] =	wrdreg $0x150000  }
0xb0: {  	[dreg:$0x4] =	wrdreg $0x9  }
0xb1: {  	_ =	task.clear_ibuf [dreg:s6], $0x5FFFF;
	_ =	strace $0x9000004F  }
0xb2: {  	s29 =	simm.s32 $0x9;
	_ =	strace $0x80000051  }
0xb3: {  	_ =	swait.ge [sflag:s29], $0x1  }
0xb4: {  	[sflag:s29] =	ssyncadd.s32 $0xFFFFFFFF  }
0xb5: {  	_ =	strace $0x90000051  }
0xb6: {  	_ =	sfence  }
0xb7: {  	s30 =	sld [smem:$0x0];
	_ =	sdelay $0x2  }
0xb8: {  	s31 =	sshll.u32 s1, $0xD;
	s1 =	sshrl.u32 s1, $0x2  }
0xb9: {  	s3 =	sand.u32 $0x4000, s31;
	s1 =	sadd.s32 s1, s30  }
0xba: {  	s0 =	sor.u32 s3, s0;
	s1 =	sshll.u32 s1, $0x11  }
0xbb: {  	s0 =	sor.u32 s1, s0  }
0xbc: {  	s0 =	sadd.s32 $0x8F2B, s0  }
0xbd: {  	[sflag:s0] =	ssyncadd.remote.s32 $0x1  }
0xbe: {  	_ =	sfence.sel $0xFFFF  }
0xbf: {  	[dreg:$0x0] =	wrdreg $0xFFFFFFFF;
	(pc) =	sbr.abs _section_cstart, $3  }
0xc0: {  	[dreg:$0x1] =	wrdreg $0xFFFFFFFF  }
0xc1: {  	_ =	task.clear_ibuf [dreg:s6], $0x2FFFF;
	_ =	strace $0x9FFFFFFF  }
0xc2: {  	(tm) =	ssettm $0x7FFFFFFF  }
0xc3: {  	_ =	shalt  }
tec
execute0_lowered:
.L_overlay_start_1:
0x0: {  	(tag) =	ssettag $0x1  }
0x1: {  	s0 =	srdreg.scid;
	s6 =	rddreg [dreg:$0x0]  }
0x2: {  	s2 =	rddreg [dreg:$0x1];
	s1 =	stileid.u32  }
0x3: {  	s3 =	simm.s32 $0x0;
	s14 =	simm.s32 $0x80;
	s15 =	simm.s32 $0x5000  }
0x4: {  	s16 =	simm.s32 $0x6000;
	s17 =	simm.s32 $0x7000;
	s18 =	simm.s32 $0x8000  }
0x5: {  	s19 =	simm.s32 $0x9000;
	s20 =	simm.s32 $0xA000;
	s21 =	simm.s32 $0xB000  }
0x6: {  	s22 =	simm.s32 $0xC000;
	s7 =	sand.u32 $0x1, s0;
	s0 =	rddreg [dreg:$0x2]  }
0x7: {  	s23 =	simm.s32 $0x1;
	s24 =	simm.s32 $0x0;
	[smem:$0x7FF] =	sst s3  }
0x8: {  	s10 =	smul.u32 $0x17C00, s1;
	s31 =	sshll.u32 s1, $0x6;
	s4 =	sshll.u32 s7, $0x4  }
0x9: {  	_ =	strace $0x80000050;
	s29 =	ssub.s32 $0x2, s7;
	s4 =	sor.u32 s1, s4  }
0xa: {  	s7 =	sshrl.u32 s29, $0x1;
	s30 =	sshrl.u32 s10, $0x2;
	s5 =	smul.u32 $0x500, s4  }
0xb: {  	s8 =	smul.u32 $0xBE0, s4;
	s4 =	sadd.s32 $0x1E00, s6;
	s12 =	ssub.s32 s29, s7  }
0xc: {  	s13 =	sadd.s32 s30, s2;
	s10 =	smax.u32 s12, $0x1;
	s12 =	simm.s32 $0x2  }
0xd: {  	s9 =	sadd.s32 s5, s6;
	s5 =	sadd.s32 $0x1FE00, s6;
	s11 =	sadd.s32 s8, s6  }
0xe: {  	s6 =	sor.u32 $0x1C02, s31;
	s7 =	sadd.s32 $0xBE00, s9;
	s8 =	sadd.s32 $0x15E00, s9  }
0xf: {  	s9 =	sadd.s32 $0x26200, s11;
	s11 =	sshrl.u32 s13, $0x3;
	s13 =	simm.s32 $0x2800  }
.LBB2_1:
0x10: {  	[spmem:s11], [sflag:s6] =	dma.local [hbm:s5], $0xBE0  }
0x11: {  	_ =	swait.ge [sflag:s12], $0xBE0  }
0x12: {  	[sflag:s12] =	ssyncset.done $0x0  }
0x13: {  	[sflag:s12] =	ssyncadd.s32 $0xFFFFF420  }
0x14: {  	[tilespmem:s3], [sflag:$0x2] =	stream.linear.gather [hbm4b:s7+s3], $0x2800, $0x38;
	[tilespmem:$0x1AF00] =	vst v63  }
0x15: {  	_ =	swait.ge [sflag:s12], $0x2800  }
0x16: {  	[sflag:s12] =	ssyncset.done $0x0  }
0x17: {  	[sflag:s12] =	ssyncadd.s32 $0xFFFFD800  }
0x18: {  	[tilespmem:s13], [sflag:$0x2] =	stream.linear.gather [hbm4b:s8+s3], $0x2800, $0x38;
	[tilespmem:$0x1AF00] =	vst v63  }
0x19: {  	_ =	swait.ge [sflag:s12], $0x2800  }
0x1a: {  	[sflag:s12] =	ssyncset.done $0x0  }
0x1b: {  	[sflag:s12] =	ssyncadd.s32 $0xFFFFD800  }
0x1c: {  	s25 =	simm.s32 $0x0;
	[bflag:$0x0] =	sbarrier.arrive $0xFFFF  }
0x1d: {  	[tilespmem:s15], [sflag:$0x1] =	stream.indirect.gather [hbm4b:s4+s14], $0x20, s25, s14, $0xb8;
	[tilespmem:$0x1AF00] =	vst v63  }
0x1e: {  	s28 =	simm.s32 $0x80  }
0x1f: {  	[tilespmem:s16], [sflag:$0x1] =	stream.indirect.gather [hbm4b:s4+s14], $0x20, s28, s14, $0xb8;
	[tilespmem:$0x1AF00] =	vst v63  }
0x20: {  	s30 =	simm.s32 $0x100  }
0x21: {  	[tilespmem:s17], [sflag:$0x1] =	stream.indirect.gather [hbm4b:s4+s14], $0x20, s30, s14, $0xb8;
	[tilespmem:$0x1AF00] =	vst v63  }
0x22: {  	s31 =	simm.s32 $0x180  }
0x23: {  	[tilespmem:s18], [sflag:$0x1] =	stream.indirect.gather [hbm4b:s4+s14], $0x20, s31, s14, $0xb8;
	[tilespmem:$0x1AF00] =	vst v63  }
0x24: {  	s26 =	simm.s32 $0x200  }
0x25: {  	[tilespmem:s19], [sflag:$0x1] =	stream.indirect.gather [hbm4b:s4+s14], $0x20, s26, s14, $0xb8;
	[tilespmem:$0x1AF00] =	vst v63  }
0x26: {  	s28 =	simm.s32 $0x280  }
0x27: {  	[tilespmem:s20], [sflag:$0x1] =	stream.indirect.gather [hbm4b:s4+s14], $0x20, s28, s14, $0xb8;
	[tilespmem:$0x1AF00] =	vst v63  }
0x28: {  	s30 =	simm.s32 $0x300  }
0x29: {  	[tilespmem:s21], [sflag:$0x1] =	stream.indirect.gather [hbm4b:s4+s14], $0x20, s30, s14, $0xb8;
	[tilespmem:$0x1AF00] =	vst v63  }
0x2a: {  	s31 =	simm.s32 $0x380  }
0x2b: {  	[tilespmem:s22], [sflag:$0x1] =	stream.indirect.gather [hbm4b:s4+s14], $0x20, s31, s14, $0xb8;
	[tilespmem:$0x1AF00] =	vst v63  }
0x2c: {  	_ =	swait.ge [sflag:s23], $0x1000  }
0x2d: {  	[sflag:s23] =	ssyncset.done $0x0  }
0x2e: {  	[sflag:s23] =	ssyncadd.s32 $0xFFFFF000  }
0x2f: {  	_ =	swait.ge [sflag:s23], $0x1000  }
0x30: {  	[sflag:s23] =	ssyncset.done $0x0  }
0x31: {  	[sflag:s23] =	ssyncadd.s32 $0xFFFFF000  }
0x32: {  	_ =	swait.ge [sflag:s23], $0x1000  }
0x33: {  	[sflag:s23] =	ssyncset.done $0x0  }
0x34: {  	[sflag:s23] =	ssyncadd.s32 $0xFFFFF000  }
0x35: {  	_ =	swait.ge [sflag:s23], $0x1000  }
0x36: {  	[sflag:s23] =	ssyncset.done $0x0  }
0x37: {  	[sflag:s23] =	ssyncadd.s32 $0xFFFFF000  }
0x38: {  	_ =	swait.ge [sflag:s23], $0x1000  }
0x39: {  	[sflag:s23] =	ssyncset.done $0x0  }
0x3a: {  	[sflag:s23] =	ssyncadd.s32 $0xFFFFF000  }
0x3b: {  	_ =	swait.ge [sflag:s23], $0x1000  }
0x3c: {  	[sflag:s23] =	ssyncset.done $0x0  }
0x3d: {  	[sflag:s23] =	ssyncadd.s32 $0xFFFFF000  }
0x3e: {  	_ =	swait.ge [sflag:s23], $0x1000  }
0x3f: {  	[sflag:s23] =	ssyncset.done $0x0  }
0x40: {  	[sflag:s23] =	ssyncadd.s32 $0xFFFFF000  }
0x41: {  	_ =	swait.ge [sflag:s23], $0x1000  }
0x42: {  	[sflag:s23] =	ssyncset.done $0x0  }
0x43: {  	s26 =	simm.s32 $0x2800;
	[sflag:s23] =	ssyncadd.s32 $0xFFFFF000  }
0x44: {  	[spmem:s2] =	stream.indirect.scatter.add.f32 [tilespmem:s15], [sflag:$0x2], $0x20, s26, s14, $0xb8;
	[tilespmem:$0x1AF00] =	vst v63  }
0x45: {  	_ =	swait.ge [sflag:s12], $0x1000  }
0x46: {  	[sflag:s12] =	ssyncset.done $0x0  }
0x47: {  	s28 =	simm.s32 $0x2880;
	[sflag:s12] =	ssyncadd.s32 $0xFFFFF000  }
0x48: {  	[spmem:s2] =	stream.indirect.scatter.add.f32 [tilespmem:s16], [sflag:$0x2], $0x20, s28, s14, $0xb8;
	[tilespmem:$0x1AF00] =	vst v63  }
0x49: {  	_ =	swait.ge [sflag:s12], $0x1000  }
0x4a: {  	[sflag:s12] =	ssyncset.done $0x0  }
0x4b: {  	s30 =	simm.s32 $0x2900;
	[sflag:s12] =	ssyncadd.s32 $0xFFFFF000  }
0x4c: {  	[spmem:s2] =	stream.indirect.scatter.add.f32 [tilespmem:s17], [sflag:$0x2], $0x20, s30, s14, $0xb8;
	[tilespmem:$0x1AF00] =	vst v63  }
0x4d: {  	_ =	swait.ge [sflag:s12], $0x1000  }
0x4e: {  	[sflag:s12] =	ssyncset.done $0x0  }
0x4f: {  	s31 =	simm.s32 $0x2980;
	[sflag:s12] =	ssyncadd.s32 $0xFFFFF000  }
0x50: {  	[spmem:s2] =	stream.indirect.scatter.add.f32 [tilespmem:s18], [sflag:$0x2], $0x20, s31, s14, $0xb8;
	[tilespmem:$0x1AF00] =	vst v63  }
0x51: {  	_ =	swait.ge [sflag:s12], $0x1000  }
0x52: {  	[sflag:s12] =	ssyncset.done $0x0  }
0x53: {  	s26 =	simm.s32 $0x2A00;
	[sflag:s12] =	ssyncadd.s32 $0xFFFFF000  }
0x54: {  	[spmem:s2] =	stream.indirect.scatter.add.f32 [tilespmem:s19], [sflag:$0x2], $0x20, s26, s14, $0xb8;
	[tilespmem:$0x1AF00] =	vst v63  }
0x55: {  	_ =	swait.ge [sflag:s12], $0x1000  }
0x56: {  	[sflag:s12] =	ssyncset.done $0x0  }
0x57: {  	s28 =	simm.s32 $0x2A80;
	[sflag:s12] =	ssyncadd.s32 $0xFFFFF000  }
0x58: {  	[spmem:s2] =	stream.indirect.scatter.add.f32 [tilespmem:s20], [sflag:$0x2], $0x20, s28, s14, $0xb8;
	[tilespmem:$0x1AF00] =	vst v63  }
0x59: {  	_ =	swait.ge [sflag:s12], $0x1000  }
0x5a: {  	[sflag:s12] =	ssyncset.done $0x0  }
0x5b: {  	s30 =	simm.s32 $0x2B00;
	[sflag:s12] =	ssyncadd.s32 $0xFFFFF000  }
0x5c: {  	[spmem:s2] =	stream.indirect.scatter.add.f32 [tilespmem:s21], [sflag:$0x2], $0x20, s30, s14, $0xb8;
	[tilespmem:$0x1AF00] =	vst v63  }
0x5d: {  	_ =	swait.ge [sflag:s12], $0x1000  }
0x5e: {  	[sflag:s12] =	ssyncset.done $0x0  }
0x5f: {  	s31 =	simm.s32 $0x2B80;
	[sflag:s12] =	ssyncadd.s32 $0xFFFFF000  }
0x60: {  	[spmem:s2] =	stream.indirect.scatter.add.f32 [tilespmem:s22], [sflag:$0x2], $0x20, s31, s14, $0xb8;
	[tilespmem:$0x1AF00] =	vst v63  }
0x61: {  	_ =	swait.ge [sflag:s12], $0x1000  }
0x62: {  	s29 =	simm.s32 $0x2000;
	s25 =	simm.s32 $0x1000;
	[sflag:s12] =	ssyncset.done $0x0  }
.LBB2_2:
0x63: {  	s28 =	sshra.s32 s25, $0x2  }
0x64: {  	[sflag:s12] =	ssyncadd.s32 $0xFFFFF000;
	s25 =	smov.u32 s29;
	s26 =	sadd.s32 $0x1000, s29  }
0x65: {  	[tilespmem:s15], [sflag:$0x1] =	stream.indirect.gather [hbm4b:s4+s14], $0x20, s28, s14, $0xb8;
	[tilespmem:$0x1AF00] =	vst v63  }
0x66: {  	p0 =	sne.s32 s29, $0x9000;
	s29 =	sadd.s32 $0x80, s28  }
0x67: {  	[tilespmem:s16], [sflag:$0x1] =	stream.indirect.gather [hbm4b:s4+s14], $0x20, s29, s14, $0xb8;
	[tilespmem:$0x1AF00] =	vst v63  }
0x68: {  	s29 =	sadd.s32 $0x100, s28  }
0x69: {  	[tilespmem:s17], [sflag:$0x1] =	stream.indirect.gather [hbm4b:s4+s14], $0x20, s29, s14, $0xb8;
	[tilespmem:$0x1AF00] =	vst v63  }
0x6a: {  	s29 =	sadd.s32 $0x180, s28  }
0x6b: {  	[tilespmem:s18], [sflag:$0x1] =	stream.indirect.gather [hbm4b:s4+s14], $0x20, s29, s14, $0xb8;
	[tilespmem:$0x1AF00] =	vst v63  }
0x6c: {  	s29 =	sadd.s32 $0x200, s28  }
0x6d: {  	[tilespmem:s19], [sflag:$0x1] =	stream.indirect.gather [hbm4b:s4+s14], $0x20, s29, s14, $0xb8;
	[tilespmem:$0x1AF00] =	vst v63  }
0x6e: {  	s29 =	sadd.s32 $0x280, s28  }
0x6f: {  	[tilespmem:s20], [sflag:$0x1] =	stream.indirect.gather [hbm4b:s4+s14], $0x20, s29, s14, $0xb8;
	[tilespmem:$0x1AF00] =	vst v63  }
0x70: {  	s29 =	sadd.s32 $0x300, s28  }
0x71: {  	[tilespmem:s21], [sflag:$0x1] =	stream.indirect.gather [hbm4b:s4+s14], $0x20, s29, s14, $0xb8;
	[tilespmem:$0x1AF00] =	vst v63  }
0x72: {  	s29 =	sadd.s32 $0x380, s28  }
0x73: {  	[tilespmem:s22], [sflag:$0x1] =	stream.indirect.gather [hbm4b:s4+s14], $0x20, s29, s14, $0xb8;
	[tilespmem:$0x1AF00] =	vst v63  }
0x74: {  	_ =	swait.ge [sflag:s23], $0x1000  }
0x75: {  	[sflag:s23] =	ssyncset.done $0x0  }
0x76: {  	[sflag:s23] =	ssyncadd.s32 $0xFFFFF000  }
0x77: {  	_ =	swait.ge [sflag:s23], $0x1000  }
0x78: {  	[sflag:s23] =	ssyncset.done $0x0  }
0x79: {  	[sflag:s23] =	ssyncadd.s32 $0xFFFFF000  }
0x7a: {  	_ =	swait.ge [sflag:s23], $0x1000  }
0x7b: {  	[sflag:s23] =	ssyncset.done $0x0  }
0x7c: {  	[sflag:s23] =	ssyncadd.s32 $0xFFFFF000  }
0x7d: {  	_ =	swait.ge [sflag:s23], $0x1000  }
0x7e: {  	[sflag:s23] =	ssyncset.done $0x0  }
0x7f: {  	[sflag:s23] =	ssyncadd.s32 $0xFFFFF000  }
0x80: {  	_ =	swait.ge [sflag:s23], $0x1000  }
0x81: {  	[sflag:s23] =	ssyncset.done $0x0  }
0x82: {  	[sflag:s23] =	ssyncadd.s32 $0xFFFFF000  }
0x83: {  	_ =	swait.ge [sflag:s23], $0x1000  }
0x84: {  	[sflag:s23] =	ssyncset.done $0x0  }
0x85: {  	[sflag:s23] =	ssyncadd.s32 $0xFFFFF000  }
0x86: {  	_ =	swait.ge [sflag:s23], $0x1000  }
0x87: {  	[sflag:s23] =	ssyncset.done $0x0  }
0x88: {  	[sflag:s23] =	ssyncadd.s32 $0xFFFFF000  }
0x89: {  	_ =	swait.ge [sflag:s23], $0x1000  }
0x8a: {  	[sflag:s23] =	ssyncset.done $0x0  }
0x8b: {  	s29 =	sadd.s32 $0x2800, s28;
	[sflag:s23] =	ssyncadd.s32 $0xFFFFF000  }
0x8c: {  	[spmem:s2] =	stream.indirect.scatter.add.f32 [tilespmem:s15], [sflag:$0x2], $0x20, s29, s14, $0xb8;
	[tilespmem:$0x1AF00] =	vst v63  }
0x8d: {  	_ =	swait.ge [sflag:s12], $0x1000  }
0x8e: {  	[sflag:s12] =	ssyncset.done $0x0  }
0x8f: {  	s29 =	sadd.s32 $0x2880, s28;
	[sflag:s12] =	ssyncadd.s32 $0xFFFFF000  }
0x90: {  	[spmem:s2] =	stream.indirect.scatter.add.f32 [tilespmem:s16], [sflag:$0x2], $0x20, s29, s14, $0xb8;
	[tilespmem:$0x1AF00] =	vst v63  }
0x91: {  	_ =	swait.ge [sflag:s12], $0x1000  }
0x92: {  	[sflag:s12] =	ssyncset.done $0x0  }
0x93: {  	s29 =	sadd.s32 $0x2900, s28;
	[sflag:s12] =	ssyncadd.s32 $0xFFFFF000  }
0x94: {  	[spmem:s2] =	stream.indirect.scatter.add.f32 [tilespmem:s17], [sflag:$0x2], $0x20, s29, s14, $0xb8;
	[tilespmem:$0x1AF00] =	vst v63  }
0x95: {  	_ =	swait.ge [sflag:s12], $0x1000  }
0x96: {  	[sflag:s12] =	ssyncset.done $0x0  }
0x97: {  	s29 =	sadd.s32 $0x2980, s28;
	[sflag:s12] =	ssyncadd.s32 $0xFFFFF000  }
0x98: {  	[spmem:s2] =	stream.indirect.scatter.add.f32 [tilespmem:s18], [sflag:$0x2], $0x20, s29, s14, $0xb8;
	[tilespmem:$0x1AF00] =	vst v63  }
0x99: {  	_ =	swait.ge [sflag:s12], $0x1000  }
0x9a: {  	[sflag:s12] =	ssyncset.done $0x0  }
0x9b: {  	s29 =	sadd.s32 $0x2A00, s28;
	[sflag:s12] =	ssyncadd.s32 $0xFFFFF000  }
0x9c: {  	[spmem:s2] =	stream.indirect.scatter.add.f32 [tilespmem:s19], [sflag:$0x2], $0x20, s29, s14, $0xb8;
	[tilespmem:$0x1AF00] =	vst v63  }
0x9d: {  	_ =	swait.ge [sflag:s12], $0x1000  }
0x9e: {  	[sflag:s12] =	ssyncset.done $0x0  }
0x9f: {  	s29 =	sadd.s32 $0x2A80, s28;
	[sflag:s12] =	ssyncadd.s32 $0xFFFFF000  }
0xa0: {  	[spmem:s2] =	stream.indirect.scatter.add.f32 [tilespmem:s20], [sflag:$0x2], $0x20, s29, s14, $0xb8;
	[tilespmem:$0x1AF00] =	vst v63  }
0xa1: {  	_ =	swait.ge [sflag:s12], $0x1000  }
0xa2: {  	[sflag:s12] =	ssyncset.done $0x0  }
0xa3: {  	s29 =	sadd.s32 $0x2B00, s28;
	[sflag:s12] =	ssyncadd.s32 $0xFFFFF000  }
0xa4: {  	[spmem:s2] =	stream.indirect.scatter.add.f32 [tilespmem:s21], [sflag:$0x2], $0x20, s29, s14, $0xb8;
	[tilespmem:$0x1AF00] =	vst v63  }
0xa5: {  	_ =	swait.ge [sflag:s12], $0x1000  }
.Ltmp0:
0xa6: {  	[sflag:s12] =	ssyncset.done $0x0;
	(pc) =	sbr.rel @p0 .LBB2_2-.Ltmp0, $4  }
0xa7: {  	s28 =	sadd.s32 $0x2B80, s28;
	[sflag:s12] =	ssyncadd.s32 $0xFFFFF000  }
0xa8: {  	[spmem:s2] =	stream.indirect.scatter.add.f32 [tilespmem:s22], [sflag:$0x2], $0x20, s28, s14, $0xb8;
	[tilespmem:$0x1AF00] =	vst v63  }
0xa9: {  	_ =	swait.ge [sflag:s12], $0x1000  }
0xaa: {  	s29 =	smov.u32 s26;
	[sflag:s12] =	ssyncset.done $0x0  }
0xab: {  	s25 =	sshra.s32 s25, $0x2;
	[sflag:s12] =	ssyncadd.s32 $0xFFFFF000  }
0xac: {  	[tilespmem:s15], [sflag:$0x1] =	stream.indirect.gather [hbm4b:s4+s14], $0x20, s25, s14, $0xb8;
	[tilespmem:$0x1AF00] =	vst v63  }
0xad: {  	s26 =	sadd.s32 $0x80, s25  }
0xae: {  	[tilespmem:s16], [sflag:$0x1] =	stream.indirect.gather [hbm4b:s4+s14], $0x20, s26, s14, $0xb8;
	[tilespmem:$0x1AF00] =	vst v63  }
0xaf: {  	s31 =	sadd.s32 $0x100, s25  }
0xb0: {  	[tilespmem:s17], [sflag:$0x1] =	stream.indirect.gather [hbm4b:s4+s14], $0x20, s31, s14, $0xb8;
	[tilespmem:$0x1AF00] =	vst v63  }
0xb1: {  	s28 =	sadd.s32 $0x180, s25  }
0xb2: {  	[tilespmem:s18], [sflag:$0x1] =	stream.indirect.gather [hbm4b:s4+s14], $0x20, s28, s14, $0xb8;
	[tilespmem:$0x1AF00] =	vst v63  }
0xb3: {  	s29 =	sadd.s32 $0x200, s25  }
0xb4: {  	[tilespmem:s19], [sflag:$0x1] =	stream.indirect.gather [hbm4b:s4+s14], $0x20, s29, s14, $0xb8;
	[tilespmem:$0x1AF00] =	vst v63  }
0xb5: {  	s30 =	sadd.s32 $0x280, s25  }
0xb6: {  	[tilespmem:s20], [sflag:$0x1] =	stream.indirect.gather [hbm4b:s4+s14], $0x20, s30, s14, $0xb8;
	[tilespmem:$0x1AF00] =	vst v63  }
0xb7: {  	s31 =	sadd.s32 $0x300, s25  }
0xb8: {  	[tilespmem:s21], [sflag:$0x1] =	stream.indirect.gather [hbm4b:s4+s14], $0x20, s31, s14, $0xb8;
	[tilespmem:$0x1AF00] =	vst v63  }
0xb9: {  	s28 =	sadd.s32 $0x380, s25  }
0xba: {  	[tilespmem:s22], [sflag:$0x1] =	stream.indirect.gather [hbm4b:s4+s14], $0x20, s28, s14, $0xb8;
	[tilespmem:$0x1AF00] =	vst v63  }
0xbb: {  	_ =	swait.ge [sflag:s23], $0x1000  }
0xbc: {  	[sflag:s23] =	ssyncset.done $0x0  }
0xbd: {  	[sflag:s23] =	ssyncadd.s32 $0xFFFFF000  }
0xbe: {  	_ =	swait.ge [sflag:s23], $0x1000  }
0xbf: {  	[sflag:s23] =	ssyncset.done $0x0  }
0xc0: {  	[sflag:s23] =	ssyncadd.s32 $0xFFFFF000  }
0xc1: {  	_ =	swait.ge [sflag:s23], $0x1000  }
0xc2: {  	[sflag:s23] =	ssyncset.done $0x0  }
0xc3: {  	[sflag:s23] =	ssyncadd.s32 $0xFFFFF000  }
0xc4: {  	_ =	swait.ge [sflag:s23], $0x1000  }
0xc5: {  	[sflag:s23] =	ssyncset.done $0x0  }
0xc6: {  	[sflag:s23] =	ssyncadd.s32 $0xFFFFF000  }
0xc7: {  	_ =	swait.ge [sflag:s23], $0x1000  }
0xc8: {  	[sflag:s23] =	ssyncset.done $0x0  }
0xc9: {  	[sflag:s23] =	ssyncadd.s32 $0xFFFFF000  }
0xca: {  	_ =	swait.ge [sflag:s23], $0x1000  }
0xcb: {  	[sflag:s23] =	ssyncset.done $0x0  }
0xcc: {  	[sflag:s23] =	ssyncadd.s32 $0xFFFFF000  }
0xcd: {  	_ =	swait.ge [sflag:s23], $0x1000  }
0xce: {  	[sflag:s23] =	ssyncset.done $0x0  }
0xcf: {  	[sflag:s23] =	ssyncadd.s32 $0xFFFFF000  }
0xd0: {  	_ =	swait.ge [sflag:s23], $0x1000  }
0xd1: {  	[sflag:s23] =	ssyncset.done $0x0  }
0xd2: {  	s29 =	sadd.s32 $0x2800, s25;
	[sflag:s23] =	ssyncadd.s32 $0xFFFFF000  }
0xd3: {  	[spmem:s2] =	stream.indirect.scatter.add.f32 [tilespmem:s15], [sflag:$0x2], $0x20, s29, s14, $0xb8;
	[tilespmem:$0x1AF00] =	vst v63  }
0xd4: {  	_ =	swait.ge [sflag:s12], $0x1000  }
0xd5: {  	[sflag:s12] =	ssyncset.done $0x0  }
0xd6: {  	s30 =	sadd.s32 $0x2880, s25;
	[sflag:s12] =	ssyncadd.s32 $0xFFFFF000  }
0xd7: {  	[spmem:s2] =	stream.indirect.scatter.add.f32 [tilespmem:s16], [sflag:$0x2], $0x20, s30, s14, $0xb8;
	[tilespmem:$0x1AF00] =	vst v63  }
0xd8: {  	_ =	swait.ge [sflag:s12], $0x1000  }
0xd9: {  	[sflag:s12] =	ssyncset.done $0x0  }
0xda: {  	s31 =	sadd.s32 $0x2900, s25;
	[sflag:s12] =	ssyncadd.s32 $0xFFFFF000  }
0xdb: {  	[spmem:s2] =	stream.indirect.scatter.add.f32 [tilespmem:s17], [sflag:$0x2], $0x20, s31, s14, $0xb8;
	[tilespmem:$0x1AF00] =	vst v63  }
0xdc: {  	_ =	swait.ge [sflag:s12], $0x1000  }
0xdd: {  	[sflag:s12] =	ssyncset.done $0x0  }
0xde: {  	s28 =	sadd.s32 $0x2980, s25;
	[sflag:s12] =	ssyncadd.s32 $0xFFFFF000  }
0xdf: {  	[spmem:s2] =	stream.indirect.scatter.add.f32 [tilespmem:s18], [sflag:$0x2], $0x20, s28, s14, $0xb8;
	[tilespmem:$0x1AF00] =	vst v63  }
0xe0: {  	_ =	swait.ge [sflag:s12], $0x1000  }
0xe1: {  	[sflag:s12] =	ssyncset.done $0x0  }
0xe2: {  	s29 =	sadd.s32 $0x2A00, s25;
	[sflag:s12] =	ssyncadd.s32 $0xFFFFF000  }
0xe3: {  	[spmem:s2] =	stream.indirect.scatter.add.f32 [tilespmem:s19], [sflag:$0x2], $0x20, s29, s14, $0xb8;
	[tilespmem:$0x1AF00] =	vst v63  }
0xe4: {  	_ =	swait.ge [sflag:s12], $0x1000  }
0xe5: {  	[sflag:s12] =	ssyncset.done $0x0  }
0xe6: {  	s30 =	sadd.s32 $0x2A80, s25;
	[sflag:s12] =	ssyncadd.s32 $0xFFFFF000  }
0xe7: {  	[spmem:s2] =	stream.indirect.scatter.add.f32 [tilespmem:s20], [sflag:$0x2], $0x20, s30, s14, $0xb8;
	[tilespmem:$0x1AF00] =	vst v63  }
0xe8: {  	_ =	swait.ge [sflag:s12], $0x1000  }
0xe9: {  	[sflag:s12] =	ssyncset.done $0x0  }
0xea: {  	s31 =	sadd.s32 $0x2B00, s25;
	[sflag:s12] =	ssyncadd.s32 $0xFFFFF000  }
0xeb: {  	[spmem:s2] =	stream.indirect.scatter.add.f32 [tilespmem:s21], [sflag:$0x2], $0x20, s31, s14, $0xb8;
	[tilespmem:$0x1AF00] =	vst v63  }
0xec: {  	_ =	swait.ge [sflag:s12], $0x1000  }
0xed: {  	[sflag:s12] =	ssyncset.done $0x0  }
0xee: {  	s25 =	sadd.s32 $0x2B80, s25;
	[sflag:s12] =	ssyncadd.s32 $0xFFFFF000  }
0xef: {  	[spmem:s2] =	stream.indirect.scatter.add.f32 [tilespmem:s22], [sflag:$0x2], $0x20, s25, s14, $0xb8;
	[tilespmem:$0x1AF00] =	vst v63  }
0xf0: {  	_ =	swait.ge [sflag:s12], $0x1000  }
0xf1: {  	s24 =	sadd.s32 $0x1, s24;
	[sflag:s12] =	ssyncset.done $0x0  }
0xf2: {  	p0 =	sne.s32 s24, s10;
	[sflag:s12] =	ssyncadd.s32 $0xFFFFF000  }
.Ltmp1:
0xf3: {  	[bflag:$0x0] =	sbarrier.arrive $0xFFFF;
	(pc) =	sbr.rel @p0 .LBB2_1-.Ltmp1, $4  }
0xf4: {  	[hbm:s9], [sflag:s6] =	dma.local [spmem:s11], $0xBE0  }
0xf5: {  	_ =	swait.ge [sflag:s12], $0xBE0  }
0xf6: {  	[sflag:s12] =	ssyncset.done $0x0  }
0xf7: {  	[sflag:s12] =	ssyncadd.s32 $0xFFFFF420  }
0xf8: {  	_ =	sfence.sel $0x180000  }
0xf9: {  	[bflag:$0x0] =	sbarrier.arrive $0xFFFF  }
0xfa: {  	p0 =	sne.s32 s1, $0x0;
	_ =	strace $0x90000050  }
0xfb: {  	s0 =	sadd.s32 @!p0 $0x100000, s0;
	[bflag:$0x2] =	sbarrier.arrive $0xFFFF  }
0xfc: {  	[sflag:s0] =	ssyncadd.tile.s32 @!p0 $0x1;
	_ =	shalt  }
.Lfunc_end2:
_tile_overlayer_lowered:
.L_overlay_start_2:
0xfd: {  	(tag) =	ssettag $0x2  }
0xfe: {  	s0 =	rddreg [dreg:$0x0];
	s2 =	stileid.u32  }
0xff: {  	s1 =	rddreg [dreg:$0x1];
	p0 =	sne.s32 s2, $0x0  }
0x100: {  	s3 =	rddreg [dreg:$0x2];
	[bflag:$0x3] =	sbarrier.arrive $0xFFFF;
	s2 =	simm.s32 @!p0 $0x1C02  }
0x101: {  	[timem:s3], [sflag:s2] =	dma.local @!p0 [hbm:s0], s1  }
0x102: {  	s0 =	simm.s32 @!p0 $0x2  }
0x103: {  	_ =	swait.ge @!p0 [sflag:s0], s1  }
0x104: {  	s1 =	ssub.s32 @!p0 $0x0, s1;
	[sflag:s0] =	ssyncset.done @!p0 $0x0  }
0x105: {  	[sflag:s0] =	ssyncadd.s32 @!p0 s1  }
0x106: {  	[bflag:$0x3] =	sbarrier.arrive $0xFFFF  }
0x107: {  	_ =	shalt  }

</sc_bundles>
